<compile_context>
chip_gen: v7x
topology: tpu7x:2x2x1
jax: 0.10.2.dev20260603
libtpu: 0.0.44.dev20260713+nightly
codegen_flags: <defaults>
</compile_context>

<pallas_src>
import functools

import jax
import jax.numpy as jnp
from jax import lax
from jax.experimental import pallas as pl
from jax.experimental.pallas import tpu as pltpu
from jax.experimental.pallas import tpu_sc as plsc

_N = 100000
_D = 768
_NC = 2
_NS = 16
_NW = _NC * _NS
_C = 3136
_NP = _C * _NW
_GRP = _C // 16
_K = 32
_NB = _C // _K
_NRING = 4
_CPAD = (_NB + _NRING + 3) // 4 * 4 * _K + _NRING * _K

_mesh = plsc.VectorSubcoreMesh(core_axis_name="c", subcore_axis_name="s")

_GDN = lax.GatherDimensionNumbers(
    offset_dims=(), collapsed_slice_dims=(0,), start_index_map=(0,))


def _take16(x, idx):
    return lax.gather(x, idx[:, None], _GDN, slice_sizes=(1,),
                      mode=lax.GatherScatterMode.PROMISE_IN_BOUNDS)


def _splat_sum16(x):
    iota = lax.iota(jnp.int32, 16)
    for k in (1, 2, 4, 8):
        x = x + _take16(x, iota ^ k)
    return x


@functools.partial(
    pl.kernel,
    out_type=[
        jax.ShapeDtypeStruct((_NW, 16), jnp.float32),
        jax.ShapeDtypeStruct((_NC, 16), jnp.float32),
    ],
    mesh=_mesh,
    scratch_types=[
        pltpu.VMEM((_C,), jnp.float32),
        pltpu.VMEM((_C,), jnp.float32),
        pltpu.VMEM((_CPAD,), jnp.int32),
        pltpu.VMEM((_K, _D), jnp.float32),
        pltpu.VMEM((_K, _D), jnp.float32),
        pltpu.VMEM((_K, _D), jnp.float32),
        pltpu.VMEM((_K, _D), jnp.float32),
        pltpu.VMEM((_D,), jnp.float32),
        pltpu.VMEM((_D,), jnp.float32),
        pltpu.VMEM((_D,), jnp.float32),
        pltpu.VMEM((16,), jnp.float32),
        pltpu.VMEM((16,), jnp.float32),
        pltpu.VMEM_SHARED((_NS, _D), jnp.float32),
        pltpu.SemaphoreType.DMA,
        pltpu.SemaphoreType.DMA,
        pltpu.SemaphoreType.DMA,
        pltpu.SemaphoreType.DMA,
    ],
)
def _sc_kernel(pv_hbm, s_hbm, w_hbm, bo_hbm, emb_hbm,
               ps_out, u_out,
               pv_v, s_v, idx_v, buf0_v, buf1_v, buf2_v, buf3_v,
               u_v, e0_v, w_v, st16_v, bo_v,
               shared, sem0, sem1, sem2, sem3):
    c = lax.axis_index("c")
    s = lax.axis_index("s")
    wid = c * _NS + s
    base = pl.multiple_of(wid * _C, _C)

    pltpu.sync_copy(pv_hbm.at[pl.ds(base, _C)], pv_v)
    pltpu.sync_copy(s_hbm.at[pl.ds(base, _C)], s_v)
    pltpu.sync_copy(bo_hbm, bo_v)
    pltpu.sync_copy(emb_hbm.at[0], e0_v)

    def zfill(g, carry):
        idx_v[pl.ds(_C + g * 16, 16)] = jnp.zeros((16,), jnp.int32)
        return carry
    lax.fori_loop(0, (_CPAD - _C) // 16, zfill, 0)

    def grp(g, carry):
        ps_vec, cnt_vec = carry
        v = pv_v[pl.ds(g * 16, 16)]
        sc = s_v[pl.ds(g * 16, 16)]
        gidx = base + g * 16 + lax.iota(jnp.int32, 16)
        idx_v[pl.ds(g * 16, 16)] = jnp.where(v == 1.0, gidx, 0)
        return (ps_vec + v * sc, cnt_vec + v)

    ps_vec, cnt_vec = lax.fori_loop(
        0, _GRP, grp,
        (jnp.zeros((16,), jnp.float32), jnp.zeros((16,), jnp.float32)))

    st16_v[...] = ps_vec + cnt_vec * bo_v[...]
    pltpu.sync_copy(st16_v, ps_out.at[wid])

    bufs = (buf0_v, buf1_v, buf2_v, buf3_v)
    sems = (sem0, sem1, sem2, sem3)

    def fire(batch_i, ring_i):
        pltpu.async_copy(
            emb_hbm.at[idx_v.at[pl.ds(pl.multiple_of(batch_i * _K, _K), _K)]],
            bufs[ring_i], sems[ring_i])

    def drain(ring_i):
        pltpu.make_async_copy(
            emb_hbm.at[pl.ds(0, _K)], bufs[ring_i], sems[ring_i]).wait()

    for i in range(_NRING):
        fire(i, i)

    def quad(t, acc):
        for i in range(_NRING):
            drain(i)

            def row_add(r, a):
                return tuple(
                    x + bufs[i][r, pl.ds(j * 16, 16)]
                    for j, x in enumerate(a))

            acc = lax.fori_loop(0, _K, row_add, acc)
            fire(t * _NRING + _NRING + i, i)
        return acc

    nquads = _NB // _NRING
    acc = lax.fori_loop(0, nquads, quad,
                        tuple(jnp.zeros((16,), jnp.float32)
                              for _ in range(_D // 16)))
    for i in range(_NRING):
        drain(i)

        def row_add_t(r, a):
            return tuple(
                x + bufs[i][r, pl.ds(j * 16, 16)] for j, x in enumerate(a))

        if i < _NB - nquads * _NRING:
            acc = lax.fori_loop(0, _K, row_add_t, acc)

    ndum = _splat_sum16(cnt_vec)
    dums = jnp.float32(_C) - ndum
    for j in range(_D // 16):
        u_v[pl.ds(j * 16, 16)] = acc[j] - dums * e0_v[pl.ds(j * 16, 16)]

    pltpu.sync_copy(u_v, shared.at[s])
    plsc.subcore_barrier()

    @pl.when(s == 0)
    def _():
        pltpu.sync_copy(w_hbm, w_v)

        def core_fold(k, acc16):
            pltpu.sync_copy(shared.at[k], u_v)

            def dot(j, a):
                return a + u_v[pl.ds(j * 16, 16)] * w_v[pl.ds(j * 16, 16)]

            return lax.fori_loop(0, _D // 16, dot, acc16)

        st16_v[...] = lax.fori_loop(0, _NS, core_fold,
                                    jnp.zeros((16,), jnp.float32))
        pltpu.sync_copy(st16_v, u_out.at[c])


def kernel(phrase_vector, score, W, b, offset, emb_table):
    pv = jnp.pad(phrase_vector[0], (0, _NP - _N))
    sc = jnp.pad(score[0], (0, _NP - _N))
    bo = jnp.full((16,), b[0] + offset[0], jnp.float32)
    ps_out, u_out = _sc_kernel(pv, sc, W.reshape(_D), bo, emb_table)
    return (jnp.sum(ps_out) + jnp.sum(u_out)).reshape(1, 1)

# --- scband reference (transcript-rebuilt; emitter-appended) ---
"""Pipeline reference for scband-phrase-smoothing-model-45827301048756 (READ-ONLY COPY).

The authoritative reference and input builder live on the scoring server;
editing this copy changes nothing except your own understanding.
"""

import jax, jax.numpy as jnp
import numpy as np

N = 100000  # inputs_shape (number of phrases)
D = 768     # phrase embedding dim (fixed by nn.Linear(768, 1))


def setup_inputs(seed: int = 0) -> dict:
    key = jax.random.key(seed)
    k1, k2, k3, k4 = jax.random.split(key, 4)
    # binary phrase indicator vector (the torch code checks phrase_vector[0][i] == True, i.e. == 1.0)
    phrase_vector = jax.random.randint(k1, (1, N), 0, 2).astype(jnp.float32)
    # learned parameters
    score = jax.random.uniform(k2, (1, N), dtype=jnp.float32)          # prompt_phrase_trainable_score (init torch.rand)
    W = jax.random.normal(k3, (D, 1), dtype=jnp.float32) * 0.02       # linear weight (stored as [in, out])
    b = jnp.zeros((1,), dtype=jnp.float32)                             # linear bias
    offset = jnp.zeros((1,), dtype=jnp.float32)                        # score_offset (init zeros)
    # materialized phrase-embedding table (what PhraseEmbeddingLoader.get_embedding(phrase) returns per index)
    emb_table = jax.random.normal(k4, (N, D), dtype=jnp.float32)
    return {"phrase_vector": phrase_vector, "score": score, "W": W, "b": b,
            "offset": offset, "emb_table": emb_table}


def reference(phrase_vector, score, W, b, offset, emb_table):
    # product = phrase_vector * trainable_score
    product = phrase_vector * score                      # [1, N]
    # phrase_base_score_i = Linear(emb_i) for every phrase (vectorized form of the per-index loop)
    base = emb_table @ W + b                             # [N, 1]
    # only active entries (phrase_vector == 1.0, i.e. True) get base score + offset added
    mask = (phrase_vector == 1.0).astype(jnp.float32)    # [1, N]
    product = product + mask * (base[:, 0][None, :] + offset)
    prompt_score = jnp.sum(product, axis=1)              # [1]
    return prompt_score[None, :]                         # [1, 1]

if __name__ == "__main__":
    import jax
    _d = setup_inputs()
    print(jax.jit(kernel)(*tuple(_d.values())))

</pallas_src>

<mosaic_0001>
#map = affine_map<(d0, d1) -> (0)>
#map1 = affine_map<(d0, d1) -> (0, 0)>
module attributes {stable_mosaic.version = 14 : i64} {
  func.func @_sc_kernel(%arg0: i32, %arg1: i32, %arg2: memref<100352xf32, #tpu.memory_space<hbm>>, %arg3: memref<100352xf32, #tpu.memory_space<hbm>>, %arg4: memref<768xf32, #tpu.memory_space<hbm>>, %arg5: memref<16xf32, #tpu.memory_space<hbm>>, %arg6: memref<100000x768xf32, #tpu.memory_space<hbm>>, %arg7: memref<32x16xf32, #tpu.memory_space<hbm>>, %arg8: memref<2x16xf32, #tpu.memory_space<hbm>>, %arg9: memref<3136xf32, #tpu.memory_space<vmem>>, %arg10: memref<3136xf32, #tpu.memory_space<vmem>>, %arg11: memref<3456xi32, #tpu.memory_space<vmem>>, %arg12: memref<32x768xf32, #tpu.memory_space<vmem>>, %arg13: memref<32x768xf32, #tpu.memory_space<vmem>>, %arg14: memref<32x768xf32, #tpu.memory_space<vmem>>, %arg15: memref<32x768xf32, #tpu.memory_space<vmem>>, %arg16: memref<768xf32, #tpu.memory_space<vmem>>, %arg17: memref<768xf32, #tpu.memory_space<vmem>>, %arg18: memref<768xf32, #tpu.memory_space<vmem>>, %arg19: memref<16xf32, #tpu.memory_space<vmem>>, %arg20: memref<16xf32, #tpu.memory_space<vmem>>, %arg21: memref<16x768xf32, #tpu.memory_space<vmem_shared>>, %arg22: memref<!tpu.dma_semaphore, #tpu.memory_space<semaphore_mem>>, %arg23: memref<!tpu.dma_semaphore, #tpu.memory_space<semaphore_mem>>, %arg24: memref<!tpu.dma_semaphore, #tpu.memory_space<semaphore_mem>>, %arg25: memref<!tpu.dma_semaphore, #tpu.memory_space<semaphore_mem>>) attributes {dimension_semantics = [#tpu.dimension_semantics<core_parallel>, #tpu.dimension_semantics<subcore_parallel>], iteration_bounds = array<i64: 2, 16>, scalar_prefetch = 0 : i64, scratch_operands = 17 : i64, tpu.core_type = #tpu.core_type<sc_vector_subcore>, window_params = [{transform_indices = #map}, {transform_indices = #map}, {transform_indices = #map}, {transform_indices = #map}, {transform_indices = #map1}, {transform_indices = #map1}, {transform_indices = #map1}]} {
    %mul3A = arith.constant 16 : i32
    %mul3A_0 = arith.muli %arg0, %mul3A : i32
    %add3A = arith.addi %mul3A_0, %arg1 : i32
    %mul3A_1 = arith.constant 3136 : i32
    %mul3A_2 = arith.muli %add3A, %mul3A_1 : i32
    %multiple_of3A = tpu.assume_multiple %mul3A_2, 3136 : i32
    "tpu.region"() ({
      %run_scoped3A_646 = tpu.sem_alloc : memref<!tpu.dma_semaphore, #tpu.memory_space<semaphore_mem>>
      %dma_start3A_647 = tpu.memref_slice %arg2[%multiple_of3A] : memref<100352xf32, #tpu.memory_space<hbm>> -> memref<3136xf32, #tpu.memory_space<hbm>>
      %dma_start3A_648 = tpu.memref_slice %arg2[%multiple_of3A] : memref<100352xf32, #tpu.memory_space<hbm>> -> memref<3136xf32, #tpu.memory_space<hbm>>
      tpu.enqueue_dma source(%dma_start3A_648 : memref<3136xf32, #tpu.memory_space<hbm>>) target(%arg9 : memref<3136xf32, #tpu.memory_space<vmem>>) target_semaphore(%run_scoped3A_646 : memref<!tpu.dma_semaphore, #tpu.memory_space<semaphore_mem>>)
      %dma_wait3A_649 = tpu.memref_slice %arg2[%multiple_of3A] : memref<100352xf32, #tpu.memory_space<hbm>> -> memref<3136xf32, #tpu.memory_space<hbm>>
      %dma_wait3A_650 = tpu.memref_slice %arg2[%multiple_of3A] : memref<100352xf32, #tpu.memory_space<hbm>> -> memref<3136xf32, #tpu.memory_space<hbm>>
      tpu.wait_dma2 semaphore(%run_scoped3A_646 : memref<!tpu.dma_semaphore, #tpu.memory_space<semaphore_mem>>) src(%dma_wait3A_650 : memref<3136xf32, #tpu.memory_space<hbm>>) dst(%arg9 : memref<3136xf32, #tpu.memory_space<vmem>>)
      tpu.yield
    }) : () -> ()
    "tpu.region"() ({
      %run_scoped3A_646 = tpu.sem_alloc : memref<!tpu.dma_semaphore, #tpu.memory_space<semaphore_mem>>
      %dma_start3A_647 = tpu.memref_slice %arg3[%multiple_of3A] : memref<100352xf32, #tpu.memory_space<hbm>> -> memref<3136xf32, #tpu.memory_space<hbm>>
      %dma_start3A_648 = tpu.memref_slice %arg3[%multiple_of3A] : memref<100352xf32, #tpu.memory_space<hbm>> -> memref<3136xf32, #tpu.memory_space<hbm>>
      tpu.enqueue_dma source(%dma_start3A_648 : memref<3136xf32, #tpu.memory_space<hbm>>) target(%arg10 : memref<3136xf32, #tpu.memory_space<vmem>>) target_semaphore(%run_scoped3A_646 : memref<!tpu.dma_semaphore, #tpu.memory_space<semaphore_mem>>)
      %dma_wait3A_649 = tpu.memref_slice %arg3[%multiple_of3A] : memref<100352xf32, #tpu.memory_space<hbm>> -> memref<3136xf32, #tpu.memory_space<hbm>>
      %dma_wait3A_650 = tpu.memref_slice %arg3[%multiple_of3A] : memref<100352xf32, #tpu.memory_space<hbm>> -> memref<3136xf32, #tpu.memory_space<hbm>>
      tpu.wait_dma2 semaphore(%run_scoped3A_646 : memref<!tpu.dma_semaphore, #tpu.memory_space<semaphore_mem>>) src(%dma_wait3A_650 : memref<3136xf32, #tpu.memory_space<hbm>>) dst(%arg10 : memref<3136xf32, #tpu.memory_space<vmem>>)
      tpu.yield
    }) : () -> ()
    "tpu.region"() ({
      %run_scoped3A_646 = tpu.sem_alloc : memref<!tpu.dma_semaphore, #tpu.memory_space<semaphore_mem>>
      tpu.enqueue_dma source(%arg5 : memref<16xf32, #tpu.memory_space<hbm>>) target(%arg20 : memref<16xf32, #tpu.memory_space<vmem>>) target_semaphore(%run_scoped3A_646 : memref<!tpu.dma_semaphore, #tpu.memory_space<semaphore_mem>>)
      tpu.wait_dma2 semaphore(%run_scoped3A_646 : memref<!tpu.dma_semaphore, #tpu.memory_space<semaphore_mem>>) src(%arg5 : memref<16xf32, #tpu.memory_space<hbm>>) dst(%arg20 : memref<16xf32, #tpu.memory_space<vmem>>)
      tpu.yield
    }) : () -> ()
    %run_scoped3A = arith.constant 0 : i32
    "tpu.region"() ({
      %run_scoped3A_646 = tpu.sem_alloc : memref<!tpu.dma_semaphore, #tpu.memory_space<semaphore_mem>>
      %dma_start3A_647 = arith.constant 0 : i32
      %dma_start3A_648 = tpu.memref_slice %arg6[%run_scoped3A, %dma_start3A_647] : memref<100000x768xf32, #tpu.memory_space<hbm>> -> memref<1x768xf32, #tpu.memory_space<hbm>>
      %dma_start3A_649 = tpu.memref_squeeze %dma_start3A_648 : memref<1x768xf32, #tpu.memory_space<hbm>> -> memref<768xf32, #tpu.memory_space<hbm>>
      %dma_start3A_650 = arith.constant 0 : i32
      %dma_start3A_651 = tpu.memref_slice %arg6[%run_scoped3A, %dma_start3A_650] : memref<100000x768xf32, #tpu.memory_space<hbm>> -> memref<1x768xf32, #tpu.memory_space<hbm>>
      %dma_start3A_652 = tpu.memref_squeeze %dma_start3A_651 : memref<1x768xf32, #tpu.memory_space<hbm>> -> memref<768xf32, #tpu.memory_space<hbm>>
      tpu.enqueue_dma source(%dma_start3A_652 : memref<768xf32, #tpu.memory_space<hbm>>) target(%arg17 : memref<768xf32, #tpu.memory_space<vmem>>) target_semaphore(%run_scoped3A_646 : memref<!tpu.dma_semaphore, #tpu.memory_space<semaphore_mem>>)
      %dma_wait3A_653 = arith.constant 0 : i32
      %dma_wait3A_654 = tpu.memref_slice %arg6[%run_scoped3A, %dma_wait3A_653] : memref<100000x768xf32, #tpu.memory_space<hbm>> -> memref<1x768xf32, #tpu.memory_space<hbm>>
      %dma_wait3A_655 = tpu.memref_squeeze %dma_wait3A_654 : memref<1x768xf32, #tpu.memory_space<hbm>> -> memref<768xf32, #tpu.memory_space<hbm>>
      %dma_wait3A_656 = arith.constant 0 : i32
      %dma_wait3A_657 = tpu.memref_slice %arg6[%run_scoped3A, %dma_wait3A_656] : memref<100000x768xf32, #tpu.memory_space<hbm>> -> memref<1x768xf32, #tpu.memory_space<hbm>>
      %dma_wait3A_658 = tpu.memref_squeeze %dma_wait3A_657 : memref<1x768xf32, #tpu.memory_space<hbm>> -> memref<768xf32, #tpu.memory_space<hbm>>
      tpu.wait_dma2 semaphore(%run_scoped3A_646 : memref<!tpu.dma_semaphore, #tpu.memory_space<semaphore_mem>>) src(%dma_wait3A_658 : memref<768xf32, #tpu.memory_space<hbm>>) dst(%arg17 : memref<768xf32, #tpu.memory_space<vmem>>)
      tpu.yield
    }) : () -> ()
    %scan3A = arith.constant 0 : i32
    %scan3A_3 = arith.constant 0 : i32
    %scan3A_4 = arith.constant 20 : i32
    %scan3A_5 = arith.addi %scan3A_3, %scan3A_4 : i32
    %scan3A_6 = arith.constant 1 : i32
    scf.for %scan3A_646 = %scan3A_3 to %scan3A_5 step %scan3A_6  : i32 {
      %broadcast_in_dim3A_647 = arith.constant 0 : i32
      %broadcast_in_dim3A_648 = vector.broadcast %broadcast_in_dim3A_647 : i32 to vector<16xi32>
      %mul3A_649 = arith.constant 16 : i32
      %mul3A_650 = arith.muli %scan3A_646, %mul3A_649 : i32
      %add3A_651 = arith.constant 3136 : i32
      %add3A_652 = arith.addi %add3A_651, %mul3A_650 : i32
      %swap3A_653 = arith.index_cast %add3A_652 : i32 to index
      %swap3A_654 = tpu.vector_load %arg11[%swap3A_653] {strides = array<i32>} : memref<3456xi32, #tpu.memory_space<vmem>>, vector<16xi32>,
      %swap3A_655 = vector.shape_cast %swap3A_654 : vector<16xi32> to vector<16xi32>
      %swap3A_656 = vector.shape_cast %broadcast_in_dim3A_648 : vector<16xi32> to vector<16xi32>
      tpu.vector_store %arg11[%swap3A_653], %swap3A_656 {strides = array<i32>} : memref<3456xi32, #tpu.memory_space<vmem>>, vector<16xi32>,
    }
    %scan3A_7 = arith.constant 20 : i32
    %broadcast_in_dim3A = arith.constant 0.000000e+00 : f32
    %broadcast_in_dim3A_8 = vector.broadcast %broadcast_in_dim3A : f32 to vector<16xf32>
    %broadcast_in_dim3A_9 = arith.constant 0.000000e+00 : f32
    %broadcast_in_dim3A_10 = vector.broadcast %broadcast_in_dim3A_9 : f32 to vector<16xf32>
    %scan3A_11 = arith.constant 0 : i32
    %scan3A_12 = arith.constant 196 : i32
    %scan3A_13 = arith.addi %scan3A_11, %scan3A_12 : i32
    %scan3A_14 = arith.constant 1 : i32
    %scan3A_15:2 = scf.for %scan3A_646 = %scan3A_11 to %scan3A_13 step %scan3A_14 iter_args(%scan3A_647 = %broadcast_in_dim3A_8, %scan3A_648 = %broadcast_in_dim3A_10) -> (vector<16xf32>, vector<16xf32>)  : i32 {
      %mul3A_649 = arith.constant 16 : i32
      %mul3A_650 = arith.muli %scan3A_646, %mul3A_649 : i32
      %get3A_651 = arith.index_cast %mul3A_650 : i32 to index
      %get3A_652 = tpu.vector_load %arg9[%get3A_651] {strides = array<i32>} : memref<3136xf32, #tpu.memory_space<vmem>>, vector<16xf32>,
      %get3A_653 = vector.shape_cast %get3A_652 : vector<16xf32> to vector<16xf32>
      %mul3A_654 = arith.constant 16 : i32
      %mul3A_655 = arith.muli %scan3A_646, %mul3A_654 : i32
      %get3A_656 = arith.index_cast %mul3A_655 : i32 to index
      %get3A_657 = tpu.vector_load %arg10[%get3A_656] {strides = array<i32>} : memref<3136xf32, #tpu.memory_space<vmem>>, vector<16xf32>,
      %get3A_658 = vector.shape_cast %get3A_657 : vector<16xf32> to vector<16xf32>
      %mul3A_659 = arith.constant 16 : i32
      %mul3A_660 = arith.muli %scan3A_646, %mul3A_659 : i32
      %add3A_661 = arith.addi %multiple_of3A, %mul3A_660 : i32
      %iota3A_662 = tpu.iota {dimensions = array<i32: 0>} : vector<16xi32>
      %add3A_663 = vector.broadcast %add3A_661 : i32 to vector<16xi32>
      %add3A_664 = arith.addi %add3A_663, %iota3A_662 : vector<16xi32>
      %eq3A_665 = arith.constant 1.000000e+00 : f32
      %eq3A_666 = vector.broadcast %eq3A_665 : f32 to vector<16xf32>
      %eq3A_667 = arith.cmpf oeq, %get3A_653, %eq3A_666 : vector<16xf32>
      %jit3A = arith.constant 0 : i32
      %broadcast_in_dim3A_668 = vector.broadcast %jit3A : i32 to vector<16xi32>
      %select_n3A = arith.select %eq3A_667, %add3A_664, %broadcast_in_dim3A_668 : vector<16xi1>, vector<16xi32>
      %mul3A_669 = arith.constant 16 : i32
      %mul3A_670 = arith.muli %scan3A_646, %mul3A_669 : i32
      %swap3A_671 = arith.index_cast %mul3A_670 : i32 to index
      %swap3A_672 = tpu.vector_load %arg11[%swap3A_671] {strides = array<i32>} : memref<3456xi32, #tpu.memory_space<vmem>>, vector<16xi32>,
      %swap3A_673 = vector.shape_cast %swap3A_672 : vector<16xi32> to vector<16xi32>
      %swap3A_674 = vector.shape_cast %select_n3A : vector<16xi32> to vector<16xi32>
      tpu.vector_store %arg11[%swap3A_671], %swap3A_674 {strides = array<i32>} : memref<3456xi32, #tpu.memory_space<vmem>>, vector<16xi32>,
      %mul3A_675 = arith.mulf %get3A_653, %get3A_658 : vector<16xf32>
      %add3A_676 = arith.addf %scan3A_647, %mul3A_675 : vector<16xf32>
      %add3A_677 = arith.addf %scan3A_648, %get3A_653 : vector<16xf32>
      scf.yield %add3A_676, %add3A_677 : vector<16xf32>, vector<16xf32>
    }
    %scan3A_16 = arith.constant 196 : i32
    %get3A = arith.constant 0 : index
    %get3A_17 = tpu.vector_load %arg20[%get3A] {strides = array<i32>} : memref<16xf32, #tpu.memory_space<vmem>>, vector<16xf32>,
    %get3A_18 = vector.shape_cast %get3A_17 : vector<16xf32> to vector<16xf32>
    %mul3A_19 = arith.mulf %scan3A_15#1, %get3A_18 : vector<16xf32>
    %add3A_20 = arith.addf %scan3A_15#0, %mul3A_19 : vector<16xf32>
    %swap3A = arith.constant 0 : index
    %swap3A_21 = tpu.vector_load %arg19[%swap3A] {strides = array<i32>} : memref<16xf32, #tpu.memory_space<vmem>>, vector<16xf32>,
    %swap3A_22 = vector.shape_cast %swap3A_21 : vector<16xf32> to vector<16xf32>
    %swap3A_23 = vector.shape_cast %add3A_20 : vector<16xf32> to vector<16xf32>
    tpu.vector_store %arg19[%swap3A], %swap3A_23 {strides = array<i32>} : memref<16xf32, #tpu.memory_space<vmem>>, vector<16xf32>,
    "tpu.region"() ({
      %run_scoped3A_646 = tpu.sem_alloc : memref<!tpu.dma_semaphore, #tpu.memory_space<semaphore_mem>>
      %dma_start3A_647 = arith.constant 0 : i32
      %dma_start3A_648 = tpu.memref_slice %arg7[%add3A, %dma_start3A_647] : memref<32x16xf32, #tpu.memory_space<hbm>> -> memref<1x16xf32, #tpu.memory_space<hbm>>
      %dma_start3A_649 = tpu.memref_squeeze %dma_start3A_648 : memref<1x16xf32, #tpu.memory_space<hbm>> -> memref<16xf32, #tpu.memory_space<hbm>>
      %dma_start3A_650 = arith.constant 0 : i32
      %dma_start3A_651 = tpu.memref_slice %arg7[%add3A, %dma_start3A_650] : memref<32x16xf32, #tpu.memory_space<hbm>> -> memref<1x16xf32, #tpu.memory_space<hbm>>
      %dma_start3A_652 = tpu.memref_squeeze %dma_start3A_651 : memref<1x16xf32, #tpu.memory_space<hbm>> -> memref<16xf32, #tpu.memory_space<hbm>>
      tpu.enqueue_dma source(%arg19 : memref<16xf32, #tpu.memory_space<vmem>>) target(%dma_start3A_652 : memref<16xf32, #tpu.memory_space<hbm>>) target_semaphore(%run_scoped3A_646 : memref<!tpu.dma_semaphore, #tpu.memory_space<semaphore_mem>>)
      %dma_wait3A_653 = arith.constant 0 : i32
      %dma_wait3A_654 = tpu.memref_slice %arg7[%add3A, %dma_wait3A_653] : memref<32x16xf32, #tpu.memory_space<hbm>> -> memref<1x16xf32, #tpu.memory_space<hbm>>
      %dma_wait3A_655 = tpu.memref_squeeze %dma_wait3A_654 : memref<1x16xf32, #tpu.memory_space<hbm>> -> memref<16xf32, #tpu.memory_space<hbm>>
      %dma_wait3A_656 = arith.constant 0 : i32
      %dma_wait3A_657 = tpu.memref_slice %arg7[%add3A, %dma_wait3A_656] : memref<32x16xf32, #tpu.memory_space<hbm>> -> memref<1x16xf32, #tpu.memory_space<hbm>>
      %dma_wait3A_658 = tpu.memref_squeeze %dma_wait3A_657 : memref<1x16xf32, #tpu.memory_space<hbm>> -> memref<16xf32, #tpu.memory_space<hbm>>
      tpu.wait_dma2 semaphore(%run_scoped3A_646 : memref<!tpu.dma_semaphore, #tpu.memory_space<semaphore_mem>>) src(%arg19 : memref<16xf32, #tpu.memory_space<vmem>>) dst(%dma_wait3A_658 : memref<16xf32, #tpu.memory_space<hbm>>)
      tpu.yield
    }) : () -> ()
    %multiple_of3A_24 = arith.constant 0 : i32
    %multiple_of3A_25 = tpu.assume_multiple %multiple_of3A_24, 32 : i32
    %dma_start3A = tpu.memref_slice %arg11[%multiple_of3A_25] : memref<3456xi32, #tpu.memory_space<vmem>> -> memref<32xi32, #tpu.memory_space<vmem>>
    %dma_start3A_26 = arith.constant 0 : i32
    %dma_start3A_27 = arith.constant 0 : i32
    %dma_start3A_28 = tpu.memref_slice %arg6[%dma_start3A_26, %dma_start3A_27] : memref<100000x768xf32, #tpu.memory_space<hbm>> -> memref<100000x768xf32, #tpu.memory_space<hbm>>
    tpu.enqueue_indirect_dma source(%dma_start3A_28 : memref<100000x768xf32, #tpu.memory_space<hbm>>) target(%arg12 : memref<32x768xf32, #tpu.memory_space<vmem>>) offsets(%dma_start3A : memref<32xi32, #tpu.memory_space<vmem>>) semaphore(%arg22 : memref<!tpu.dma_semaphore, #tpu.memory_space<semaphore_mem>>)
    %multiple_of3A_29 = arith.constant 32 : i32
    %multiple_of3A_30 = tpu.assume_multiple %multiple_of3A_29, 32 : i32
    %dma_start3A_31 = tpu.memref_slice %arg11[%multiple_of3A_30] : memref<3456xi32, #tpu.memory_space<vmem>> -> memref<32xi32, #tpu.memory_space<vmem>>
    %dma_start3A_32 = arith.constant 0 : i32
    %dma_start3A_33 = arith.constant 0 : i32
    %dma_start3A_34 = tpu.memref_slice %arg6[%dma_start3A_32, %dma_start3A_33] : memref<100000x768xf32, #tpu.memory_space<hbm>> -> memref<100000x768xf32, #tpu.memory_space<hbm>>
    tpu.enqueue_indirect_dma source(%dma_start3A_34 : memref<100000x768xf32, #tpu.memory_space<hbm>>) target(%arg13 : memref<32x768xf32, #tpu.memory_space<vmem>>) offsets(%dma_start3A_31 : memref<32xi32, #tpu.memory_space<vmem>>) semaphore(%arg23 : memref<!tpu.dma_semaphore, #tpu.memory_space<semaphore_mem>>)
    %multiple_of3A_35 = arith.constant 64 : i32
    %multiple_of3A_36 = tpu.assume_multiple %multiple_of3A_35, 32 : i32
    %dma_start3A_37 = tpu.memref_slice %arg11[%multiple_of3A_36] : memref<3456xi32, #tpu.memory_space<vmem>> -> memref<32xi32, #tpu.memory_space<vmem>>
    %dma_start3A_38 = arith.constant 0 : i32
    %dma_start3A_39 = arith.constant 0 : i32
    %dma_start3A_40 = tpu.memref_slice %arg6[%dma_start3A_38, %dma_start3A_39] : memref<100000x768xf32, #tpu.memory_space<hbm>> -> memref<100000x768xf32, #tpu.memory_space<hbm>>
    tpu.enqueue_indirect_dma source(%dma_start3A_40 : memref<100000x768xf32, #tpu.memory_space<hbm>>) target(%arg14 : memref<32x768xf32, #tpu.memory_space<vmem>>) offsets(%dma_start3A_37 : memref<32xi32, #tpu.memory_space<vmem>>) semaphore(%arg24 : memref<!tpu.dma_semaphore, #tpu.memory_space<semaphore_mem>>)
    %multiple_of3A_41 = arith.constant 96 : i32
    %multiple_of3A_42 = tpu.assume_multiple %multiple_of3A_41, 32 : i32
    %dma_start3A_43 = tpu.memref_slice %arg11[%multiple_of3A_42] : memref<3456xi32, #tpu.memory_space<vmem>> -> memref<32xi32, #tpu.memory_space<vmem>>
    %dma_start3A_44 = arith.constant 0 : i32
    %dma_start3A_45 = arith.constant 0 : i32
    %dma_start3A_46 = tpu.memref_slice %arg6[%dma_start3A_44, %dma_start3A_45] : memref<100000x768xf32, #tpu.memory_space<hbm>> -> memref<100000x768xf32, #tpu.memory_space<hbm>>
    tpu.enqueue_indirect_dma source(%dma_start3A_46 : memref<100000x768xf32, #tpu.memory_space<hbm>>) target(%arg15 : memref<32x768xf32, #tpu.memory_space<vmem>>) offsets(%dma_start3A_43 : memref<32xi32, #tpu.memory_space<vmem>>) semaphore(%arg25 : memref<!tpu.dma_semaphore, #tpu.memory_space<semaphore_mem>>)
    %broadcast_in_dim3A_47 = arith.constant 0.000000e+00 : f32
    %broadcast_in_dim3A_48 = vector.broadcast %broadcast_in_dim3A_47 : f32 to vector<16xf32>
    %broadcast_in_dim3A_49 = arith.constant 0.000000e+00 : f32
    %broadcast_in_dim3A_50 = vector.broadcast %broadcast_in_dim3A_49 : f32 to vector<16xf32>
    %broadcast_in_dim3A_51 = arith.constant 0.000000e+00 : f32
    %broadcast_in_dim3A_52 = vector.broadcast %broadcast_in_dim3A_51 : f32 to vector<16xf32>
    %broadcast_in_dim3A_53 = arith.constant 0.000000e+00 : f32
    %broadcast_in_dim3A_54 = vector.broadcast %broadcast_in_dim3A_53 : f32 to vector<16xf32>
    %broadcast_in_dim3A_55 = arith.constant 0.000000e+00 : f32
    %broadcast_in_dim3A_56 = vector.broadcast %broadcast_in_dim3A_55 : f32 to vector<16xf32>
    %broadcast_in_dim3A_57 = arith.constant 0.000000e+00 : f32
    %broadcast_in_dim3A_58 = vector.broadcast %broadcast_in_dim3A_57 : f32 to vector<16xf32>
    %broadcast_in_dim3A_59 = arith.constant 0.000000e+00 : f32
    %broadcast_in_dim3A_60 = vector.broadcast %broadcast_in_dim3A_59 : f32 to vector<16xf32>
    %broadcast_in_dim3A_61 = arith.constant 0.000000e+00 : f32
    %broadcast_in_dim3A_62 = vector.broadcast %broadcast_in_dim3A_61 : f32 to vector<16xf32>
    %broadcast_in_dim3A_63 = arith.constant 0.000000e+00 : f32
    %broadcast_in_dim3A_64 = vector.broadcast %broadcast_in_dim3A_63 : f32 to vector<16xf32>
    %broadcast_in_dim3A_65 = arith.constant 0.000000e+00 : f32
    %broadcast_in_dim3A_66 = vector.broadcast %broadcast_in_dim3A_65 : f32 to vector<16xf32>
    %broadcast_in_dim3A_67 = arith.constant 0.000000e+00 : f32
    %broadcast_in_dim3A_68 = vector.broadcast %broadcast_in_dim3A_67 : f32 to vector<16xf32>
    %broadcast_in_dim3A_69 = arith.constant 0.000000e+00 : f32
    %broadcast_in_dim3A_70 = vector.broadcast %broadcast_in_dim3A_69 : f32 to vector<16xf32>
    %broadcast_in_dim3A_71 = arith.constant 0.000000e+00 : f32
    %broadcast_in_dim3A_72 = vector.broadcast %broadcast_in_dim3A_71 : f32 to vector<16xf32>
    %broadcast_in_dim3A_73 = arith.constant 0.000000e+00 : f32
    %broadcast_in_dim3A_74 = vector.broadcast %broadcast_in_dim3A_73 : f32 to vector<16xf32>
    %broadcast_in_dim3A_75 = arith.constant 0.000000e+00 : f32
    %broadcast_in_dim3A_76 = vector.broadcast %broadcast_in_dim3A_75 : f32 to vector<16xf32>
    %broadcast_in_dim3A_77 = arith.constant 0.000000e+00 : f32
    %broadcast_in_dim3A_78 = vector.broadcast %broadcast_in_dim3A_77 : f32 to vector<16xf32>
    %broadcast_in_dim3A_79 = arith.constant 0.000000e+00 : f32
    %broadcast_in_dim3A_80 = vector.broadcast %broadcast_in_dim3A_79 : f32 to vector<16xf32>
    %broadcast_in_dim3A_81 = arith.constant 0.000000e+00 : f32
    %broadcast_in_dim3A_82 = vector.broadcast %broadcast_in_dim3A_81 : f32 to vector<16xf32>
    %broadcast_in_dim3A_83 = arith.constant 0.000000e+00 : f32
    %broadcast_in_dim3A_84 = vector.broadcast %broadcast_in_dim3A_83 : f32 to vector<16xf32>
    %broadcast_in_dim3A_85 = arith.constant 0.000000e+00 : f32
    %broadcast_in_dim3A_86 = vector.broadcast %broadcast_in_dim3A_85 : f32 to vector<16xf32>
    %broadcast_in_dim3A_87 = arith.constant 0.000000e+00 : f32
    %broadcast_in_dim3A_88 = vector.broadcast %broadcast_in_dim3A_87 : f32 to vector<16xf32>
    %broadcast_in_dim3A_89 = arith.constant 0.000000e+00 : f32
    %broadcast_in_dim3A_90 = vector.broadcast %broadcast_in_dim3A_89 : f32 to vector<16xf32>
    %broadcast_in_dim3A_91 = arith.constant 0.000000e+00 : f32
    %broadcast_in_dim3A_92 = vector.broadcast %broadcast_in_dim3A_91 : f32 to vector<16xf32>
    %broadcast_in_dim3A_93 = arith.constant 0.000000e+00 : f32
    %broadcast_in_dim3A_94 = vector.broadcast %broadcast_in_dim3A_93 : f32 to vector<16xf32>
    %broadcast_in_dim3A_95 = arith.constant 0.000000e+00 : f32
    %broadcast_in_dim3A_96 = vector.broadcast %broadcast_in_dim3A_95 : f32 to vector<16xf32>
    %broadcast_in_dim3A_97 = arith.constant 0.000000e+00 : f32
    %broadcast_in_dim3A_98 = vector.broadcast %broadcast_in_dim3A_97 : f32 to vector<16xf32>
    %broadcast_in_dim3A_99 = arith.constant 0.000000e+00 : f32
    %broadcast_in_dim3A_100 = vector.broadcast %broadcast_in_dim3A_99 : f32 to vector<16xf32>
    %broadcast_in_dim3A_101 = arith.constant 0.000000e+00 : f32
    %broadcast_in_dim3A_102 = vector.broadcast %broadcast_in_dim3A_101 : f32 to vector<16xf32>
    %broadcast_in_dim3A_103 = arith.constant 0.000000e+00 : f32
    %broadcast_in_dim3A_104 = vector.broadcast %broadcast_in_dim3A_103 : f32 to vector<16xf32>
    %broadcast_in_dim3A_105 = arith.constant 0.000000e+00 : f32
    %broadcast_in_dim3A_106 = vector.broadcast %broadcast_in_dim3A_105 : f32 to vector<16xf32>
    %broadcast_in_dim3A_107 = arith.constant 0.000000e+00 : f32
    %broadcast_in_dim3A_108 = vector.broadcast %broadcast_in_dim3A_107 : f32 to vector<16xf32>
    %broadcast_in_dim3A_109 = arith.constant 0.000000e+00 : f32
    %broadcast_in_dim3A_110 = vector.broadcast %broadcast_in_dim3A_109 : f32 to vector<16xf32>
    %broadcast_in_dim3A_111 = arith.constant 0.000000e+00 : f32
    %broadcast_in_dim3A_112 = vector.broadcast %broadcast_in_dim3A_111 : f32 to vector<16xf32>
    %broadcast_in_dim3A_113 = arith.constant 0.000000e+00 : f32
    %broadcast_in_dim3A_114 = vector.broadcast %broadcast_in_dim3A_113 : f32 to vector<16xf32>
    %broadcast_in_dim3A_115 = arith.constant 0.000000e+00 : f32
    %broadcast_in_dim3A_116 = vector.broadcast %broadcast_in_dim3A_115 : f32 to vector<16xf32>
    %broadcast_in_dim3A_117 = arith.constant 0.000000e+00 : f32
    %broadcast_in_dim3A_118 = vector.broadcast %broadcast_in_dim3A_117 : f32 to vector<16xf32>
    %broadcast_in_dim3A_119 = arith.constant 0.000000e+00 : f32
    %broadcast_in_dim3A_120 = vector.broadcast %broadcast_in_dim3A_119 : f32 to vector<16xf32>
    %broadcast_in_dim3A_121 = arith.constant 0.000000e+00 : f32
    %broadcast_in_dim3A_122 = vector.broadcast %broadcast_in_dim3A_121 : f32 to vector<16xf32>
    %broadcast_in_dim3A_123 = arith.constant 0.000000e+00 : f32
    %broadcast_in_dim3A_124 = vector.broadcast %broadcast_in_dim3A_123 : f32 to vector<16xf32>
    %broadcast_in_dim3A_125 = arith.constant 0.000000e+00 : f32
    %broadcast_in_dim3A_126 = vector.broadcast %broadcast_in_dim3A_125 : f32 to vector<16xf32>
    %broadcast_in_dim3A_127 = arith.constant 0.000000e+00 : f32
    %broadcast_in_dim3A_128 = vector.broadcast %broadcast_in_dim3A_127 : f32 to vector<16xf32>
    %broadcast_in_dim3A_129 = arith.constant 0.000000e+00 : f32
    %broadcast_in_dim3A_130 = vector.broadcast %broadcast_in_dim3A_129 : f32 to vector<16xf32>
    %broadcast_in_dim3A_131 = arith.constant 0.000000e+00 : f32
    %broadcast_in_dim3A_132 = vector.broadcast %broadcast_in_dim3A_131 : f32 to vector<16xf32>
    %broadcast_in_dim3A_133 = arith.constant 0.000000e+00 : f32
    %broadcast_in_dim3A_134 = vector.broadcast %broadcast_in_dim3A_133 : f32 to vector<16xf32>
    %broadcast_in_dim3A_135 = arith.constant 0.000000e+00 : f32
    %broadcast_in_dim3A_136 = vector.broadcast %broadcast_in_dim3A_135 : f32 to vector<16xf32>
    %broadcast_in_dim3A_137 = arith.constant 0.000000e+00 : f32
    %broadcast_in_dim3A_138 = vector.broadcast %broadcast_in_dim3A_137 : f32 to vector<16xf32>
    %broadcast_in_dim3A_139 = arith.constant 0.000000e+00 : f32
    %broadcast_in_dim3A_140 = vector.broadcast %broadcast_in_dim3A_139 : f32 to vector<16xf32>
    %broadcast_in_dim3A_141 = arith.constant 0.000000e+00 : f32
    %broadcast_in_dim3A_142 = vector.broadcast %broadcast_in_dim3A_141 : f32 to vector<16xf32>
    %scan3A_143 = arith.constant 0 : i32
    %scan3A_144 = arith.constant 24 : i32
    %scan3A_145 = arith.addi %scan3A_143, %scan3A_144 : i32
    %scan3A_146 = arith.constant 1 : i32
    %scan3A_147:48 = scf.for %scan3A_646 = %scan3A_143 to %scan3A_145 step %scan3A_146 iter_args(%scan3A_647 = %broadcast_in_dim3A_48, %scan3A_648 = %broadcast_in_dim3A_50, %scan3A_649 = %broadcast_in_dim3A_52, %scan3A_650 = %broadcast_in_dim3A_54, %scan3A_651 = %broadcast_in_dim3A_56, %scan3A_652 = %broadcast_in_dim3A_58, %scan3A_653 = %broadcast_in_dim3A_60, %scan3A_654 = %broadcast_in_dim3A_62, %scan3A_655 = %broadcast_in_dim3A_64, %scan3A_656 = %broadcast_in_dim3A_66, %scan3A_657 = %broadcast_in_dim3A_68, %scan3A_658 = %broadcast_in_dim3A_70, %scan3A_659 = %broadcast_in_dim3A_72, %scan3A_660 = %broadcast_in_dim3A_74, %scan3A_661 = %broadcast_in_dim3A_76, %scan3A_662 = %broadcast_in_dim3A_78, %scan3A_663 = %broadcast_in_dim3A_80, %scan3A_664 = %broadcast_in_dim3A_82, %scan3A_665 = %broadcast_in_dim3A_84, %scan3A_666 = %broadcast_in_dim3A_86, %scan3A_667 = %broadcast_in_dim3A_88, %scan3A_668 = %broadcast_in_dim3A_90, %scan3A_669 = %broadcast_in_dim3A_92, %scan3A_670 = %broadcast_in_dim3A_94, %scan3A_671 = %broadcast_in_dim3A_96, %scan3A_672 = %broadcast_in_dim3A_98, %scan3A_673 = %broadcast_in_dim3A_100, %scan3A_674 = %broadcast_in_dim3A_102, %scan3A_675 = %broadcast_in_dim3A_104, %scan3A_676 = %broadcast_in_dim3A_106, %scan3A_677 = %broadcast_in_dim3A_108, %scan3A_678 = %broadcast_in_dim3A_110, %scan3A_679 = %broadcast_in_dim3A_112, %scan3A_680 = %broadcast_in_dim3A_114, %scan3A_681 = %broadcast_in_dim3A_116, %scan3A_682 = %broadcast_in_dim3A_118, %scan3A_683 = %broadcast_in_dim3A_120, %scan3A_684 = %broadcast_in_dim3A_122, %scan3A_685 = %broadcast_in_dim3A_124, %scan3A_686 = %broadcast_in_dim3A_126, %scan3A_687 = %broadcast_in_dim3A_128, %scan3A_688 = %broadcast_in_dim3A_130, %scan3A_689 = %broadcast_in_dim3A_132, %scan3A_690 = %broadcast_in_dim3A_134, %scan3A_691 = %broadcast_in_dim3A_136, %scan3A_692 = %broadcast_in_dim3A_138, %scan3A_693 = %broadcast_in_dim3A_140, %scan3A_694 = %broadcast_in_dim3A_142) -> (vector<16xf32>, vector<16xf32>, vector<16xf32>, vector<16xf32>, vector<16xf32>, vector<16xf32>, vector<16xf32>, vector<16xf32>, vector<16xf32>, vector<16xf32>, vector<16xf32>, vector<16xf32>, vector<16xf32>, vector<16xf32>, vector<16xf32>, vector<16xf32>, vector<16xf32>, vector<16xf32>, vector<16xf32>, vector<16xf32>, vector<16xf32>, vector<16xf32>, vector<16xf32>, vector<16xf32>, vector<16xf32>, vector<16xf32>, vector<16xf32>, vector<16xf32>, vector<16xf32>, vector<16xf32>, vector<16xf32>, vector<16xf32>, vector<16xf32>, vector<16xf32>, vector<16xf32>, vector<16xf32>, vector<16xf32>, vector<16xf32>, vector<16xf32>, vector<16xf32>, vector<16xf32>, vector<16xf32>, vector<16xf32>, vector<16xf32>, vector<16xf32>, vector<16xf32>, vector<16xf32>, vector<16xf32>)  : i32 {
      %dma_wait3A_695 = arith.constant 0 : i32
      %dma_wait3A_696 = arith.constant 0 : i32
      %dma_wait3A_697 = tpu.memref_slice %arg6[%dma_wait3A_695, %dma_wait3A_696] : memref<100000x768xf32, #tpu.memory_space<hbm>> -> memref<32x768xf32, #tpu.memory_space<hbm>>
      %dma_wait3A_698 = arith.constant 0 : i32
      %dma_wait3A_699 = arith.constant 0 : i32
      %dma_wait3A_700 = tpu.memref_slice %arg6[%dma_wait3A_698, %dma_wait3A_699] : memref<100000x768xf32, #tpu.memory_space<hbm>> -> memref<32x768xf32, #tpu.memory_space<hbm>>
      tpu.wait_dma2 semaphore(%arg22 : memref<!tpu.dma_semaphore, #tpu.memory_space<semaphore_mem>>) src(%dma_wait3A_700 : memref<32x768xf32, #tpu.memory_space<hbm>>) dst(%arg12 : memref<32x768xf32, #tpu.memory_space<vmem>>)
      %scan3A_701 = arith.constant 0 : i32
      %scan3A_702 = arith.constant 32 : i32
      %scan3A_703 = arith.addi %scan3A_701, %scan3A_702 : i32
      %scan3A_704 = arith.constant 1 : i32
      %scan3A_705:48 = scf.for %scan3A_795 = %scan3A_701 to %scan3A_703 step %scan3A_704 iter_args(%scan3A_796 = %scan3A_647, %scan3A_797 = %scan3A_648, %scan3A_798 = %scan3A_649, %scan3A_799 = %scan3A_650, %scan3A_800 = %scan3A_651, %scan3A_801 = %scan3A_652, %scan3A_802 = %scan3A_653, %scan3A_803 = %scan3A_654, %scan3A_804 = %scan3A_655, %scan3A_805 = %scan3A_656, %scan3A_806 = %scan3A_657, %scan3A_807 = %scan3A_658, %scan3A_808 = %scan3A_659, %scan3A_809 = %scan3A_660, %scan3A_810 = %scan3A_661, %scan3A_811 = %scan3A_662, %scan3A_812 = %scan3A_663, %scan3A_813 = %scan3A_664, %scan3A_814 = %scan3A_665, %scan3A_815 = %scan3A_666, %scan3A_816 = %scan3A_667, %scan3A_817 = %scan3A_668, %scan3A_818 = %scan3A_669, %scan3A_819 = %scan3A_670, %scan3A_820 = %scan3A_671, %scan3A_821 = %scan3A_672, %scan3A_822 = %scan3A_673, %scan3A_823 = %scan3A_674, %scan3A_824 = %scan3A_675, %scan3A_825 = %scan3A_676, %scan3A_826 = %scan3A_677, %scan3A_827 = %scan3A_678, %scan3A_828 = %scan3A_679, %scan3A_829 = %scan3A_680, %scan3A_830 = %scan3A_681, %scan3A_831 = %scan3A_682, %scan3A_832 = %scan3A_683, %scan3A_833 = %scan3A_684, %scan3A_834 = %scan3A_685, %scan3A_835 = %scan3A_686, %scan3A_836 = %scan3A_687, %scan3A_837 = %scan3A_688, %scan3A_838 = %scan3A_689, %scan3A_839 = %scan3A_690, %scan3A_840 = %scan3A_691, %scan3A_841 = %scan3A_692, %scan3A_842 = %scan3A_693, %scan3A_843 = %scan3A_694) -> (vector<16xf32>, vector<16xf32>, vector<16xf32>, vector<16xf32>, vector<16xf32>, vector<16xf32>, vector<16xf32>, vector<16xf32>, vector<16xf32>, vector<16xf32>, vector<16xf32>, vector<16xf32>, vector<16xf32>, vector<16xf32>, vector<16xf32>, vector<16xf32>, vector<16xf32>, vector<16xf32>, vector<16xf32>, vector<16xf32>, vector<16xf32>, vector<16xf32>, vector<16xf32>, vector<16xf32>, vector<16xf32>, vector<16xf32>, vector<16xf32>, vector<16xf32>, vector<16xf32>, vector<16xf32>, vector<16xf32>, vector<16xf32>, vector<16xf32>, vector<16xf32>, vector<16xf32>, vector<16xf32>, vector<16xf32>, vector<16xf32>, vector<16xf32>, vector<16xf32>, vector<16xf32>, vector<16xf32>, vector<16xf32>, vector<16xf32>, vector<16xf32>, vector<16xf32>, vector<16xf32>, vector<16xf32>)  : i32 {
        %get3A_844 = arith.index_cast %scan3A_795 : i32 to index
        %get3A_845 = arith.constant 0 : index
        %get3A_846 = tpu.vector_load %arg12[%get3A_844, %get3A_845] {strides = array<i32>} : memref<32x768xf32, #tpu.memory_space<vmem>>, vector<1x16xf32>,
        %get3A_847 = vector.shape_cast %get3A_846 : vector<1x16xf32> to vector<16xf32>
        %add3A_848 = arith.addf %scan3A_796, %get3A_847 : vector<16xf32>
        %get3A_849 = arith.index_cast %scan3A_795 : i32 to index
        %get3A_850 = arith.constant 16 : index
        %get3A_851 = tpu.vector_load %arg12[%get3A_849, %get3A_850] {strides = array<i32>} : memref<32x768xf32, #tpu.memory_space<vmem>>, vector<1x16xf32>,
        %get3A_852 = vector.shape_cast %get3A_851 : vector<1x16xf32> to vector<16xf32>
        %add3A_853 = arith.addf %scan3A_797, %get3A_852 : vector<16xf32>
        %get3A_854 = arith.index_cast %scan3A_795 : i32 to index
        %get3A_855 = arith.constant 32 : index
        %get3A_856 = tpu.vector_load %arg12[%get3A_854, %get3A_855] {strides = array<i32>} : memref<32x768xf32, #tpu.memory_space<vmem>>, vector<1x16xf32>,
        %get3A_857 = vector.shape_cast %get3A_856 : vector<1x16xf32> to vector<16xf32>
        %add3A_858 = arith.addf %scan3A_798, %get3A_857 : vector<16xf32>
        %get3A_859 = arith.index_cast %scan3A_795 : i32 to index
        %get3A_860 = arith.constant 48 : index
        %get3A_861 = tpu.vector_load %arg12[%get3A_859, %get3A_860] {strides = array<i32>} : memref<32x768xf32, #tpu.memory_space<vmem>>, vector<1x16xf32>,
        %get3A_862 = vector.shape_cast %get3A_861 : vector<1x16xf32> to vector<16xf32>
        %add3A_863 = arith.addf %scan3A_799, %get3A_862 : vector<16xf32>
        %get3A_864 = arith.index_cast %scan3A_795 : i32 to index
        %get3A_865 = arith.constant 64 : index
        %get3A_866 = tpu.vector_load %arg12[%get3A_864, %get3A_865] {strides = array<i32>} : memref<32x768xf32, #tpu.memory_space<vmem>>, vector<1x16xf32>,
        %get3A_867 = vector.shape_cast %get3A_866 : vector<1x16xf32> to vector<16xf32>
        %add3A_868 = arith.addf %scan3A_800, %get3A_867 : vector<16xf32>
        %get3A_869 = arith.index_cast %scan3A_795 : i32 to index
        %get3A_870 = arith.constant 80 : index
        %get3A_871 = tpu.vector_load %arg12[%get3A_869, %get3A_870] {strides = array<i32>} : memref<32x768xf32, #tpu.memory_space<vmem>>, vector<1x16xf32>,
        %get3A_872 = vector.shape_cast %get3A_871 : vector<1x16xf32> to vector<16xf32>
        %add3A_873 = arith.addf %scan3A_801, %get3A_872 : vector<16xf32>
        %get3A_874 = arith.index_cast %scan3A_795 : i32 to index
        %get3A_875 = arith.constant 96 : index
        %get3A_876 = tpu.vector_load %arg12[%get3A_874, %get3A_875] {strides = array<i32>} : memref<32x768xf32, #tpu.memory_space<vmem>>, vector<1x16xf32>,
        %get3A_877 = vector.shape_cast %get3A_876 : vector<1x16xf32> to vector<16xf32>
        %add3A_878 = arith.addf %scan3A_802, %get3A_877 : vector<16xf32>
        %get3A_879 = arith.index_cast %scan3A_795 : i32 to index
        %get3A_880 = arith.constant 112 : index
        %get3A_881 = tpu.vector_load %arg12[%get3A_879, %get3A_880] {strides = array<i32>} : memref<32x768xf32, #tpu.memory_space<vmem>>, vector<1x16xf32>,
        %get3A_882 = vector.shape_cast %get3A_881 : vector<1x16xf32> to vector<16xf32>
        %add3A_883 = arith.addf %scan3A_803, %get3A_882 : vector<16xf32>
        %get3A_884 = arith.index_cast %scan3A_795 : i32 to index
        %get3A_885 = arith.constant 128 : index
        %get3A_886 = tpu.vector_load %arg12[%get3A_884, %get3A_885] {strides = array<i32>} : memref<32x768xf32, #tpu.memory_space<vmem>>, vector<1x16xf32>,
        %get3A_887 = vector.shape_cast %get3A_886 : vector<1x16xf32> to vector<16xf32>
        %add3A_888 = arith.addf %scan3A_804, %get3A_887 : vector<16xf32>
        %get3A_889 = arith.index_cast %scan3A_795 : i32 to index
        %get3A_890 = arith.constant 144 : index
        %get3A_891 = tpu.vector_load %arg12[%get3A_889, %get3A_890] {strides = array<i32>} : memref<32x768xf32, #tpu.memory_space<vmem>>, vector<1x16xf32>,
        %get3A_892 = vector.shape_cast %get3A_891 : vector<1x16xf32> to vector<16xf32>
        %add3A_893 = arith.addf %scan3A_805, %get3A_892 : vector<16xf32>
        %get3A_894 = arith.index_cast %scan3A_795 : i32 to index
        %get3A_895 = arith.constant 160 : index
        %get3A_896 = tpu.vector_load %arg12[%get3A_894, %get3A_895] {strides = array<i32>} : memref<32x768xf32, #tpu.memory_space<vmem>>, vector<1x16xf32>,
        %get3A_897 = vector.shape_cast %get3A_896 : vector<1x16xf32> to vector<16xf32>
        %add3A_898 = arith.addf %scan3A_806, %get3A_897 : vector<16xf32>
        %get3A_899 = arith.index_cast %scan3A_795 : i32 to index
        %get3A_900 = arith.constant 176 : index
        %get3A_901 = tpu.vector_load %arg12[%get3A_899, %get3A_900] {strides = array<i32>} : memref<32x768xf32, #tpu.memory_space<vmem>>, vector<1x16xf32>,
        %get3A_902 = vector.shape_cast %get3A_901 : vector<1x16xf32> to vector<16xf32>
        %add3A_903 = arith.addf %scan3A_807, %get3A_902 : vector<16xf32>
        %get3A_904 = arith.index_cast %scan3A_795 : i32 to index
        %get3A_905 = arith.constant 192 : index
        %get3A_906 = tpu.vector_load %arg12[%get3A_904, %get3A_905] {strides = array<i32>} : memref<32x768xf32, #tpu.memory_space<vmem>>, vector<1x16xf32>,
        %get3A_907 = vector.shape_cast %get3A_906 : vector<1x16xf32> to vector<16xf32>
        %add3A_908 = arith.addf %scan3A_808, %get3A_907 : vector<16xf32>
        %get3A_909 = arith.index_cast %scan3A_795 : i32 to index
        %get3A_910 = arith.constant 208 : index
        %get3A_911 = tpu.vector_load %arg12[%get3A_909, %get3A_910] {strides = array<i32>} : memref<32x768xf32, #tpu.memory_space<vmem>>, vector<1x16xf32>,
        %get3A_912 = vector.shape_cast %get3A_911 : vector<1x16xf32> to vector<16xf32>
        %add3A_913 = arith.addf %scan3A_809, %get3A_912 : vector<16xf32>
        %get3A_914 = arith.index_cast %scan3A_795 : i32 to index
        %get3A_915 = arith.constant 224 : index
        %get3A_916 = tpu.vector_load %arg12[%get3A_914, %get3A_915] {strides = array<i32>} : memref<32x768xf32, #tpu.memory_space<vmem>>, vector<1x16xf32>,
        %get3A_917 = vector.shape_cast %get3A_916 : vector<1x16xf32> to vector<16xf32>
        %add3A_918 = arith.addf %scan3A_810, %get3A_917 : vector<16xf32>
        %get3A_919 = arith.index_cast %scan3A_795 : i32 to index
        %get3A_920 = arith.constant 240 : index
        %get3A_921 = tpu.vector_load %arg12[%get3A_919, %get3A_920] {strides = array<i32>} : memref<32x768xf32, #tpu.memory_space<vmem>>, vector<1x16xf32>,
        %get3A_922 = vector.shape_cast %get3A_921 : vector<1x16xf32> to vector<16xf32>
        %add3A_923 = arith.addf %scan3A_811, %get3A_922 : vector<16xf32>
        %get3A_924 = arith.index_cast %scan3A_795 : i32 to index
        %get3A_925 = arith.constant 256 : index
        %get3A_926 = tpu.vector_load %arg12[%get3A_924, %get3A_925] {strides = array<i32>} : memref<32x768xf32, #tpu.memory_space<vmem>>, vector<1x16xf32>,
        %get3A_927 = vector.shape_cast %get3A_926 : vector<1x16xf32> to vector<16xf32>
        %add3A_928 = arith.addf %scan3A_812, %get3A_927 : vector<16xf32>
        %get3A_929 = arith.index_cast %scan3A_795 : i32 to index
        %get3A_930 = arith.constant 272 : index
        %get3A_931 = tpu.vector_load %arg12[%get3A_929, %get3A_930] {strides = array<i32>} : memref<32x768xf32, #tpu.memory_space<vmem>>, vector<1x16xf32>,
        %get3A_932 = vector.shape_cast %get3A_931 : vector<1x16xf32> to vector<16xf32>
        %add3A_933 = arith.addf %scan3A_813, %get3A_932 : vector<16xf32>
        %get3A_934 = arith.index_cast %scan3A_795 : i32 to index
        %get3A_935 = arith.constant 288 : index
        %get3A_936 = tpu.vector_load %arg12[%get3A_934, %get3A_935] {strides = array<i32>} : memref<32x768xf32, #tpu.memory_space<vmem>>, vector<1x16xf32>,
        %get3A_937 = vector.shape_cast %get3A_936 : vector<1x16xf32> to vector<16xf32>
        %add3A_938 = arith.addf %scan3A_814, %get3A_937 : vector<16xf32>
        %get3A_939 = arith.index_cast %scan3A_795 : i32 to index
        %get3A_940 = arith.constant 304 : index
        %get3A_941 = tpu.vector_load %arg12[%get3A_939, %get3A_940] {strides = array<i32>} : memref<32x768xf32, #tpu.memory_space<vmem>>, vector<1x16xf32>,
        %get3A_942 = vector.shape_cast %get3A_941 : vector<1x16xf32> to vector<16xf32>
        %add3A_943 = arith.addf %scan3A_815, %get3A_942 : vector<16xf32>
        %get3A_944 = arith.index_cast %scan3A_795 : i32 to index
        %get3A_945 = arith.constant 320 : index
        %get3A_946 = tpu.vector_load %arg12[%get3A_944, %get3A_945] {strides = array<i32>} : memref<32x768xf32, #tpu.memory_space<vmem>>, vector<1x16xf32>,
        %get3A_947 = vector.shape_cast %get3A_946 : vector<1x16xf32> to vector<16xf32>
        %add3A_948 = arith.addf %scan3A_816, %get3A_947 : vector<16xf32>
        %get3A_949 = arith.index_cast %scan3A_795 : i32 to index
        %get3A_950 = arith.constant 336 : index
        %get3A_951 = tpu.vector_load %arg12[%get3A_949, %get3A_950] {strides = array<i32>} : memref<32x768xf32, #tpu.memory_space<vmem>>, vector<1x16xf32>,
        %get3A_952 = vector.shape_cast %get3A_951 : vector<1x16xf32> to vector<16xf32>
        %add3A_953 = arith.addf %scan3A_817, %get3A_952 : vector<16xf32>
        %get3A_954 = arith.index_cast %scan3A_795 : i32 to index
        %get3A_955 = arith.constant 352 : index
        %get3A_956 = tpu.vector_load %arg12[%get3A_954, %get3A_955] {strides = array<i32>} : memref<32x768xf32, #tpu.memory_space<vmem>>, vector<1x16xf32>,
        %get3A_957 = vector.shape_cast %get3A_956 : vector<1x16xf32> to vector<16xf32>
        %add3A_958 = arith.addf %scan3A_818, %get3A_957 : vector<16xf32>
        %get3A_959 = arith.index_cast %scan3A_795 : i32 to index
        %get3A_960 = arith.constant 368 : index
        %get3A_961 = tpu.vector_load %arg12[%get3A_959, %get3A_960] {strides = array<i32>} : memref<32x768xf32, #tpu.memory_space<vmem>>, vector<1x16xf32>,
        %get3A_962 = vector.shape_cast %get3A_961 : vector<1x16xf32> to vector<16xf32>
        %add3A_963 = arith.addf %scan3A_819, %get3A_962 : vector<16xf32>
        %get3A_964 = arith.index_cast %scan3A_795 : i32 to index
        %get3A_965 = arith.constant 384 : index
        %get3A_966 = tpu.vector_load %arg12[%get3A_964, %get3A_965] {strides = array<i32>} : memref<32x768xf32, #tpu.memory_space<vmem>>, vector<1x16xf32>,
        %get3A_967 = vector.shape_cast %get3A_966 : vector<1x16xf32> to vector<16xf32>
        %add3A_968 = arith.addf %scan3A_820, %get3A_967 : vector<16xf32>
        %get3A_969 = arith.index_cast %scan3A_795 : i32 to index
        %get3A_970 = arith.constant 400 : index
        %get3A_971 = tpu.vector_load %arg12[%get3A_969, %get3A_970] {strides = array<i32>} : memref<32x768xf32, #tpu.memory_space<vmem>>, vector<1x16xf32>,
        %get3A_972 = vector.shape_cast %get3A_971 : vector<1x16xf32> to vector<16xf32>
        %add3A_973 = arith.addf %scan3A_821, %get3A_972 : vector<16xf32>
        %get3A_974 = arith.index_cast %scan3A_795 : i32 to index
        %get3A_975 = arith.constant 416 : index
        %get3A_976 = tpu.vector_load %arg12[%get3A_974, %get3A_975] {strides = array<i32>} : memref<32x768xf32, #tpu.memory_space<vmem>>, vector<1x16xf32>,
        %get3A_977 = vector.shape_cast %get3A_976 : vector<1x16xf32> to vector<16xf32>
        %add3A_978 = arith.addf %scan3A_822, %get3A_977 : vector<16xf32>
        %get3A_979 = arith.index_cast %scan3A_795 : i32 to index
        %get3A_980 = arith.constant 432 : index
        %get3A_981 = tpu.vector_load %arg12[%get3A_979, %get3A_980] {strides = array<i32>} : memref<32x768xf32, #tpu.memory_space<vmem>>, vector<1x16xf32>,
        %get3A_982 = vector.shape_cast %get3A_981 : vector<1x16xf32> to vector<16xf32>
        %add3A_983 = arith.addf %scan3A_823, %get3A_982 : vector<16xf32>
        %get3A_984 = arith.index_cast %scan3A_795 : i32 to index
        %get3A_985 = arith.constant 448 : index
        %get3A_986 = tpu.vector_load %arg12[%get3A_984, %get3A_985] {strides = array<i32>} : memref<32x768xf32, #tpu.memory_space<vmem>>, vector<1x16xf32>,
        %get3A_987 = vector.shape_cast %get3A_986 : vector<1x16xf32> to vector<16xf32>
        %add3A_988 = arith.addf %scan3A_824, %get3A_987 : vector<16xf32>
        %get3A_989 = arith.index_cast %scan3A_795 : i32 to index
        %get3A_990 = arith.constant 464 : index
        %get3A_991 = tpu.vector_load %arg12[%get3A_989, %get3A_990] {strides = array<i32>} : memref<32x768xf32, #tpu.memory_space<vmem>>, vector<1x16xf32>,
        %get3A_992 = vector.shape_cast %get3A_991 : vector<1x16xf32> to vector<16xf32>
        %add3A_993 = arith.addf %scan3A_825, %get3A_992 : vector<16xf32>
        %get3A_994 = arith.index_cast %scan3A_795 : i32 to index
        %get3A_995 = arith.constant 480 : index
        %get3A_996 = tpu.vector_load %arg12[%get3A_994, %get3A_995] {strides = array<i32>} : memref<32x768xf32, #tpu.memory_space<vmem>>, vector<1x16xf32>,
        %get3A_997 = vector.shape_cast %get3A_996 : vector<1x16xf32> to vector<16xf32>
        %add3A_998 = arith.addf %scan3A_826, %get3A_997 : vector<16xf32>
        %get3A_999 = arith.index_cast %scan3A_795 : i32 to index
        %get3A_1000 = arith.constant 496 : index
        %get3A_1001 = tpu.vector_load %arg12[%get3A_999, %get3A_1000] {strides = array<i32>} : memref<32x768xf32, #tpu.memory_space<vmem>>, vector<1x16xf32>,
        %get3A_1002 = vector.shape_cast %get3A_1001 : vector<1x16xf32> to vector<16xf32>
        %add3A_1003 = arith.addf %scan3A_827, %get3A_1002 : vector<16xf32>
        %get3A_1004 = arith.index_cast %scan3A_795 : i32 to index
        %get3A_1005 = arith.constant 512 : index
        %get3A_1006 = tpu.vector_load %arg12[%get3A_1004, %get3A_1005] {strides = array<i32>} : memref<32x768xf32, #tpu.memory_space<vmem>>, vector<1x16xf32>,
        %get3A_1007 = vector.shape_cast %get3A_1006 : vector<1x16xf32> to vector<16xf32>
        %add3A_1008 = arith.addf %scan3A_828, %get3A_1007 : vector<16xf32>
        %get3A_1009 = arith.index_cast %scan3A_795 : i32 to index
        %get3A_1010 = arith.constant 528 : index
        %get3A_1011 = tpu.vector_load %arg12[%get3A_1009, %get3A_1010] {strides = array<i32>} : memref<32x768xf32, #tpu.memory_space<vmem>>, vector<1x16xf32>,
        %get3A_1012 = vector.shape_cast %get3A_1011 : vector<1x16xf32> to vector<16xf32>
        %add3A_1013 = arith.addf %scan3A_829, %get3A_1012 : vector<16xf32>
        %get3A_1014 = arith.index_cast %scan3A_795 : i32 to index
        %get3A_1015 = arith.constant 544 : index
        %get3A_1016 = tpu.vector_load %arg12[%get3A_1014, %get3A_1015] {strides = array<i32>} : memref<32x768xf32, #tpu.memory_space<vmem>>, vector<1x16xf32>,
        %get3A_1017 = vector.shape_cast %get3A_1016 : vector<1x16xf32> to vector<16xf32>
        %add3A_1018 = arith.addf %scan3A_830, %get3A_1017 : vector<16xf32>
        %get3A_1019 = arith.index_cast %scan3A_795 : i32 to index
        %get3A_1020 = arith.constant 560 : index
        %get3A_1021 = tpu.vector_load %arg12[%get3A_1019, %get3A_1020] {strides = array<i32>} : memref<32x768xf32, #tpu.memory_space<vmem>>, vector<1x16xf32>,
        %get3A_1022 = vector.shape_cast %get3A_1021 : vector<1x16xf32> to vector<16xf32>
        %add3A_1023 = arith.addf %scan3A_831, %get3A_1022 : vector<16xf32>
        %get3A_1024 = arith.index_cast %scan3A_795 : i32 to index
        %get3A_1025 = arith.constant 576 : index
        %get3A_1026 = tpu.vector_load %arg12[%get3A_1024, %get3A_1025] {strides = array<i32>} : memref<32x768xf32, #tpu.memory_space<vmem>>, vector<1x16xf32>,
        %get3A_1027 = vector.shape_cast %get3A_1026 : vector<1x16xf32> to vector<16xf32>
        %add3A_1028 = arith.addf %scan3A_832, %get3A_1027 : vector<16xf32>
        %get3A_1029 = arith.index_cast %scan3A_795 : i32 to index
        %get3A_1030 = arith.constant 592 : index
        %get3A_1031 = tpu.vector_load %arg12[%get3A_1029, %get3A_1030] {strides = array<i32>} : memref<32x768xf32, #tpu.memory_space<vmem>>, vector<1x16xf32>,
        %get3A_1032 = vector.shape_cast %get3A_1031 : vector<1x16xf32> to vector<16xf32>
        %add3A_1033 = arith.addf %scan3A_833, %get3A_1032 : vector<16xf32>
        %get3A_1034 = arith.index_cast %scan3A_795 : i32 to index
        %get3A_1035 = arith.constant 608 : index
        %get3A_1036 = tpu.vector_load %arg12[%get3A_1034, %get3A_1035] {strides = array<i32>} : memref<32x768xf32, #tpu.memory_space<vmem>>, vector<1x16xf32>,
        %get3A_1037 = vector.shape_cast %get3A_1036 : vector<1x16xf32> to vector<16xf32>
        %add3A_1038 = arith.addf %scan3A_834, %get3A_1037 : vector<16xf32>
        %get3A_1039 = arith.index_cast %scan3A_795 : i32 to index
        %get3A_1040 = arith.constant 624 : index
        %get3A_1041 = tpu.vector_load %arg12[%get3A_1039, %get3A_1040] {strides = array<i32>} : memref<32x768xf32, #tpu.memory_space<vmem>>, vector<1x16xf32>,
        %get3A_1042 = vector.shape_cast %get3A_1041 : vector<1x16xf32> to vector<16xf32>
        %add3A_1043 = arith.addf %scan3A_835, %get3A_1042 : vector<16xf32>
        %get3A_1044 = arith.index_cast %scan3A_795 : i32 to index
        %get3A_1045 = arith.constant 640 : index
        %get3A_1046 = tpu.vector_load %arg12[%get3A_1044, %get3A_1045] {strides = array<i32>} : memref<32x768xf32, #tpu.memory_space<vmem>>, vector<1x16xf32>,
        %get3A_1047 = vector.shape_cast %get3A_1046 : vector<1x16xf32> to vector<16xf32>
        %add3A_1048 = arith.addf %scan3A_836, %get3A_1047 : vector<16xf32>
        %get3A_1049 = arith.index_cast %scan3A_795 : i32 to index
        %get3A_1050 = arith.constant 656 : index
        %get3A_1051 = tpu.vector_load %arg12[%get3A_1049, %get3A_1050] {strides = array<i32>} : memref<32x768xf32, #tpu.memory_space<vmem>>, vector<1x16xf32>,
        %get3A_1052 = vector.shape_cast %get3A_1051 : vector<1x16xf32> to vector<16xf32>
        %add3A_1053 = arith.addf %scan3A_837, %get3A_1052 : vector<16xf32>
        %get3A_1054 = arith.index_cast %scan3A_795 : i32 to index
        %get3A_1055 = arith.constant 672 : index
        %get3A_1056 = tpu.vector_load %arg12[%get3A_1054, %get3A_1055] {strides = array<i32>} : memref<32x768xf32, #tpu.memory_space<vmem>>, vector<1x16xf32>,
        %get3A_1057 = vector.shape_cast %get3A_1056 : vector<1x16xf32> to vector<16xf32>
        %add3A_1058 = arith.addf %scan3A_838, %get3A_1057 : vector<16xf32>
        %get3A_1059 = arith.index_cast %scan3A_795 : i32 to index
        %get3A_1060 = arith.constant 688 : index
        %get3A_1061 = tpu.vector_load %arg12[%get3A_1059, %get3A_1060] {strides = array<i32>} : memref<32x768xf32, #tpu.memory_space<vmem>>, vector<1x16xf32>,
        %get3A_1062 = vector.shape_cast %get3A_1061 : vector<1x16xf32> to vector<16xf32>
        %add3A_1063 = arith.addf %scan3A_839, %get3A_1062 : vector<16xf32>
        %get3A_1064 = arith.index_cast %scan3A_795 : i32 to index
        %get3A_1065 = arith.constant 704 : index
        %get3A_1066 = tpu.vector_load %arg12[%get3A_1064, %get3A_1065] {strides = array<i32>} : memref<32x768xf32, #tpu.memory_space<vmem>>, vector<1x16xf32>,
        %get3A_1067 = vector.shape_cast %get3A_1066 : vector<1x16xf32> to vector<16xf32>
        %add3A_1068 = arith.addf %scan3A_840, %get3A_1067 : vector<16xf32>
        %get3A_1069 = arith.index_cast %scan3A_795 : i32 to index
        %get3A_1070 = arith.constant 720 : index
        %get3A_1071 = tpu.vector_load %arg12[%get3A_1069, %get3A_1070] {strides = array<i32>} : memref<32x768xf32, #tpu.memory_space<vmem>>, vector<1x16xf32>,
        %get3A_1072 = vector.shape_cast %get3A_1071 : vector<1x16xf32> to vector<16xf32>
        %add3A_1073 = arith.addf %scan3A_841, %get3A_1072 : vector<16xf32>
        %get3A_1074 = arith.index_cast %scan3A_795 : i32 to index
        %get3A_1075 = arith.constant 736 : index
        %get3A_1076 = tpu.vector_load %arg12[%get3A_1074, %get3A_1075] {strides = array<i32>} : memref<32x768xf32, #tpu.memory_space<vmem>>, vector<1x16xf32>,
        %get3A_1077 = vector.shape_cast %get3A_1076 : vector<1x16xf32> to vector<16xf32>
        %add3A_1078 = arith.addf %scan3A_842, %get3A_1077 : vector<16xf32>
        %get3A_1079 = arith.index_cast %scan3A_795 : i32 to index
        %get3A_1080 = arith.constant 752 : index
        %get3A_1081 = tpu.vector_load %arg12[%get3A_1079, %get3A_1080] {strides = array<i32>} : memref<32x768xf32, #tpu.memory_space<vmem>>, vector<1x16xf32>,
        %get3A_1082 = vector.shape_cast %get3A_1081 : vector<1x16xf32> to vector<16xf32>
        %add3A_1083 = arith.addf %scan3A_843, %get3A_1082 : vector<16xf32>
        scf.yield %add3A_848, %add3A_853, %add3A_858, %add3A_863, %add3A_868, %add3A_873, %add3A_878, %add3A_883, %add3A_888, %add3A_893, %add3A_898, %add3A_903, %add3A_908, %add3A_913, %add3A_918, %add3A_923, %add3A_928, %add3A_933, %add3A_938, %add3A_943, %add3A_948, %add3A_953, %add3A_958, %add3A_963, %add3A_968, %add3A_973, %add3A_978, %add3A_983, %add3A_988, %add3A_993, %add3A_998, %add3A_1003, %add3A_1008, %add3A_1013, %add3A_1018, %add3A_1023, %add3A_1028, %add3A_1033, %add3A_1038, %add3A_1043, %add3A_1048, %add3A_1053, %add3A_1058, %add3A_1063, %add3A_1068, %add3A_1073, %add3A_1078, %add3A_1083 : vector<16xf32>, vector<16xf32>, vector<16xf32>, vector<16xf32>, vector<16xf32>, vector<16xf32>, vector<16xf32>, vector<16xf32>, vector<16xf32>, vector<16xf32>, vector<16xf32>, vector<16xf32>, vector<16xf32>, vector<16xf32>, vector<16xf32>, vector<16xf32>, vector<16xf32>, vector<16xf32>, vector<16xf32>, vector<16xf32>, vector<16xf32>, vector<16xf32>, vector<16xf32>, vector<16xf32>, vector<16xf32>, vector<16xf32>, vector<16xf32>, vector<16xf32>, vector<16xf32>, vector<16xf32>, vector<16xf32>, vector<16xf32>, vector<16xf32>, vector<16xf32>, vector<16xf32>, vector<16xf32>, vector<16xf32>, vector<16xf32>, vector<16xf32>, vector<16xf32>, vector<16xf32>, vector<16xf32>, vector<16xf32>, vector<16xf32>, vector<16xf32>, vector<16xf32>, vector<16xf32>, vector<16xf32>
      }
      %scan3A_706 = arith.constant 32 : i32
      %mul3A_707 = arith.constant 4 : i32
      %mul3A_708 = arith.muli %scan3A_646, %mul3A_707 : i32
      %add3A_709 = arith.constant 4 : i32
      %add3A_710 = arith.addi %mul3A_708, %add3A_709 : i32
      %add3A_711 = arith.constant 0 : i32
      %add3A_712 = arith.addi %add3A_710, %add3A_711 : i32
      %mul3A_713 = arith.constant 32 : i32
      %mul3A_714 = arith.muli %add3A_712, %mul3A_713 : i32
      %multiple_of3A_715 = tpu.assume_multiple %mul3A_714, 32 : i32
      %dma_start3A_716 = tpu.memref_slice %arg11[%multiple_of3A_715] : memref<3456xi32, #tpu.memory_space<vmem>> -> memref<32xi32, #tpu.memory_space<vmem>>
      %dma_start3A_717 = arith.constant 0 : i32
      %dma_start3A_718 = arith.constant 0 : i32
      %dma_start3A_719 = tpu.memref_slice %arg6[%dma_start3A_717, %dma_start3A_718] : memref<100000x768xf32, #tpu.memory_space<hbm>> -> memref<100000x768xf32, #tpu.memory_space<hbm>>
      tpu.enqueue_indirect_dma source(%dma_start3A_719 : memref<100000x768xf32, #tpu.memory_space<hbm>>) target(%arg12 : memref<32x768xf32, #tpu.memory_space<vmem>>) offsets(%dma_start3A_716 : memref<32xi32, #tpu.memory_space<vmem>>) semaphore(%arg22 : memref<!tpu.dma_semaphore, #tpu.memory_space<semaphore_mem>>)
      %dma_wait3A_720 = arith.constant 0 : i32
      %dma_wait3A_721 = arith.constant 0 : i32
      %dma_wait3A_722 = tpu.memref_slice %arg6[%dma_wait3A_720, %dma_wait3A_721] : memref<100000x768xf32, #tpu.memory_space<hbm>> -> memref<32x768xf32, #tpu.memory_space<hbm>>
      %dma_wait3A_723 = arith.constant 0 : i32
      %dma_wait3A_724 = arith.constant 0 : i32
      %dma_wait3A_725 = tpu.memref_slice %arg6[%dma_wait3A_723, %dma_wait3A_724] : memref<100000x768xf32, #tpu.memory_space<hbm>> -> memref<32x768xf32, #tpu.memory_space<hbm>>
      tpu.wait_dma2 semaphore(%arg23 : memref<!tpu.dma_semaphore, #tpu.memory_space<semaphore_mem>>) src(%dma_wait3A_725 : memref<32x768xf32, #tpu.memory_space<hbm>>) dst(%arg13 : memref<32x768xf32, #tpu.memory_space<vmem>>)
      %scan3A_726 = arith.constant 0 : i32
      %scan3A_727 = arith.constant 32 : i32
      %scan3A_728 = arith.addi %scan3A_726, %scan3A_727 : i32
      %scan3A_729 = arith.constant 1 : i32
      %scan3A_730:48 = scf.for %scan3A_795 = %scan3A_726 to %scan3A_728 step %scan3A_729 iter_args(%scan3A_796 = %scan3A_705#0, %scan3A_797 = %scan3A_705#1, %scan3A_798 = %scan3A_705#2, %scan3A_799 = %scan3A_705#3, %scan3A_800 = %scan3A_705#4, %scan3A_801 = %scan3A_705#5, %scan3A_802 = %scan3A_705#6, %scan3A_803 = %scan3A_705#7, %scan3A_804 = %scan3A_705#8, %scan3A_805 = %scan3A_705#9, %scan3A_806 = %scan3A_705#10, %scan3A_807 = %scan3A_705#11, %scan3A_808 = %scan3A_705#12, %scan3A_809 = %scan3A_705#13, %scan3A_810 = %scan3A_705#14, %scan3A_811 = %scan3A_705#15, %scan3A_812 = %scan3A_705#16, %scan3A_813 = %scan3A_705#17, %scan3A_814 = %scan3A_705#18, %scan3A_815 = %scan3A_705#19, %scan3A_816 = %scan3A_705#20, %scan3A_817 = %scan3A_705#21, %scan3A_818 = %scan3A_705#22, %scan3A_819 = %scan3A_705#23, %scan3A_820 = %scan3A_705#24, %scan3A_821 = %scan3A_705#25, %scan3A_822 = %scan3A_705#26, %scan3A_823 = %scan3A_705#27, %scan3A_824 = %scan3A_705#28, %scan3A_825 = %scan3A_705#29, %scan3A_826 = %scan3A_705#30, %scan3A_827 = %scan3A_705#31, %scan3A_828 = %scan3A_705#32, %scan3A_829 = %scan3A_705#33, %scan3A_830 = %scan3A_705#34, %scan3A_831 = %scan3A_705#35, %scan3A_832 = %scan3A_705#36, %scan3A_833 = %scan3A_705#37, %scan3A_834 = %scan3A_705#38, %scan3A_835 = %scan3A_705#39, %scan3A_836 = %scan3A_705#40, %scan3A_837 = %scan3A_705#41, %scan3A_838 = %scan3A_705#42, %scan3A_839 = %scan3A_705#43, %scan3A_840 = %scan3A_705#44, %scan3A_841 = %scan3A_705#45, %scan3A_842 = %scan3A_705#46, %scan3A_843 = %scan3A_705#47) -> (vector<16xf32>, vector<16xf32>, vector<16xf32>, vector<16xf32>, vector<16xf32>, vector<16xf32>, vector<16xf32>, vector<16xf32>, vector<16xf32>, vector<16xf32>, vector<16xf32>, vector<16xf32>, vector<16xf32>, vector<16xf32>, vector<16xf32>, vector<16xf32>, vector<16xf32>, vector<16xf32>, vector<16xf32>, vector<16xf32>, vector<16xf32>, vector<16xf32>, vector<16xf32>, vector<16xf32>, vector<16xf32>, vector<16xf32>, vector<16xf32>, vector<16xf32>, vector<16xf32>, vector<16xf32>, vector<16xf32>, vector<16xf32>, vector<16xf32>, vector<16xf32>, vector<16xf32>, vector<16xf32>, vector<16xf32>, vector<16xf32>, vector<16xf32>, vector<16xf32>, vector<16xf32>, vector<16xf32>, vector<16xf32>, vector<16xf32>, vector<16xf32>, vector<16xf32>, vector<16xf32>, vector<16xf32>)  : i32 {
        %get3A_844 = arith.index_cast %scan3A_795 : i32 to index
        %get3A_845 = arith.constant 0 : index
        %get3A_846 = tpu.vector_load %arg13[%get3A_844, %get3A_845] {strides = array<i32>} : memref<32x768xf32, #tpu.memory_space<vmem>>, vector<1x16xf32>,
        %get3A_847 = vector.shape_cast %get3A_846 : vector<1x16xf32> to vector<16xf32>
        %add3A_848 = arith.addf %scan3A_796, %get3A_847 : vector<16xf32>
        %get3A_849 = arith.index_cast %scan3A_795 : i32 to index
        %get3A_850 = arith.constant 16 : index
        %get3A_851 = tpu.vector_load %arg13[%get3A_849, %get3A_850] {strides = array<i32>} : memref<32x768xf32, #tpu.memory_space<vmem>>, vector<1x16xf32>,
        %get3A_852 = vector.shape_cast %get3A_851 : vector<1x16xf32> to vector<16xf32>
        %add3A_853 = arith.addf %scan3A_797, %get3A_852 : vector<16xf32>
        %get3A_854 = arith.index_cast %scan3A_795 : i32 to index
        %get3A_855 = arith.constant 32 : index
        %get3A_856 = tpu.vector_load %arg13[%get3A_854, %get3A_855] {strides = array<i32>} : memref<32x768xf32, #tpu.memory_space<vmem>>, vector<1x16xf32>,
        %get3A_857 = vector.shape_cast %get3A_856 : vector<1x16xf32> to vector<16xf32>
        %add3A_858 = arith.addf %scan3A_798, %get3A_857 : vector<16xf32>
        %get3A_859 = arith.index_cast %scan3A_795 : i32 to index
        %get3A_860 = arith.constant 48 : index
        %get3A_861 = tpu.vector_load %arg13[%get3A_859, %get3A_860] {strides = array<i32>} : memref<32x768xf32, #tpu.memory_space<vmem>>, vector<1x16xf32>,
        %get3A_862 = vector.shape_cast %get3A_861 : vector<1x16xf32> to vector<16xf32>
        %add3A_863 = arith.addf %scan3A_799, %get3A_862 : vector<16xf32>
        %get3A_864 = arith.index_cast %scan3A_795 : i32 to index
        %get3A_865 = arith.constant 64 : index
        %get3A_866 = tpu.vector_load %arg13[%get3A_864, %get3A_865] {strides = array<i32>} : memref<32x768xf32, #tpu.memory_space<vmem>>, vector<1x16xf32>,
        %get3A_867 = vector.shape_cast %get3A_866 : vector<1x16xf32> to vector<16xf32>
        %add3A_868 = arith.addf %scan3A_800, %get3A_867 : vector<16xf32>
        %get3A_869 = arith.index_cast %scan3A_795 : i32 to index
        %get3A_870 = arith.constant 80 : index
        %get3A_871 = tpu.vector_load %arg13[%get3A_869, %get3A_870] {strides = array<i32>} : memref<32x768xf32, #tpu.memory_space<vmem>>, vector<1x16xf32>,
        %get3A_872 = vector.shape_cast %get3A_871 : vector<1x16xf32> to vector<16xf32>
        %add3A_873 = arith.addf %scan3A_801, %get3A_872 : vector<16xf32>
        %get3A_874 = arith.index_cast %scan3A_795 : i32 to index
        %get3A_875 = arith.constant 96 : index
        %get3A_876 = tpu.vector_load %arg13[%get3A_874, %get3A_875] {strides = array<i32>} : memref<32x768xf32, #tpu.memory_space<vmem>>, vector<1x16xf32>,
        %get3A_877 = vector.shape_cast %get3A_876 : vector<1x16xf32> to vector<16xf32>
        %add3A_878 = arith.addf %scan3A_802, %get3A_877 : vector<16xf32>
        %get3A_879 = arith.index_cast %scan3A_795 : i32 to index
        %get3A_880 = arith.constant 112 : index
        %get3A_881 = tpu.vector_load %arg13[%get3A_879, %get3A_880] {strides = array<i32>} : memref<32x768xf32, #tpu.memory_space<vmem>>, vector<1x16xf32>,
        %get3A_882 = vector.shape_cast %get3A_881 : vector<1x16xf32> to vector<16xf32>
        %add3A_883 = arith.addf %scan3A_803, %get3A_882 : vector<16xf32>
        %get3A_884 = arith.index_cast %scan3A_795 : i32 to index
        %get3A_885 = arith.constant 128 : index
        %get3A_886 = tpu.vector_load %arg13[%get3A_884, %get3A_885] {strides = array<i32>} : memref<32x768xf32, #tpu.memory_space<vmem>>, vector<1x16xf32>,
        %get3A_887 = vector.shape_cast %get3A_886 : vector<1x16xf32> to vector<16xf32>
        %add3A_888 = arith.addf %scan3A_804, %get3A_887 : vector<16xf32>
        %get3A_889 = arith.index_cast %scan3A_795 : i32 to index
        %get3A_890 = arith.constant 144 : index
        %get3A_891 = tpu.vector_load %arg13[%get3A_889, %get3A_890] {strides = array<i32>} : memref<32x768xf32, #tpu.memory_space<vmem>>, vector<1x16xf32>,
        %get3A_892 = vector.shape_cast %get3A_891 : vector<1x16xf32> to vector<16xf32>
        %add3A_893 = arith.addf %scan3A_805, %get3A_892 : vector<16xf32>
        %get3A_894 = arith.index_cast %scan3A_795 : i32 to index
        %get3A_895 = arith.constant 160 : index
        %get3A_896 = tpu.vector_load %arg13[%get3A_894, %get3A_895] {strides = array<i32>} : memref<32x768xf32, #tpu.memory_space<vmem>>, vector<1x16xf32>,
        %get3A_897 = vector.shape_cast %get3A_896 : vector<1x16xf32> to vector<16xf32>
        %add3A_898 = arith.addf %scan3A_806, %get3A_897 : vector<16xf32>
        %get3A_899 = arith.index_cast %scan3A_795 : i32 to index
        %get3A_900 = arith.constant 176 : index
        %get3A_901 = tpu.vector_load %arg13[%get3A_899, %get3A_900] {strides = array<i32>} : memref<32x768xf32, #tpu.memory_space<vmem>>, vector<1x16xf32>,
        %get3A_902 = vector.shape_cast %get3A_901 : vector<1x16xf32> to vector<16xf32>
        %add3A_903 = arith.addf %scan3A_807, %get3A_902 : vector<16xf32>
        %get3A_904 = arith.index_cast %scan3A_795 : i32 to index
        %get3A_905 = arith.constant 192 : index
        %get3A_906 = tpu.vector_load %arg13[%get3A_904, %get3A_905] {strides = array<i32>} : memref<32x768xf32, #tpu.memory_space<vmem>>, vector<1x16xf32>,
        %get3A_907 = vector.shape_cast %get3A_906 : vector<1x16xf32> to vector<16xf32>
        %add3A_908 = arith.addf %scan3A_808, %get3A_907 : vector<16xf32>
        %get3A_909 = arith.index_cast %scan3A_795 : i32 to index
        %get3A_910 = arith.constant 208 : index
        %get3A_911 = tpu.vector_load %arg13[%get3A_909, %get3A_910] {strides = array<i32>} : memref<32x768xf32, #tpu.memory_space<vmem>>, vector<1x16xf32>,
        %get3A_912 = vector.shape_cast %get3A_911 : vector<1x16xf32> to vector<16xf32>
        %add3A_913 = arith.addf %scan3A_809, %get3A_912 : vector<16xf32>
        %get3A_914 = arith.index_cast %scan3A_795 : i32 to index
        %get3A_915 = arith.constant 224 : index
        %get3A_916 = tpu.vector_load %arg13[%get3A_914, %get3A_915] {strides = array<i32>} : memref<32x768xf32, #tpu.memory_space<vmem>>, vector<1x16xf32>,
        %get3A_917 = vector.shape_cast %get3A_916 : vector<1x16xf32> to vector<16xf32>
        %add3A_918 = arith.addf %scan3A_810, %get3A_917 : vector<16xf32>
        %get3A_919 = arith.index_cast %scan3A_795 : i32 to index
        %get3A_920 = arith.constant 240 : index
        %get3A_921 = tpu.vector_load %arg13[%get3A_919, %get3A_920] {strides = array<i32>} : memref<32x768xf32, #tpu.memory_space<vmem>>, vector<1x16xf32>,
        %get3A_922 = vector.shape_cast %get3A_921 : vector<1x16xf32> to vector<16xf32>
        %add3A_923 = arith.addf %scan3A_811, %get3A_922 : vector<16xf32>
        %get3A_924 = arith.index_cast %scan3A_795 : i32 to index
        %get3A_925 = arith.constant 256 : index
        %get3A_926 = tpu.vector_load %arg13[%get3A_924, %get3A_925] {strides = array<i32>} : memref<32x768xf32, #tpu.memory_space<vmem>>, vector<1x16xf32>,
        %get3A_927 = vector.shape_cast %get3A_926 : vector<1x16xf32> to vector<16xf32>
        %add3A_928 = arith.addf %scan3A_812, %get3A_927 : vector<16xf32>
        %get3A_929 = arith.index_cast %scan3A_795 : i32 to index
        %get3A_930 = arith.constant 272 : index
        %get3A_931 = tpu.vector_load %arg13[%get3A_929, %get3A_930] {strides = array<i32>} : memref<32x768xf32, #tpu.memory_space<vmem>>, vector<1x16xf32>,
        %get3A_932 = vector.shape_cast %get3A_931 : vector<1x16xf32> to vector<16xf32>
        %add3A_933 = arith.addf %scan3A_813, %get3A_932 : vector<16xf32>
        %get3A_934 = arith.index_cast %scan3A_795 : i32 to index
        %get3A_935 = arith.constant 288 : index
        %get3A_936 = tpu.vector_load %arg13[%get3A_934, %get3A_935] {strides = array<i32>} : memref<32x768xf32, #tpu.memory_space<vmem>>, vector<1x16xf32>,
        %get3A_937 = vector.shape_cast %get3A_936 : vector<1x16xf32> to vector<16xf32>
        %add3A_938 = arith.addf %scan3A_814, %get3A_937 : vector<16xf32>
        %get3A_939 = arith.index_cast %scan3A_795 : i32 to index
        %get3A_940 = arith.constant 304 : index
        %get3A_941 = tpu.vector_load %arg13[%get3A_939, %get3A_940] {strides = array<i32>} : memref<32x768xf32, #tpu.memory_space<vmem>>, vector<1x16xf32>,
        %get3A_942 = vector.shape_cast %get3A_941 : vector<1x16xf32> to vector<16xf32>
        %add3A_943 = arith.addf %scan3A_815, %get3A_942 : vector<16xf32>
        %get3A_944 = arith.index_cast %scan3A_795 : i32 to index
        %get3A_945 = arith.constant 320 : index
        %get3A_946 = tpu.vector_load %arg13[%get3A_944, %get3A_945] {strides = array<i32>} : memref<32x768xf32, #tpu.memory_space<vmem>>, vector<1x16xf32>,
        %get3A_947 = vector.shape_cast %get3A_946 : vector<1x16xf32> to vector<16xf32>
        %add3A_948 = arith.addf %scan3A_816, %get3A_947 : vector<16xf32>
        %get3A_949 = arith.index_cast %scan3A_795 : i32 to index
        %get3A_950 = arith.constant 336 : index
        %get3A_951 = tpu.vector_load %arg13[%get3A_949, %get3A_950] {strides = array<i32>} : memref<32x768xf32, #tpu.memory_space<vmem>>, vector<1x16xf32>,
        %get3A_952 = vector.shape_cast %get3A_951 : vector<1x16xf32> to vector<16xf32>
        %add3A_953 = arith.addf %scan3A_817, %get3A_952 : vector<16xf32>
        %get3A_954 = arith.index_cast %scan3A_795 : i32 to index
        %get3A_955 = arith.constant 352 : index
        %get3A_956 = tpu.vector_load %arg13[%get3A_954, %get3A_955] {strides = array<i32>} : memref<32x768xf32, #tpu.memory_space<vmem>>, vector<1x16xf32>,
        %get3A_957 = vector.shape_cast %get3A_956 : vector<1x16xf32> to vector<16xf32>
        %add3A_958 = arith.addf %scan3A_818, %get3A_957 : vector<16xf32>
        %get3A_959 = arith.index_cast %scan3A_795 : i32 to index
        %get3A_960 = arith.constant 368 : index
        %get3A_961 = tpu.vector_load %arg13[%get3A_959, %get3A_960] {strides = array<i32>} : memref<32x768xf32, #tpu.memory_space<vmem>>, vector<1x16xf32>,
        %get3A_962 = vector.shape_cast %get3A_961 : vector<1x16xf32> to vector<16xf32>
        %add3A_963 = arith.addf %scan3A_819, %get3A_962 : vector<16xf32>
        %get3A_964 = arith.index_cast %scan3A_795 : i32 to index
        %get3A_965 = arith.constant 384 : index
        %get3A_966 = tpu.vector_load %arg13[%get3A_964, %get3A_965] {strides = array<i32>} : memref<32x768xf32, #tpu.memory_space<vmem>>, vector<1x16xf32>,
        %get3A_967 = vector.shape_cast %get3A_966 : vector<1x16xf32> to vector<16xf32>
        %add3A_968 = arith.addf %scan3A_820, %get3A_967 : vector<16xf32>
        %get3A_969 = arith.index_cast %scan3A_795 : i32 to index
        %get3A_970 = arith.constant 400 : index
        %get3A_971 = tpu.vector_load %arg13[%get3A_969, %get3A_970] {strides = array<i32>} : memref<32x768xf32, #tpu.memory_space<vmem>>, vector<1x16xf32>,
        %get3A_972 = vector.shape_cast %get3A_971 : vector<1x16xf32> to vector<16xf32>
        %add3A_973 = arith.addf %scan3A_821, %get3A_972 : vector<16xf32>
        %get3A_974 = arith.index_cast %scan3A_795 : i32 to index
        %get3A_975 = arith.constant 416 : index
        %get3A_976 = tpu.vector_load %arg13[%get3A_974, %get3A_975] {strides = array<i32>} : memref<32x768xf32, #tpu.memory_space<vmem>>, vector<1x16xf32>,
        %get3A_977 = vector.shape_cast %get3A_976 : vector<1x16xf32> to vector<16xf32>
        %add3A_978 = arith.addf %scan3A_822, %get3A_977 : vector<16xf32>
        %get3A_979 = arith.index_cast %scan3A_795 : i32 to index
        %get3A_980 = arith.constant 432 : index
        %get3A_981 = tpu.vector_load %arg13[%get3A_979, %get3A_980] {strides = array<i32>} : memref<32x768xf32, #tpu.memory_space<vmem>>, vector<1x16xf32>,
        %get3A_982 = vector.shape_cast %get3A_981 : vector<1x16xf32> to vector<16xf32>
        %add3A_983 = arith.addf %scan3A_823, %get3A_982 : vector<16xf32>
        %get3A_984 = arith.index_cast %scan3A_795 : i32 to index
        %get3A_985 = arith.constant 448 : index
        %get3A_986 = tpu.vector_load %arg13[%get3A_984, %get3A_985] {strides = array<i32>} : memref<32x768xf32, #tpu.memory_space<vmem>>, vector<1x16xf32>,
        %get3A_987 = vector.shape_cast %get3A_986 : vector<1x16xf32> to vector<16xf32>
        %add3A_988 = arith.addf %scan3A_824, %get3A_987 : vector<16xf32>
        %get3A_989 = arith.index_cast %scan3A_795 : i32 to index
        %get3A_990 = arith.constant 464 : index
        %get3A_991 = tpu.vector_load %arg13[%get3A_989, %get3A_990] {strides = array<i32>} : memref<32x768xf32, #tpu.memory_space<vmem>>, vector<1x16xf32>,
        %get3A_992 = vector.shape_cast %get3A_991 : vector<1x16xf32> to vector<16xf32>
        %add3A_993 = arith.addf %scan3A_825, %get3A_992 : vector<16xf32>
        %get3A_994 = arith.index_cast %scan3A_795 : i32 to index
        %get3A_995 = arith.constant 480 : index
        %get3A_996 = tpu.vector_load %arg13[%get3A_994, %get3A_995] {strides = array<i32>} : memref<32x768xf32, #tpu.memory_space<vmem>>, vector<1x16xf32>,
        %get3A_997 = vector.shape_cast %get3A_996 : vector<1x16xf32> to vector<16xf32>
        %add3A_998 = arith.addf %scan3A_826, %get3A_997 : vector<16xf32>
        %get3A_999 = arith.index_cast %scan3A_795 : i32 to index
        %get3A_1000 = arith.constant 496 : index
        %get3A_1001 = tpu.vector_load %arg13[%get3A_999, %get3A_1000] {strides = array<i32>} : memref<32x768xf32, #tpu.memory_space<vmem>>, vector<1x16xf32>,
        %get3A_1002 = vector.shape_cast %get3A_1001 : vector<1x16xf32> to vector<16xf32>
        %add3A_1003 = arith.addf %scan3A_827, %get3A_1002 : vector<16xf32>
        %get3A_1004 = arith.index_cast %scan3A_795 : i32 to index
        %get3A_1005 = arith.constant 512 : index
        %get3A_1006 = tpu.vector_load %arg13[%get3A_1004, %get3A_1005] {strides = array<i32>} : memref<32x768xf32, #tpu.memory_space<vmem>>, vector<1x16xf32>,
        %get3A_1007 = vector.shape_cast %get3A_1006 : vector<1x16xf32> to vector<16xf32>
        %add3A_1008 = arith.addf %scan3A_828, %get3A_1007 : vector<16xf32>
        %get3A_1009 = arith.index_cast %scan3A_795 : i32 to index
        %get3A_1010 = arith.constant 528 : index
        %get3A_1011 = tpu.vector_load %arg13[%get3A_1009, %get3A_1010] {strides = array<i32>} : memref<32x768xf32, #tpu.memory_space<vmem>>, vector<1x16xf32>,
        %get3A_1012 = vector.shape_cast %get3A_1011 : vector<1x16xf32> to vector<16xf32>
        %add3A_1013 = arith.addf %scan3A_829, %get3A_1012 : vector<16xf32>
        %get3A_1014 = arith.index_cast %scan3A_795 : i32 to index
        %get3A_1015 = arith.constant 544 : index
        %get3A_1016 = tpu.vector_load %arg13[%get3A_1014, %get3A_1015] {strides = array<i32>} : memref<32x768xf32, #tpu.memory_space<vmem>>, vector<1x16xf32>,
        %get3A_1017 = vector.shape_cast %get3A_1016 : vector<1x16xf32> to vector<16xf32>
        %add3A_1018 = arith.addf %scan3A_830, %get3A_1017 : vector<16xf32>
        %get3A_1019 = arith.index_cast %scan3A_795 : i32 to index
        %get3A_1020 = arith.constant 560 : index
        %get3A_1021 = tpu.vector_load %arg13[%get3A_1019, %get3A_1020] {strides = array<i32>} : memref<32x768xf32, #tpu.memory_space<vmem>>, vector<1x16xf32>,
        %get3A_1022 = vector.shape_cast %get3A_1021 : vector<1x16xf32> to vector<16xf32>
        %add3A_1023 = arith.addf %scan3A_831, %get3A_1022 : vector<16xf32>
        %get3A_1024 = arith.index_cast %scan3A_795 : i32 to index
        %get3A_1025 = arith.constant 576 : index
        %get3A_1026 = tpu.vector_load %arg13[%get3A_1024, %get3A_1025] {strides = array<i32>} : memref<32x768xf32, #tpu.memory_space<vmem>>, vector<1x16xf32>,
        %get3A_1027 = vector.shape_cast %get3A_1026 : vector<1x16xf32> to vector<16xf32>
        %add3A_1028 = arith.addf %scan3A_832, %get3A_1027 : vector<16xf32>
        %get3A_1029 = arith.index_cast %scan3A_795 : i32 to index
        %get3A_1030 = arith.constant 592 : index
        %get3A_1031 = tpu.vector_load %arg13[%get3A_1029, %get3A_1030] {strides = array<i32>} : memref<32x768xf32, #tpu.memory_space<vmem>>, vector<1x16xf32>,
        %get3A_1032 = vector.shape_cast %get3A_1031 : vector<1x16xf32> to vector<16xf32>
        %add3A_1033 = arith.addf %scan3A_833, %get3A_1032 : vector<16xf32>
        %get3A_1034 = arith.index_cast %scan3A_795 : i32 to index
        %get3A_1035 = arith.constant 608 : index
        %get3A_1036 = tpu.vector_load %arg13[%get3A_1034, %get3A_1035] {strides = array<i32>} : memref<32x768xf32, #tpu.memory_space<vmem>>, vector<1x16xf32>,
        %get3A_1037 = vector.shape_cast %get3A_1036 : vector<1x16xf32> to vector<16xf32>
        %add3A_1038 = arith.addf %scan3A_834, %get3A_1037 : vector<16xf32>
        %get3A_1039 = arith.index_cast %scan3A_795 : i32 to index
        %get3A_1040 = arith.constant 624 : index
        %get3A_1041 = tpu.vector_load %arg13[%get3A_1039, %get3A_1040] {strides = array<i32>} : memref<32x768xf32, #tpu.memory_space<vmem>>, vector<1x16xf32>,
        %get3A_1042 = vector.shape_cast %get3A_1041 : vector<1x16xf32> to vector<16xf32>
        %add3A_1043 = arith.addf %scan3A_835, %get3A_1042 : vector<16xf32>
        %get3A_1044 = arith.index_cast %scan3A_795 : i32 to index
        %get3A_1045 = arith.constant 640 : index
        %get3A_1046 = tpu.vector_load %arg13[%get3A_1044, %get3A_1045] {strides = array<i32>} : memref<32x768xf32, #tpu.memory_space<vmem>>, vector<1x16xf32>,
        %get3A_1047 = vector.shape_cast %get3A_1046 : vector<1x16xf32> to vector<16xf32>
        %add3A_1048 = arith.addf %scan3A_836, %get3A_1047 : vector<16xf32>
        %get3A_1049 = arith.index_cast %scan3A_795 : i32 to index
        %get3A_1050 = arith.constant 656 : index
        %get3A_1051 = tpu.vector_load %arg13[%get3A_1049, %get3A_1050] {strides = array<i32>} : memref<32x768xf32, #tpu.memory_space<vmem>>, vector<1x16xf32>,
        %get3A_1052 = vector.shape_cast %get3A_1051 : vector<1x16xf32> to vector<16xf32>
        %add3A_1053 = arith.addf %scan3A_837, %get3A_1052 : vector<16xf32>
        %get3A_1054 = arith.index_cast %scan3A_795 : i32 to index
        %get3A_1055 = arith.constant 672 : index
        %get3A_1056 = tpu.vector_load %arg13[%get3A_1054, %get3A_1055] {strides = array<i32>} : memref<32x768xf32, #tpu.memory_space<vmem>>, vector<1x16xf32>,
        %get3A_1057 = vector.shape_cast %get3A_1056 : vector<1x16xf32> to vector<16xf32>
        %add3A_1058 = arith.addf %scan3A_838, %get3A_1057 : vector<16xf32>
        %get3A_1059 = arith.index_cast %scan3A_795 : i32 to index
        %get3A_1060 = arith.constant 688 : index
        %get3A_1061 = tpu.vector_load %arg13[%get3A_1059, %get3A_1060] {strides = array<i32>} : memref<32x768xf32, #tpu.memory_space<vmem>>, vector<1x16xf32>,
        %get3A_1062 = vector.shape_cast %get3A_1061 : vector<1x16xf32> to vector<16xf32>
        %add3A_1063 = arith.addf %scan3A_839, %get3A_1062 : vector<16xf32>
        %get3A_1064 = arith.index_cast %scan3A_795 : i32 to index
        %get3A_1065 = arith.constant 704 : index
        %get3A_1066 = tpu.vector_load %arg13[%get3A_1064, %get3A_1065] {strides = array<i32>} : memref<32x768xf32, #tpu.memory_space<vmem>>, vector<1x16xf32>,
        %get3A_1067 = vector.shape_cast %get3A_1066 : vector<1x16xf32> to vector<16xf32>
        %add3A_1068 = arith.addf %scan3A_840, %get3A_1067 : vector<16xf32>
        %get3A_1069 = arith.index_cast %scan3A_795 : i32 to index
        %get3A_1070 = arith.constant 720 : index
        %get3A_1071 = tpu.vector_load %arg13[%get3A_1069, %get3A_1070] {strides = array<i32>} : memref<32x768xf32, #tpu.memory_space<vmem>>, vector<1x16xf32>,
        %get3A_1072 = vector.shape_cast %get3A_1071 : vector<1x16xf32> to vector<16xf32>
        %add3A_1073 = arith.addf %scan3A_841, %get3A_1072 : vector<16xf32>
        %get3A_1074 = arith.index_cast %scan3A_795 : i32 to index
        %get3A_1075 = arith.constant 736 : index
        %get3A_1076 = tpu.vector_load %arg13[%get3A_1074, %get3A_1075] {strides = array<i32>} : memref<32x768xf32, #tpu.memory_space<vmem>>, vector<1x16xf32>,
        %get3A_1077 = vector.shape_cast %get3A_1076 : vector<1x16xf32> to vector<16xf32>
        %add3A_1078 = arith.addf %scan3A_842, %get3A_1077 : vector<16xf32>
        %get3A_1079 = arith.index_cast %scan3A_795 : i32 to index
        %get3A_1080 = arith.constant 752 : index
        %get3A_1081 = tpu.vector_load %arg13[%get3A_1079, %get3A_1080] {strides = array<i32>} : memref<32x768xf32, #tpu.memory_space<vmem>>, vector<1x16xf32>,
        %get3A_1082 = vector.shape_cast %get3A_1081 : vector<1x16xf32> to vector<16xf32>
        %add3A_1083 = arith.addf %scan3A_843, %get3A_1082 : vector<16xf32>
        scf.yield %add3A_848, %add3A_853, %add3A_858, %add3A_863, %add3A_868, %add3A_873, %add3A_878, %add3A_883, %add3A_888, %add3A_893, %add3A_898, %add3A_903, %add3A_908, %add3A_913, %add3A_918, %add3A_923, %add3A_928, %add3A_933, %add3A_938, %add3A_943, %add3A_948, %add3A_953, %add3A_958, %add3A_963, %add3A_968, %add3A_973, %add3A_978, %add3A_983, %add3A_988, %add3A_993, %add3A_998, %add3A_1003, %add3A_1008, %add3A_1013, %add3A_1018, %add3A_1023, %add3A_1028, %add3A_1033, %add3A_1038, %add3A_1043, %add3A_1048, %add3A_1053, %add3A_1058, %add3A_1063, %add3A_1068, %add3A_1073, %add3A_1078, %add3A_1083 : vector<16xf32>, vector<16xf32>, vector<16xf32>, vector<16xf32>, vector<16xf32>, vector<16xf32>, vector<16xf32>, vector<16xf32>, vector<16xf32>, vector<16xf32>, vector<16xf32>, vector<16xf32>, vector<16xf32>, vector<16xf32>, vector<16xf32>, vector<16xf32>, vector<16xf32>, vector<16xf32>, vector<16xf32>, vector<16xf32>, vector<16xf32>, vector<16xf32>, vector<16xf32>, vector<16xf32>, vector<16xf32>, vector<16xf32>, vector<16xf32>, vector<16xf32>, vector<16xf32>, vector<16xf32>, vector<16xf32>, vector<16xf32>, vector<16xf32>, vector<16xf32>, vector<16xf32>, vector<16xf32>, vector<16xf32>, vector<16xf32>, vector<16xf32>, vector<16xf32>, vector<16xf32>, vector<16xf32>, vector<16xf32>, vector<16xf32>, vector<16xf32>, vector<16xf32>, vector<16xf32>, vector<16xf32>
      }
      %scan3A_731 = arith.constant 32 : i32
      %mul3A_732 = arith.constant 4 : i32
      %mul3A_733 = arith.muli %scan3A_646, %mul3A_732 : i32
      %add3A_734 = arith.constant 4 : i32
      %add3A_735 = arith.addi %mul3A_733, %add3A_734 : i32
      %add3A_736 = arith.constant 1 : i32
      %add3A_737 = arith.addi %add3A_735, %add3A_736 : i32
      %mul3A_738 = arith.constant 32 : i32
      %mul3A_739 = arith.muli %add3A_737, %mul3A_738 : i32
      %multiple_of3A_740 = tpu.assume_multiple %mul3A_739, 32 : i32
      %dma_start3A_741 = tpu.memref_slice %arg11[%multiple_of3A_740] : memref<3456xi32, #tpu.memory_space<vmem>> -> memref<32xi32, #tpu.memory_space<vmem>>
      %dma_start3A_742 = arith.constant 0 : i32
      %dma_start3A_743 = arith.constant 0 : i32
      %dma_start3A_744 = tpu.memref_slice %arg6[%dma_start3A_742, %dma_start3A_743] : memref<100000x768xf32, #tpu.memory_space<hbm>> -> memref<100000x768xf32, #tpu.memory_space<hbm>>
      tpu.enqueue_indirect_dma source(%dma_start3A_744 : memref<100000x768xf32, #tpu.memory_space<hbm>>) target(%arg13 : memref<32x768xf32, #tpu.memory_space<vmem>>) offsets(%dma_start3A_741 : memref<32xi32, #tpu.memory_space<vmem>>) semaphore(%arg23 : memref<!tpu.dma_semaphore, #tpu.memory_space<semaphore_mem>>)
      %dma_wait3A_745 = arith.constant 0 : i32
      %dma_wait3A_746 = arith.constant 0 : i32
      %dma_wait3A_747 = tpu.memref_slice %arg6[%dma_wait3A_745, %dma_wait3A_746] : memref<100000x768xf32, #tpu.memory_space<hbm>> -> memref<32x768xf32, #tpu.memory_space<hbm>>
      %dma_wait3A_748 = arith.constant 0 : i32
      %dma_wait3A_749 = arith.constant 0 : i32
      %dma_wait3A_750 = tpu.memref_slice %arg6[%dma_wait3A_748, %dma_wait3A_749] : memref<100000x768xf32, #tpu.memory_space<hbm>> -> memref<32x768xf32, #tpu.memory_space<hbm>>
      tpu.wait_dma2 semaphore(%arg24 : memref<!tpu.dma_semaphore, #tpu.memory_space<semaphore_mem>>) src(%dma_wait3A_750 : memref<32x768xf32, #tpu.memory_space<hbm>>) dst(%arg14 : memref<32x768xf32, #tpu.memory_space<vmem>>)
      %scan3A_751 = arith.constant 0 : i32
      %scan3A_752 = arith.constant 32 : i32
      %scan3A_753 = arith.addi %scan3A_751, %scan3A_752 : i32
      %scan3A_754 = arith.constant 1 : i32
      %scan3A_755:48 = scf.for %scan3A_795 = %scan3A_751 to %scan3A_753 step %scan3A_754 iter_args(%scan3A_796 = %scan3A_730#0, %scan3A_797 = %scan3A_730#1, %scan3A_798 = %scan3A_730#2, %scan3A_799 = %scan3A_730#3, %scan3A_800 = %scan3A_730#4, %scan3A_801 = %scan3A_730#5, %scan3A_802 = %scan3A_730#6, %scan3A_803 = %scan3A_730#7, %scan3A_804 = %scan3A_730#8, %scan3A_805 = %scan3A_730#9, %scan3A_806 = %scan3A_730#10, %scan3A_807 = %scan3A_730#11, %scan3A_808 = %scan3A_730#12, %scan3A_809 = %scan3A_730#13, %scan3A_810 = %scan3A_730#14, %scan3A_811 = %scan3A_730#15, %scan3A_812 = %scan3A_730#16, %scan3A_813 = %scan3A_730#17, %scan3A_814 = %scan3A_730#18, %scan3A_815 = %scan3A_730#19, %scan3A_816 = %scan3A_730#20, %scan3A_817 = %scan3A_730#21, %scan3A_818 = %scan3A_730#22, %scan3A_819 = %scan3A_730#23, %scan3A_820 = %scan3A_730#24, %scan3A_821 = %scan3A_730#25, %scan3A_822 = %scan3A_730#26, %scan3A_823 = %scan3A_730#27, %scan3A_824 = %scan3A_730#28, %scan3A_825 = %scan3A_730#29, %scan3A_826 = %scan3A_730#30, %scan3A_827 = %scan3A_730#31, %scan3A_828 = %scan3A_730#32, %scan3A_829 = %scan3A_730#33, %scan3A_830 = %scan3A_730#34, %scan3A_831 = %scan3A_730#35, %scan3A_832 = %scan3A_730#36, %scan3A_833 = %scan3A_730#37, %scan3A_834 = %scan3A_730#38, %scan3A_835 = %scan3A_730#39, %scan3A_836 = %scan3A_730#40, %scan3A_837 = %scan3A_730#41, %scan3A_838 = %scan3A_730#42, %scan3A_839 = %scan3A_730#43, %scan3A_840 = %scan3A_730#44, %scan3A_841 = %scan3A_730#45, %scan3A_842 = %scan3A_730#46, %scan3A_843 = %scan3A_730#47) -> (vector<16xf32>, vector<16xf32>, vector<16xf32>, vector<16xf32>, vector<16xf32>, vector<16xf32>, vector<16xf32>, vector<16xf32>, vector<16xf32>, vector<16xf32>, vector<16xf32>, vector<16xf32>, vector<16xf32>, vector<16xf32>, vector<16xf32>, vector<16xf32>, vector<16xf32>, vector<16xf32>, vector<16xf32>, vector<16xf32>, vector<16xf32>, vector<16xf32>, vector<16xf32>, vector<16xf32>, vector<16xf32>, vector<16xf32>, vector<16xf32>, vector<16xf32>, vector<16xf32>, vector<16xf32>, vector<16xf32>, vector<16xf32>, vector<16xf32>, vector<16xf32>, vector<16xf32>, vector<16xf32>, vector<16xf32>, vector<16xf32>, vector<16xf32>, vector<16xf32>, vector<16xf32>, vector<16xf32>, vector<16xf32>, vector<16xf32>, vector<16xf32>, vector<16xf32>, vector<16xf32>, vector<16xf32>)  : i32 {
        %get3A_844 = arith.index_cast %scan3A_795 : i32 to index
        %get3A_845 = arith.constant 0 : index
        %get3A_846 = tpu.vector_load %arg14[%get3A_844, %get3A_845] {strides = array<i32>} : memref<32x768xf32, #tpu.memory_space<vmem>>, vector<1x16xf32>,
        %get3A_847 = vector.shape_cast %get3A_846 : vector<1x16xf32> to vector<16xf32>
        %add3A_848 = arith.addf %scan3A_796, %get3A_847 : vector<16xf32>
        %get3A_849 = arith.index_cast %scan3A_795 : i32 to index
        %get3A_850 = arith.constant 16 : index
        %get3A_851 = tpu.vector_load %arg14[%get3A_849, %get3A_850] {strides = array<i32>} : memref<32x768xf32, #tpu.memory_space<vmem>>, vector<1x16xf32>,
        %get3A_852 = vector.shape_cast %get3A_851 : vector<1x16xf32> to vector<16xf32>
        %add3A_853 = arith.addf %scan3A_797, %get3A_852 : vector<16xf32>
        %get3A_854 = arith.index_cast %scan3A_795 : i32 to index
        %get3A_855 = arith.constant 32 : index
        %get3A_856 = tpu.vector_load %arg14[%get3A_854, %get3A_855] {strides = array<i32>} : memref<32x768xf32, #tpu.memory_space<vmem>>, vector<1x16xf32>,
        %get3A_857 = vector.shape_cast %get3A_856 : vector<1x16xf32> to vector<16xf32>
        %add3A_858 = arith.addf %scan3A_798, %get3A_857 : vector<16xf32>
        %get3A_859 = arith.index_cast %scan3A_795 : i32 to index
        %get3A_860 = arith.constant 48 : index
        %get3A_861 = tpu.vector_load %arg14[%get3A_859, %get3A_860] {strides = array<i32>} : memref<32x768xf32, #tpu.memory_space<vmem>>, vector<1x16xf32>,
        %get3A_862 = vector.shape_cast %get3A_861 : vector<1x16xf32> to vector<16xf32>
        %add3A_863 = arith.addf %scan3A_799, %get3A_862 : vector<16xf32>
        %get3A_864 = arith.index_cast %scan3A_795 : i32 to index
        %get3A_865 = arith.constant 64 : index
        %get3A_866 = tpu.vector_load %arg14[%get3A_864, %get3A_865] {strides = array<i32>} : memref<32x768xf32, #tpu.memory_space<vmem>>, vector<1x16xf32>,
        %get3A_867 = vector.shape_cast %get3A_866 : vector<1x16xf32> to vector<16xf32>
        %add3A_868 = arith.addf %scan3A_800, %get3A_867 : vector<16xf32>
        %get3A_869 = arith.index_cast %scan3A_795 : i32 to index
        %get3A_870 = arith.constant 80 : index
        %get3A_871 = tpu.vector_load %arg14[%get3A_869, %get3A_870] {strides = array<i32>} : memref<32x768xf32, #tpu.memory_space<vmem>>, vector<1x16xf32>,
        %get3A_872 = vector.shape_cast %get3A_871 : vector<1x16xf32> to vector<16xf32>
        %add3A_873 = arith.addf %scan3A_801, %get3A_872 : vector<16xf32>
        %get3A_874 = arith.index_cast %scan3A_795 : i32 to index
        %get3A_875 = arith.constant 96 : index
        %get3A_876 = tpu.vector_load %arg14[%get3A_874, %get3A_875] {strides = array<i32>} : memref<32x768xf32, #tpu.memory_space<vmem>>, vector<1x16xf32>,
        %get3A_877 = vector.shape_cast %get3A_876 : vector<1x16xf32> to vector<16xf32>
        %add3A_878 = arith.addf %scan3A_802, %get3A_877 : vector<16xf32>
        %get3A_879 = arith.index_cast %scan3A_795 : i32 to index
        %get3A_880 = arith.constant 112 : index
        %get3A_881 = tpu.vector_load %arg14[%get3A_879, %get3A_880] {strides = array<i32>} : memref<32x768xf32, #tpu.memory_space<vmem>>, vector<1x16xf32>,
        %get3A_882 = vector.shape_cast %get3A_881 : vector<1x16xf32> to vector<16xf32>
        %add3A_883 = arith.addf %scan3A_803, %get3A_882 : vector<16xf32>
        %get3A_884 = arith.index_cast %scan3A_795 : i32 to index
        %get3A_885 = arith.constant 128 : index
        %get3A_886 = tpu.vector_load %arg14[%get3A_884, %get3A_885] {strides = array<i32>} : memref<32x768xf32, #tpu.memory_space<vmem>>, vector<1x16xf32>,
        %get3A_887 = vector.shape_cast %get3A_886 : vector<1x16xf32> to vector<16xf32>
        %add3A_888 = arith.addf %scan3A_804, %get3A_887 : vector<16xf32>
        %get3A_889 = arith.index_cast %scan3A_795 : i32 to index
        %get3A_890 = arith.constant 144 : index
        %get3A_891 = tpu.vector_load %arg14[%get3A_889, %get3A_890] {strides = array<i32>} : memref<32x768xf32, #tpu.memory_space<vmem>>, vector<1x16xf32>,
        %get3A_892 = vector.shape_cast %get3A_891 : vector<1x16xf32> to vector<16xf32>
        %add3A_893 = arith.addf %scan3A_805, %get3A_892 : vector<16xf32>
        %get3A_894 = arith.index_cast %scan3A_795 : i32 to index
        %get3A_895 = arith.constant 160 : index
        %get3A_896 = tpu.vector_load %arg14[%get3A_894, %get3A_895] {strides = array<i32>} : memref<32x768xf32, #tpu.memory_space<vmem>>, vector<1x16xf32>,
        %get3A_897 = vector.shape_cast %get3A_896 : vector<1x16xf32> to vector<16xf32>
        %add3A_898 = arith.addf %scan3A_806, %get3A_897 : vector<16xf32>
        %get3A_899 = arith.index_cast %scan3A_795 : i32 to index
        %get3A_900 = arith.constant 176 : index
        %get3A_901 = tpu.vector_load %arg14[%get3A_899, %get3A_900] {strides = array<i32>} : memref<32x768xf32, #tpu.memory_space<vmem>>, vector<1x16xf32>,
        %get3A_902 = vector.shape_cast %get3A_901 : vector<1x16xf32> to vector<16xf32>
        %add3A_903 = arith.addf %scan3A_807, %get3A_902 : vector<16xf32>
        %get3A_904 = arith.index_cast %scan3A_795 : i32 to index
        %get3A_905 = arith.constant 192 : index
        %get3A_906 = tpu.vector_load %arg14[%get3A_904, %get3A_905] {strides = array<i32>} : memref<32x768xf32, #tpu.memory_space<vmem>>, vector<1x16xf32>,
        %get3A_907 = vector.shape_cast %get3A_906 : vector<1x16xf32> to vector<16xf32>
        %add3A_908 = arith.addf %scan3A_808, %get3A_907 : vector<16xf32>
        %get3A_909 = arith.index_cast %scan3A_795 : i32 to index
        %get3A_910 = arith.constant 208 : index
        %get3A_911 = tpu.vector_load %arg14[%get3A_909, %get3A_910] {strides = array<i32>} : memref<32x768xf32, #tpu.memory_space<vmem>>, vector<1x16xf32>,
        %get3A_912 = vector.shape_cast %get3A_911 : vector<1x16xf32> to vector<16xf32>
        %add3A_913 = arith.addf %scan3A_809, %get3A_912 : vector<16xf32>
        %get3A_914 = arith.index_cast %scan3A_795 : i32 to index
        %get3A_915 = arith.constant 224 : index
        %get3A_916 = tpu.vector_load %arg14[%get3A_914, %get3A_915] {strides = array<i32>} : memref<32x768xf32, #tpu.memory_space<vmem>>, vector<1x16xf32>,
        %get3A_917 = vector.shape_cast %get3A_916 : vector<1x16xf32> to vector<16xf32>
        %add3A_918 = arith.addf %scan3A_810, %get3A_917 : vector<16xf32>
        %get3A_919 = arith.index_cast %scan3A_795 : i32 to index
        %get3A_920 = arith.constant 240 : index
        %get3A_921 = tpu.vector_load %arg14[%get3A_919, %get3A_920] {strides = array<i32>} : memref<32x768xf32, #tpu.memory_space<vmem>>, vector<1x16xf32>,
        %get3A_922 = vector.shape_cast %get3A_921 : vector<1x16xf32> to vector<16xf32>
        %add3A_923 = arith.addf %scan3A_811, %get3A_922 : vector<16xf32>
        %get3A_924 = arith.index_cast %scan3A_795 : i32 to index
        %get3A_925 = arith.constant 256 : index
        %get3A_926 = tpu.vector_load %arg14[%get3A_924, %get3A_925] {strides = array<i32>} : memref<32x768xf32, #tpu.memory_space<vmem>>, vector<1x16xf32>,
        %get3A_927 = vector.shape_cast %get3A_926 : vector<1x16xf32> to vector<16xf32>
        %add3A_928 = arith.addf %scan3A_812, %get3A_927 : vector<16xf32>
        %get3A_929 = arith.index_cast %scan3A_795 : i32 to index
        %get3A_930 = arith.constant 272 : index
        %get3A_931 = tpu.vector_load %arg14[%get3A_929, %get3A_930] {strides = array<i32>} : memref<32x768xf32, #tpu.memory_space<vmem>>, vector<1x16xf32>,
        %get3A_932 = vector.shape_cast %get3A_931 : vector<1x16xf32> to vector<16xf32>
        %add3A_933 = arith.addf %scan3A_813, %get3A_932 : vector<16xf32>
        %get3A_934 = arith.index_cast %scan3A_795 : i32 to index
        %get3A_935 = arith.constant 288 : index
        %get3A_936 = tpu.vector_load %arg14[%get3A_934, %get3A_935] {strides = array<i32>} : memref<32x768xf32, #tpu.memory_space<vmem>>, vector<1x16xf32>,
        %get3A_937 = vector.shape_cast %get3A_936 : vector<1x16xf32> to vector<16xf32>
        %add3A_938 = arith.addf %scan3A_814, %get3A_937 : vector<16xf32>
        %get3A_939 = arith.index_cast %scan3A_795 : i32 to index
        %get3A_940 = arith.constant 304 : index
        %get3A_941 = tpu.vector_load %arg14[%get3A_939, %get3A_940] {strides = array<i32>} : memref<32x768xf32, #tpu.memory_space<vmem>>, vector<1x16xf32>,
        %get3A_942 = vector.shape_cast %get3A_941 : vector<1x16xf32> to vector<16xf32>
        %add3A_943 = arith.addf %scan3A_815, %get3A_942 : vector<16xf32>
        %get3A_944 = arith.index_cast %scan3A_795 : i32 to index
        %get3A_945 = arith.constant 320 : index
        %get3A_946 = tpu.vector_load %arg14[%get3A_944, %get3A_945] {strides = array<i32>} : memref<32x768xf32, #tpu.memory_space<vmem>>, vector<1x16xf32>,
        %get3A_947 = vector.shape_cast %get3A_946 : vector<1x16xf32> to vector<16xf32>
        %add3A_948 = arith.addf %scan3A_816, %get3A_947 : vector<16xf32>
        %get3A_949 = arith.index_cast %scan3A_795 : i32 to index
        %get3A_950 = arith.constant 336 : index
        %get3A_951 = tpu.vector_load %arg14[%get3A_949, %get3A_950] {strides = array<i32>} : memref<32x768xf32, #tpu.memory_space<vmem>>, vector<1x16xf32>,
        %get3A_952 = vector.shape_cast %get3A_951 : vector<1x16xf32> to vector<16xf32>
        %add3A_953 = arith.addf %scan3A_817, %get3A_952 : vector<16xf32>
        %get3A_954 = arith.index_cast %scan3A_795 : i32 to index
        %get3A_955 = arith.constant 352 : index
        %get3A_956 = tpu.vector_load %arg14[%get3A_954, %get3A_955] {strides = array<i32>} : memref<32x768xf32, #tpu.memory_space<vmem>>, vector<1x16xf32>,
        %get3A_957 = vector.shape_cast %get3A_956 : vector<1x16xf32> to vector<16xf32>
        %add3A_958 = arith.addf %scan3A_818, %get3A_957 : vector<16xf32>
        %get3A_959 = arith.index_cast %scan3A_795 : i32 to index
        %get3A_960 = arith.constant 368 : index
        %get3A_961 = tpu.vector_load %arg14[%get3A_959, %get3A_960] {strides = array<i32>} : memref<32x768xf32, #tpu.memory_space<vmem>>, vector<1x16xf32>,
        %get3A_962 = vector.shape_cast %get3A_961 : vector<1x16xf32> to vector<16xf32>
        %add3A_963 = arith.addf %scan3A_819, %get3A_962 : vector<16xf32>
        %get3A_964 = arith.index_cast %scan3A_795 : i32 to index
        %get3A_965 = arith.constant 384 : index
        %get3A_966 = tpu.vector_load %arg14[%get3A_964, %get3A_965] {strides = array<i32>} : memref<32x768xf32, #tpu.memory_space<vmem>>, vector<1x16xf32>,
        %get3A_967 = vector.shape_cast %get3A_966 : vector<1x16xf32> to vector<16xf32>
        %add3A_968 = arith.addf %scan3A_820, %get3A_967 : vector<16xf32>
        %get3A_969 = arith.index_cast %scan3A_795 : i32 to index
        %get3A_970 = arith.constant 400 : index
        %get3A_971 = tpu.vector_load %arg14[%get3A_969, %get3A_970] {strides = array<i32>} : memref<32x768xf32, #tpu.memory_space<vmem>>, vector<1x16xf32>,
        %get3A_972 = vector.shape_cast %get3A_971 : vector<1x16xf32> to vector<16xf32>
        %add3A_973 = arith.addf %scan3A_821, %get3A_972 : vector<16xf32>
        %get3A_974 = arith.index_cast %scan3A_795 : i32 to index
        %get3A_975 = arith.constant 416 : index
        %get3A_976 = tpu.vector_load %arg14[%get3A_974, %get3A_975] {strides = array<i32>} : memref<32x768xf32, #tpu.memory_space<vmem>>, vector<1x16xf32>,
        %get3A_977 = vector.shape_cast %get3A_976 : vector<1x16xf32> to vector<16xf32>
        %add3A_978 = arith.addf %scan3A_822, %get3A_977 : vector<16xf32>
        %get3A_979 = arith.index_cast %scan3A_795 : i32 to index
        %get3A_980 = arith.constant 432 : index
        %get3A_981 = tpu.vector_load %arg14[%get3A_979, %get3A_980] {strides = array<i32>} : memref<32x768xf32, #tpu.memory_space<vmem>>, vector<1x16xf32>,
        %get3A_982 = vector.shape_cast %get3A_981 : vector<1x16xf32> to vector<16xf32>
        %add3A_983 = arith.addf %scan3A_823, %get3A_982 : vector<16xf32>
        %get3A_984 = arith.index_cast %scan3A_795 : i32 to index
        %get3A_985 = arith.constant 448 : index
        %get3A_986 = tpu.vector_load %arg14[%get3A_984, %get3A_985] {strides = array<i32>} : memref<32x768xf32, #tpu.memory_space<vmem>>, vector<1x16xf32>,
        %get3A_987 = vector.shape_cast %get3A_986 : vector<1x16xf32> to vector<16xf32>
        %add3A_988 = arith.addf %scan3A_824, %get3A_987 : vector<16xf32>
        %get3A_989 = arith.index_cast %scan3A_795 : i32 to index
        %get3A_990 = arith.constant 464 : index
        %get3A_991 = tpu.vector_load %arg14[%get3A_989, %get3A_990] {strides = array<i32>} : memref<32x768xf32, #tpu.memory_space<vmem>>, vector<1x16xf32>,
        %get3A_992 = vector.shape_cast %get3A_991 : vector<1x16xf32> to vector<16xf32>
        %add3A_993 = arith.addf %scan3A_825, %get3A_992 : vector<16xf32>
        %get3A_994 = arith.index_cast %scan3A_795 : i32 to index
        %get3A_995 = arith.constant 480 : index
        %get3A_996 = tpu.vector_load %arg14[%get3A_994, %get3A_995] {strides = array<i32>} : memref<32x768xf32, #tpu.memory_space<vmem>>, vector<1x16xf32>,
        %get3A_997 = vector.shape_cast %get3A_996 : vector<1x16xf32> to vector<16xf32>
        %add3A_998 = arith.addf %scan3A_826, %get3A_997 : vector<16xf32>
        %get3A_999 = arith.index_cast %scan3A_795 : i32 to index
        %get3A_1000 = arith.constant 496 : index
        %get3A_1001 = tpu.vector_load %arg14[%get3A_999, %get3A_1000] {strides = array<i32>} : memref<32x768xf32, #tpu.memory_space<vmem>>, vector<1x16xf32>,
        %get3A_1002 = vector.shape_cast %get3A_1001 : vector<1x16xf32> to vector<16xf32>
        %add3A_1003 = arith.addf %scan3A_827, %get3A_1002 : vector<16xf32>
        %get3A_1004 = arith.index_cast %scan3A_795 : i32 to index
        %get3A_1005 = arith.constant 512 : index
        %get3A_1006 = tpu.vector_load %arg14[%get3A_1004, %get3A_1005] {strides = array<i32>} : memref<32x768xf32, #tpu.memory_space<vmem>>, vector<1x16xf32>,
        %get3A_1007 = vector.shape_cast %get3A_1006 : vector<1x16xf32> to vector<16xf32>
        %add3A_1008 = arith.addf %scan3A_828, %get3A_1007 : vector<16xf32>
        %get3A_1009 = arith.index_cast %scan3A_795 : i32 to index
        %get3A_1010 = arith.constant 528 : index
        %get3A_1011 = tpu.vector_load %arg14[%get3A_1009, %get3A_1010] {strides = array<i32>} : memref<32x768xf32, #tpu.memory_space<vmem>>, vector<1x16xf32>,
        %get3A_1012 = vector.shape_cast %get3A_1011 : vector<1x16xf32> to vector<16xf32>
        %add3A_1013 = arith.addf %scan3A_829, %get3A_1012 : vector<16xf32>
        %get3A_1014 = arith.index_cast %scan3A_795 : i32 to index
        %get3A_1015 = arith.constant 544 : index
        %get3A_1016 = tpu.vector_load %arg14[%get3A_1014, %get3A_1015] {strides = array<i32>} : memref<32x768xf32, #tpu.memory_space<vmem>>, vector<1x16xf32>,
        %get3A_1017 = vector.shape_cast %get3A_1016 : vector<1x16xf32> to vector<16xf32>
        %add3A_1018 = arith.addf %scan3A_830, %get3A_1017 : vector<16xf32>
        %get3A_1019 = arith.index_cast %scan3A_795 : i32 to index
        %get3A_1020 = arith.constant 560 : index
        %get3A_1021 = tpu.vector_load %arg14[%get3A_1019, %get3A_1020] {strides = array<i32>} : memref<32x768xf32, #tpu.memory_space<vmem>>, vector<1x16xf32>,
        %get3A_1022 = vector.shape_cast %get3A_1021 : vector<1x16xf32> to vector<16xf32>
        %add3A_1023 = arith.addf %scan3A_831, %get3A_1022 : vector<16xf32>
        %get3A_1024 = arith.index_cast %scan3A_795 : i32 to index
        %get3A_1025 = arith.constant 576 : index
        %get3A_1026 = tpu.vector_load %arg14[%get3A_1024, %get3A_1025] {strides = array<i32>} : memref<32x768xf32, #tpu.memory_space<vmem>>, vector<1x16xf32>,
        %get3A_1027 = vector.shape_cast %get3A_1026 : vector<1x16xf32> to vector<16xf32>
        %add3A_1028 = arith.addf %scan3A_832, %get3A_1027 : vector<16xf32>
        %get3A_1029 = arith.index_cast %scan3A_795 : i32 to index
        %get3A_1030 = arith.constant 592 : index
        %get3A_1031 = tpu.vector_load %arg14[%get3A_1029, %get3A_1030] {strides = array<i32>} : memref<32x768xf32, #tpu.memory_space<vmem>>, vector<1x16xf32>,
        %get3A_1032 = vector.shape_cast %get3A_1031 : vector<1x16xf32> to vector<16xf32>
        %add3A_1033 = arith.addf %scan3A_833, %get3A_1032 : vector<16xf32>
        %get3A_1034 = arith.index_cast %scan3A_795 : i32 to index
        %get3A_1035 = arith.constant 608 : index
        %get3A_1036 = tpu.vector_load %arg14[%get3A_1034, %get3A_1035] {strides = array<i32>} : memref<32x768xf32, #tpu.memory_space<vmem>>, vector<1x16xf32>,
        %get3A_1037 = vector.shape_cast %get3A_1036 : vector<1x16xf32> to vector<16xf32>
        %add3A_1038 = arith.addf %scan3A_834, %get3A_1037 : vector<16xf32>
        %get3A_1039 = arith.index_cast %scan3A_795 : i32 to index
        %get3A_1040 = arith.constant 624 : index
        %get3A_1041 = tpu.vector_load %arg14[%get3A_1039, %get3A_1040] {strides = array<i32>} : memref<32x768xf32, #tpu.memory_space<vmem>>, vector<1x16xf32>,
        %get3A_1042 = vector.shape_cast %get3A_1041 : vector<1x16xf32> to vector<16xf32>
        %add3A_1043 = arith.addf %scan3A_835, %get3A_1042 : vector<16xf32>
        %get3A_1044 = arith.index_cast %scan3A_795 : i32 to index
        %get3A_1045 = arith.constant 640 : index
        %get3A_1046 = tpu.vector_load %arg14[%get3A_1044, %get3A_1045] {strides = array<i32>} : memref<32x768xf32, #tpu.memory_space<vmem>>, vector<1x16xf32>,
        %get3A_1047 = vector.shape_cast %get3A_1046 : vector<1x16xf32> to vector<16xf32>
        %add3A_1048 = arith.addf %scan3A_836, %get3A_1047 : vector<16xf32>
        %get3A_1049 = arith.index_cast %scan3A_795 : i32 to index
        %get3A_1050 = arith.constant 656 : index
        %get3A_1051 = tpu.vector_load %arg14[%get3A_1049, %get3A_1050] {strides = array<i32>} : memref<32x768xf32, #tpu.memory_space<vmem>>, vector<1x16xf32>,
        %get3A_1052 = vector.shape_cast %get3A_1051 : vector<1x16xf32> to vector<16xf32>
        %add3A_1053 = arith.addf %scan3A_837, %get3A_1052 : vector<16xf32>
        %get3A_1054 = arith.index_cast %scan3A_795 : i32 to index
        %get3A_1055 = arith.constant 672 : index
        %get3A_1056 = tpu.vector_load %arg14[%get3A_1054, %get3A_1055] {strides = array<i32>} : memref<32x768xf32, #tpu.memory_space<vmem>>, vector<1x16xf32>,
        %get3A_1057 = vector.shape_cast %get3A_1056 : vector<1x16xf32> to vector<16xf32>
        %add3A_1058 = arith.addf %scan3A_838, %get3A_1057 : vector<16xf32>
        %get3A_1059 = arith.index_cast %scan3A_795 : i32 to index
        %get3A_1060 = arith.constant 688 : index
        %get3A_1061 = tpu.vector_load %arg14[%get3A_1059, %get3A_1060] {strides = array<i32>} : memref<32x768xf32, #tpu.memory_space<vmem>>, vector<1x16xf32>,
        %get3A_1062 = vector.shape_cast %get3A_1061 : vector<1x16xf32> to vector<16xf32>
        %add3A_1063 = arith.addf %scan3A_839, %get3A_1062 : vector<16xf32>
        %get3A_1064 = arith.index_cast %scan3A_795 : i32 to index
        %get3A_1065 = arith.constant 704 : index
        %get3A_1066 = tpu.vector_load %arg14[%get3A_1064, %get3A_1065] {strides = array<i32>} : memref<32x768xf32, #tpu.memory_space<vmem>>, vector<1x16xf32>,
        %get3A_1067 = vector.shape_cast %get3A_1066 : vector<1x16xf32> to vector<16xf32>
        %add3A_1068 = arith.addf %scan3A_840, %get3A_1067 : vector<16xf32>
        %get3A_1069 = arith.index_cast %scan3A_795 : i32 to index
        %get3A_1070 = arith.constant 720 : index
        %get3A_1071 = tpu.vector_load %arg14[%get3A_1069, %get3A_1070] {strides = array<i32>} : memref<32x768xf32, #tpu.memory_space<vmem>>, vector<1x16xf32>,
        %get3A_1072 = vector.shape_cast %get3A_1071 : vector<1x16xf32> to vector<16xf32>
        %add3A_1073 = arith.addf %scan3A_841, %get3A_1072 : vector<16xf32>
        %get3A_1074 = arith.index_cast %scan3A_795 : i32 to index
        %get3A_1075 = arith.constant 736 : index
        %get3A_1076 = tpu.vector_load %arg14[%get3A_1074, %get3A_1075] {strides = array<i32>} : memref<32x768xf32, #tpu.memory_space<vmem>>, vector<1x16xf32>,
        %get3A_1077 = vector.shape_cast %get3A_1076 : vector<1x16xf32> to vector<16xf32>
        %add3A_1078 = arith.addf %scan3A_842, %get3A_1077 : vector<16xf32>
        %get3A_1079 = arith.index_cast %scan3A_795 : i32 to index
        %get3A_1080 = arith.constant 752 : index
        %get3A_1081 = tpu.vector_load %arg14[%get3A_1079, %get3A_1080] {strides = array<i32>} : memref<32x768xf32, #tpu.memory_space<vmem>>, vector<1x16xf32>,
        %get3A_1082 = vector.shape_cast %get3A_1081 : vector<1x16xf32> to vector<16xf32>
        %add3A_1083 = arith.addf %scan3A_843, %get3A_1082 : vector<16xf32>
        scf.yield %add3A_848, %add3A_853, %add3A_858, %add3A_863, %add3A_868, %add3A_873, %add3A_878, %add3A_883, %add3A_888, %add3A_893, %add3A_898, %add3A_903, %add3A_908, %add3A_913, %add3A_918, %add3A_923, %add3A_928, %add3A_933, %add3A_938, %add3A_943, %add3A_948, %add3A_953, %add3A_958, %add3A_963, %add3A_968, %add3A_973, %add3A_978, %add3A_983, %add3A_988, %add3A_993, %add3A_998, %add3A_1003, %add3A_1008, %add3A_1013, %add3A_1018, %add3A_1023, %add3A_1028, %add3A_1033, %add3A_1038, %add3A_1043, %add3A_1048, %add3A_1053, %add3A_1058, %add3A_1063, %add3A_1068, %add3A_1073, %add3A_1078, %add3A_1083 : vector<16xf32>, vector<16xf32>, vector<16xf32>, vector<16xf32>, vector<16xf32>, vector<16xf32>, vector<16xf32>, vector<16xf32>, vector<16xf32>, vector<16xf32>, vector<16xf32>, vector<16xf32>, vector<16xf32>, vector<16xf32>, vector<16xf32>, vector<16xf32>, vector<16xf32>, vector<16xf32>, vector<16xf32>, vector<16xf32>, vector<16xf32>, vector<16xf32>, vector<16xf32>, vector<16xf32>, vector<16xf32>, vector<16xf32>, vector<16xf32>, vector<16xf32>, vector<16xf32>, vector<16xf32>, vector<16xf32>, vector<16xf32>, vector<16xf32>, vector<16xf32>, vector<16xf32>, vector<16xf32>, vector<16xf32>, vector<16xf32>, vector<16xf32>, vector<16xf32>, vector<16xf32>, vector<16xf32>, vector<16xf32>, vector<16xf32>, vector<16xf32>, vector<16xf32>, vector<16xf32>, vector<16xf32>
      }
      %scan3A_756 = arith.constant 32 : i32
      %mul3A_757 = arith.constant 4 : i32
      %mul3A_758 = arith.muli %scan3A_646, %mul3A_757 : i32
      %add3A_759 = arith.constant 4 : i32
      %add3A_760 = arith.addi %mul3A_758, %add3A_759 : i32
      %add3A_761 = arith.constant 2 : i32
      %add3A_762 = arith.addi %add3A_760, %add3A_761 : i32
      %mul3A_763 = arith.constant 32 : i32
      %mul3A_764 = arith.muli %add3A_762, %mul3A_763 : i32
      %multiple_of3A_765 = tpu.assume_multiple %mul3A_764, 32 : i32
      %dma_start3A_766 = tpu.memref_slice %arg11[%multiple_of3A_765] : memref<3456xi32, #tpu.memory_space<vmem>> -> memref<32xi32, #tpu.memory_space<vmem>>
      %dma_start3A_767 = arith.constant 0 : i32
      %dma_start3A_768 = arith.constant 0 : i32
      %dma_start3A_769 = tpu.memref_slice %arg6[%dma_start3A_767, %dma_start3A_768] : memref<100000x768xf32, #tpu.memory_space<hbm>> -> memref<100000x768xf32, #tpu.memory_space<hbm>>
      tpu.enqueue_indirect_dma source(%dma_start3A_769 : memref<100000x768xf32, #tpu.memory_space<hbm>>) target(%arg14 : memref<32x768xf32, #tpu.memory_space<vmem>>) offsets(%dma_start3A_766 : memref<32xi32, #tpu.memory_space<vmem>>) semaphore(%arg24 : memref<!tpu.dma_semaphore, #tpu.memory_space<semaphore_mem>>)
      %dma_wait3A_770 = arith.constant 0 : i32
      %dma_wait3A_771 = arith.constant 0 : i32
      %dma_wait3A_772 = tpu.memref_slice %arg6[%dma_wait3A_770, %dma_wait3A_771] : memref<100000x768xf32, #tpu.memory_space<hbm>> -> memref<32x768xf32, #tpu.memory_space<hbm>>
      %dma_wait3A_773 = arith.constant 0 : i32
      %dma_wait3A_774 = arith.constant 0 : i32
      %dma_wait3A_775 = tpu.memref_slice %arg6[%dma_wait3A_773, %dma_wait3A_774] : memref<100000x768xf32, #tpu.memory_space<hbm>> -> memref<32x768xf32, #tpu.memory_space<hbm>>
      tpu.wait_dma2 semaphore(%arg25 : memref<!tpu.dma_semaphore, #tpu.memory_space<semaphore_mem>>) src(%dma_wait3A_775 : memref<32x768xf32, #tpu.memory_space<hbm>>) dst(%arg15 : memref<32x768xf32, #tpu.memory_space<vmem>>)
      %scan3A_776 = arith.constant 0 : i32
      %scan3A_777 = arith.constant 32 : i32
      %scan3A_778 = arith.addi %scan3A_776, %scan3A_777 : i32
      %scan3A_779 = arith.constant 1 : i32
      %scan3A_780:48 = scf.for %scan3A_795 = %scan3A_776 to %scan3A_778 step %scan3A_779 iter_args(%scan3A_796 = %scan3A_755#0, %scan3A_797 = %scan3A_755#1, %scan3A_798 = %scan3A_755#2, %scan3A_799 = %scan3A_755#3, %scan3A_800 = %scan3A_755#4, %scan3A_801 = %scan3A_755#5, %scan3A_802 = %scan3A_755#6, %scan3A_803 = %scan3A_755#7, %scan3A_804 = %scan3A_755#8, %scan3A_805 = %scan3A_755#9, %scan3A_806 = %scan3A_755#10, %scan3A_807 = %scan3A_755#11, %scan3A_808 = %scan3A_755#12, %scan3A_809 = %scan3A_755#13, %scan3A_810 = %scan3A_755#14, %scan3A_811 = %scan3A_755#15, %scan3A_812 = %scan3A_755#16, %scan3A_813 = %scan3A_755#17, %scan3A_814 = %scan3A_755#18, %scan3A_815 = %scan3A_755#19, %scan3A_816 = %scan3A_755#20, %scan3A_817 = %scan3A_755#21, %scan3A_818 = %scan3A_755#22, %scan3A_819 = %scan3A_755#23, %scan3A_820 = %scan3A_755#24, %scan3A_821 = %scan3A_755#25, %scan3A_822 = %scan3A_755#26, %scan3A_823 = %scan3A_755#27, %scan3A_824 = %scan3A_755#28, %scan3A_825 = %scan3A_755#29, %scan3A_826 = %scan3A_755#30, %scan3A_827 = %scan3A_755#31, %scan3A_828 = %scan3A_755#32, %scan3A_829 = %scan3A_755#33, %scan3A_830 = %scan3A_755#34, %scan3A_831 = %scan3A_755#35, %scan3A_832 = %scan3A_755#36, %scan3A_833 = %scan3A_755#37, %scan3A_834 = %scan3A_755#38, %scan3A_835 = %scan3A_755#39, %scan3A_836 = %scan3A_755#40, %scan3A_837 = %scan3A_755#41, %scan3A_838 = %scan3A_755#42, %scan3A_839 = %scan3A_755#43, %scan3A_840 = %scan3A_755#44, %scan3A_841 = %scan3A_755#45, %scan3A_842 = %scan3A_755#46, %scan3A_843 = %scan3A_755#47) -> (vector<16xf32>, vector<16xf32>, vector<16xf32>, vector<16xf32>, vector<16xf32>, vector<16xf32>, vector<16xf32>, vector<16xf32>, vector<16xf32>, vector<16xf32>, vector<16xf32>, vector<16xf32>, vector<16xf32>, vector<16xf32>, vector<16xf32>, vector<16xf32>, vector<16xf32>, vector<16xf32>, vector<16xf32>, vector<16xf32>, vector<16xf32>, vector<16xf32>, vector<16xf32>, vector<16xf32>, vector<16xf32>, vector<16xf32>, vector<16xf32>, vector<16xf32>, vector<16xf32>, vector<16xf32>, vector<16xf32>, vector<16xf32>, vector<16xf32>, vector<16xf32>, vector<16xf32>, vector<16xf32>, vector<16xf32>, vector<16xf32>, vector<16xf32>, vector<16xf32>, vector<16xf32>, vector<16xf32>, vector<16xf32>, vector<16xf32>, vector<16xf32>, vector<16xf32>, vector<16xf32>, vector<16xf32>)  : i32 {
        %get3A_844 = arith.index_cast %scan3A_795 : i32 to index
        %get3A_845 = arith.constant 0 : index
        %get3A_846 = tpu.vector_load %arg15[%get3A_844, %get3A_845] {strides = array<i32>} : memref<32x768xf32, #tpu.memory_space<vmem>>, vector<1x16xf32>,
        %get3A_847 = vector.shape_cast %get3A_846 : vector<1x16xf32> to vector<16xf32>
        %add3A_848 = arith.addf %scan3A_796, %get3A_847 : vector<16xf32>
        %get3A_849 = arith.index_cast %scan3A_795 : i32 to index
        %get3A_850 = arith.constant 16 : index
        %get3A_851 = tpu.vector_load %arg15[%get3A_849, %get3A_850] {strides = array<i32>} : memref<32x768xf32, #tpu.memory_space<vmem>>, vector<1x16xf32>,
        %get3A_852 = vector.shape_cast %get3A_851 : vector<1x16xf32> to vector<16xf32>
        %add3A_853 = arith.addf %scan3A_797, %get3A_852 : vector<16xf32>
        %get3A_854 = arith.index_cast %scan3A_795 : i32 to index
        %get3A_855 = arith.constant 32 : index
        %get3A_856 = tpu.vector_load %arg15[%get3A_854, %get3A_855] {strides = array<i32>} : memref<32x768xf32, #tpu.memory_space<vmem>>, vector<1x16xf32>,
        %get3A_857 = vector.shape_cast %get3A_856 : vector<1x16xf32> to vector<16xf32>
        %add3A_858 = arith.addf %scan3A_798, %get3A_857 : vector<16xf32>
        %get3A_859 = arith.index_cast %scan3A_795 : i32 to index
        %get3A_860 = arith.constant 48 : index
        %get3A_861 = tpu.vector_load %arg15[%get3A_859, %get3A_860] {strides = array<i32>} : memref<32x768xf32, #tpu.memory_space<vmem>>, vector<1x16xf32>,
        %get3A_862 = vector.shape_cast %get3A_861 : vector<1x16xf32> to vector<16xf32>
        %add3A_863 = arith.addf %scan3A_799, %get3A_862 : vector<16xf32>
        %get3A_864 = arith.index_cast %scan3A_795 : i32 to index
        %get3A_865 = arith.constant 64 : index
        %get3A_866 = tpu.vector_load %arg15[%get3A_864, %get3A_865] {strides = array<i32>} : memref<32x768xf32, #tpu.memory_space<vmem>>, vector<1x16xf32>,
        %get3A_867 = vector.shape_cast %get3A_866 : vector<1x16xf32> to vector<16xf32>
        %add3A_868 = arith.addf %scan3A_800, %get3A_867 : vector<16xf32>
        %get3A_869 = arith.index_cast %scan3A_795 : i32 to index
        %get3A_870 = arith.constant 80 : index
        %get3A_871 = tpu.vector_load %arg15[%get3A_869, %get3A_870] {strides = array<i32>} : memref<32x768xf32, #tpu.memory_space<vmem>>, vector<1x16xf32>,
        %get3A_872 = vector.shape_cast %get3A_871 : vector<1x16xf32> to vector<16xf32>
        %add3A_873 = arith.addf %scan3A_801, %get3A_872 : vector<16xf32>
        %get3A_874 = arith.index_cast %scan3A_795 : i32 to index
        %get3A_875 = arith.constant 96 : index
        %get3A_876 = tpu.vector_load %arg15[%get3A_874, %get3A_875] {strides = array<i32>} : memref<32x768xf32, #tpu.memory_space<vmem>>, vector<1x16xf32>,
        %get3A_877 = vector.shape_cast %get3A_876 : vector<1x16xf32> to vector<16xf32>
        %add3A_878 = arith.addf %scan3A_802, %get3A_877 : vector<16xf32>
        %get3A_879 = arith.index_cast %scan3A_795 : i32 to index
        %get3A_880 = arith.constant 112 : index
        %get3A_881 = tpu.vector_load %arg15[%get3A_879, %get3A_880] {strides = array<i32>} : memref<32x768xf32, #tpu.memory_space<vmem>>, vector<1x16xf32>,
        %get3A_882 = vector.shape_cast %get3A_881 : vector<1x16xf32> to vector<16xf32>
        %add3A_883 = arith.addf %scan3A_803, %get3A_882 : vector<16xf32>
        %get3A_884 = arith.index_cast %scan3A_795 : i32 to index
        %get3A_885 = arith.constant 128 : index
        %get3A_886 = tpu.vector_load %arg15[%get3A_884, %get3A_885] {strides = array<i32>} : memref<32x768xf32, #tpu.memory_space<vmem>>, vector<1x16xf32>,
        %get3A_887 = vector.shape_cast %get3A_886 : vector<1x16xf32> to vector<16xf32>
        %add3A_888 = arith.addf %scan3A_804, %get3A_887 : vector<16xf32>
        %get3A_889 = arith.index_cast %scan3A_795 : i32 to index
        %get3A_890 = arith.constant 144 : index
        %get3A_891 = tpu.vector_load %arg15[%get3A_889, %get3A_890] {strides = array<i32>} : memref<32x768xf32, #tpu.memory_space<vmem>>, vector<1x16xf32>,
        %get3A_892 = vector.shape_cast %get3A_891 : vector<1x16xf32> to vector<16xf32>
        %add3A_893 = arith.addf %scan3A_805, %get3A_892 : vector<16xf32>
        %get3A_894 = arith.index_cast %scan3A_795 : i32 to index
        %get3A_895 = arith.constant 160 : index
        %get3A_896 = tpu.vector_load %arg15[%get3A_894, %get3A_895] {strides = array<i32>} : memref<32x768xf32, #tpu.memory_space<vmem>>, vector<1x16xf32>,
        %get3A_897 = vector.shape_cast %get3A_896 : vector<1x16xf32> to vector<16xf32>
        %add3A_898 = arith.addf %scan3A_806, %get3A_897 : vector<16xf32>
        %get3A_899 = arith.index_cast %scan3A_795 : i32 to index
        %get3A_900 = arith.constant 176 : index
        %get3A_901 = tpu.vector_load %arg15[%get3A_899, %get3A_900] {strides = array<i32>} : memref<32x768xf32, #tpu.memory_space<vmem>>, vector<1x16xf32>,
        %get3A_902 = vector.shape_cast %get3A_901 : vector<1x16xf32> to vector<16xf32>
        %add3A_903 = arith.addf %scan3A_807, %get3A_902 : vector<16xf32>
        %get3A_904 = arith.index_cast %scan3A_795 : i32 to index
        %get3A_905 = arith.constant 192 : index
        %get3A_906 = tpu.vector_load %arg15[%get3A_904, %get3A_905] {strides = array<i32>} : memref<32x768xf32, #tpu.memory_space<vmem>>, vector<1x16xf32>,
        %get3A_907 = vector.shape_cast %get3A_906 : vector<1x16xf32> to vector<16xf32>
        %add3A_908 = arith.addf %scan3A_808, %get3A_907 : vector<16xf32>
        %get3A_909 = arith.index_cast %scan3A_795 : i32 to index
        %get3A_910 = arith.constant 208 : index
        %get3A_911 = tpu.vector_load %arg15[%get3A_909, %get3A_910] {strides = array<i32>} : memref<32x768xf32, #tpu.memory_space<vmem>>, vector<1x16xf32>,
        %get3A_912 = vector.shape_cast %get3A_911 : vector<1x16xf32> to vector<16xf32>
        %add3A_913 = arith.addf %scan3A_809, %get3A_912 : vector<16xf32>
        %get3A_914 = arith.index_cast %scan3A_795 : i32 to index
        %get3A_915 = arith.constant 224 : index
        %get3A_916 = tpu.vector_load %arg15[%get3A_914, %get3A_915] {strides = array<i32>} : memref<32x768xf32, #tpu.memory_space<vmem>>, vector<1x16xf32>,
        %get3A_917 = vector.shape_cast %get3A_916 : vector<1x16xf32> to vector<16xf32>
        %add3A_918 = arith.addf %scan3A_810, %get3A_917 : vector<16xf32>
        %get3A_919 = arith.index_cast %scan3A_795 : i32 to index
        %get3A_920 = arith.constant 240 : index
        %get3A_921 = tpu.vector_load %arg15[%get3A_919, %get3A_920] {strides = array<i32>} : memref<32x768xf32, #tpu.memory_space<vmem>>, vector<1x16xf32>,
        %get3A_922 = vector.shape_cast %get3A_921 : vector<1x16xf32> to vector<16xf32>
        %add3A_923 = arith.addf %scan3A_811, %get3A_922 : vector<16xf32>
        %get3A_924 = arith.index_cast %scan3A_795 : i32 to index
        %get3A_925 = arith.constant 256 : index
        %get3A_926 = tpu.vector_load %arg15[%get3A_924, %get3A_925] {strides = array<i32>} : memref<32x768xf32, #tpu.memory_space<vmem>>, vector<1x16xf32>,
        %get3A_927 = vector.shape_cast %get3A_926 : vector<1x16xf32> to vector<16xf32>
        %add3A_928 = arith.addf %scan3A_812, %get3A_927 : vector<16xf32>
        %get3A_929 = arith.index_cast %scan3A_795 : i32 to index
        %get3A_930 = arith.constant 272 : index
        %get3A_931 = tpu.vector_load %arg15[%get3A_929, %get3A_930] {strides = array<i32>} : memref<32x768xf32, #tpu.memory_space<vmem>>, vector<1x16xf32>,
        %get3A_932 = vector.shape_cast %get3A_931 : vector<1x16xf32> to vector<16xf32>
        %add3A_933 = arith.addf %scan3A_813, %get3A_932 : vector<16xf32>
        %get3A_934 = arith.index_cast %scan3A_795 : i32 to index
        %get3A_935 = arith.constant 288 : index
        %get3A_936 = tpu.vector_load %arg15[%get3A_934, %get3A_935] {strides = array<i32>} : memref<32x768xf32, #tpu.memory_space<vmem>>, vector<1x16xf32>,
        %get3A_937 = vector.shape_cast %get3A_936 : vector<1x16xf32> to vector<16xf32>
        %add3A_938 = arith.addf %scan3A_814, %get3A_937 : vector<16xf32>
        %get3A_939 = arith.index_cast %scan3A_795 : i32 to index
        %get3A_940 = arith.constant 304 : index
        %get3A_941 = tpu.vector_load %arg15[%get3A_939, %get3A_940] {strides = array<i32>} : memref<32x768xf32, #tpu.memory_space<vmem>>, vector<1x16xf32>,
        %get3A_942 = vector.shape_cast %get3A_941 : vector<1x16xf32> to vector<16xf32>
        %add3A_943 = arith.addf %scan3A_815, %get3A_942 : vector<16xf32>
        %get3A_944 = arith.index_cast %scan3A_795 : i32 to index
        %get3A_945 = arith.constant 320 : index
        %get3A_946 = tpu.vector_load %arg15[%get3A_944, %get3A_945] {strides = array<i32>} : memref<32x768xf32, #tpu.memory_space<vmem>>, vector<1x16xf32>,
        %get3A_947 = vector.shape_cast %get3A_946 : vector<1x16xf32> to vector<16xf32>
        %add3A_948 = arith.addf %scan3A_816, %get3A_947 : vector<16xf32>
        %get3A_949 = arith.index_cast %scan3A_795 : i32 to index
        %get3A_950 = arith.constant 336 : index
        %get3A_951 = tpu.vector_load %arg15[%get3A_949, %get3A_950] {strides = array<i32>} : memref<32x768xf32, #tpu.memory_space<vmem>>, vector<1x16xf32>,
        %get3A_952 = vector.shape_cast %get3A_951 : vector<1x16xf32> to vector<16xf32>
        %add3A_953 = arith.addf %scan3A_817, %get3A_952 : vector<16xf32>
        %get3A_954 = arith.index_cast %scan3A_795 : i32 to index
        %get3A_955 = arith.constant 352 : index
        %get3A_956 = tpu.vector_load %arg15[%get3A_954, %get3A_955] {strides = array<i32>} : memref<32x768xf32, #tpu.memory_space<vmem>>, vector<1x16xf32>,
        %get3A_957 = vector.shape_cast %get3A_956 : vector<1x16xf32> to vector<16xf32>
        %add3A_958 = arith.addf %scan3A_818, %get3A_957 : vector<16xf32>
        %get3A_959 = arith.index_cast %scan3A_795 : i32 to index
        %get3A_960 = arith.constant 368 : index
        %get3A_961 = tpu.vector_load %arg15[%get3A_959, %get3A_960] {strides = array<i32>} : memref<32x768xf32, #tpu.memory_space<vmem>>, vector<1x16xf32>,
        %get3A_962 = vector.shape_cast %get3A_961 : vector<1x16xf32> to vector<16xf32>
        %add3A_963 = arith.addf %scan3A_819, %get3A_962 : vector<16xf32>
        %get3A_964 = arith.index_cast %scan3A_795 : i32 to index
        %get3A_965 = arith.constant 384 : index
        %get3A_966 = tpu.vector_load %arg15[%get3A_964, %get3A_965] {strides = array<i32>} : memref<32x768xf32, #tpu.memory_space<vmem>>, vector<1x16xf32>,
        %get3A_967 = vector.shape_cast %get3A_966 : vector<1x16xf32> to vector<16xf32>
        %add3A_968 = arith.addf %scan3A_820, %get3A_967 : vector<16xf32>
        %get3A_969 = arith.index_cast %scan3A_795 : i32 to index
        %get3A_970 = arith.constant 400 : index
        %get3A_971 = tpu.vector_load %arg15[%get3A_969, %get3A_970] {strides = array<i32>} : memref<32x768xf32, #tpu.memory_space<vmem>>, vector<1x16xf32>,
        %get3A_972 = vector.shape_cast %get3A_971 : vector<1x16xf32> to vector<16xf32>
        %add3A_973 = arith.addf %scan3A_821, %get3A_972 : vector<16xf32>
        %get3A_974 = arith.index_cast %scan3A_795 : i32 to index
        %get3A_975 = arith.constant 416 : index
        %get3A_976 = tpu.vector_load %arg15[%get3A_974, %get3A_975] {strides = array<i32>} : memref<32x768xf32, #tpu.memory_space<vmem>>, vector<1x16xf32>,
        %get3A_977 = vector.shape_cast %get3A_976 : vector<1x16xf32> to vector<16xf32>
        %add3A_978 = arith.addf %scan3A_822, %get3A_977 : vector<16xf32>
        %get3A_979 = arith.index_cast %scan3A_795 : i32 to index
        %get3A_980 = arith.constant 432 : index
        %get3A_981 = tpu.vector_load %arg15[%get3A_979, %get3A_980] {strides = array<i32>} : memref<32x768xf32, #tpu.memory_space<vmem>>, vector<1x16xf32>,
        %get3A_982 = vector.shape_cast %get3A_981 : vector<1x16xf32> to vector<16xf32>
        %add3A_983 = arith.addf %scan3A_823, %get3A_982 : vector<16xf32>
        %get3A_984 = arith.index_cast %scan3A_795 : i32 to index
        %get3A_985 = arith.constant 448 : index
        %get3A_986 = tpu.vector_load %arg15[%get3A_984, %get3A_985] {strides = array<i32>} : memref<32x768xf32, #tpu.memory_space<vmem>>, vector<1x16xf32>,
        %get3A_987 = vector.shape_cast %get3A_986 : vector<1x16xf32> to vector<16xf32>
        %add3A_988 = arith.addf %scan3A_824, %get3A_987 : vector<16xf32>
        %get3A_989 = arith.index_cast %scan3A_795 : i32 to index
        %get3A_990 = arith.constant 464 : index
        %get3A_991 = tpu.vector_load %arg15[%get3A_989, %get3A_990] {strides = array<i32>} : memref<32x768xf32, #tpu.memory_space<vmem>>, vector<1x16xf32>,
        %get3A_992 = vector.shape_cast %get3A_991 : vector<1x16xf32> to vector<16xf32>
        %add3A_993 = arith.addf %scan3A_825, %get3A_992 : vector<16xf32>
        %get3A_994 = arith.index_cast %scan3A_795 : i32 to index
        %get3A_995 = arith.constant 480 : index
        %get3A_996 = tpu.vector_load %arg15[%get3A_994, %get3A_995] {strides = array<i32>} : memref<32x768xf32, #tpu.memory_space<vmem>>, vector<1x16xf32>,
        %get3A_997 = vector.shape_cast %get3A_996 : vector<1x16xf32> to vector<16xf32>
        %add3A_998 = arith.addf %scan3A_826, %get3A_997 : vector<16xf32>
        %get3A_999 = arith.index_cast %scan3A_795 : i32 to index
        %get3A_1000 = arith.constant 496 : index
        %get3A_1001 = tpu.vector_load %arg15[%get3A_999, %get3A_1000] {strides = array<i32>} : memref<32x768xf32, #tpu.memory_space<vmem>>, vector<1x16xf32>,
        %get3A_1002 = vector.shape_cast %get3A_1001 : vector<1x16xf32> to vector<16xf32>
        %add3A_1003 = arith.addf %scan3A_827, %get3A_1002 : vector<16xf32>
        %get3A_1004 = arith.index_cast %scan3A_795 : i32 to index
        %get3A_1005 = arith.constant 512 : index
        %get3A_1006 = tpu.vector_load %arg15[%get3A_1004, %get3A_1005] {strides = array<i32>} : memref<32x768xf32, #tpu.memory_space<vmem>>, vector<1x16xf32>,
        %get3A_1007 = vector.shape_cast %get3A_1006 : vector<1x16xf32> to vector<16xf32>
        %add3A_1008 = arith.addf %scan3A_828, %get3A_1007 : vector<16xf32>
        %get3A_1009 = arith.index_cast %scan3A_795 : i32 to index
        %get3A_1010 = arith.constant 528 : index
        %get3A_1011 = tpu.vector_load %arg15[%get3A_1009, %get3A_1010] {strides = array<i32>} : memref<32x768xf32, #tpu.memory_space<vmem>>, vector<1x16xf32>,
        %get3A_1012 = vector.shape_cast %get3A_1011 : vector<1x16xf32> to vector<16xf32>
        %add3A_1013 = arith.addf %scan3A_829, %get3A_1012 : vector<16xf32>
        %get3A_1014 = arith.index_cast %scan3A_795 : i32 to index
        %get3A_1015 = arith.constant 544 : index
        %get3A_1016 = tpu.vector_load %arg15[%get3A_1014, %get3A_1015] {strides = array<i32>} : memref<32x768xf32, #tpu.memory_space<vmem>>, vector<1x16xf32>,
        %get3A_1017 = vector.shape_cast %get3A_1016 : vector<1x16xf32> to vector<16xf32>
        %add3A_1018 = arith.addf %scan3A_830, %get3A_1017 : vector<16xf32>
        %get3A_1019 = arith.index_cast %scan3A_795 : i32 to index
        %get3A_1020 = arith.constant 560 : index
        %get3A_1021 = tpu.vector_load %arg15[%get3A_1019, %get3A_1020] {strides = array<i32>} : memref<32x768xf32, #tpu.memory_space<vmem>>, vector<1x16xf32>,
        %get3A_1022 = vector.shape_cast %get3A_1021 : vector<1x16xf32> to vector<16xf32>
        %add3A_1023 = arith.addf %scan3A_831, %get3A_1022 : vector<16xf32>
        %get3A_1024 = arith.index_cast %scan3A_795 : i32 to index
        %get3A_1025 = arith.constant 576 : index
        %get3A_1026 = tpu.vector_load %arg15[%get3A_1024, %get3A_1025] {strides = array<i32>} : memref<32x768xf32, #tpu.memory_space<vmem>>, vector<1x16xf32>,
        %get3A_1027 = vector.shape_cast %get3A_1026 : vector<1x16xf32> to vector<16xf32>
        %add3A_1028 = arith.addf %scan3A_832, %get3A_1027 : vector<16xf32>
        %get3A_1029 = arith.index_cast %scan3A_795 : i32 to index
        %get3A_1030 = arith.constant 592 : index
        %get3A_1031 = tpu.vector_load %arg15[%get3A_1029, %get3A_1030] {strides = array<i32>} : memref<32x768xf32, #tpu.memory_space<vmem>>, vector<1x16xf32>,
        %get3A_1032 = vector.shape_cast %get3A_1031 : vector<1x16xf32> to vector<16xf32>
        %add3A_1033 = arith.addf %scan3A_833, %get3A_1032 : vector<16xf32>
        %get3A_1034 = arith.index_cast %scan3A_795 : i32 to index
        %get3A_1035 = arith.constant 608 : index
        %get3A_1036 = tpu.vector_load %arg15[%get3A_1034, %get3A_1035] {strides = array<i32>} : memref<32x768xf32, #tpu.memory_space<vmem>>, vector<1x16xf32>,
        %get3A_1037 = vector.shape_cast %get3A_1036 : vector<1x16xf32> to vector<16xf32>
        %add3A_1038 = arith.addf %scan3A_834, %get3A_1037 : vector<16xf32>
        %get3A_1039 = arith.index_cast %scan3A_795 : i32 to index
        %get3A_1040 = arith.constant 624 : index
        %get3A_1041 = tpu.vector_load %arg15[%get3A_1039, %get3A_1040] {strides = array<i32>} : memref<32x768xf32, #tpu.memory_space<vmem>>, vector<1x16xf32>,
        %get3A_1042 = vector.shape_cast %get3A_1041 : vector<1x16xf32> to vector<16xf32>
        %add3A_1043 = arith.addf %scan3A_835, %get3A_1042 : vector<16xf32>
        %get3A_1044 = arith.index_cast %scan3A_795 : i32 to index
        %get3A_1045 = arith.constant 640 : index
        %get3A_1046 = tpu.vector_load %arg15[%get3A_1044, %get3A_1045] {strides = array<i32>} : memref<32x768xf32, #tpu.memory_space<vmem>>, vector<1x16xf32>,
        %get3A_1047 = vector.shape_cast %get3A_1046 : vector<1x16xf32> to vector<16xf32>
        %add3A_1048 = arith.addf %scan3A_836, %get3A_1047 : vector<16xf32>
        %get3A_1049 = arith.index_cast %scan3A_795 : i32 to index
        %get3A_1050 = arith.constant 656 : index
        %get3A_1051 = tpu.vector_load %arg15[%get3A_1049, %get3A_1050] {strides = array<i32>} : memref<32x768xf32, #tpu.memory_space<vmem>>, vector<1x16xf32>,
        %get3A_1052 = vector.shape_cast %get3A_1051 : vector<1x16xf32> to vector<16xf32>
        %add3A_1053 = arith.addf %scan3A_837, %get3A_1052 : vector<16xf32>
        %get3A_1054 = arith.index_cast %scan3A_795 : i32 to index
        %get3A_1055 = arith.constant 672 : index
        %get3A_1056 = tpu.vector_load %arg15[%get3A_1054, %get3A_1055] {strides = array<i32>} : memref<32x768xf32, #tpu.memory_space<vmem>>, vector<1x16xf32>,
        %get3A_1057 = vector.shape_cast %get3A_1056 : vector<1x16xf32> to vector<16xf32>
        %add3A_1058 = arith.addf %scan3A_838, %get3A_1057 : vector<16xf32>
        %get3A_1059 = arith.index_cast %scan3A_795 : i32 to index
        %get3A_1060 = arith.constant 688 : index
        %get3A_1061 = tpu.vector_load %arg15[%get3A_1059, %get3A_1060] {strides = array<i32>} : memref<32x768xf32, #tpu.memory_space<vmem>>, vector<1x16xf32>,
        %get3A_1062 = vector.shape_cast %get3A_1061 : vector<1x16xf32> to vector<16xf32>
        %add3A_1063 = arith.addf %scan3A_839, %get3A_1062 : vector<16xf32>
        %get3A_1064 = arith.index_cast %scan3A_795 : i32 to index
        %get3A_1065 = arith.constant 704 : index
        %get3A_1066 = tpu.vector_load %arg15[%get3A_1064, %get3A_1065] {strides = array<i32>} : memref<32x768xf32, #tpu.memory_space<vmem>>, vector<1x16xf32>,
        %get3A_1067 = vector.shape_cast %get3A_1066 : vector<1x16xf32> to vector<16xf32>
        %add3A_1068 = arith.addf %scan3A_840, %get3A_1067 : vector<16xf32>
        %get3A_1069 = arith.index_cast %scan3A_795 : i32 to index
        %get3A_1070 = arith.constant 720 : index
        %get3A_1071 = tpu.vector_load %arg15[%get3A_1069, %get3A_1070] {strides = array<i32>} : memref<32x768xf32, #tpu.memory_space<vmem>>, vector<1x16xf32>,
        %get3A_1072 = vector.shape_cast %get3A_1071 : vector<1x16xf32> to vector<16xf32>
        %add3A_1073 = arith.addf %scan3A_841, %get3A_1072 : vector<16xf32>
        %get3A_1074 = arith.index_cast %scan3A_795 : i32 to index
        %get3A_1075 = arith.constant 736 : index
        %get3A_1076 = tpu.vector_load %arg15[%get3A_1074, %get3A_1075] {strides = array<i32>} : memref<32x768xf32, #tpu.memory_space<vmem>>, vector<1x16xf32>,
        %get3A_1077 = vector.shape_cast %get3A_1076 : vector<1x16xf32> to vector<16xf32>
        %add3A_1078 = arith.addf %scan3A_842, %get3A_1077 : vector<16xf32>
        %get3A_1079 = arith.index_cast %scan3A_795 : i32 to index
        %get3A_1080 = arith.constant 752 : index
        %get3A_1081 = tpu.vector_load %arg15[%get3A_1079, %get3A_1080] {strides = array<i32>} : memref<32x768xf32, #tpu.memory_space<vmem>>, vector<1x16xf32>,
        %get3A_1082 = vector.shape_cast %get3A_1081 : vector<1x16xf32> to vector<16xf32>
        %add3A_1083 = arith.addf %scan3A_843, %get3A_1082 : vector<16xf32>
        scf.yield %add3A_848, %add3A_853, %add3A_858, %add3A_863, %add3A_868, %add3A_873, %add3A_878, %add3A_883, %add3A_888, %add3A_893, %add3A_898, %add3A_903, %add3A_908, %add3A_913, %add3A_918, %add3A_923, %add3A_928, %add3A_933, %add3A_938, %add3A_943, %add3A_948, %add3A_953, %add3A_958, %add3A_963, %add3A_968, %add3A_973, %add3A_978, %add3A_983, %add3A_988, %add3A_993, %add3A_998, %add3A_1003, %add3A_1008, %add3A_1013, %add3A_1018, %add3A_1023, %add3A_1028, %add3A_1033, %add3A_1038, %add3A_1043, %add3A_1048, %add3A_1053, %add3A_1058, %add3A_1063, %add3A_1068, %add3A_1073, %add3A_1078, %add3A_1083 : vector<16xf32>, vector<16xf32>, vector<16xf32>, vector<16xf32>, vector<16xf32>, vector<16xf32>, vector<16xf32>, vector<16xf32>, vector<16xf32>, vector<16xf32>, vector<16xf32>, vector<16xf32>, vector<16xf32>, vector<16xf32>, vector<16xf32>, vector<16xf32>, vector<16xf32>, vector<16xf32>, vector<16xf32>, vector<16xf32>, vector<16xf32>, vector<16xf32>, vector<16xf32>, vector<16xf32>, vector<16xf32>, vector<16xf32>, vector<16xf32>, vector<16xf32>, vector<16xf32>, vector<16xf32>, vector<16xf32>, vector<16xf32>, vector<16xf32>, vector<16xf32>, vector<16xf32>, vector<16xf32>, vector<16xf32>, vector<16xf32>, vector<16xf32>, vector<16xf32>, vector<16xf32>, vector<16xf32>, vector<16xf32>, vector<16xf32>, vector<16xf32>, vector<16xf32>, vector<16xf32>, vector<16xf32>
      }
      %scan3A_781 = arith.constant 32 : i32
      %mul3A_782 = arith.constant 4 : i32
      %mul3A_783 = arith.muli %scan3A_646, %mul3A_782 : i32
      %add3A_784 = arith.constant 4 : i32
      %add3A_785 = arith.addi %mul3A_783, %add3A_784 : i32
      %add3A_786 = arith.constant 3 : i32
      %add3A_787 = arith.addi %add3A_785, %add3A_786 : i32
      %mul3A_788 = arith.constant 32 : i32
      %mul3A_789 = arith.muli %add3A_787, %mul3A_788 : i32
      %multiple_of3A_790 = tpu.assume_multiple %mul3A_789, 32 : i32
      %dma_start3A_791 = tpu.memref_slice %arg11[%multiple_of3A_790] : memref<3456xi32, #tpu.memory_space<vmem>> -> memref<32xi32, #tpu.memory_space<vmem>>
      %dma_start3A_792 = arith.constant 0 : i32
      %dma_start3A_793 = arith.constant 0 : i32
      %dma_start3A_794 = tpu.memref_slice %arg6[%dma_start3A_792, %dma_start3A_793] : memref<100000x768xf32, #tpu.memory_space<hbm>> -> memref<100000x768xf32, #tpu.memory_space<hbm>>
      tpu.enqueue_indirect_dma source(%dma_start3A_794 : memref<100000x768xf32, #tpu.memory_space<hbm>>) target(%arg15 : memref<32x768xf32, #tpu.memory_space<vmem>>) offsets(%dma_start3A_791 : memref<32xi32, #tpu.memory_space<vmem>>) semaphore(%arg25 : memref<!tpu.dma_semaphore, #tpu.memory_space<semaphore_mem>>)
      scf.yield %scan3A_780#0, %scan3A_780#1, %scan3A_780#2, %scan3A_780#3, %scan3A_780#4, %scan3A_780#5, %scan3A_780#6, %scan3A_780#7, %scan3A_780#8, %scan3A_780#9, %scan3A_780#10, %scan3A_780#11, %scan3A_780#12, %scan3A_780#13, %scan3A_780#14, %scan3A_780#15, %scan3A_780#16, %scan3A_780#17, %scan3A_780#18, %scan3A_780#19, %scan3A_780#20, %scan3A_780#21, %scan3A_780#22, %scan3A_780#23, %scan3A_780#24, %scan3A_780#25, %scan3A_780#26, %scan3A_780#27, %scan3A_780#28, %scan3A_780#29, %scan3A_780#30, %scan3A_780#31, %scan3A_780#32, %scan3A_780#33, %scan3A_780#34, %scan3A_780#35, %scan3A_780#36, %scan3A_780#37, %scan3A_780#38, %scan3A_780#39, %scan3A_780#40, %scan3A_780#41, %scan3A_780#42, %scan3A_780#43, %scan3A_780#44, %scan3A_780#45, %scan3A_780#46, %scan3A_780#47 : vector<16xf32>, vector<16xf32>, vector<16xf32>, vector<16xf32>, vector<16xf32>, vector<16xf32>, vector<16xf32>, vector<16xf32>, vector<16xf32>, vector<16xf32>, vector<16xf32>, vector<16xf32>, vector<16xf32>, vector<16xf32>, vector<16xf32>, vector<16xf32>, vector<16xf32>, vector<16xf32>, vector<16xf32>, vector<16xf32>, vector<16xf32>, vector<16xf32>, vector<16xf32>, vector<16xf32>, vector<16xf32>, vector<16xf32>, vector<16xf32>, vector<16xf32>, vector<16xf32>, vector<16xf32>, vector<16xf32>, vector<16xf32>, vector<16xf32>, vector<16xf32>, vector<16xf32>, vector<16xf32>, vector<16xf32>, vector<16xf32>, vector<16xf32>, vector<16xf32>, vector<16xf32>, vector<16xf32>, vector<16xf32>, vector<16xf32>, vector<16xf32>, vector<16xf32>, vector<16xf32>, vector<16xf32>
    }
    %scan3A_148 = arith.constant 24 : i32
    %dma_wait3A = arith.constant 0 : i32
    %dma_wait3A_149 = arith.constant 0 : i32
    %dma_wait3A_150 = tpu.memref_slice %arg6[%dma_wait3A, %dma_wait3A_149] : memref<100000x768xf32, #tpu.memory_space<hbm>> -> memref<32x768xf32, #tpu.memory_space<hbm>>
    %dma_wait3A_151 = arith.constant 0 : i32
    %dma_wait3A_152 = arith.constant 0 : i32
    %dma_wait3A_153 = tpu.memref_slice %arg6[%dma_wait3A_151, %dma_wait3A_152] : memref<100000x768xf32, #tpu.memory_space<hbm>> -> memref<32x768xf32, #tpu.memory_space<hbm>>
    tpu.wait_dma2 semaphore(%arg22 : memref<!tpu.dma_semaphore, #tpu.memory_space<semaphore_mem>>) src(%dma_wait3A_153 : memref<32x768xf32, #tpu.memory_space<hbm>>) dst(%arg12 : memref<32x768xf32, #tpu.memory_space<vmem>>)
    %scan3A_154 = arith.constant 0 : i32
    %scan3A_155 = arith.constant 32 : i32
    %scan3A_156 = arith.addi %scan3A_154, %scan3A_155 : i32
    %scan3A_157 = arith.constant 1 : i32
    %scan3A_158:48 = scf.for %scan3A_646 = %scan3A_154 to %scan3A_156 step %scan3A_157 iter_args(%scan3A_647 = %scan3A_147#0, %scan3A_648 = %scan3A_147#1, %scan3A_649 = %scan3A_147#2, %scan3A_650 = %scan3A_147#3, %scan3A_651 = %scan3A_147#4, %scan3A_652 = %scan3A_147#5, %scan3A_653 = %scan3A_147#6, %scan3A_654 = %scan3A_147#7, %scan3A_655 = %scan3A_147#8, %scan3A_656 = %scan3A_147#9, %scan3A_657 = %scan3A_147#10, %scan3A_658 = %scan3A_147#11, %scan3A_659 = %scan3A_147#12, %scan3A_660 = %scan3A_147#13, %scan3A_661 = %scan3A_147#14, %scan3A_662 = %scan3A_147#15, %scan3A_663 = %scan3A_147#16, %scan3A_664 = %scan3A_147#17, %scan3A_665 = %scan3A_147#18, %scan3A_666 = %scan3A_147#19, %scan3A_667 = %scan3A_147#20, %scan3A_668 = %scan3A_147#21, %scan3A_669 = %scan3A_147#22, %scan3A_670 = %scan3A_147#23, %scan3A_671 = %scan3A_147#24, %scan3A_672 = %scan3A_147#25, %scan3A_673 = %scan3A_147#26, %scan3A_674 = %scan3A_147#27, %scan3A_675 = %scan3A_147#28, %scan3A_676 = %scan3A_147#29, %scan3A_677 = %scan3A_147#30, %scan3A_678 = %scan3A_147#31, %scan3A_679 = %scan3A_147#32, %scan3A_680 = %scan3A_147#33, %scan3A_681 = %scan3A_147#34, %scan3A_682 = %scan3A_147#35, %scan3A_683 = %scan3A_147#36, %scan3A_684 = %scan3A_147#37, %scan3A_685 = %scan3A_147#38, %scan3A_686 = %scan3A_147#39, %scan3A_687 = %scan3A_147#40, %scan3A_688 = %scan3A_147#41, %scan3A_689 = %scan3A_147#42, %scan3A_690 = %scan3A_147#43, %scan3A_691 = %scan3A_147#44, %scan3A_692 = %scan3A_147#45, %scan3A_693 = %scan3A_147#46, %scan3A_694 = %scan3A_147#47) -> (vector<16xf32>, vector<16xf32>, vector<16xf32>, vector<16xf32>, vector<16xf32>, vector<16xf32>, vector<16xf32>, vector<16xf32>, vector<16xf32>, vector<16xf32>, vector<16xf32>, vector<16xf32>, vector<16xf32>, vector<16xf32>, vector<16xf32>, vector<16xf32>, vector<16xf32>, vector<16xf32>, vector<16xf32>, vector<16xf32>, vector<16xf32>, vector<16xf32>, vector<16xf32>, vector<16xf32>, vector<16xf32>, vector<16xf32>, vector<16xf32>, vector<16xf32>, vector<16xf32>, vector<16xf32>, vector<16xf32>, vector<16xf32>, vector<16xf32>, vector<16xf32>, vector<16xf32>, vector<16xf32>, vector<16xf32>, vector<16xf32>, vector<16xf32>, vector<16xf32>, vector<16xf32>, vector<16xf32>, vector<16xf32>, vector<16xf32>, vector<16xf32>, vector<16xf32>, vector<16xf32>, vector<16xf32>)  : i32 {
      %get3A_695 = arith.index_cast %scan3A_646 : i32 to index
      %get3A_696 = arith.constant 0 : index
      %get3A_697 = tpu.vector_load %arg12[%get3A_695, %get3A_696] {strides = array<i32>} : memref<32x768xf32, #tpu.memory_space<vmem>>, vector<1x16xf32>,
      %get3A_698 = vector.shape_cast %get3A_697 : vector<1x16xf32> to vector<16xf32>
      %add3A_699 = arith.addf %scan3A_647, %get3A_698 : vector<16xf32>
      %get3A_700 = arith.index_cast %scan3A_646 : i32 to index
      %get3A_701 = arith.constant 16 : index
      %get3A_702 = tpu.vector_load %arg12[%get3A_700, %get3A_701] {strides = array<i32>} : memref<32x768xf32, #tpu.memory_space<vmem>>, vector<1x16xf32>,
      %get3A_703 = vector.shape_cast %get3A_702 : vector<1x16xf32> to vector<16xf32>
      %add3A_704 = arith.addf %scan3A_648, %get3A_703 : vector<16xf32>
      %get3A_705 = arith.index_cast %scan3A_646 : i32 to index
      %get3A_706 = arith.constant 32 : index
      %get3A_707 = tpu.vector_load %arg12[%get3A_705, %get3A_706] {strides = array<i32>} : memref<32x768xf32, #tpu.memory_space<vmem>>, vector<1x16xf32>,
      %get3A_708 = vector.shape_cast %get3A_707 : vector<1x16xf32> to vector<16xf32>
      %add3A_709 = arith.addf %scan3A_649, %get3A_708 : vector<16xf32>
      %get3A_710 = arith.index_cast %scan3A_646 : i32 to index
      %get3A_711 = arith.constant 48 : index
      %get3A_712 = tpu.vector_load %arg12[%get3A_710, %get3A_711] {strides = array<i32>} : memref<32x768xf32, #tpu.memory_space<vmem>>, vector<1x16xf32>,
      %get3A_713 = vector.shape_cast %get3A_712 : vector<1x16xf32> to vector<16xf32>
      %add3A_714 = arith.addf %scan3A_650, %get3A_713 : vector<16xf32>
      %get3A_715 = arith.index_cast %scan3A_646 : i32 to index
      %get3A_716 = arith.constant 64 : index
      %get3A_717 = tpu.vector_load %arg12[%get3A_715, %get3A_716] {strides = array<i32>} : memref<32x768xf32, #tpu.memory_space<vmem>>, vector<1x16xf32>,
      %get3A_718 = vector.shape_cast %get3A_717 : vector<1x16xf32> to vector<16xf32>
      %add3A_719 = arith.addf %scan3A_651, %get3A_718 : vector<16xf32>
      %get3A_720 = arith.index_cast %scan3A_646 : i32 to index
      %get3A_721 = arith.constant 80 : index
      %get3A_722 = tpu.vector_load %arg12[%get3A_720, %get3A_721] {strides = array<i32>} : memref<32x768xf32, #tpu.memory_space<vmem>>, vector<1x16xf32>,
      %get3A_723 = vector.shape_cast %get3A_722 : vector<1x16xf32> to vector<16xf32>
      %add3A_724 = arith.addf %scan3A_652, %get3A_723 : vector<16xf32>
      %get3A_725 = arith.index_cast %scan3A_646 : i32 to index
      %get3A_726 = arith.constant 96 : index
      %get3A_727 = tpu.vector_load %arg12[%get3A_725, %get3A_726] {strides = array<i32>} : memref<32x768xf32, #tpu.memory_space<vmem>>, vector<1x16xf32>,
      %get3A_728 = vector.shape_cast %get3A_727 : vector<1x16xf32> to vector<16xf32>
      %add3A_729 = arith.addf %scan3A_653, %get3A_728 : vector<16xf32>
      %get3A_730 = arith.index_cast %scan3A_646 : i32 to index
      %get3A_731 = arith.constant 112 : index
      %get3A_732 = tpu.vector_load %arg12[%get3A_730, %get3A_731] {strides = array<i32>} : memref<32x768xf32, #tpu.memory_space<vmem>>, vector<1x16xf32>,
      %get3A_733 = vector.shape_cast %get3A_732 : vector<1x16xf32> to vector<16xf32>
      %add3A_734 = arith.addf %scan3A_654, %get3A_733 : vector<16xf32>
      %get3A_735 = arith.index_cast %scan3A_646 : i32 to index
      %get3A_736 = arith.constant 128 : index
      %get3A_737 = tpu.vector_load %arg12[%get3A_735, %get3A_736] {strides = array<i32>} : memref<32x768xf32, #tpu.memory_space<vmem>>, vector<1x16xf32>,
      %get3A_738 = vector.shape_cast %get3A_737 : vector<1x16xf32> to vector<16xf32>
      %add3A_739 = arith.addf %scan3A_655, %get3A_738 : vector<16xf32>
      %get3A_740 = arith.index_cast %scan3A_646 : i32 to index
      %get3A_741 = arith.constant 144 : index
      %get3A_742 = tpu.vector_load %arg12[%get3A_740, %get3A_741] {strides = array<i32>} : memref<32x768xf32, #tpu.memory_space<vmem>>, vector<1x16xf32>,
      %get3A_743 = vector.shape_cast %get3A_742 : vector<1x16xf32> to vector<16xf32>
      %add3A_744 = arith.addf %scan3A_656, %get3A_743 : vector<16xf32>
      %get3A_745 = arith.index_cast %scan3A_646 : i32 to index
      %get3A_746 = arith.constant 160 : index
      %get3A_747 = tpu.vector_load %arg12[%get3A_745, %get3A_746] {strides = array<i32>} : memref<32x768xf32, #tpu.memory_space<vmem>>, vector<1x16xf32>,
      %get3A_748 = vector.shape_cast %get3A_747 : vector<1x16xf32> to vector<16xf32>
      %add3A_749 = arith.addf %scan3A_657, %get3A_748 : vector<16xf32>
      %get3A_750 = arith.index_cast %scan3A_646 : i32 to index
      %get3A_751 = arith.constant 176 : index
      %get3A_752 = tpu.vector_load %arg12[%get3A_750, %get3A_751] {strides = array<i32>} : memref<32x768xf32, #tpu.memory_space<vmem>>, vector<1x16xf32>,
      %get3A_753 = vector.shape_cast %get3A_752 : vector<1x16xf32> to vector<16xf32>
      %add3A_754 = arith.addf %scan3A_658, %get3A_753 : vector<16xf32>
      %get3A_755 = arith.index_cast %scan3A_646 : i32 to index
      %get3A_756 = arith.constant 192 : index
      %get3A_757 = tpu.vector_load %arg12[%get3A_755, %get3A_756] {strides = array<i32>} : memref<32x768xf32, #tpu.memory_space<vmem>>, vector<1x16xf32>,
      %get3A_758 = vector.shape_cast %get3A_757 : vector<1x16xf32> to vector<16xf32>
      %add3A_759 = arith.addf %scan3A_659, %get3A_758 : vector<16xf32>
      %get3A_760 = arith.index_cast %scan3A_646 : i32 to index
      %get3A_761 = arith.constant 208 : index
      %get3A_762 = tpu.vector_load %arg12[%get3A_760, %get3A_761] {strides = array<i32>} : memref<32x768xf32, #tpu.memory_space<vmem>>, vector<1x16xf32>,
      %get3A_763 = vector.shape_cast %get3A_762 : vector<1x16xf32> to vector<16xf32>
      %add3A_764 = arith.addf %scan3A_660, %get3A_763 : vector<16xf32>
      %get3A_765 = arith.index_cast %scan3A_646 : i32 to index
      %get3A_766 = arith.constant 224 : index
      %get3A_767 = tpu.vector_load %arg12[%get3A_765, %get3A_766] {strides = array<i32>} : memref<32x768xf32, #tpu.memory_space<vmem>>, vector<1x16xf32>,
      %get3A_768 = vector.shape_cast %get3A_767 : vector<1x16xf32> to vector<16xf32>
      %add3A_769 = arith.addf %scan3A_661, %get3A_768 : vector<16xf32>
      %get3A_770 = arith.index_cast %scan3A_646 : i32 to index
      %get3A_771 = arith.constant 240 : index
      %get3A_772 = tpu.vector_load %arg12[%get3A_770, %get3A_771] {strides = array<i32>} : memref<32x768xf32, #tpu.memory_space<vmem>>, vector<1x16xf32>,
      %get3A_773 = vector.shape_cast %get3A_772 : vector<1x16xf32> to vector<16xf32>
      %add3A_774 = arith.addf %scan3A_662, %get3A_773 : vector<16xf32>
      %get3A_775 = arith.index_cast %scan3A_646 : i32 to index
      %get3A_776 = arith.constant 256 : index
      %get3A_777 = tpu.vector_load %arg12[%get3A_775, %get3A_776] {strides = array<i32>} : memref<32x768xf32, #tpu.memory_space<vmem>>, vector<1x16xf32>,
      %get3A_778 = vector.shape_cast %get3A_777 : vector<1x16xf32> to vector<16xf32>
      %add3A_779 = arith.addf %scan3A_663, %get3A_778 : vector<16xf32>
      %get3A_780 = arith.index_cast %scan3A_646 : i32 to index
      %get3A_781 = arith.constant 272 : index
      %get3A_782 = tpu.vector_load %arg12[%get3A_780, %get3A_781] {strides = array<i32>} : memref<32x768xf32, #tpu.memory_space<vmem>>, vector<1x16xf32>,
      %get3A_783 = vector.shape_cast %get3A_782 : vector<1x16xf32> to vector<16xf32>
      %add3A_784 = arith.addf %scan3A_664, %get3A_783 : vector<16xf32>
      %get3A_785 = arith.index_cast %scan3A_646 : i32 to index
      %get3A_786 = arith.constant 288 : index
      %get3A_787 = tpu.vector_load %arg12[%get3A_785, %get3A_786] {strides = array<i32>} : memref<32x768xf32, #tpu.memory_space<vmem>>, vector<1x16xf32>,
      %get3A_788 = vector.shape_cast %get3A_787 : vector<1x16xf32> to vector<16xf32>
      %add3A_789 = arith.addf %scan3A_665, %get3A_788 : vector<16xf32>
      %get3A_790 = arith.index_cast %scan3A_646 : i32 to index
      %get3A_791 = arith.constant 304 : index
      %get3A_792 = tpu.vector_load %arg12[%get3A_790, %get3A_791] {strides = array<i32>} : memref<32x768xf32, #tpu.memory_space<vmem>>, vector<1x16xf32>,
      %get3A_793 = vector.shape_cast %get3A_792 : vector<1x16xf32> to vector<16xf32>
      %add3A_794 = arith.addf %scan3A_666, %get3A_793 : vector<16xf32>
      %get3A_795 = arith.index_cast %scan3A_646 : i32 to index
      %get3A_796 = arith.constant 320 : index
      %get3A_797 = tpu.vector_load %arg12[%get3A_795, %get3A_796] {strides = array<i32>} : memref<32x768xf32, #tpu.memory_space<vmem>>, vector<1x16xf32>,
      %get3A_798 = vector.shape_cast %get3A_797 : vector<1x16xf32> to vector<16xf32>
      %add3A_799 = arith.addf %scan3A_667, %get3A_798 : vector<16xf32>
      %get3A_800 = arith.index_cast %scan3A_646 : i32 to index
      %get3A_801 = arith.constant 336 : index
      %get3A_802 = tpu.vector_load %arg12[%get3A_800, %get3A_801] {strides = array<i32>} : memref<32x768xf32, #tpu.memory_space<vmem>>, vector<1x16xf32>,
      %get3A_803 = vector.shape_cast %get3A_802 : vector<1x16xf32> to vector<16xf32>
      %add3A_804 = arith.addf %scan3A_668, %get3A_803 : vector<16xf32>
      %get3A_805 = arith.index_cast %scan3A_646 : i32 to index
      %get3A_806 = arith.constant 352 : index
      %get3A_807 = tpu.vector_load %arg12[%get3A_805, %get3A_806] {strides = array<i32>} : memref<32x768xf32, #tpu.memory_space<vmem>>, vector<1x16xf32>,
      %get3A_808 = vector.shape_cast %get3A_807 : vector<1x16xf32> to vector<16xf32>
      %add3A_809 = arith.addf %scan3A_669, %get3A_808 : vector<16xf32>
      %get3A_810 = arith.index_cast %scan3A_646 : i32 to index
      %get3A_811 = arith.constant 368 : index
      %get3A_812 = tpu.vector_load %arg12[%get3A_810, %get3A_811] {strides = array<i32>} : memref<32x768xf32, #tpu.memory_space<vmem>>, vector<1x16xf32>,
      %get3A_813 = vector.shape_cast %get3A_812 : vector<1x16xf32> to vector<16xf32>
      %add3A_814 = arith.addf %scan3A_670, %get3A_813 : vector<16xf32>
      %get3A_815 = arith.index_cast %scan3A_646 : i32 to index
      %get3A_816 = arith.constant 384 : index
      %get3A_817 = tpu.vector_load %arg12[%get3A_815, %get3A_816] {strides = array<i32>} : memref<32x768xf32, #tpu.memory_space<vmem>>, vector<1x16xf32>,
      %get3A_818 = vector.shape_cast %get3A_817 : vector<1x16xf32> to vector<16xf32>
      %add3A_819 = arith.addf %scan3A_671, %get3A_818 : vector<16xf32>
      %get3A_820 = arith.index_cast %scan3A_646 : i32 to index
      %get3A_821 = arith.constant 400 : index
      %get3A_822 = tpu.vector_load %arg12[%get3A_820, %get3A_821] {strides = array<i32>} : memref<32x768xf32, #tpu.memory_space<vmem>>, vector<1x16xf32>,
      %get3A_823 = vector.shape_cast %get3A_822 : vector<1x16xf32> to vector<16xf32>
      %add3A_824 = arith.addf %scan3A_672, %get3A_823 : vector<16xf32>
      %get3A_825 = arith.index_cast %scan3A_646 : i32 to index
      %get3A_826 = arith.constant 416 : index
      %get3A_827 = tpu.vector_load %arg12[%get3A_825, %get3A_826] {strides = array<i32>} : memref<32x768xf32, #tpu.memory_space<vmem>>, vector<1x16xf32>,
      %get3A_828 = vector.shape_cast %get3A_827 : vector<1x16xf32> to vector<16xf32>
      %add3A_829 = arith.addf %scan3A_673, %get3A_828 : vector<16xf32>
      %get3A_830 = arith.index_cast %scan3A_646 : i32 to index
      %get3A_831 = arith.constant 432 : index
      %get3A_832 = tpu.vector_load %arg12[%get3A_830, %get3A_831] {strides = array<i32>} : memref<32x768xf32, #tpu.memory_space<vmem>>, vector<1x16xf32>,
      %get3A_833 = vector.shape_cast %get3A_832 : vector<1x16xf32> to vector<16xf32>
      %add3A_834 = arith.addf %scan3A_674, %get3A_833 : vector<16xf32>
      %get3A_835 = arith.index_cast %scan3A_646 : i32 to index
      %get3A_836 = arith.constant 448 : index
      %get3A_837 = tpu.vector_load %arg12[%get3A_835, %get3A_836] {strides = array<i32>} : memref<32x768xf32, #tpu.memory_space<vmem>>, vector<1x16xf32>,
      %get3A_838 = vector.shape_cast %get3A_837 : vector<1x16xf32> to vector<16xf32>
      %add3A_839 = arith.addf %scan3A_675, %get3A_838 : vector<16xf32>
      %get3A_840 = arith.index_cast %scan3A_646 : i32 to index
      %get3A_841 = arith.constant 464 : index
      %get3A_842 = tpu.vector_load %arg12[%get3A_840, %get3A_841] {strides = array<i32>} : memref<32x768xf32, #tpu.memory_space<vmem>>, vector<1x16xf32>,
      %get3A_843 = vector.shape_cast %get3A_842 : vector<1x16xf32> to vector<16xf32>
      %add3A_844 = arith.addf %scan3A_676, %get3A_843 : vector<16xf32>
      %get3A_845 = arith.index_cast %scan3A_646 : i32 to index
      %get3A_846 = arith.constant 480 : index
      %get3A_847 = tpu.vector_load %arg12[%get3A_845, %get3A_846] {strides = array<i32>} : memref<32x768xf32, #tpu.memory_space<vmem>>, vector<1x16xf32>,
      %get3A_848 = vector.shape_cast %get3A_847 : vector<1x16xf32> to vector<16xf32>
      %add3A_849 = arith.addf %scan3A_677, %get3A_848 : vector<16xf32>
      %get3A_850 = arith.index_cast %scan3A_646 : i32 to index
      %get3A_851 = arith.constant 496 : index
      %get3A_852 = tpu.vector_load %arg12[%get3A_850, %get3A_851] {strides = array<i32>} : memref<32x768xf32, #tpu.memory_space<vmem>>, vector<1x16xf32>,
      %get3A_853 = vector.shape_cast %get3A_852 : vector<1x16xf32> to vector<16xf32>
      %add3A_854 = arith.addf %scan3A_678, %get3A_853 : vector<16xf32>
      %get3A_855 = arith.index_cast %scan3A_646 : i32 to index
      %get3A_856 = arith.constant 512 : index
      %get3A_857 = tpu.vector_load %arg12[%get3A_855, %get3A_856] {strides = array<i32>} : memref<32x768xf32, #tpu.memory_space<vmem>>, vector<1x16xf32>,
      %get3A_858 = vector.shape_cast %get3A_857 : vector<1x16xf32> to vector<16xf32>
      %add3A_859 = arith.addf %scan3A_679, %get3A_858 : vector<16xf32>
      %get3A_860 = arith.index_cast %scan3A_646 : i32 to index
      %get3A_861 = arith.constant 528 : index
      %get3A_862 = tpu.vector_load %arg12[%get3A_860, %get3A_861] {strides = array<i32>} : memref<32x768xf32, #tpu.memory_space<vmem>>, vector<1x16xf32>,
      %get3A_863 = vector.shape_cast %get3A_862 : vector<1x16xf32> to vector<16xf32>
      %add3A_864 = arith.addf %scan3A_680, %get3A_863 : vector<16xf32>
      %get3A_865 = arith.index_cast %scan3A_646 : i32 to index
      %get3A_866 = arith.constant 544 : index
      %get3A_867 = tpu.vector_load %arg12[%get3A_865, %get3A_866] {strides = array<i32>} : memref<32x768xf32, #tpu.memory_space<vmem>>, vector<1x16xf32>,
      %get3A_868 = vector.shape_cast %get3A_867 : vector<1x16xf32> to vector<16xf32>
      %add3A_869 = arith.addf %scan3A_681, %get3A_868 : vector<16xf32>
      %get3A_870 = arith.index_cast %scan3A_646 : i32 to index
      %get3A_871 = arith.constant 560 : index
      %get3A_872 = tpu.vector_load %arg12[%get3A_870, %get3A_871] {strides = array<i32>} : memref<32x768xf32, #tpu.memory_space<vmem>>, vector<1x16xf32>,
      %get3A_873 = vector.shape_cast %get3A_872 : vector<1x16xf32> to vector<16xf32>
      %add3A_874 = arith.addf %scan3A_682, %get3A_873 : vector<16xf32>
      %get3A_875 = arith.index_cast %scan3A_646 : i32 to index
      %get3A_876 = arith.constant 576 : index
      %get3A_877 = tpu.vector_load %arg12[%get3A_875, %get3A_876] {strides = array<i32>} : memref<32x768xf32, #tpu.memory_space<vmem>>, vector<1x16xf32>,
      %get3A_878 = vector.shape_cast %get3A_877 : vector<1x16xf32> to vector<16xf32>
      %add3A_879 = arith.addf %scan3A_683, %get3A_878 : vector<16xf32>
      %get3A_880 = arith.index_cast %scan3A_646 : i32 to index
      %get3A_881 = arith.constant 592 : index
      %get3A_882 = tpu.vector_load %arg12[%get3A_880, %get3A_881] {strides = array<i32>} : memref<32x768xf32, #tpu.memory_space<vmem>>, vector<1x16xf32>,
      %get3A_883 = vector.shape_cast %get3A_882 : vector<1x16xf32> to vector<16xf32>
      %add3A_884 = arith.addf %scan3A_684, %get3A_883 : vector<16xf32>
      %get3A_885 = arith.index_cast %scan3A_646 : i32 to index
      %get3A_886 = arith.constant 608 : index
      %get3A_887 = tpu.vector_load %arg12[%get3A_885, %get3A_886] {strides = array<i32>} : memref<32x768xf32, #tpu.memory_space<vmem>>, vector<1x16xf32>,
      %get3A_888 = vector.shape_cast %get3A_887 : vector<1x16xf32> to vector<16xf32>
      %add3A_889 = arith.addf %scan3A_685, %get3A_888 : vector<16xf32>
      %get3A_890 = arith.index_cast %scan3A_646 : i32 to index
      %get3A_891 = arith.constant 624 : index
      %get3A_892 = tpu.vector_load %arg12[%get3A_890, %get3A_891] {strides = array<i32>} : memref<32x768xf32, #tpu.memory_space<vmem>>, vector<1x16xf32>,
      %get3A_893 = vector.shape_cast %get3A_892 : vector<1x16xf32> to vector<16xf32>
      %add3A_894 = arith.addf %scan3A_686, %get3A_893 : vector<16xf32>
      %get3A_895 = arith.index_cast %scan3A_646 : i32 to index
      %get3A_896 = arith.constant 640 : index
      %get3A_897 = tpu.vector_load %arg12[%get3A_895, %get3A_896] {strides = array<i32>} : memref<32x768xf32, #tpu.memory_space<vmem>>, vector<1x16xf32>,
      %get3A_898 = vector.shape_cast %get3A_897 : vector<1x16xf32> to vector<16xf32>
      %add3A_899 = arith.addf %scan3A_687, %get3A_898 : vector<16xf32>
      %get3A_900 = arith.index_cast %scan3A_646 : i32 to index
      %get3A_901 = arith.constant 656 : index
      %get3A_902 = tpu.vector_load %arg12[%get3A_900, %get3A_901] {strides = array<i32>} : memref<32x768xf32, #tpu.memory_space<vmem>>, vector<1x16xf32>,
      %get3A_903 = vector.shape_cast %get3A_902 : vector<1x16xf32> to vector<16xf32>
      %add3A_904 = arith.addf %scan3A_688, %get3A_903 : vector<16xf32>
      %get3A_905 = arith.index_cast %scan3A_646 : i32 to index
      %get3A_906 = arith.constant 672 : index
      %get3A_907 = tpu.vector_load %arg12[%get3A_905, %get3A_906] {strides = array<i32>} : memref<32x768xf32, #tpu.memory_space<vmem>>, vector<1x16xf32>,
      %get3A_908 = vector.shape_cast %get3A_907 : vector<1x16xf32> to vector<16xf32>
      %add3A_909 = arith.addf %scan3A_689, %get3A_908 : vector<16xf32>
      %get3A_910 = arith.index_cast %scan3A_646 : i32 to index
      %get3A_911 = arith.constant 688 : index
      %get3A_912 = tpu.vector_load %arg12[%get3A_910, %get3A_911] {strides = array<i32>} : memref<32x768xf32, #tpu.memory_space<vmem>>, vector<1x16xf32>,
      %get3A_913 = vector.shape_cast %get3A_912 : vector<1x16xf32> to vector<16xf32>
      %add3A_914 = arith.addf %scan3A_690, %get3A_913 : vector<16xf32>
      %get3A_915 = arith.index_cast %scan3A_646 : i32 to index
      %get3A_916 = arith.constant 704 : index
      %get3A_917 = tpu.vector_load %arg12[%get3A_915, %get3A_916] {strides = array<i32>} : memref<32x768xf32, #tpu.memory_space<vmem>>, vector<1x16xf32>,
      %get3A_918 = vector.shape_cast %get3A_917 : vector<1x16xf32> to vector<16xf32>
      %add3A_919 = arith.addf %scan3A_691, %get3A_918 : vector<16xf32>
      %get3A_920 = arith.index_cast %scan3A_646 : i32 to index
      %get3A_921 = arith.constant 720 : index
      %get3A_922 = tpu.vector_load %arg12[%get3A_920, %get3A_921] {strides = array<i32>} : memref<32x768xf32, #tpu.memory_space<vmem>>, vector<1x16xf32>,
      %get3A_923 = vector.shape_cast %get3A_922 : vector<1x16xf32> to vector<16xf32>
      %add3A_924 = arith.addf %scan3A_692, %get3A_923 : vector<16xf32>
      %get3A_925 = arith.index_cast %scan3A_646 : i32 to index
      %get3A_926 = arith.constant 736 : index
      %get3A_927 = tpu.vector_load %arg12[%get3A_925, %get3A_926] {strides = array<i32>} : memref<32x768xf32, #tpu.memory_space<vmem>>, vector<1x16xf32>,
      %get3A_928 = vector.shape_cast %get3A_927 : vector<1x16xf32> to vector<16xf32>
      %add3A_929 = arith.addf %scan3A_693, %get3A_928 : vector<16xf32>
      %get3A_930 = arith.index_cast %scan3A_646 : i32 to index
      %get3A_931 = arith.constant 752 : index
      %get3A_932 = tpu.vector_load %arg12[%get3A_930, %get3A_931] {strides = array<i32>} : memref<32x768xf32, #tpu.memory_space<vmem>>, vector<1x16xf32>,
      %get3A_933 = vector.shape_cast %get3A_932 : vector<1x16xf32> to vector<16xf32>
      %add3A_934 = arith.addf %scan3A_694, %get3A_933 : vector<16xf32>
      scf.yield %add3A_699, %add3A_704, %add3A_709, %add3A_714, %add3A_719, %add3A_724, %add3A_729, %add3A_734, %add3A_739, %add3A_744, %add3A_749, %add3A_754, %add3A_759, %add3A_764, %add3A_769, %add3A_774, %add3A_779, %add3A_784, %add3A_789, %add3A_794, %add3A_799, %add3A_804, %add3A_809, %add3A_814, %add3A_819, %add3A_824, %add3A_829, %add3A_834, %add3A_839, %add3A_844, %add3A_849, %add3A_854, %add3A_859, %add3A_864, %add3A_869, %add3A_874, %add3A_879, %add3A_884, %add3A_889, %add3A_894, %add3A_899, %add3A_904, %add3A_909, %add3A_914, %add3A_919, %add3A_924, %add3A_929, %add3A_934 : vector<16xf32>, vector<16xf32>, vector<16xf32>, vector<16xf32>, vector<16xf32>, vector<16xf32>, vector<16xf32>, vector<16xf32>, vector<16xf32>, vector<16xf32>, vector<16xf32>, vector<16xf32>, vector<16xf32>, vector<16xf32>, vector<16xf32>, vector<16xf32>, vector<16xf32>, vector<16xf32>, vector<16xf32>, vector<16xf32>, vector<16xf32>, vector<16xf32>, vector<16xf32>, vector<16xf32>, vector<16xf32>, vector<16xf32>, vector<16xf32>, vector<16xf32>, vector<16xf32>, vector<16xf32>, vector<16xf32>, vector<16xf32>, vector<16xf32>, vector<16xf32>, vector<16xf32>, vector<16xf32>, vector<16xf32>, vector<16xf32>, vector<16xf32>, vector<16xf32>, vector<16xf32>, vector<16xf32>, vector<16xf32>, vector<16xf32>, vector<16xf32>, vector<16xf32>, vector<16xf32>, vector<16xf32>
    }
    %scan3A_159 = arith.constant 32 : i32
    %dma_wait3A_160 = arith.constant 0 : i32
    %dma_wait3A_161 = arith.constant 0 : i32
    %dma_wait3A_162 = tpu.memref_slice %arg6[%dma_wait3A_160, %dma_wait3A_161] : memref<100000x768xf32, #tpu.memory_space<hbm>> -> memref<32x768xf32, #tpu.memory_space<hbm>>
    %dma_wait3A_163 = arith.constant 0 : i32
    %dma_wait3A_164 = arith.constant 0 : i32
    %dma_wait3A_165 = tpu.memref_slice %arg6[%dma_wait3A_163, %dma_wait3A_164] : memref<100000x768xf32, #tpu.memory_space<hbm>> -> memref<32x768xf32, #tpu.memory_space<hbm>>
    tpu.wait_dma2 semaphore(%arg23 : memref<!tpu.dma_semaphore, #tpu.memory_space<semaphore_mem>>) src(%dma_wait3A_165 : memref<32x768xf32, #tpu.memory_space<hbm>>) dst(%arg13 : memref<32x768xf32, #tpu.memory_space<vmem>>)
    %scan3A_166 = arith.constant 0 : i32
    %scan3A_167 = arith.constant 32 : i32
    %scan3A_168 = arith.addi %scan3A_166, %scan3A_167 : i32
    %scan3A_169 = arith.constant 1 : i32
    %scan3A_170:48 = scf.for %scan3A_646 = %scan3A_166 to %scan3A_168 step %scan3A_169 iter_args(%scan3A_647 = %scan3A_158#0, %scan3A_648 = %scan3A_158#1, %scan3A_649 = %scan3A_158#2, %scan3A_650 = %scan3A_158#3, %scan3A_651 = %scan3A_158#4, %scan3A_652 = %scan3A_158#5, %scan3A_653 = %scan3A_158#6, %scan3A_654 = %scan3A_158#7, %scan3A_655 = %scan3A_158#8, %scan3A_656 = %scan3A_158#9, %scan3A_657 = %scan3A_158#10, %scan3A_658 = %scan3A_158#11, %scan3A_659 = %scan3A_158#12, %scan3A_660 = %scan3A_158#13, %scan3A_661 = %scan3A_158#14, %scan3A_662 = %scan3A_158#15, %scan3A_663 = %scan3A_158#16, %scan3A_664 = %scan3A_158#17, %scan3A_665 = %scan3A_158#18, %scan3A_666 = %scan3A_158#19, %scan3A_667 = %scan3A_158#20, %scan3A_668 = %scan3A_158#21, %scan3A_669 = %scan3A_158#22, %scan3A_670 = %scan3A_158#23, %scan3A_671 = %scan3A_158#24, %scan3A_672 = %scan3A_158#25, %scan3A_673 = %scan3A_158#26, %scan3A_674 = %scan3A_158#27, %scan3A_675 = %scan3A_158#28, %scan3A_676 = %scan3A_158#29, %scan3A_677 = %scan3A_158#30, %scan3A_678 = %scan3A_158#31, %scan3A_679 = %scan3A_158#32, %scan3A_680 = %scan3A_158#33, %scan3A_681 = %scan3A_158#34, %scan3A_682 = %scan3A_158#35, %scan3A_683 = %scan3A_158#36, %scan3A_684 = %scan3A_158#37, %scan3A_685 = %scan3A_158#38, %scan3A_686 = %scan3A_158#39, %scan3A_687 = %scan3A_158#40, %scan3A_688 = %scan3A_158#41, %scan3A_689 = %scan3A_158#42, %scan3A_690 = %scan3A_158#43, %scan3A_691 = %scan3A_158#44, %scan3A_692 = %scan3A_158#45, %scan3A_693 = %scan3A_158#46, %scan3A_694 = %scan3A_158#47) -> (vector<16xf32>, vector<16xf32>, vector<16xf32>, vector<16xf32>, vector<16xf32>, vector<16xf32>, vector<16xf32>, vector<16xf32>, vector<16xf32>, vector<16xf32>, vector<16xf32>, vector<16xf32>, vector<16xf32>, vector<16xf32>, vector<16xf32>, vector<16xf32>, vector<16xf32>, vector<16xf32>, vector<16xf32>, vector<16xf32>, vector<16xf32>, vector<16xf32>, vector<16xf32>, vector<16xf32>, vector<16xf32>, vector<16xf32>, vector<16xf32>, vector<16xf32>, vector<16xf32>, vector<16xf32>, vector<16xf32>, vector<16xf32>, vector<16xf32>, vector<16xf32>, vector<16xf32>, vector<16xf32>, vector<16xf32>, vector<16xf32>, vector<16xf32>, vector<16xf32>, vector<16xf32>, vector<16xf32>, vector<16xf32>, vector<16xf32>, vector<16xf32>, vector<16xf32>, vector<16xf32>, vector<16xf32>)  : i32 {
      %get3A_695 = arith.index_cast %scan3A_646 : i32 to index
      %get3A_696 = arith.constant 0 : index
      %get3A_697 = tpu.vector_load %arg13[%get3A_695, %get3A_696] {strides = array<i32>} : memref<32x768xf32, #tpu.memory_space<vmem>>, vector<1x16xf32>,
      %get3A_698 = vector.shape_cast %get3A_697 : vector<1x16xf32> to vector<16xf32>
      %add3A_699 = arith.addf %scan3A_647, %get3A_698 : vector<16xf32>
      %get3A_700 = arith.index_cast %scan3A_646 : i32 to index
      %get3A_701 = arith.constant 16 : index
      %get3A_702 = tpu.vector_load %arg13[%get3A_700, %get3A_701] {strides = array<i32>} : memref<32x768xf32, #tpu.memory_space<vmem>>, vector<1x16xf32>,
      %get3A_703 = vector.shape_cast %get3A_702 : vector<1x16xf32> to vector<16xf32>
      %add3A_704 = arith.addf %scan3A_648, %get3A_703 : vector<16xf32>
      %get3A_705 = arith.index_cast %scan3A_646 : i32 to index
      %get3A_706 = arith.constant 32 : index
      %get3A_707 = tpu.vector_load %arg13[%get3A_705, %get3A_706] {strides = array<i32>} : memref<32x768xf32, #tpu.memory_space<vmem>>, vector<1x16xf32>,
      %get3A_708 = vector.shape_cast %get3A_707 : vector<1x16xf32> to vector<16xf32>
      %add3A_709 = arith.addf %scan3A_649, %get3A_708 : vector<16xf32>
      %get3A_710 = arith.index_cast %scan3A_646 : i32 to index
      %get3A_711 = arith.constant 48 : index
      %get3A_712 = tpu.vector_load %arg13[%get3A_710, %get3A_711] {strides = array<i32>} : memref<32x768xf32, #tpu.memory_space<vmem>>, vector<1x16xf32>,
      %get3A_713 = vector.shape_cast %get3A_712 : vector<1x16xf32> to vector<16xf32>
      %add3A_714 = arith.addf %scan3A_650, %get3A_713 : vector<16xf32>
      %get3A_715 = arith.index_cast %scan3A_646 : i32 to index
      %get3A_716 = arith.constant 64 : index
      %get3A_717 = tpu.vector_load %arg13[%get3A_715, %get3A_716] {strides = array<i32>} : memref<32x768xf32, #tpu.memory_space<vmem>>, vector<1x16xf32>,
      %get3A_718 = vector.shape_cast %get3A_717 : vector<1x16xf32> to vector<16xf32>
      %add3A_719 = arith.addf %scan3A_651, %get3A_718 : vector<16xf32>
      %get3A_720 = arith.index_cast %scan3A_646 : i32 to index
      %get3A_721 = arith.constant 80 : index
      %get3A_722 = tpu.vector_load %arg13[%get3A_720, %get3A_721] {strides = array<i32>} : memref<32x768xf32, #tpu.memory_space<vmem>>, vector<1x16xf32>,
      %get3A_723 = vector.shape_cast %get3A_722 : vector<1x16xf32> to vector<16xf32>
      %add3A_724 = arith.addf %scan3A_652, %get3A_723 : vector<16xf32>
      %get3A_725 = arith.index_cast %scan3A_646 : i32 to index
      %get3A_726 = arith.constant 96 : index
      %get3A_727 = tpu.vector_load %arg13[%get3A_725, %get3A_726] {strides = array<i32>} : memref<32x768xf32, #tpu.memory_space<vmem>>, vector<1x16xf32>,
      %get3A_728 = vector.shape_cast %get3A_727 : vector<1x16xf32> to vector<16xf32>
      %add3A_729 = arith.addf %scan3A_653, %get3A_728 : vector<16xf32>
      %get3A_730 = arith.index_cast %scan3A_646 : i32 to index
      %get3A_731 = arith.constant 112 : index
      %get3A_732 = tpu.vector_load %arg13[%get3A_730, %get3A_731] {strides = array<i32>} : memref<32x768xf32, #tpu.memory_space<vmem>>, vector<1x16xf32>,
      %get3A_733 = vector.shape_cast %get3A_732 : vector<1x16xf32> to vector<16xf32>
      %add3A_734 = arith.addf %scan3A_654, %get3A_733 : vector<16xf32>
      %get3A_735 = arith.index_cast %scan3A_646 : i32 to index
      %get3A_736 = arith.constant 128 : index
      %get3A_737 = tpu.vector_load %arg13[%get3A_735, %get3A_736] {strides = array<i32>} : memref<32x768xf32, #tpu.memory_space<vmem>>, vector<1x16xf32>,
      %get3A_738 = vector.shape_cast %get3A_737 : vector<1x16xf32> to vector<16xf32>
      %add3A_739 = arith.addf %scan3A_655, %get3A_738 : vector<16xf32>
      %get3A_740 = arith.index_cast %scan3A_646 : i32 to index
      %get3A_741 = arith.constant 144 : index
      %get3A_742 = tpu.vector_load %arg13[%get3A_740, %get3A_741] {strides = array<i32>} : memref<32x768xf32, #tpu.memory_space<vmem>>, vector<1x16xf32>,
      %get3A_743 = vector.shape_cast %get3A_742 : vector<1x16xf32> to vector<16xf32>
      %add3A_744 = arith.addf %scan3A_656, %get3A_743 : vector<16xf32>
      %get3A_745 = arith.index_cast %scan3A_646 : i32 to index
      %get3A_746 = arith.constant 160 : index
      %get3A_747 = tpu.vector_load %arg13[%get3A_745, %get3A_746] {strides = array<i32>} : memref<32x768xf32, #tpu.memory_space<vmem>>, vector<1x16xf32>,
      %get3A_748 = vector.shape_cast %get3A_747 : vector<1x16xf32> to vector<16xf32>
      %add3A_749 = arith.addf %scan3A_657, %get3A_748 : vector<16xf32>
      %get3A_750 = arith.index_cast %scan3A_646 : i32 to index
      %get3A_751 = arith.constant 176 : index
      %get3A_752 = tpu.vector_load %arg13[%get3A_750, %get3A_751] {strides = array<i32>} : memref<32x768xf32, #tpu.memory_space<vmem>>, vector<1x16xf32>,
      %get3A_753 = vector.shape_cast %get3A_752 : vector<1x16xf32> to vector<16xf32>
      %add3A_754 = arith.addf %scan3A_658, %get3A_753 : vector<16xf32>
      %get3A_755 = arith.index_cast %scan3A_646 : i32 to index
      %get3A_756 = arith.constant 192 : index
      %get3A_757 = tpu.vector_load %arg13[%get3A_755, %get3A_756] {strides = array<i32>} : memref<32x768xf32, #tpu.memory_space<vmem>>, vector<1x16xf32>,
      %get3A_758 = vector.shape_cast %get3A_757 : vector<1x16xf32> to vector<16xf32>
      %add3A_759 = arith.addf %scan3A_659, %get3A_758 : vector<16xf32>
      %get3A_760 = arith.index_cast %scan3A_646 : i32 to index
      %get3A_761 = arith.constant 208 : index
      %get3A_762 = tpu.vector_load %arg13[%get3A_760, %get3A_761] {strides = array<i32>} : memref<32x768xf32, #tpu.memory_space<vmem>>, vector<1x16xf32>,
      %get3A_763 = vector.shape_cast %get3A_762 : vector<1x16xf32> to vector<16xf32>
      %add3A_764 = arith.addf %scan3A_660, %get3A_763 : vector<16xf32>
      %get3A_765 = arith.index_cast %scan3A_646 : i32 to index
      %get3A_766 = arith.constant 224 : index
      %get3A_767 = tpu.vector_load %arg13[%get3A_765, %get3A_766] {strides = array<i32>} : memref<32x768xf32, #tpu.memory_space<vmem>>, vector<1x16xf32>,
      %get3A_768 = vector.shape_cast %get3A_767 : vector<1x16xf32> to vector<16xf32>
      %add3A_769 = arith.addf %scan3A_661, %get3A_768 : vector<16xf32>
      %get3A_770 = arith.index_cast %scan3A_646 : i32 to index
      %get3A_771 = arith.constant 240 : index
      %get3A_772 = tpu.vector_load %arg13[%get3A_770, %get3A_771] {strides = array<i32>} : memref<32x768xf32, #tpu.memory_space<vmem>>, vector<1x16xf32>,
      %get3A_773 = vector.shape_cast %get3A_772 : vector<1x16xf32> to vector<16xf32>
      %add3A_774 = arith.addf %scan3A_662, %get3A_773 : vector<16xf32>
      %get3A_775 = arith.index_cast %scan3A_646 : i32 to index
      %get3A_776 = arith.constant 256 : index
      %get3A_777 = tpu.vector_load %arg13[%get3A_775, %get3A_776] {strides = array<i32>} : memref<32x768xf32, #tpu.memory_space<vmem>>, vector<1x16xf32>,
      %get3A_778 = vector.shape_cast %get3A_777 : vector<1x16xf32> to vector<16xf32>
      %add3A_779 = arith.addf %scan3A_663, %get3A_778 : vector<16xf32>
      %get3A_780 = arith.index_cast %scan3A_646 : i32 to index
      %get3A_781 = arith.constant 272 : index
      %get3A_782 = tpu.vector_load %arg13[%get3A_780, %get3A_781] {strides = array<i32>} : memref<32x768xf32, #tpu.memory_space<vmem>>, vector<1x16xf32>,
      %get3A_783 = vector.shape_cast %get3A_782 : vector<1x16xf32> to vector<16xf32>
      %add3A_784 = arith.addf %scan3A_664, %get3A_783 : vector<16xf32>
      %get3A_785 = arith.index_cast %scan3A_646 : i32 to index
      %get3A_786 = arith.constant 288 : index
      %get3A_787 = tpu.vector_load %arg13[%get3A_785, %get3A_786] {strides = array<i32>} : memref<32x768xf32, #tpu.memory_space<vmem>>, vector<1x16xf32>,
      %get3A_788 = vector.shape_cast %get3A_787 : vector<1x16xf32> to vector<16xf32>
      %add3A_789 = arith.addf %scan3A_665, %get3A_788 : vector<16xf32>
      %get3A_790 = arith.index_cast %scan3A_646 : i32 to index
      %get3A_791 = arith.constant 304 : index
      %get3A_792 = tpu.vector_load %arg13[%get3A_790, %get3A_791] {strides = array<i32>} : memref<32x768xf32, #tpu.memory_space<vmem>>, vector<1x16xf32>,
      %get3A_793 = vector.shape_cast %get3A_792 : vector<1x16xf32> to vector<16xf32>
      %add3A_794 = arith.addf %scan3A_666, %get3A_793 : vector<16xf32>
      %get3A_795 = arith.index_cast %scan3A_646 : i32 to index
      %get3A_796 = arith.constant 320 : index
      %get3A_797 = tpu.vector_load %arg13[%get3A_795, %get3A_796] {strides = array<i32>} : memref<32x768xf32, #tpu.memory_space<vmem>>, vector<1x16xf32>,
      %get3A_798 = vector.shape_cast %get3A_797 : vector<1x16xf32> to vector<16xf32>
      %add3A_799 = arith.addf %scan3A_667, %get3A_798 : vector<16xf32>
      %get3A_800 = arith.index_cast %scan3A_646 : i32 to index
      %get3A_801 = arith.constant 336 : index
      %get3A_802 = tpu.vector_load %arg13[%get3A_800, %get3A_801] {strides = array<i32>} : memref<32x768xf32, #tpu.memory_space<vmem>>, vector<1x16xf32>,
      %get3A_803 = vector.shape_cast %get3A_802 : vector<1x16xf32> to vector<16xf32>
      %add3A_804 = arith.addf %scan3A_668, %get3A_803 : vector<16xf32>
      %get3A_805 = arith.index_cast %scan3A_646 : i32 to index
      %get3A_806 = arith.constant 352 : index
      %get3A_807 = tpu.vector_load %arg13[%get3A_805, %get3A_806] {strides = array<i32>} : memref<32x768xf32, #tpu.memory_space<vmem>>, vector<1x16xf32>,
      %get3A_808 = vector.shape_cast %get3A_807 : vector<1x16xf32> to vector<16xf32>
      %add3A_809 = arith.addf %scan3A_669, %get3A_808 : vector<16xf32>
      %get3A_810 = arith.index_cast %scan3A_646 : i32 to index
      %get3A_811 = arith.constant 368 : index
      %get3A_812 = tpu.vector_load %arg13[%get3A_810, %get3A_811] {strides = array<i32>} : memref<32x768xf32, #tpu.memory_space<vmem>>, vector<1x16xf32>,
      %get3A_813 = vector.shape_cast %get3A_812 : vector<1x16xf32> to vector<16xf32>
      %add3A_814 = arith.addf %scan3A_670, %get3A_813 : vector<16xf32>
      %get3A_815 = arith.index_cast %scan3A_646 : i32 to index
      %get3A_816 = arith.constant 384 : index
      %get3A_817 = tpu.vector_load %arg13[%get3A_815, %get3A_816] {strides = array<i32>} : memref<32x768xf32, #tpu.memory_space<vmem>>, vector<1x16xf32>,
      %get3A_818 = vector.shape_cast %get3A_817 : vector<1x16xf32> to vector<16xf32>
      %add3A_819 = arith.addf %scan3A_671, %get3A_818 : vector<16xf32>
      %get3A_820 = arith.index_cast %scan3A_646 : i32 to index
      %get3A_821 = arith.constant 400 : index
      %get3A_822 = tpu.vector_load %arg13[%get3A_820, %get3A_821] {strides = array<i32>} : memref<32x768xf32, #tpu.memory_space<vmem>>, vector<1x16xf32>,
      %get3A_823 = vector.shape_cast %get3A_822 : vector<1x16xf32> to vector<16xf32>
      %add3A_824 = arith.addf %scan3A_672, %get3A_823 : vector<16xf32>
      %get3A_825 = arith.index_cast %scan3A_646 : i32 to index
      %get3A_826 = arith.constant 416 : index
      %get3A_827 = tpu.vector_load %arg13[%get3A_825, %get3A_826] {strides = array<i32>} : memref<32x768xf32, #tpu.memory_space<vmem>>, vector<1x16xf32>,
      %get3A_828 = vector.shape_cast %get3A_827 : vector<1x16xf32> to vector<16xf32>
      %add3A_829 = arith.addf %scan3A_673, %get3A_828 : vector<16xf32>
      %get3A_830 = arith.index_cast %scan3A_646 : i32 to index
      %get3A_831 = arith.constant 432 : index
      %get3A_832 = tpu.vector_load %arg13[%get3A_830, %get3A_831] {strides = array<i32>} : memref<32x768xf32, #tpu.memory_space<vmem>>, vector<1x16xf32>,
      %get3A_833 = vector.shape_cast %get3A_832 : vector<1x16xf32> to vector<16xf32>
      %add3A_834 = arith.addf %scan3A_674, %get3A_833 : vector<16xf32>
      %get3A_835 = arith.index_cast %scan3A_646 : i32 to index
      %get3A_836 = arith.constant 448 : index
      %get3A_837 = tpu.vector_load %arg13[%get3A_835, %get3A_836] {strides = array<i32>} : memref<32x768xf32, #tpu.memory_space<vmem>>, vector<1x16xf32>,
      %get3A_838 = vector.shape_cast %get3A_837 : vector<1x16xf32> to vector<16xf32>
      %add3A_839 = arith.addf %scan3A_675, %get3A_838 : vector<16xf32>
      %get3A_840 = arith.index_cast %scan3A_646 : i32 to index
      %get3A_841 = arith.constant 464 : index
      %get3A_842 = tpu.vector_load %arg13[%get3A_840, %get3A_841] {strides = array<i32>} : memref<32x768xf32, #tpu.memory_space<vmem>>, vector<1x16xf32>,
      %get3A_843 = vector.shape_cast %get3A_842 : vector<1x16xf32> to vector<16xf32>
      %add3A_844 = arith.addf %scan3A_676, %get3A_843 : vector<16xf32>
      %get3A_845 = arith.index_cast %scan3A_646 : i32 to index
      %get3A_846 = arith.constant 480 : index
      %get3A_847 = tpu.vector_load %arg13[%get3A_845, %get3A_846] {strides = array<i32>} : memref<32x768xf32, #tpu.memory_space<vmem>>, vector<1x16xf32>,
      %get3A_848 = vector.shape_cast %get3A_847 : vector<1x16xf32> to vector<16xf32>
      %add3A_849 = arith.addf %scan3A_677, %get3A_848 : vector<16xf32>
      %get3A_850 = arith.index_cast %scan3A_646 : i32 to index
      %get3A_851 = arith.constant 496 : index
      %get3A_852 = tpu.vector_load %arg13[%get3A_850, %get3A_851] {strides = array<i32>} : memref<32x768xf32, #tpu.memory_space<vmem>>, vector<1x16xf32>,
      %get3A_853 = vector.shape_cast %get3A_852 : vector<1x16xf32> to vector<16xf32>
      %add3A_854 = arith.addf %scan3A_678, %get3A_853 : vector<16xf32>
      %get3A_855 = arith.index_cast %scan3A_646 : i32 to index
      %get3A_856 = arith.constant 512 : index
      %get3A_857 = tpu.vector_load %arg13[%get3A_855, %get3A_856] {strides = array<i32>} : memref<32x768xf32, #tpu.memory_space<vmem>>, vector<1x16xf32>,
      %get3A_858 = vector.shape_cast %get3A_857 : vector<1x16xf32> to vector<16xf32>
      %add3A_859 = arith.addf %scan3A_679, %get3A_858 : vector<16xf32>
      %get3A_860 = arith.index_cast %scan3A_646 : i32 to index
      %get3A_861 = arith.constant 528 : index
      %get3A_862 = tpu.vector_load %arg13[%get3A_860, %get3A_861] {strides = array<i32>} : memref<32x768xf32, #tpu.memory_space<vmem>>, vector<1x16xf32>,
      %get3A_863 = vector.shape_cast %get3A_862 : vector<1x16xf32> to vector<16xf32>
      %add3A_864 = arith.addf %scan3A_680, %get3A_863 : vector<16xf32>
      %get3A_865 = arith.index_cast %scan3A_646 : i32 to index
      %get3A_866 = arith.constant 544 : index
      %get3A_867 = tpu.vector_load %arg13[%get3A_865, %get3A_866] {strides = array<i32>} : memref<32x768xf32, #tpu.memory_space<vmem>>, vector<1x16xf32>,
      %get3A_868 = vector.shape_cast %get3A_867 : vector<1x16xf32> to vector<16xf32>
      %add3A_869 = arith.addf %scan3A_681, %get3A_868 : vector<16xf32>
      %get3A_870 = arith.index_cast %scan3A_646 : i32 to index
      %get3A_871 = arith.constant 560 : index
      %get3A_872 = tpu.vector_load %arg13[%get3A_870, %get3A_871] {strides = array<i32>} : memref<32x768xf32, #tpu.memory_space<vmem>>, vector<1x16xf32>,
      %get3A_873 = vector.shape_cast %get3A_872 : vector<1x16xf32> to vector<16xf32>
      %add3A_874 = arith.addf %scan3A_682, %get3A_873 : vector<16xf32>
      %get3A_875 = arith.index_cast %scan3A_646 : i32 to index
      %get3A_876 = arith.constant 576 : index
      %get3A_877 = tpu.vector_load %arg13[%get3A_875, %get3A_876] {strides = array<i32>} : memref<32x768xf32, #tpu.memory_space<vmem>>, vector<1x16xf32>,
      %get3A_878 = vector.shape_cast %get3A_877 : vector<1x16xf32> to vector<16xf32>
      %add3A_879 = arith.addf %scan3A_683, %get3A_878 : vector<16xf32>
      %get3A_880 = arith.index_cast %scan3A_646 : i32 to index
      %get3A_881 = arith.constant 592 : index
      %get3A_882 = tpu.vector_load %arg13[%get3A_880, %get3A_881] {strides = array<i32>} : memref<32x768xf32, #tpu.memory_space<vmem>>, vector<1x16xf32>,
      %get3A_883 = vector.shape_cast %get3A_882 : vector<1x16xf32> to vector<16xf32>
      %add3A_884 = arith.addf %scan3A_684, %get3A_883 : vector<16xf32>
      %get3A_885 = arith.index_cast %scan3A_646 : i32 to index
      %get3A_886 = arith.constant 608 : index
      %get3A_887 = tpu.vector_load %arg13[%get3A_885, %get3A_886] {strides = array<i32>} : memref<32x768xf32, #tpu.memory_space<vmem>>, vector<1x16xf32>,
      %get3A_888 = vector.shape_cast %get3A_887 : vector<1x16xf32> to vector<16xf32>
      %add3A_889 = arith.addf %scan3A_685, %get3A_888 : vector<16xf32>
      %get3A_890 = arith.index_cast %scan3A_646 : i32 to index
      %get3A_891 = arith.constant 624 : index
      %get3A_892 = tpu.vector_load %arg13[%get3A_890, %get3A_891] {strides = array<i32>} : memref<32x768xf32, #tpu.memory_space<vmem>>, vector<1x16xf32>,
      %get3A_893 = vector.shape_cast %get3A_892 : vector<1x16xf32> to vector<16xf32>
      %add3A_894 = arith.addf %scan3A_686, %get3A_893 : vector<16xf32>
      %get3A_895 = arith.index_cast %scan3A_646 : i32 to index
      %get3A_896 = arith.constant 640 : index
      %get3A_897 = tpu.vector_load %arg13[%get3A_895, %get3A_896] {strides = array<i32>} : memref<32x768xf32, #tpu.memory_space<vmem>>, vector<1x16xf32>,
      %get3A_898 = vector.shape_cast %get3A_897 : vector<1x16xf32> to vector<16xf32>
      %add3A_899 = arith.addf %scan3A_687, %get3A_898 : vector<16xf32>
      %get3A_900 = arith.index_cast %scan3A_646 : i32 to index
      %get3A_901 = arith.constant 656 : index
      %get3A_902 = tpu.vector_load %arg13[%get3A_900, %get3A_901] {strides = array<i32>} : memref<32x768xf32, #tpu.memory_space<vmem>>, vector<1x16xf32>,
      %get3A_903 = vector.shape_cast %get3A_902 : vector<1x16xf32> to vector<16xf32>
      %add3A_904 = arith.addf %scan3A_688, %get3A_903 : vector<16xf32>
      %get3A_905 = arith.index_cast %scan3A_646 : i32 to index
      %get3A_906 = arith.constant 672 : index
      %get3A_907 = tpu.vector_load %arg13[%get3A_905, %get3A_906] {strides = array<i32>} : memref<32x768xf32, #tpu.memory_space<vmem>>, vector<1x16xf32>,
      %get3A_908 = vector.shape_cast %get3A_907 : vector<1x16xf32> to vector<16xf32>
      %add3A_909 = arith.addf %scan3A_689, %get3A_908 : vector<16xf32>
      %get3A_910 = arith.index_cast %scan3A_646 : i32 to index
      %get3A_911 = arith.constant 688 : index
      %get3A_912 = tpu.vector_load %arg13[%get3A_910, %get3A_911] {strides = array<i32>} : memref<32x768xf32, #tpu.memory_space<vmem>>, vector<1x16xf32>,
      %get3A_913 = vector.shape_cast %get3A_912 : vector<1x16xf32> to vector<16xf32>
      %add3A_914 = arith.addf %scan3A_690, %get3A_913 : vector<16xf32>
      %get3A_915 = arith.index_cast %scan3A_646 : i32 to index
      %get3A_916 = arith.constant 704 : index
      %get3A_917 = tpu.vector_load %arg13[%get3A_915, %get3A_916] {strides = array<i32>} : memref<32x768xf32, #tpu.memory_space<vmem>>, vector<1x16xf32>,
      %get3A_918 = vector.shape_cast %get3A_917 : vector<1x16xf32> to vector<16xf32>
      %add3A_919 = arith.addf %scan3A_691, %get3A_918 : vector<16xf32>
      %get3A_920 = arith.index_cast %scan3A_646 : i32 to index
      %get3A_921 = arith.constant 720 : index
      %get3A_922 = tpu.vector_load %arg13[%get3A_920, %get3A_921] {strides = array<i32>} : memref<32x768xf32, #tpu.memory_space<vmem>>, vector<1x16xf32>,
      %get3A_923 = vector.shape_cast %get3A_922 : vector<1x16xf32> to vector<16xf32>
      %add3A_924 = arith.addf %scan3A_692, %get3A_923 : vector<16xf32>
      %get3A_925 = arith.index_cast %scan3A_646 : i32 to index
      %get3A_926 = arith.constant 736 : index
      %get3A_927 = tpu.vector_load %arg13[%get3A_925, %get3A_926] {strides = array<i32>} : memref<32x768xf32, #tpu.memory_space<vmem>>, vector<1x16xf32>,
      %get3A_928 = vector.shape_cast %get3A_927 : vector<1x16xf32> to vector<16xf32>
      %add3A_929 = arith.addf %scan3A_693, %get3A_928 : vector<16xf32>
      %get3A_930 = arith.index_cast %scan3A_646 : i32 to index
      %get3A_931 = arith.constant 752 : index
      %get3A_932 = tpu.vector_load %arg13[%get3A_930, %get3A_931] {strides = array<i32>} : memref<32x768xf32, #tpu.memory_space<vmem>>, vector<1x16xf32>,
      %get3A_933 = vector.shape_cast %get3A_932 : vector<1x16xf32> to vector<16xf32>
      %add3A_934 = arith.addf %scan3A_694, %get3A_933 : vector<16xf32>
      scf.yield %add3A_699, %add3A_704, %add3A_709, %add3A_714, %add3A_719, %add3A_724, %add3A_729, %add3A_734, %add3A_739, %add3A_744, %add3A_749, %add3A_754, %add3A_759, %add3A_764, %add3A_769, %add3A_774, %add3A_779, %add3A_784, %add3A_789, %add3A_794, %add3A_799, %add3A_804, %add3A_809, %add3A_814, %add3A_819, %add3A_824, %add3A_829, %add3A_834, %add3A_839, %add3A_844, %add3A_849, %add3A_854, %add3A_859, %add3A_864, %add3A_869, %add3A_874, %add3A_879, %add3A_884, %add3A_889, %add3A_894, %add3A_899, %add3A_904, %add3A_909, %add3A_914, %add3A_919, %add3A_924, %add3A_929, %add3A_934 : vector<16xf32>, vector<16xf32>, vector<16xf32>, vector<16xf32>, vector<16xf32>, vector<16xf32>, vector<16xf32>, vector<16xf32>, vector<16xf32>, vector<16xf32>, vector<16xf32>, vector<16xf32>, vector<16xf32>, vector<16xf32>, vector<16xf32>, vector<16xf32>, vector<16xf32>, vector<16xf32>, vector<16xf32>, vector<16xf32>, vector<16xf32>, vector<16xf32>, vector<16xf32>, vector<16xf32>, vector<16xf32>, vector<16xf32>, vector<16xf32>, vector<16xf32>, vector<16xf32>, vector<16xf32>, vector<16xf32>, vector<16xf32>, vector<16xf32>, vector<16xf32>, vector<16xf32>, vector<16xf32>, vector<16xf32>, vector<16xf32>, vector<16xf32>, vector<16xf32>, vector<16xf32>, vector<16xf32>, vector<16xf32>, vector<16xf32>, vector<16xf32>, vector<16xf32>, vector<16xf32>, vector<16xf32>
    }
    %scan3A_171 = arith.constant 32 : i32
    %dma_wait3A_172 = arith.constant 0 : i32
    %dma_wait3A_173 = arith.constant 0 : i32
    %dma_wait3A_174 = tpu.memref_slice %arg6[%dma_wait3A_172, %dma_wait3A_173] : memref<100000x768xf32, #tpu.memory_space<hbm>> -> memref<32x768xf32, #tpu.memory_space<hbm>>
    %dma_wait3A_175 = arith.constant 0 : i32
    %dma_wait3A_176 = arith.constant 0 : i32
    %dma_wait3A_177 = tpu.memref_slice %arg6[%dma_wait3A_175, %dma_wait3A_176] : memref<100000x768xf32, #tpu.memory_space<hbm>> -> memref<32x768xf32, #tpu.memory_space<hbm>>
    tpu.wait_dma2 semaphore(%arg24 : memref<!tpu.dma_semaphore, #tpu.memory_space<semaphore_mem>>) src(%dma_wait3A_177 : memref<32x768xf32, #tpu.memory_space<hbm>>) dst(%arg14 : memref<32x768xf32, #tpu.memory_space<vmem>>)
    %dma_wait3A_178 = arith.constant 0 : i32
    %dma_wait3A_179 = arith.constant 0 : i32
    %dma_wait3A_180 = tpu.memref_slice %arg6[%dma_wait3A_178, %dma_wait3A_179] : memref<100000x768xf32, #tpu.memory_space<hbm>> -> memref<32x768xf32, #tpu.memory_space<hbm>>
    %dma_wait3A_181 = arith.constant 0 : i32
    %dma_wait3A_182 = arith.constant 0 : i32
    %dma_wait3A_183 = tpu.memref_slice %arg6[%dma_wait3A_181, %dma_wait3A_182] : memref<100000x768xf32, #tpu.memory_space<hbm>> -> memref<32x768xf32, #tpu.memory_space<hbm>>
    tpu.wait_dma2 semaphore(%arg25 : memref<!tpu.dma_semaphore, #tpu.memory_space<semaphore_mem>>) src(%dma_wait3A_183 : memref<32x768xf32, #tpu.memory_space<hbm>>) dst(%arg15 : memref<32x768xf32, #tpu.memory_space<vmem>>)
    %iota3A = tpu.iota {dimensions = array<i32: 0>} : vector<16xi32>
    %xor3A = arith.constant 1 : i32
    %xor3A_184 = vector.broadcast %xor3A : i32 to vector<16xi32>
    %xor3A_185 = arith.xori %iota3A, %xor3A_184 : vector<16xi32>
    %broadcast_in_dim3A_186 = vector.shape_cast %xor3A_185 : vector<16xi32> to vector<16x1xi32>
    %gather3A = vector.shape_cast %broadcast_in_dim3A_186 : vector<16x1xi32> to vector<16xi32>
    %gather3A_187 = tpu.dynamic_gather %scan3A_15#1[%gather3A] in [0] : vector<16xf32>, vector<16xi32> -> vector<16xf32>
    %add3A_188 = arith.addf %scan3A_15#1, %gather3A_187 : vector<16xf32>
    %xor3A_189 = arith.constant 2 : i32
    %xor3A_190 = vector.broadcast %xor3A_189 : i32 to vector<16xi32>
    %xor3A_191 = arith.xori %iota3A, %xor3A_190 : vector<16xi32>
    %broadcast_in_dim3A_192 = vector.shape_cast %xor3A_191 : vector<16xi32> to vector<16x1xi32>
    %gather3A_193 = vector.shape_cast %broadcast_in_dim3A_192 : vector<16x1xi32> to vector<16xi32>
    %gather3A_194 = tpu.dynamic_gather %add3A_188[%gather3A_193] in [0] : vector<16xf32>, vector<16xi32> -> vector<16xf32>
    %add3A_195 = arith.addf %add3A_188, %gather3A_194 : vector<16xf32>
    %xor3A_196 = arith.constant 4 : i32
    %xor3A_197 = vector.broadcast %xor3A_196 : i32 to vector<16xi32>
    %xor3A_198 = arith.xori %iota3A, %xor3A_197 : vector<16xi32>
    %broadcast_in_dim3A_199 = vector.shape_cast %xor3A_198 : vector<16xi32> to vector<16x1xi32>
    %gather3A_200 = vector.shape_cast %broadcast_in_dim3A_199 : vector<16x1xi32> to vector<16xi32>
    %gather3A_201 = tpu.dynamic_gather %add3A_195[%gather3A_200] in [0] : vector<16xf32>, vector<16xi32> -> vector<16xf32>
    %add3A_202 = arith.addf %add3A_195, %gather3A_201 : vector<16xf32>
    %xor3A_203 = arith.constant 8 : i32
    %xor3A_204 = vector.broadcast %xor3A_203 : i32 to vector<16xi32>
    %xor3A_205 = arith.xori %iota3A, %xor3A_204 : vector<16xi32>
    %broadcast_in_dim3A_206 = vector.shape_cast %xor3A_205 : vector<16xi32> to vector<16x1xi32>
    %gather3A_207 = vector.shape_cast %broadcast_in_dim3A_206 : vector<16x1xi32> to vector<16xi32>
    %gather3A_208 = tpu.dynamic_gather %add3A_202[%gather3A_207] in [0] : vector<16xf32>, vector<16xi32> -> vector<16xf32>
    %add3A_209 = arith.addf %add3A_202, %gather3A_208 : vector<16xf32>
    %sub3A = arith.constant 3.136000e+03 : f32
    %sub3A_210 = vector.broadcast %sub3A : f32 to vector<16xf32>
    %sub3A_211 = arith.subf %sub3A_210, %add3A_209 : vector<16xf32>
    %get3A_212 = arith.constant 0 : index
    %get3A_213 = tpu.vector_load %arg17[%get3A_212] {strides = array<i32>} : memref<768xf32, #tpu.memory_space<vmem>>, vector<16xf32>,
    %get3A_214 = vector.shape_cast %get3A_213 : vector<16xf32> to vector<16xf32>
    %mul3A_215 = arith.mulf %sub3A_211, %get3A_214 : vector<16xf32>
    %sub3A_216 = arith.subf %scan3A_170#0, %mul3A_215 : vector<16xf32>
    %swap3A_217 = arith.constant 0 : index
    %swap3A_218 = tpu.vector_load %arg16[%swap3A_217] {strides = array<i32>} : memref<768xf32, #tpu.memory_space<vmem>>, vector<16xf32>,
    %swap3A_219 = vector.shape_cast %swap3A_218 : vector<16xf32> to vector<16xf32>
    %swap3A_220 = vector.shape_cast %sub3A_216 : vector<16xf32> to vector<16xf32>
    tpu.vector_store %arg16[%swap3A_217], %swap3A_220 {strides = array<i32>} : memref<768xf32, #tpu.memory_space<vmem>>, vector<16xf32>,
    %get3A_221 = arith.constant 16 : index
    %get3A_222 = tpu.vector_load %arg17[%get3A_221] {strides = array<i32>} : memref<768xf32, #tpu.memory_space<vmem>>, vector<16xf32>,
    %get3A_223 = vector.shape_cast %get3A_222 : vector<16xf32> to vector<16xf32>
    %mul3A_224 = arith.mulf %sub3A_211, %get3A_223 : vector<16xf32>
    %sub3A_225 = arith.subf %scan3A_170#1, %mul3A_224 : vector<16xf32>
    %swap3A_226 = arith.constant 16 : index
    %swap3A_227 = tpu.vector_load %arg16[%swap3A_226] {strides = array<i32>} : memref<768xf32, #tpu.memory_space<vmem>>, vector<16xf32>,
    %swap3A_228 = vector.shape_cast %swap3A_227 : vector<16xf32> to vector<16xf32>
    %swap3A_229 = vector.shape_cast %sub3A_225 : vector<16xf32> to vector<16xf32>
    tpu.vector_store %arg16[%swap3A_226], %swap3A_229 {strides = array<i32>} : memref<768xf32, #tpu.memory_space<vmem>>, vector<16xf32>,
    %get3A_230 = arith.constant 32 : index
    %get3A_231 = tpu.vector_load %arg17[%get3A_230] {strides = array<i32>} : memref<768xf32, #tpu.memory_space<vmem>>, vector<16xf32>,
    %get3A_232 = vector.shape_cast %get3A_231 : vector<16xf32> to vector<16xf32>
    %mul3A_233 = arith.mulf %sub3A_211, %get3A_232 : vector<16xf32>
    %sub3A_234 = arith.subf %scan3A_170#2, %mul3A_233 : vector<16xf32>
    %swap3A_235 = arith.constant 32 : index
    %swap3A_236 = tpu.vector_load %arg16[%swap3A_235] {strides = array<i32>} : memref<768xf32, #tpu.memory_space<vmem>>, vector<16xf32>,
    %swap3A_237 = vector.shape_cast %swap3A_236 : vector<16xf32> to vector<16xf32>
    %swap3A_238 = vector.shape_cast %sub3A_234 : vector<16xf32> to vector<16xf32>
    tpu.vector_store %arg16[%swap3A_235], %swap3A_238 {strides = array<i32>} : memref<768xf32, #tpu.memory_space<vmem>>, vector<16xf32>,
    %get3A_239 = arith.constant 48 : index
    %get3A_240 = tpu.vector_load %arg17[%get3A_239] {strides = array<i32>} : memref<768xf32, #tpu.memory_space<vmem>>, vector<16xf32>,
    %get3A_241 = vector.shape_cast %get3A_240 : vector<16xf32> to vector<16xf32>
    %mul3A_242 = arith.mulf %sub3A_211, %get3A_241 : vector<16xf32>
    %sub3A_243 = arith.subf %scan3A_170#3, %mul3A_242 : vector<16xf32>
    %swap3A_244 = arith.constant 48 : index
    %swap3A_245 = tpu.vector_load %arg16[%swap3A_244] {strides = array<i32>} : memref<768xf32, #tpu.memory_space<vmem>>, vector<16xf32>,
    %swap3A_246 = vector.shape_cast %swap3A_245 : vector<16xf32> to vector<16xf32>
    %swap3A_247 = vector.shape_cast %sub3A_243 : vector<16xf32> to vector<16xf32>
    tpu.vector_store %arg16[%swap3A_244], %swap3A_247 {strides = array<i32>} : memref<768xf32, #tpu.memory_space<vmem>>, vector<16xf32>,
    %get3A_248 = arith.constant 64 : index
    %get3A_249 = tpu.vector_load %arg17[%get3A_248] {strides = array<i32>} : memref<768xf32, #tpu.memory_space<vmem>>, vector<16xf32>,
    %get3A_250 = vector.shape_cast %get3A_249 : vector<16xf32> to vector<16xf32>
    %mul3A_251 = arith.mulf %sub3A_211, %get3A_250 : vector<16xf32>
    %sub3A_252 = arith.subf %scan3A_170#4, %mul3A_251 : vector<16xf32>
    %swap3A_253 = arith.constant 64 : index
    %swap3A_254 = tpu.vector_load %arg16[%swap3A_253] {strides = array<i32>} : memref<768xf32, #tpu.memory_space<vmem>>, vector<16xf32>,
    %swap3A_255 = vector.shape_cast %swap3A_254 : vector<16xf32> to vector<16xf32>
    %swap3A_256 = vector.shape_cast %sub3A_252 : vector<16xf32> to vector<16xf32>
    tpu.vector_store %arg16[%swap3A_253], %swap3A_256 {strides = array<i32>} : memref<768xf32, #tpu.memory_space<vmem>>, vector<16xf32>,
    %get3A_257 = arith.constant 80 : index
    %get3A_258 = tpu.vector_load %arg17[%get3A_257] {strides = array<i32>} : memref<768xf32, #tpu.memory_space<vmem>>, vector<16xf32>,
    %get3A_259 = vector.shape_cast %get3A_258 : vector<16xf32> to vector<16xf32>
    %mul3A_260 = arith.mulf %sub3A_211, %get3A_259 : vector<16xf32>
    %sub3A_261 = arith.subf %scan3A_170#5, %mul3A_260 : vector<16xf32>
    %swap3A_262 = arith.constant 80 : index
    %swap3A_263 = tpu.vector_load %arg16[%swap3A_262] {strides = array<i32>} : memref<768xf32, #tpu.memory_space<vmem>>, vector<16xf32>,
    %swap3A_264 = vector.shape_cast %swap3A_263 : vector<16xf32> to vector<16xf32>
    %swap3A_265 = vector.shape_cast %sub3A_261 : vector<16xf32> to vector<16xf32>
    tpu.vector_store %arg16[%swap3A_262], %swap3A_265 {strides = array<i32>} : memref<768xf32, #tpu.memory_space<vmem>>, vector<16xf32>,
    %get3A_266 = arith.constant 96 : index
    %get3A_267 = tpu.vector_load %arg17[%get3A_266] {strides = array<i32>} : memref<768xf32, #tpu.memory_space<vmem>>, vector<16xf32>,
    %get3A_268 = vector.shape_cast %get3A_267 : vector<16xf32> to vector<16xf32>
    %mul3A_269 = arith.mulf %sub3A_211, %get3A_268 : vector<16xf32>
    %sub3A_270 = arith.subf %scan3A_170#6, %mul3A_269 : vector<16xf32>
    %swap3A_271 = arith.constant 96 : index
    %swap3A_272 = tpu.vector_load %arg16[%swap3A_271] {strides = array<i32>} : memref<768xf32, #tpu.memory_space<vmem>>, vector<16xf32>,
    %swap3A_273 = vector.shape_cast %swap3A_272 : vector<16xf32> to vector<16xf32>
    %swap3A_274 = vector.shape_cast %sub3A_270 : vector<16xf32> to vector<16xf32>
    tpu.vector_store %arg16[%swap3A_271], %swap3A_274 {strides = array<i32>} : memref<768xf32, #tpu.memory_space<vmem>>, vector<16xf32>,
    %get3A_275 = arith.constant 112 : index
    %get3A_276 = tpu.vector_load %arg17[%get3A_275] {strides = array<i32>} : memref<768xf32, #tpu.memory_space<vmem>>, vector<16xf32>,
    %get3A_277 = vector.shape_cast %get3A_276 : vector<16xf32> to vector<16xf32>
    %mul3A_278 = arith.mulf %sub3A_211, %get3A_277 : vector<16xf32>
    %sub3A_279 = arith.subf %scan3A_170#7, %mul3A_278 : vector<16xf32>
    %swap3A_280 = arith.constant 112 : index
    %swap3A_281 = tpu.vector_load %arg16[%swap3A_280] {strides = array<i32>} : memref<768xf32, #tpu.memory_space<vmem>>, vector<16xf32>,
    %swap3A_282 = vector.shape_cast %swap3A_281 : vector<16xf32> to vector<16xf32>
    %swap3A_283 = vector.shape_cast %sub3A_279 : vector<16xf32> to vector<16xf32>
    tpu.vector_store %arg16[%swap3A_280], %swap3A_283 {strides = array<i32>} : memref<768xf32, #tpu.memory_space<vmem>>, vector<16xf32>,
    %get3A_284 = arith.constant 128 : index
    %get3A_285 = tpu.vector_load %arg17[%get3A_284] {strides = array<i32>} : memref<768xf32, #tpu.memory_space<vmem>>, vector<16xf32>,
    %get3A_286 = vector.shape_cast %get3A_285 : vector<16xf32> to vector<16xf32>
    %mul3A_287 = arith.mulf %sub3A_211, %get3A_286 : vector<16xf32>
    %sub3A_288 = arith.subf %scan3A_170#8, %mul3A_287 : vector<16xf32>
    %swap3A_289 = arith.constant 128 : index
    %swap3A_290 = tpu.vector_load %arg16[%swap3A_289] {strides = array<i32>} : memref<768xf32, #tpu.memory_space<vmem>>, vector<16xf32>,
    %swap3A_291 = vector.shape_cast %swap3A_290 : vector<16xf32> to vector<16xf32>
    %swap3A_292 = vector.shape_cast %sub3A_288 : vector<16xf32> to vector<16xf32>
    tpu.vector_store %arg16[%swap3A_289], %swap3A_292 {strides = array<i32>} : memref<768xf32, #tpu.memory_space<vmem>>, vector<16xf32>,
    %get3A_293 = arith.constant 144 : index
    %get3A_294 = tpu.vector_load %arg17[%get3A_293] {strides = array<i32>} : memref<768xf32, #tpu.memory_space<vmem>>, vector<16xf32>,
    %get3A_295 = vector.shape_cast %get3A_294 : vector<16xf32> to vector<16xf32>
    %mul3A_296 = arith.mulf %sub3A_211, %get3A_295 : vector<16xf32>
    %sub3A_297 = arith.subf %scan3A_170#9, %mul3A_296 : vector<16xf32>
    %swap3A_298 = arith.constant 144 : index
    %swap3A_299 = tpu.vector_load %arg16[%swap3A_298] {strides = array<i32>} : memref<768xf32, #tpu.memory_space<vmem>>, vector<16xf32>,
    %swap3A_300 = vector.shape_cast %swap3A_299 : vector<16xf32> to vector<16xf32>
    %swap3A_301 = vector.shape_cast %sub3A_297 : vector<16xf32> to vector<16xf32>
    tpu.vector_store %arg16[%swap3A_298], %swap3A_301 {strides = array<i32>} : memref<768xf32, #tpu.memory_space<vmem>>, vector<16xf32>,
    %get3A_302 = arith.constant 160 : index
    %get3A_303 = tpu.vector_load %arg17[%get3A_302] {strides = array<i32>} : memref<768xf32, #tpu.memory_space<vmem>>, vector<16xf32>,
    %get3A_304 = vector.shape_cast %get3A_303 : vector<16xf32> to vector<16xf32>
    %mul3A_305 = arith.mulf %sub3A_211, %get3A_304 : vector<16xf32>
    %sub3A_306 = arith.subf %scan3A_170#10, %mul3A_305 : vector<16xf32>
    %swap3A_307 = arith.constant 160 : index
    %swap3A_308 = tpu.vector_load %arg16[%swap3A_307] {strides = array<i32>} : memref<768xf32, #tpu.memory_space<vmem>>, vector<16xf32>,
    %swap3A_309 = vector.shape_cast %swap3A_308 : vector<16xf32> to vector<16xf32>
    %swap3A_310 = vector.shape_cast %sub3A_306 : vector<16xf32> to vector<16xf32>
    tpu.vector_store %arg16[%swap3A_307], %swap3A_310 {strides = array<i32>} : memref<768xf32, #tpu.memory_space<vmem>>, vector<16xf32>,
    %get3A_311 = arith.constant 176 : index
    %get3A_312 = tpu.vector_load %arg17[%get3A_311] {strides = array<i32>} : memref<768xf32, #tpu.memory_space<vmem>>, vector<16xf32>,
    %get3A_313 = vector.shape_cast %get3A_312 : vector<16xf32> to vector<16xf32>
    %mul3A_314 = arith.mulf %sub3A_211, %get3A_313 : vector<16xf32>
    %sub3A_315 = arith.subf %scan3A_170#11, %mul3A_314 : vector<16xf32>
    %swap3A_316 = arith.constant 176 : index
    %swap3A_317 = tpu.vector_load %arg16[%swap3A_316] {strides = array<i32>} : memref<768xf32, #tpu.memory_space<vmem>>, vector<16xf32>,
    %swap3A_318 = vector.shape_cast %swap3A_317 : vector<16xf32> to vector<16xf32>
    %swap3A_319 = vector.shape_cast %sub3A_315 : vector<16xf32> to vector<16xf32>
    tpu.vector_store %arg16[%swap3A_316], %swap3A_319 {strides = array<i32>} : memref<768xf32, #tpu.memory_space<vmem>>, vector<16xf32>,
    %get3A_320 = arith.constant 192 : index
    %get3A_321 = tpu.vector_load %arg17[%get3A_320] {strides = array<i32>} : memref<768xf32, #tpu.memory_space<vmem>>, vector<16xf32>,
    %get3A_322 = vector.shape_cast %get3A_321 : vector<16xf32> to vector<16xf32>
    %mul3A_323 = arith.mulf %sub3A_211, %get3A_322 : vector<16xf32>
    %sub3A_324 = arith.subf %scan3A_170#12, %mul3A_323 : vector<16xf32>
    %swap3A_325 = arith.constant 192 : index
    %swap3A_326 = tpu.vector_load %arg16[%swap3A_325] {strides = array<i32>} : memref<768xf32, #tpu.memory_space<vmem>>, vector<16xf32>,
    %swap3A_327 = vector.shape_cast %swap3A_326 : vector<16xf32> to vector<16xf32>
    %swap3A_328 = vector.shape_cast %sub3A_324 : vector<16xf32> to vector<16xf32>
    tpu.vector_store %arg16[%swap3A_325], %swap3A_328 {strides = array<i32>} : memref<768xf32, #tpu.memory_space<vmem>>, vector<16xf32>,
    %get3A_329 = arith.constant 208 : index
    %get3A_330 = tpu.vector_load %arg17[%get3A_329] {strides = array<i32>} : memref<768xf32, #tpu.memory_space<vmem>>, vector<16xf32>,
    %get3A_331 = vector.shape_cast %get3A_330 : vector<16xf32> to vector<16xf32>
    %mul3A_332 = arith.mulf %sub3A_211, %get3A_331 : vector<16xf32>
    %sub3A_333 = arith.subf %scan3A_170#13, %mul3A_332 : vector<16xf32>
    %swap3A_334 = arith.constant 208 : index
    %swap3A_335 = tpu.vector_load %arg16[%swap3A_334] {strides = array<i32>} : memref<768xf32, #tpu.memory_space<vmem>>, vector<16xf32>,
    %swap3A_336 = vector.shape_cast %swap3A_335 : vector<16xf32> to vector<16xf32>
    %swap3A_337 = vector.shape_cast %sub3A_333 : vector<16xf32> to vector<16xf32>
    tpu.vector_store %arg16[%swap3A_334], %swap3A_337 {strides = array<i32>} : memref<768xf32, #tpu.memory_space<vmem>>, vector<16xf32>,
    %get3A_338 = arith.constant 224 : index
    %get3A_339 = tpu.vector_load %arg17[%get3A_338] {strides = array<i32>} : memref<768xf32, #tpu.memory_space<vmem>>, vector<16xf32>,
    %get3A_340 = vector.shape_cast %get3A_339 : vector<16xf32> to vector<16xf32>
    %mul3A_341 = arith.mulf %sub3A_211, %get3A_340 : vector<16xf32>
    %sub3A_342 = arith.subf %scan3A_170#14, %mul3A_341 : vector<16xf32>
    %swap3A_343 = arith.constant 224 : index
    %swap3A_344 = tpu.vector_load %arg16[%swap3A_343] {strides = array<i32>} : memref<768xf32, #tpu.memory_space<vmem>>, vector<16xf32>,
    %swap3A_345 = vector.shape_cast %swap3A_344 : vector<16xf32> to vector<16xf32>
    %swap3A_346 = vector.shape_cast %sub3A_342 : vector<16xf32> to vector<16xf32>
    tpu.vector_store %arg16[%swap3A_343], %swap3A_346 {strides = array<i32>} : memref<768xf32, #tpu.memory_space<vmem>>, vector<16xf32>,
    %get3A_347 = arith.constant 240 : index
    %get3A_348 = tpu.vector_load %arg17[%get3A_347] {strides = array<i32>} : memref<768xf32, #tpu.memory_space<vmem>>, vector<16xf32>,
    %get3A_349 = vector.shape_cast %get3A_348 : vector<16xf32> to vector<16xf32>
    %mul3A_350 = arith.mulf %sub3A_211, %get3A_349 : vector<16xf32>
    %sub3A_351 = arith.subf %scan3A_170#15, %mul3A_350 : vector<16xf32>
    %swap3A_352 = arith.constant 240 : index
    %swap3A_353 = tpu.vector_load %arg16[%swap3A_352] {strides = array<i32>} : memref<768xf32, #tpu.memory_space<vmem>>, vector<16xf32>,
    %swap3A_354 = vector.shape_cast %swap3A_353 : vector<16xf32> to vector<16xf32>
    %swap3A_355 = vector.shape_cast %sub3A_351 : vector<16xf32> to vector<16xf32>
    tpu.vector_store %arg16[%swap3A_352], %swap3A_355 {strides = array<i32>} : memref<768xf32, #tpu.memory_space<vmem>>, vector<16xf32>,
    %get3A_356 = arith.constant 256 : index
    %get3A_357 = tpu.vector_load %arg17[%get3A_356] {strides = array<i32>} : memref<768xf32, #tpu.memory_space<vmem>>, vector<16xf32>,
    %get3A_358 = vector.shape_cast %get3A_357 : vector<16xf32> to vector<16xf32>
    %mul3A_359 = arith.mulf %sub3A_211, %get3A_358 : vector<16xf32>
    %sub3A_360 = arith.subf %scan3A_170#16, %mul3A_359 : vector<16xf32>
    %swap3A_361 = arith.constant 256 : index
    %swap3A_362 = tpu.vector_load %arg16[%swap3A_361] {strides = array<i32>} : memref<768xf32, #tpu.memory_space<vmem>>, vector<16xf32>,
    %swap3A_363 = vector.shape_cast %swap3A_362 : vector<16xf32> to vector<16xf32>
    %swap3A_364 = vector.shape_cast %sub3A_360 : vector<16xf32> to vector<16xf32>
    tpu.vector_store %arg16[%swap3A_361], %swap3A_364 {strides = array<i32>} : memref<768xf32, #tpu.memory_space<vmem>>, vector<16xf32>,
    %get3A_365 = arith.constant 272 : index
    %get3A_366 = tpu.vector_load %arg17[%get3A_365] {strides = array<i32>} : memref<768xf32, #tpu.memory_space<vmem>>, vector<16xf32>,
    %get3A_367 = vector.shape_cast %get3A_366 : vector<16xf32> to vector<16xf32>
    %mul3A_368 = arith.mulf %sub3A_211, %get3A_367 : vector<16xf32>
    %sub3A_369 = arith.subf %scan3A_170#17, %mul3A_368 : vector<16xf32>
    %swap3A_370 = arith.constant 272 : index
    %swap3A_371 = tpu.vector_load %arg16[%swap3A_370] {strides = array<i32>} : memref<768xf32, #tpu.memory_space<vmem>>, vector<16xf32>,
    %swap3A_372 = vector.shape_cast %swap3A_371 : vector<16xf32> to vector<16xf32>
    %swap3A_373 = vector.shape_cast %sub3A_369 : vector<16xf32> to vector<16xf32>
    tpu.vector_store %arg16[%swap3A_370], %swap3A_373 {strides = array<i32>} : memref<768xf32, #tpu.memory_space<vmem>>, vector<16xf32>,
    %get3A_374 = arith.constant 288 : index
    %get3A_375 = tpu.vector_load %arg17[%get3A_374] {strides = array<i32>} : memref<768xf32, #tpu.memory_space<vmem>>, vector<16xf32>,
    %get3A_376 = vector.shape_cast %get3A_375 : vector<16xf32> to vector<16xf32>
    %mul3A_377 = arith.mulf %sub3A_211, %get3A_376 : vector<16xf32>
    %sub3A_378 = arith.subf %scan3A_170#18, %mul3A_377 : vector<16xf32>
    %swap3A_379 = arith.constant 288 : index
    %swap3A_380 = tpu.vector_load %arg16[%swap3A_379] {strides = array<i32>} : memref<768xf32, #tpu.memory_space<vmem>>, vector<16xf32>,
    %swap3A_381 = vector.shape_cast %swap3A_380 : vector<16xf32> to vector<16xf32>
    %swap3A_382 = vector.shape_cast %sub3A_378 : vector<16xf32> to vector<16xf32>
    tpu.vector_store %arg16[%swap3A_379], %swap3A_382 {strides = array<i32>} : memref<768xf32, #tpu.memory_space<vmem>>, vector<16xf32>,
    %get3A_383 = arith.constant 304 : index
    %get3A_384 = tpu.vector_load %arg17[%get3A_383] {strides = array<i32>} : memref<768xf32, #tpu.memory_space<vmem>>, vector<16xf32>,
    %get3A_385 = vector.shape_cast %get3A_384 : vector<16xf32> to vector<16xf32>
    %mul3A_386 = arith.mulf %sub3A_211, %get3A_385 : vector<16xf32>
    %sub3A_387 = arith.subf %scan3A_170#19, %mul3A_386 : vector<16xf32>
    %swap3A_388 = arith.constant 304 : index
    %swap3A_389 = tpu.vector_load %arg16[%swap3A_388] {strides = array<i32>} : memref<768xf32, #tpu.memory_space<vmem>>, vector<16xf32>,
    %swap3A_390 = vector.shape_cast %swap3A_389 : vector<16xf32> to vector<16xf32>
    %swap3A_391 = vector.shape_cast %sub3A_387 : vector<16xf32> to vector<16xf32>
    tpu.vector_store %arg16[%swap3A_388], %swap3A_391 {strides = array<i32>} : memref<768xf32, #tpu.memory_space<vmem>>, vector<16xf32>,
    %get3A_392 = arith.constant 320 : index
    %get3A_393 = tpu.vector_load %arg17[%get3A_392] {strides = array<i32>} : memref<768xf32, #tpu.memory_space<vmem>>, vector<16xf32>,
    %get3A_394 = vector.shape_cast %get3A_393 : vector<16xf32> to vector<16xf32>
    %mul3A_395 = arith.mulf %sub3A_211, %get3A_394 : vector<16xf32>
    %sub3A_396 = arith.subf %scan3A_170#20, %mul3A_395 : vector<16xf32>
    %swap3A_397 = arith.constant 320 : index
    %swap3A_398 = tpu.vector_load %arg16[%swap3A_397] {strides = array<i32>} : memref<768xf32, #tpu.memory_space<vmem>>, vector<16xf32>,
    %swap3A_399 = vector.shape_cast %swap3A_398 : vector<16xf32> to vector<16xf32>
    %swap3A_400 = vector.shape_cast %sub3A_396 : vector<16xf32> to vector<16xf32>
    tpu.vector_store %arg16[%swap3A_397], %swap3A_400 {strides = array<i32>} : memref<768xf32, #tpu.memory_space<vmem>>, vector<16xf32>,
    %get3A_401 = arith.constant 336 : index
    %get3A_402 = tpu.vector_load %arg17[%get3A_401] {strides = array<i32>} : memref<768xf32, #tpu.memory_space<vmem>>, vector<16xf32>,
    %get3A_403 = vector.shape_cast %get3A_402 : vector<16xf32> to vector<16xf32>
    %mul3A_404 = arith.mulf %sub3A_211, %get3A_403 : vector<16xf32>
    %sub3A_405 = arith.subf %scan3A_170#21, %mul3A_404 : vector<16xf32>
    %swap3A_406 = arith.constant 336 : index
    %swap3A_407 = tpu.vector_load %arg16[%swap3A_406] {strides = array<i32>} : memref<768xf32, #tpu.memory_space<vmem>>, vector<16xf32>,
    %swap3A_408 = vector.shape_cast %swap3A_407 : vector<16xf32> to vector<16xf32>
    %swap3A_409 = vector.shape_cast %sub3A_405 : vector<16xf32> to vector<16xf32>
    tpu.vector_store %arg16[%swap3A_406], %swap3A_409 {strides = array<i32>} : memref<768xf32, #tpu.memory_space<vmem>>, vector<16xf32>,
    %get3A_410 = arith.constant 352 : index
    %get3A_411 = tpu.vector_load %arg17[%get3A_410] {strides = array<i32>} : memref<768xf32, #tpu.memory_space<vmem>>, vector<16xf32>,
    %get3A_412 = vector.shape_cast %get3A_411 : vector<16xf32> to vector<16xf32>
    %mul3A_413 = arith.mulf %sub3A_211, %get3A_412 : vector<16xf32>
    %sub3A_414 = arith.subf %scan3A_170#22, %mul3A_413 : vector<16xf32>
    %swap3A_415 = arith.constant 352 : index
    %swap3A_416 = tpu.vector_load %arg16[%swap3A_415] {strides = array<i32>} : memref<768xf32, #tpu.memory_space<vmem>>, vector<16xf32>,
    %swap3A_417 = vector.shape_cast %swap3A_416 : vector<16xf32> to vector<16xf32>
    %swap3A_418 = vector.shape_cast %sub3A_414 : vector<16xf32> to vector<16xf32>
    tpu.vector_store %arg16[%swap3A_415], %swap3A_418 {strides = array<i32>} : memref<768xf32, #tpu.memory_space<vmem>>, vector<16xf32>,
    %get3A_419 = arith.constant 368 : index
    %get3A_420 = tpu.vector_load %arg17[%get3A_419] {strides = array<i32>} : memref<768xf32, #tpu.memory_space<vmem>>, vector<16xf32>,
    %get3A_421 = vector.shape_cast %get3A_420 : vector<16xf32> to vector<16xf32>
    %mul3A_422 = arith.mulf %sub3A_211, %get3A_421 : vector<16xf32>
    %sub3A_423 = arith.subf %scan3A_170#23, %mul3A_422 : vector<16xf32>
    %swap3A_424 = arith.constant 368 : index
    %swap3A_425 = tpu.vector_load %arg16[%swap3A_424] {strides = array<i32>} : memref<768xf32, #tpu.memory_space<vmem>>, vector<16xf32>,
    %swap3A_426 = vector.shape_cast %swap3A_425 : vector<16xf32> to vector<16xf32>
    %swap3A_427 = vector.shape_cast %sub3A_423 : vector<16xf32> to vector<16xf32>
    tpu.vector_store %arg16[%swap3A_424], %swap3A_427 {strides = array<i32>} : memref<768xf32, #tpu.memory_space<vmem>>, vector<16xf32>,
    %get3A_428 = arith.constant 384 : index
    %get3A_429 = tpu.vector_load %arg17[%get3A_428] {strides = array<i32>} : memref<768xf32, #tpu.memory_space<vmem>>, vector<16xf32>,
    %get3A_430 = vector.shape_cast %get3A_429 : vector<16xf32> to vector<16xf32>
    %mul3A_431 = arith.mulf %sub3A_211, %get3A_430 : vector<16xf32>
    %sub3A_432 = arith.subf %scan3A_170#24, %mul3A_431 : vector<16xf32>
    %swap3A_433 = arith.constant 384 : index
    %swap3A_434 = tpu.vector_load %arg16[%swap3A_433] {strides = array<i32>} : memref<768xf32, #tpu.memory_space<vmem>>, vector<16xf32>,
    %swap3A_435 = vector.shape_cast %swap3A_434 : vector<16xf32> to vector<16xf32>
    %swap3A_436 = vector.shape_cast %sub3A_432 : vector<16xf32> to vector<16xf32>
    tpu.vector_store %arg16[%swap3A_433], %swap3A_436 {strides = array<i32>} : memref<768xf32, #tpu.memory_space<vmem>>, vector<16xf32>,
    %get3A_437 = arith.constant 400 : index
    %get3A_438 = tpu.vector_load %arg17[%get3A_437] {strides = array<i32>} : memref<768xf32, #tpu.memory_space<vmem>>, vector<16xf32>,
    %get3A_439 = vector.shape_cast %get3A_438 : vector<16xf32> to vector<16xf32>
    %mul3A_440 = arith.mulf %sub3A_211, %get3A_439 : vector<16xf32>
    %sub3A_441 = arith.subf %scan3A_170#25, %mul3A_440 : vector<16xf32>
    %swap3A_442 = arith.constant 400 : index
    %swap3A_443 = tpu.vector_load %arg16[%swap3A_442] {strides = array<i32>} : memref<768xf32, #tpu.memory_space<vmem>>, vector<16xf32>,
    %swap3A_444 = vector.shape_cast %swap3A_443 : vector<16xf32> to vector<16xf32>
    %swap3A_445 = vector.shape_cast %sub3A_441 : vector<16xf32> to vector<16xf32>
    tpu.vector_store %arg16[%swap3A_442], %swap3A_445 {strides = array<i32>} : memref<768xf32, #tpu.memory_space<vmem>>, vector<16xf32>,
    %get3A_446 = arith.constant 416 : index
    %get3A_447 = tpu.vector_load %arg17[%get3A_446] {strides = array<i32>} : memref<768xf32, #tpu.memory_space<vmem>>, vector<16xf32>,
    %get3A_448 = vector.shape_cast %get3A_447 : vector<16xf32> to vector<16xf32>
    %mul3A_449 = arith.mulf %sub3A_211, %get3A_448 : vector<16xf32>
    %sub3A_450 = arith.subf %scan3A_170#26, %mul3A_449 : vector<16xf32>
    %swap3A_451 = arith.constant 416 : index
    %swap3A_452 = tpu.vector_load %arg16[%swap3A_451] {strides = array<i32>} : memref<768xf32, #tpu.memory_space<vmem>>, vector<16xf32>,
    %swap3A_453 = vector.shape_cast %swap3A_452 : vector<16xf32> to vector<16xf32>
    %swap3A_454 = vector.shape_cast %sub3A_450 : vector<16xf32> to vector<16xf32>
    tpu.vector_store %arg16[%swap3A_451], %swap3A_454 {strides = array<i32>} : memref<768xf32, #tpu.memory_space<vmem>>, vector<16xf32>,
    %get3A_455 = arith.constant 432 : index
    %get3A_456 = tpu.vector_load %arg17[%get3A_455] {strides = array<i32>} : memref<768xf32, #tpu.memory_space<vmem>>, vector<16xf32>,
    %get3A_457 = vector.shape_cast %get3A_456 : vector<16xf32> to vector<16xf32>
    %mul3A_458 = arith.mulf %sub3A_211, %get3A_457 : vector<16xf32>
    %sub3A_459 = arith.subf %scan3A_170#27, %mul3A_458 : vector<16xf32>
    %swap3A_460 = arith.constant 432 : index
    %swap3A_461 = tpu.vector_load %arg16[%swap3A_460] {strides = array<i32>} : memref<768xf32, #tpu.memory_space<vmem>>, vector<16xf32>,
    %swap3A_462 = vector.shape_cast %swap3A_461 : vector<16xf32> to vector<16xf32>
    %swap3A_463 = vector.shape_cast %sub3A_459 : vector<16xf32> to vector<16xf32>
    tpu.vector_store %arg16[%swap3A_460], %swap3A_463 {strides = array<i32>} : memref<768xf32, #tpu.memory_space<vmem>>, vector<16xf32>,
    %get3A_464 = arith.constant 448 : index
    %get3A_465 = tpu.vector_load %arg17[%get3A_464] {strides = array<i32>} : memref<768xf32, #tpu.memory_space<vmem>>, vector<16xf32>,
    %get3A_466 = vector.shape_cast %get3A_465 : vector<16xf32> to vector<16xf32>
    %mul3A_467 = arith.mulf %sub3A_211, %get3A_466 : vector<16xf32>
    %sub3A_468 = arith.subf %scan3A_170#28, %mul3A_467 : vector<16xf32>
    %swap3A_469 = arith.constant 448 : index
    %swap3A_470 = tpu.vector_load %arg16[%swap3A_469] {strides = array<i32>} : memref<768xf32, #tpu.memory_space<vmem>>, vector<16xf32>,
    %swap3A_471 = vector.shape_cast %swap3A_470 : vector<16xf32> to vector<16xf32>
    %swap3A_472 = vector.shape_cast %sub3A_468 : vector<16xf32> to vector<16xf32>
    tpu.vector_store %arg16[%swap3A_469], %swap3A_472 {strides = array<i32>} : memref<768xf32, #tpu.memory_space<vmem>>, vector<16xf32>,
    %get3A_473 = arith.constant 464 : index
    %get3A_474 = tpu.vector_load %arg17[%get3A_473] {strides = array<i32>} : memref<768xf32, #tpu.memory_space<vmem>>, vector<16xf32>,
    %get3A_475 = vector.shape_cast %get3A_474 : vector<16xf32> to vector<16xf32>
    %mul3A_476 = arith.mulf %sub3A_211, %get3A_475 : vector<16xf32>
    %sub3A_477 = arith.subf %scan3A_170#29, %mul3A_476 : vector<16xf32>
    %swap3A_478 = arith.constant 464 : index
    %swap3A_479 = tpu.vector_load %arg16[%swap3A_478] {strides = array<i32>} : memref<768xf32, #tpu.memory_space<vmem>>, vector<16xf32>,
    %swap3A_480 = vector.shape_cast %swap3A_479 : vector<16xf32> to vector<16xf32>
    %swap3A_481 = vector.shape_cast %sub3A_477 : vector<16xf32> to vector<16xf32>
    tpu.vector_store %arg16[%swap3A_478], %swap3A_481 {strides = array<i32>} : memref<768xf32, #tpu.memory_space<vmem>>, vector<16xf32>,
    %get3A_482 = arith.constant 480 : index
    %get3A_483 = tpu.vector_load %arg17[%get3A_482] {strides = array<i32>} : memref<768xf32, #tpu.memory_space<vmem>>, vector<16xf32>,
    %get3A_484 = vector.shape_cast %get3A_483 : vector<16xf32> to vector<16xf32>
    %mul3A_485 = arith.mulf %sub3A_211, %get3A_484 : vector<16xf32>
    %sub3A_486 = arith.subf %scan3A_170#30, %mul3A_485 : vector<16xf32>
    %swap3A_487 = arith.constant 480 : index
    %swap3A_488 = tpu.vector_load %arg16[%swap3A_487] {strides = array<i32>} : memref<768xf32, #tpu.memory_space<vmem>>, vector<16xf32>,
    %swap3A_489 = vector.shape_cast %swap3A_488 : vector<16xf32> to vector<16xf32>
    %swap3A_490 = vector.shape_cast %sub3A_486 : vector<16xf32> to vector<16xf32>
    tpu.vector_store %arg16[%swap3A_487], %swap3A_490 {strides = array<i32>} : memref<768xf32, #tpu.memory_space<vmem>>, vector<16xf32>,
    %get3A_491 = arith.constant 496 : index
    %get3A_492 = tpu.vector_load %arg17[%get3A_491] {strides = array<i32>} : memref<768xf32, #tpu.memory_space<vmem>>, vector<16xf32>,
    %get3A_493 = vector.shape_cast %get3A_492 : vector<16xf32> to vector<16xf32>
    %mul3A_494 = arith.mulf %sub3A_211, %get3A_493 : vector<16xf32>
    %sub3A_495 = arith.subf %scan3A_170#31, %mul3A_494 : vector<16xf32>
    %swap3A_496 = arith.constant 496 : index
    %swap3A_497 = tpu.vector_load %arg16[%swap3A_496] {strides = array<i32>} : memref<768xf32, #tpu.memory_space<vmem>>, vector<16xf32>,
    %swap3A_498 = vector.shape_cast %swap3A_497 : vector<16xf32> to vector<16xf32>
    %swap3A_499 = vector.shape_cast %sub3A_495 : vector<16xf32> to vector<16xf32>
    tpu.vector_store %arg16[%swap3A_496], %swap3A_499 {strides = array<i32>} : memref<768xf32, #tpu.memory_space<vmem>>, vector<16xf32>,
    %get3A_500 = arith.constant 512 : index
    %get3A_501 = tpu.vector_load %arg17[%get3A_500] {strides = array<i32>} : memref<768xf32, #tpu.memory_space<vmem>>, vector<16xf32>,
    %get3A_502 = vector.shape_cast %get3A_501 : vector<16xf32> to vector<16xf32>
    %mul3A_503 = arith.mulf %sub3A_211, %get3A_502 : vector<16xf32>
    %sub3A_504 = arith.subf %scan3A_170#32, %mul3A_503 : vector<16xf32>
    %swap3A_505 = arith.constant 512 : index
    %swap3A_506 = tpu.vector_load %arg16[%swap3A_505] {strides = array<i32>} : memref<768xf32, #tpu.memory_space<vmem>>, vector<16xf32>,
    %swap3A_507 = vector.shape_cast %swap3A_506 : vector<16xf32> to vector<16xf32>
    %swap3A_508 = vector.shape_cast %sub3A_504 : vector<16xf32> to vector<16xf32>
    tpu.vector_store %arg16[%swap3A_505], %swap3A_508 {strides = array<i32>} : memref<768xf32, #tpu.memory_space<vmem>>, vector<16xf32>,
    %get3A_509 = arith.constant 528 : index
    %get3A_510 = tpu.vector_load %arg17[%get3A_509] {strides = array<i32>} : memref<768xf32, #tpu.memory_space<vmem>>, vector<16xf32>,
    %get3A_511 = vector.shape_cast %get3A_510 : vector<16xf32> to vector<16xf32>
    %mul3A_512 = arith.mulf %sub3A_211, %get3A_511 : vector<16xf32>
    %sub3A_513 = arith.subf %scan3A_170#33, %mul3A_512 : vector<16xf32>
    %swap3A_514 = arith.constant 528 : index
    %swap3A_515 = tpu.vector_load %arg16[%swap3A_514] {strides = array<i32>} : memref<768xf32, #tpu.memory_space<vmem>>, vector<16xf32>,
    %swap3A_516 = vector.shape_cast %swap3A_515 : vector<16xf32> to vector<16xf32>
    %swap3A_517 = vector.shape_cast %sub3A_513 : vector<16xf32> to vector<16xf32>
    tpu.vector_store %arg16[%swap3A_514], %swap3A_517 {strides = array<i32>} : memref<768xf32, #tpu.memory_space<vmem>>, vector<16xf32>,
    %get3A_518 = arith.constant 544 : index
    %get3A_519 = tpu.vector_load %arg17[%get3A_518] {strides = array<i32>} : memref<768xf32, #tpu.memory_space<vmem>>, vector<16xf32>,
    %get3A_520 = vector.shape_cast %get3A_519 : vector<16xf32> to vector<16xf32>
    %mul3A_521 = arith.mulf %sub3A_211, %get3A_520 : vector<16xf32>
    %sub3A_522 = arith.subf %scan3A_170#34, %mul3A_521 : vector<16xf32>
    %swap3A_523 = arith.constant 544 : index
    %swap3A_524 = tpu.vector_load %arg16[%swap3A_523] {strides = array<i32>} : memref<768xf32, #tpu.memory_space<vmem>>, vector<16xf32>,
    %swap3A_525 = vector.shape_cast %swap3A_524 : vector<16xf32> to vector<16xf32>
    %swap3A_526 = vector.shape_cast %sub3A_522 : vector<16xf32> to vector<16xf32>
    tpu.vector_store %arg16[%swap3A_523], %swap3A_526 {strides = array<i32>} : memref<768xf32, #tpu.memory_space<vmem>>, vector<16xf32>,
    %get3A_527 = arith.constant 560 : index
    %get3A_528 = tpu.vector_load %arg17[%get3A_527] {strides = array<i32>} : memref<768xf32, #tpu.memory_space<vmem>>, vector<16xf32>,
    %get3A_529 = vector.shape_cast %get3A_528 : vector<16xf32> to vector<16xf32>
    %mul3A_530 = arith.mulf %sub3A_211, %get3A_529 : vector<16xf32>
    %sub3A_531 = arith.subf %scan3A_170#35, %mul3A_530 : vector<16xf32>
    %swap3A_532 = arith.constant 560 : index
    %swap3A_533 = tpu.vector_load %arg16[%swap3A_532] {strides = array<i32>} : memref<768xf32, #tpu.memory_space<vmem>>, vector<16xf32>,
    %swap3A_534 = vector.shape_cast %swap3A_533 : vector<16xf32> to vector<16xf32>
    %swap3A_535 = vector.shape_cast %sub3A_531 : vector<16xf32> to vector<16xf32>
    tpu.vector_store %arg16[%swap3A_532], %swap3A_535 {strides = array<i32>} : memref<768xf32, #tpu.memory_space<vmem>>, vector<16xf32>,
    %get3A_536 = arith.constant 576 : index
    %get3A_537 = tpu.vector_load %arg17[%get3A_536] {strides = array<i32>} : memref<768xf32, #tpu.memory_space<vmem>>, vector<16xf32>,
    %get3A_538 = vector.shape_cast %get3A_537 : vector<16xf32> to vector<16xf32>
    %mul3A_539 = arith.mulf %sub3A_211, %get3A_538 : vector<16xf32>
    %sub3A_540 = arith.subf %scan3A_170#36, %mul3A_539 : vector<16xf32>
    %swap3A_541 = arith.constant 576 : index
    %swap3A_542 = tpu.vector_load %arg16[%swap3A_541] {strides = array<i32>} : memref<768xf32, #tpu.memory_space<vmem>>, vector<16xf32>,
    %swap3A_543 = vector.shape_cast %swap3A_542 : vector<16xf32> to vector<16xf32>
    %swap3A_544 = vector.shape_cast %sub3A_540 : vector<16xf32> to vector<16xf32>
    tpu.vector_store %arg16[%swap3A_541], %swap3A_544 {strides = array<i32>} : memref<768xf32, #tpu.memory_space<vmem>>, vector<16xf32>,
    %get3A_545 = arith.constant 592 : index
    %get3A_546 = tpu.vector_load %arg17[%get3A_545] {strides = array<i32>} : memref<768xf32, #tpu.memory_space<vmem>>, vector<16xf32>,
    %get3A_547 = vector.shape_cast %get3A_546 : vector<16xf32> to vector<16xf32>
    %mul3A_548 = arith.mulf %sub3A_211, %get3A_547 : vector<16xf32>
    %sub3A_549 = arith.subf %scan3A_170#37, %mul3A_548 : vector<16xf32>
    %swap3A_550 = arith.constant 592 : index
    %swap3A_551 = tpu.vector_load %arg16[%swap3A_550] {strides = array<i32>} : memref<768xf32, #tpu.memory_space<vmem>>, vector<16xf32>,
    %swap3A_552 = vector.shape_cast %swap3A_551 : vector<16xf32> to vector<16xf32>
    %swap3A_553 = vector.shape_cast %sub3A_549 : vector<16xf32> to vector<16xf32>
    tpu.vector_store %arg16[%swap3A_550], %swap3A_553 {strides = array<i32>} : memref<768xf32, #tpu.memory_space<vmem>>, vector<16xf32>,
    %get3A_554 = arith.constant 608 : index
    %get3A_555 = tpu.vector_load %arg17[%get3A_554] {strides = array<i32>} : memref<768xf32, #tpu.memory_space<vmem>>, vector<16xf32>,
    %get3A_556 = vector.shape_cast %get3A_555 : vector<16xf32> to vector<16xf32>
    %mul3A_557 = arith.mulf %sub3A_211, %get3A_556 : vector<16xf32>
    %sub3A_558 = arith.subf %scan3A_170#38, %mul3A_557 : vector<16xf32>
    %swap3A_559 = arith.constant 608 : index
    %swap3A_560 = tpu.vector_load %arg16[%swap3A_559] {strides = array<i32>} : memref<768xf32, #tpu.memory_space<vmem>>, vector<16xf32>,
    %swap3A_561 = vector.shape_cast %swap3A_560 : vector<16xf32> to vector<16xf32>
    %swap3A_562 = vector.shape_cast %sub3A_558 : vector<16xf32> to vector<16xf32>
    tpu.vector_store %arg16[%swap3A_559], %swap3A_562 {strides = array<i32>} : memref<768xf32, #tpu.memory_space<vmem>>, vector<16xf32>,
    %get3A_563 = arith.constant 624 : index
    %get3A_564 = tpu.vector_load %arg17[%get3A_563] {strides = array<i32>} : memref<768xf32, #tpu.memory_space<vmem>>, vector<16xf32>,
    %get3A_565 = vector.shape_cast %get3A_564 : vector<16xf32> to vector<16xf32>
    %mul3A_566 = arith.mulf %sub3A_211, %get3A_565 : vector<16xf32>
    %sub3A_567 = arith.subf %scan3A_170#39, %mul3A_566 : vector<16xf32>
    %swap3A_568 = arith.constant 624 : index
    %swap3A_569 = tpu.vector_load %arg16[%swap3A_568] {strides = array<i32>} : memref<768xf32, #tpu.memory_space<vmem>>, vector<16xf32>,
    %swap3A_570 = vector.shape_cast %swap3A_569 : vector<16xf32> to vector<16xf32>
    %swap3A_571 = vector.shape_cast %sub3A_567 : vector<16xf32> to vector<16xf32>
    tpu.vector_store %arg16[%swap3A_568], %swap3A_571 {strides = array<i32>} : memref<768xf32, #tpu.memory_space<vmem>>, vector<16xf32>,
    %get3A_572 = arith.constant 640 : index
    %get3A_573 = tpu.vector_load %arg17[%get3A_572] {strides = array<i32>} : memref<768xf32, #tpu.memory_space<vmem>>, vector<16xf32>,
    %get3A_574 = vector.shape_cast %get3A_573 : vector<16xf32> to vector<16xf32>
    %mul3A_575 = arith.mulf %sub3A_211, %get3A_574 : vector<16xf32>
    %sub3A_576 = arith.subf %scan3A_170#40, %mul3A_575 : vector<16xf32>
    %swap3A_577 = arith.constant 640 : index
    %swap3A_578 = tpu.vector_load %arg16[%swap3A_577] {strides = array<i32>} : memref<768xf32, #tpu.memory_space<vmem>>, vector<16xf32>,
    %swap3A_579 = vector.shape_cast %swap3A_578 : vector<16xf32> to vector<16xf32>
    %swap3A_580 = vector.shape_cast %sub3A_576 : vector<16xf32> to vector<16xf32>
    tpu.vector_store %arg16[%swap3A_577], %swap3A_580 {strides = array<i32>} : memref<768xf32, #tpu.memory_space<vmem>>, vector<16xf32>,
    %get3A_581 = arith.constant 656 : index
    %get3A_582 = tpu.vector_load %arg17[%get3A_581] {strides = array<i32>} : memref<768xf32, #tpu.memory_space<vmem>>, vector<16xf32>,
    %get3A_583 = vector.shape_cast %get3A_582 : vector<16xf32> to vector<16xf32>
    %mul3A_584 = arith.mulf %sub3A_211, %get3A_583 : vector<16xf32>
    %sub3A_585 = arith.subf %scan3A_170#41, %mul3A_584 : vector<16xf32>
    %swap3A_586 = arith.constant 656 : index
    %swap3A_587 = tpu.vector_load %arg16[%swap3A_586] {strides = array<i32>} : memref<768xf32, #tpu.memory_space<vmem>>, vector<16xf32>,
    %swap3A_588 = vector.shape_cast %swap3A_587 : vector<16xf32> to vector<16xf32>
    %swap3A_589 = vector.shape_cast %sub3A_585 : vector<16xf32> to vector<16xf32>
    tpu.vector_store %arg16[%swap3A_586], %swap3A_589 {strides = array<i32>} : memref<768xf32, #tpu.memory_space<vmem>>, vector<16xf32>,
    %get3A_590 = arith.constant 672 : index
    %get3A_591 = tpu.vector_load %arg17[%get3A_590] {strides = array<i32>} : memref<768xf32, #tpu.memory_space<vmem>>, vector<16xf32>,
    %get3A_592 = vector.shape_cast %get3A_591 : vector<16xf32> to vector<16xf32>
    %mul3A_593 = arith.mulf %sub3A_211, %get3A_592 : vector<16xf32>
    %sub3A_594 = arith.subf %scan3A_170#42, %mul3A_593 : vector<16xf32>
    %swap3A_595 = arith.constant 672 : index
    %swap3A_596 = tpu.vector_load %arg16[%swap3A_595] {strides = array<i32>} : memref<768xf32, #tpu.memory_space<vmem>>, vector<16xf32>,
    %swap3A_597 = vector.shape_cast %swap3A_596 : vector<16xf32> to vector<16xf32>
    %swap3A_598 = vector.shape_cast %sub3A_594 : vector<16xf32> to vector<16xf32>
    tpu.vector_store %arg16[%swap3A_595], %swap3A_598 {strides = array<i32>} : memref<768xf32, #tpu.memory_space<vmem>>, vector<16xf32>,
    %get3A_599 = arith.constant 688 : index
    %get3A_600 = tpu.vector_load %arg17[%get3A_599] {strides = array<i32>} : memref<768xf32, #tpu.memory_space<vmem>>, vector<16xf32>,
    %get3A_601 = vector.shape_cast %get3A_600 : vector<16xf32> to vector<16xf32>
    %mul3A_602 = arith.mulf %sub3A_211, %get3A_601 : vector<16xf32>
    %sub3A_603 = arith.subf %scan3A_170#43, %mul3A_602 : vector<16xf32>
    %swap3A_604 = arith.constant 688 : index
    %swap3A_605 = tpu.vector_load %arg16[%swap3A_604] {strides = array<i32>} : memref<768xf32, #tpu.memory_space<vmem>>, vector<16xf32>,
    %swap3A_606 = vector.shape_cast %swap3A_605 : vector<16xf32> to vector<16xf32>
    %swap3A_607 = vector.shape_cast %sub3A_603 : vector<16xf32> to vector<16xf32>
    tpu.vector_store %arg16[%swap3A_604], %swap3A_607 {strides = array<i32>} : memref<768xf32, #tpu.memory_space<vmem>>, vector<16xf32>,
    %get3A_608 = arith.constant 704 : index
    %get3A_609 = tpu.vector_load %arg17[%get3A_608] {strides = array<i32>} : memref<768xf32, #tpu.memory_space<vmem>>, vector<16xf32>,
    %get3A_610 = vector.shape_cast %get3A_609 : vector<16xf32> to vector<16xf32>
    %mul3A_611 = arith.mulf %sub3A_211, %get3A_610 : vector<16xf32>
    %sub3A_612 = arith.subf %scan3A_170#44, %mul3A_611 : vector<16xf32>
    %swap3A_613 = arith.constant 704 : index
    %swap3A_614 = tpu.vector_load %arg16[%swap3A_613] {strides = array<i32>} : memref<768xf32, #tpu.memory_space<vmem>>, vector<16xf32>,
    %swap3A_615 = vector.shape_cast %swap3A_614 : vector<16xf32> to vector<16xf32>
    %swap3A_616 = vector.shape_cast %sub3A_612 : vector<16xf32> to vector<16xf32>
    tpu.vector_store %arg16[%swap3A_613], %swap3A_616 {strides = array<i32>} : memref<768xf32, #tpu.memory_space<vmem>>, vector<16xf32>,
    %get3A_617 = arith.constant 720 : index
    %get3A_618 = tpu.vector_load %arg17[%get3A_617] {strides = array<i32>} : memref<768xf32, #tpu.memory_space<vmem>>, vector<16xf32>,
    %get3A_619 = vector.shape_cast %get3A_618 : vector<16xf32> to vector<16xf32>
    %mul3A_620 = arith.mulf %sub3A_211, %get3A_619 : vector<16xf32>
    %sub3A_621 = arith.subf %scan3A_170#45, %mul3A_620 : vector<16xf32>
    %swap3A_622 = arith.constant 720 : index
    %swap3A_623 = tpu.vector_load %arg16[%swap3A_622] {strides = array<i32>} : memref<768xf32, #tpu.memory_space<vmem>>, vector<16xf32>,
    %swap3A_624 = vector.shape_cast %swap3A_623 : vector<16xf32> to vector<16xf32>
    %swap3A_625 = vector.shape_cast %sub3A_621 : vector<16xf32> to vector<16xf32>
    tpu.vector_store %arg16[%swap3A_622], %swap3A_625 {strides = array<i32>} : memref<768xf32, #tpu.memory_space<vmem>>, vector<16xf32>,
    %get3A_626 = arith.constant 736 : index
    %get3A_627 = tpu.vector_load %arg17[%get3A_626] {strides = array<i32>} : memref<768xf32, #tpu.memory_space<vmem>>, vector<16xf32>,
    %get3A_628 = vector.shape_cast %get3A_627 : vector<16xf32> to vector<16xf32>
    %mul3A_629 = arith.mulf %sub3A_211, %get3A_628 : vector<16xf32>
    %sub3A_630 = arith.subf %scan3A_170#46, %mul3A_629 : vector<16xf32>
    %swap3A_631 = arith.constant 736 : index
    %swap3A_632 = tpu.vector_load %arg16[%swap3A_631] {strides = array<i32>} : memref<768xf32, #tpu.memory_space<vmem>>, vector<16xf32>,
    %swap3A_633 = vector.shape_cast %swap3A_632 : vector<16xf32> to vector<16xf32>
    %swap3A_634 = vector.shape_cast %sub3A_630 : vector<16xf32> to vector<16xf32>
    tpu.vector_store %arg16[%swap3A_631], %swap3A_634 {strides = array<i32>} : memref<768xf32, #tpu.memory_space<vmem>>, vector<16xf32>,
    %get3A_635 = arith.constant 752 : index
    %get3A_636 = tpu.vector_load %arg17[%get3A_635] {strides = array<i32>} : memref<768xf32, #tpu.memory_space<vmem>>, vector<16xf32>,
    %get3A_637 = vector.shape_cast %get3A_636 : vector<16xf32> to vector<16xf32>
    %mul3A_638 = arith.mulf %sub3A_211, %get3A_637 : vector<16xf32>
    %sub3A_639 = arith.subf %scan3A_170#47, %mul3A_638 : vector<16xf32>
    %swap3A_640 = arith.constant 752 : index
    %swap3A_641 = tpu.vector_load %arg16[%swap3A_640] {strides = array<i32>} : memref<768xf32, #tpu.memory_space<vmem>>, vector<16xf32>,
    %swap3A_642 = vector.shape_cast %swap3A_641 : vector<16xf32> to vector<16xf32>
    %swap3A_643 = vector.shape_cast %sub3A_639 : vector<16xf32> to vector<16xf32>
    tpu.vector_store %arg16[%swap3A_640], %swap3A_643 {strides = array<i32>} : memref<768xf32, #tpu.memory_space<vmem>>, vector<16xf32>,
    "tpu.region"() ({
      %run_scoped3A_646 = tpu.sem_alloc : memref<!tpu.dma_semaphore, #tpu.memory_space<semaphore_mem>>
      %dma_start3A_647 = arith.constant 0 : i32
      %dma_start3A_648 = tpu.memref_slice %arg21[%arg1, %dma_start3A_647] : memref<16x768xf32, #tpu.memory_space<vmem_shared>> -> memref<1x768xf32, #tpu.memory_space<vmem_shared>>
      %dma_start3A_649 = tpu.memref_squeeze %dma_start3A_648 : memref<1x768xf32, #tpu.memory_space<vmem_shared>> -> memref<768xf32, #tpu.memory_space<vmem_shared>>
      %dma_start3A_650 = arith.constant 0 : i32
      %dma_start3A_651 = tpu.memref_slice %arg21[%arg1, %dma_start3A_650] : memref<16x768xf32, #tpu.memory_space<vmem_shared>> -> memref<1x768xf32, #tpu.memory_space<vmem_shared>>
      %dma_start3A_652 = tpu.memref_squeeze %dma_start3A_651 : memref<1x768xf32, #tpu.memory_space<vmem_shared>> -> memref<768xf32, #tpu.memory_space<vmem_shared>>
      tpu.enqueue_dma source(%arg16 : memref<768xf32, #tpu.memory_space<vmem>>) target(%dma_start3A_652 : memref<768xf32, #tpu.memory_space<vmem_shared>>) target_semaphore(%run_scoped3A_646 : memref<!tpu.dma_semaphore, #tpu.memory_space<semaphore_mem>>)
      %dma_wait3A_653 = arith.constant 0 : i32
      %dma_wait3A_654 = tpu.memref_slice %arg21[%arg1, %dma_wait3A_653] : memref<16x768xf32, #tpu.memory_space<vmem_shared>> -> memref<1x768xf32, #tpu.memory_space<vmem_shared>>
      %dma_wait3A_655 = tpu.memref_squeeze %dma_wait3A_654 : memref<1x768xf32, #tpu.memory_space<vmem_shared>> -> memref<768xf32, #tpu.memory_space<vmem_shared>>
      %dma_wait3A_656 = arith.constant 0 : i32
      %dma_wait3A_657 = tpu.memref_slice %arg21[%arg1, %dma_wait3A_656] : memref<16x768xf32, #tpu.memory_space<vmem_shared>> -> memref<1x768xf32, #tpu.memory_space<vmem_shared>>
      %dma_wait3A_658 = tpu.memref_squeeze %dma_wait3A_657 : memref<1x768xf32, #tpu.memory_space<vmem_shared>> -> memref<768xf32, #tpu.memory_space<vmem_shared>>
      tpu.wait_dma2 semaphore(%run_scoped3A_646 : memref<!tpu.dma_semaphore, #tpu.memory_space<semaphore_mem>>) src(%arg16 : memref<768xf32, #tpu.memory_space<vmem>>) dst(%dma_wait3A_658 : memref<768xf32, #tpu.memory_space<vmem_shared>>)
      tpu.yield
    }) : () -> ()
    %barrier3A = arith.constant 0 : index
    tpu.barrier barrier_id(%barrier3A)
    %eq3A = arith.constant 0 : i32
    %eq3A_644 = arith.cmpi eq, %arg1, %eq3A : i32
    %convert_element_type3A = arith.extui %eq3A_644 : i1 to i32
    %cond3A = arith.constant 0 : i32
    %cond3A_645 = arith.cmpi ne, %convert_element_type3A, %cond3A : i32
    scf.if %cond3A_645 {
      "tpu.region"() ({
        %run_scoped3A_658 = tpu.sem_alloc : memref<!tpu.dma_semaphore, #tpu.memory_space<semaphore_mem>>
        tpu.enqueue_dma source(%arg4 : memref<768xf32, #tpu.memory_space<hbm>>) target(%arg18 : memref<768xf32, #tpu.memory_space<vmem>>) target_semaphore(%run_scoped3A_658 : memref<!tpu.dma_semaphore, #tpu.memory_space<semaphore_mem>>)
        tpu.wait_dma2 semaphore(%run_scoped3A_658 : memref<!tpu.dma_semaphore, #tpu.memory_space<semaphore_mem>>) src(%arg4 : memref<768xf32, #tpu.memory_space<hbm>>) dst(%arg18 : memref<768xf32, #tpu.memory_space<vmem>>)
        tpu.yield
      }) : () -> ()
      %broadcast_in_dim3A_646 = arith.constant 0.000000e+00 : f32
      %broadcast_in_dim3A_647 = vector.broadcast %broadcast_in_dim3A_646 : f32 to vector<16xf32>
      %scan3A_648 = arith.constant 0 : i32
      %scan3A_649 = arith.constant 16 : i32
      %scan3A_650 = arith.addi %scan3A_648, %scan3A_649 : i32
      %scan3A_651 = arith.constant 1 : i32
      %scan3A_652 = scf.for %scan3A_658 = %scan3A_648 to %scan3A_650 step %scan3A_651 iter_args(%scan3A_659 = %broadcast_in_dim3A_647) -> (vector<16xf32>)  : i32 {
        "tpu.region"() ({
          %run_scoped3A_666 = tpu.sem_alloc : memref<!tpu.dma_semaphore, #tpu.memory_space<semaphore_mem>>
          %dma_start3A_667 = arith.constant 0 : i32
          %dma_start3A_668 = tpu.memref_slice %arg21[%scan3A_658, %dma_start3A_667] : memref<16x768xf32, #tpu.memory_space<vmem_shared>> -> memref<1x768xf32, #tpu.memory_space<vmem_shared>>
          %dma_start3A_669 = tpu.memref_squeeze %dma_start3A_668 : memref<1x768xf32, #tpu.memory_space<vmem_shared>> -> memref<768xf32, #tpu.memory_space<vmem_shared>>
          %dma_start3A_670 = arith.constant 0 : i32
          %dma_start3A_671 = tpu.memref_slice %arg21[%scan3A_658, %dma_start3A_670] : memref<16x768xf32, #tpu.memory_space<vmem_shared>> -> memref<1x768xf32, #tpu.memory_space<vmem_shared>>
          %dma_start3A_672 = tpu.memref_squeeze %dma_start3A_671 : memref<1x768xf32, #tpu.memory_space<vmem_shared>> -> memref<768xf32, #tpu.memory_space<vmem_shared>>
          tpu.enqueue_dma source(%dma_start3A_672 : memref<768xf32, #tpu.memory_space<vmem_shared>>) target(%arg16 : memref<768xf32, #tpu.memory_space<vmem>>) target_semaphore(%run_scoped3A_666 : memref<!tpu.dma_semaphore, #tpu.memory_space<semaphore_mem>>)
          %dma_wait3A_673 = arith.constant 0 : i32
          %dma_wait3A_674 = tpu.memref_slice %arg21[%scan3A_658, %dma_wait3A_673] : memref<16x768xf32, #tpu.memory_space<vmem_shared>> -> memref<1x768xf32, #tpu.memory_space<vmem_shared>>
          %dma_wait3A_675 = tpu.memref_squeeze %dma_wait3A_674 : memref<1x768xf32, #tpu.memory_space<vmem_shared>> -> memref<768xf32, #tpu.memory_space<vmem_shared>>
          %dma_wait3A_676 = arith.constant 0 : i32
          %dma_wait3A_677 = tpu.memref_slice %arg21[%scan3A_658, %dma_wait3A_676] : memref<16x768xf32, #tpu.memory_space<vmem_shared>> -> memref<1x768xf32, #tpu.memory_space<vmem_shared>>
          %dma_wait3A_678 = tpu.memref_squeeze %dma_wait3A_677 : memref<1x768xf32, #tpu.memory_space<vmem_shared>> -> memref<768xf32, #tpu.memory_space<vmem_shared>>
          tpu.wait_dma2 semaphore(%run_scoped3A_666 : memref<!tpu.dma_semaphore, #tpu.memory_space<semaphore_mem>>) src(%dma_wait3A_678 : memref<768xf32, #tpu.memory_space<vmem_shared>>) dst(%arg16 : memref<768xf32, #tpu.memory_space<vmem>>)
          tpu.yield
        }) : () -> ()
        %scan3A_660 = arith.constant 0 : i32
        %scan3A_661 = arith.constant 48 : i32
        %scan3A_662 = arith.addi %scan3A_660, %scan3A_661 : i32
        %scan3A_663 = arith.constant 1 : i32
        %scan3A_664 = scf.for %scan3A_666 = %scan3A_660 to %scan3A_662 step %scan3A_663 iter_args(%scan3A_667 = %scan3A_659) -> (vector<16xf32>)  : i32 {
          %mul3A_668 = arith.constant 16 : i32
          %mul3A_669 = arith.muli %scan3A_666, %mul3A_668 : i32
          %get3A_670 = arith.index_cast %mul3A_669 : i32 to index
          %get3A_671 = tpu.vector_load %arg16[%get3A_670] {strides = array<i32>} : memref<768xf32, #tpu.memory_space<vmem>>, vector<16xf32>,
          %get3A_672 = vector.shape_cast %get3A_671 : vector<16xf32> to vector<16xf32>
          %mul3A_673 = arith.constant 16 : i32
          %mul3A_674 = arith.muli %scan3A_666, %mul3A_673 : i32
          %get3A_675 = arith.index_cast %mul3A_674 : i32 to index
          %get3A_676 = tpu.vector_load %arg18[%get3A_675] {strides = array<i32>} : memref<768xf32, #tpu.memory_space<vmem>>, vector<16xf32>,
          %get3A_677 = vector.shape_cast %get3A_676 : vector<16xf32> to vector<16xf32>
          %mul3A_678 = arith.mulf %get3A_672, %get3A_677 : vector<16xf32>
          %add3A_679 = arith.addf %scan3A_667, %mul3A_678 : vector<16xf32>
          scf.yield %add3A_679 : vector<16xf32>
        }
        %scan3A_665 = arith.constant 48 : i32
        scf.yield %scan3A_664 : vector<16xf32>
      }
      %scan3A_653 = arith.constant 16 : i32
      %swap3A_654 = arith.constant 0 : index
      %swap3A_655 = tpu.vector_load %arg19[%swap3A_654] {strides = array<i32>} : memref<16xf32, #tpu.memory_space<vmem>>, vector<16xf32>,
      %swap3A_656 = vector.shape_cast %swap3A_655 : vector<16xf32> to vector<16xf32>
      %swap3A_657 = vector.shape_cast %scan3A_652 : vector<16xf32> to vector<16xf32>
      tpu.vector_store %arg19[%swap3A_654], %swap3A_657 {strides = array<i32>} : memref<16xf32, #tpu.memory_space<vmem>>, vector<16xf32>,
      "tpu.region"() ({
        %run_scoped3A_658 = tpu.sem_alloc : memref<!tpu.dma_semaphore, #tpu.memory_space<semaphore_mem>>
        %dma_start3A_659 = arith.constant 0 : i32
        %dma_start3A_660 = tpu.memref_slice %arg8[%arg0, %dma_start3A_659] : memref<2x16xf32, #tpu.memory_space<hbm>> -> memref<1x16xf32, #tpu.memory_space<hbm>>
        %dma_start3A_661 = tpu.memref_squeeze %dma_start3A_660 : memref<1x16xf32, #tpu.memory_space<hbm>> -> memref<16xf32, #tpu.memory_space<hbm>>
        %dma_start3A_662 = arith.constant 0 : i32
        %dma_start3A_663 = tpu.memref_slice %arg8[%arg0, %dma_start3A_662] : memref<2x16xf32, #tpu.memory_space<hbm>> -> memref<1x16xf32, #tpu.memory_space<hbm>>
        %dma_start3A_664 = tpu.memref_squeeze %dma_start3A_663 : memref<1x16xf32, #tpu.memory_space<hbm>> -> memref<16xf32, #tpu.memory_space<hbm>>
        tpu.enqueue_dma source(%arg19 : memref<16xf32, #tpu.memory_space<vmem>>) target(%dma_start3A_664 : memref<16xf32, #tpu.memory_space<hbm>>) target_semaphore(%run_scoped3A_658 : memref<!tpu.dma_semaphore, #tpu.memory_space<semaphore_mem>>)
        %dma_wait3A_665 = arith.constant 0 : i32
        %dma_wait3A_666 = tpu.memref_slice %arg8[%arg0, %dma_wait3A_665] : memref<2x16xf32, #tpu.memory_space<hbm>> -> memref<1x16xf32, #tpu.memory_space<hbm>>
        %dma_wait3A_667 = tpu.memref_squeeze %dma_wait3A_666 : memref<1x16xf32, #tpu.memory_space<hbm>> -> memref<16xf32, #tpu.memory_space<hbm>>
        %dma_wait3A_668 = arith.constant 0 : i32
        %dma_wait3A_669 = tpu.memref_slice %arg8[%arg0, %dma_wait3A_668] : memref<2x16xf32, #tpu.memory_space<hbm>> -> memref<1x16xf32, #tpu.memory_space<hbm>>
        %dma_wait3A_670 = tpu.memref_squeeze %dma_wait3A_669 : memref<1x16xf32, #tpu.memory_space<hbm>> -> memref<16xf32, #tpu.memory_space<hbm>>
        tpu.wait_dma2 semaphore(%run_scoped3A_658 : memref<!tpu.dma_semaphore, #tpu.memory_space<semaphore_mem>>) src(%arg19 : memref<16xf32, #tpu.memory_space<vmem>>) dst(%dma_wait3A_670 : memref<16xf32, #tpu.memory_space<hbm>>)
        tpu.yield
      }) : () -> ()
    } else {
    }
    return
  }
}

</mosaic_0001>

<sc_bundles>
// kernel: kernel.3.cloned.1.call-start
scs
__scs_entry_jumppad:
0x0: {  	(pc) =	sbr.rel $0x88, $3  }
0x1: {  	(tag) =	ssettag $0x0;
	lr =	simm.s32 $0x1  }
0x2: {  	[smem:$0x3F9B] =	sst lr;
	_ =	strace $0xD0000000  }
0x3: {  	_ = 	snop  }
0x4: {  	_ = 	snop  }
0x5: {  	_ = 	snop  }
0x6: {  	_ = 	snop  }
0x7: {  	_ = 	snop  }
__scs_overlays_trampoline_lowered:
0x8: {  	[smem:$0x3FAA] =	sst s0  }
0x9: {  	[smem:$0x3FAB] =	sst s1  }
0xa: {  	[smem:$0x3FAC] =	sst s2  }
0xb: {  	[smem:$0x3FAD] =	sst s3  }
0xc: {  	[smem:$0x3FAE] =	sst s4  }
0xd: {  	[smem:$0x3FAF] =	sst s5  }
0xe: {  	[smem:$0x3FB0] =	sst s6  }
0xf: {  	[smem:$0x3FB1] =	sst s7  }
0x10: {  	[smem:$0x3FB2] =	sst s8  }
0x11: {  	[smem:$0x3FB3] =	sst s9;
	s0 =	simm.s32 @!p0 $0x0  }
0x12: {  	s1 =	sld [smem:$0x3F99];
	s0 =	simm.s32 @p0 $0x1  }
0x13: {  	[smem:$0x3FB4] =	sst s0;
	s0 =	simm.s32 @!p1 $0x0  }
0x14: {  	s2 =	sld [smem:$0x3F98];
	s0 =	simm.s32 @p1 $0x1  }
0x15: {  	[smem:$0x3FB5] =	sst s0;
	s0 =	simm.s32 @!p2 $0x0  }
0x16: {  	s3 =	sld [smem:$0x3FDB];
	s0 =	simm.s32 @p2 $0x1  }
0x17: {  	s4 =	simm.s32 $0x1BF5;
	[smem:$0x3FB7] =	sst s0  }
0x18: {  	s0 =	sld [smem:$0x3F9A];
	_ =	swait.ge [sflag:s4], $0x0  }
0x19: {  	s7 =	sld [smem:$0x3F9B]  }
0x1a: {  	s8 =	sadd.s32 $0xFFFFE003, lr  }
0x1b: {  	s9 =	sadd.s32 $0xFFFFFEF7, lr;
	s5 =	simm.s32 $0xFFFFFFFF;
	p2 =	slt.u32 s8, $0xFFFFF086  }
0x1c: {  	p1 =	slt.u32 s9, $0xF7A;
	s5 =	simm.s32 @!p2 $0x0  }
0x1d: {  	s5 =	simm.s32 @p1 $0x1;
	p0 =	seq.s32 s7, s2  }
0x1e: {  	s7 =	smul.u32 @!p0 $0xF7A, s2;
	p2 =	seq.s32 @!p0 s5, $0x0  }
0x1f: {  	s9 =	smul.u32 $0xF7A, s1;
	s8 =	simm.s32 @!p0 $0x1BF5;
	p2 =	por !p2, p0  }
0x20: {  	[sflag:s8] =	ssyncset.s32 @!p0 $0xFFFFF086;
	s6 =	sadd.s32 @!p0 s3, s7;
	s7 =	simm.s32 @!p0 $0x108  }
0x21: {  	s3 =	sadd.s32 s3, s9;
	s6 =	sadd.s32 @!p0 $0x88, s6;
	s7 =	simm.s32 @p2 $0x1082  }
0x22: {  	[simem:s7], [sflag:s8] =	dma.local @!p0 [hbm:s6], $0xF7A  }
0x23: {  	s9 =	sor.u32 $0xD0000000, s2;
	s6 =	simm.s32 $0x108;
	_ =	swait.ge @!p0 [sflag:s8], $0x0  }
0x24: {  	s3 =	sadd.s32 $0x88, s3;
	s6 =	simm.s32 @!p1 $0x1082;
	[sflag:s4] =	ssyncset.s32 $0xFFFFF086  }
0x25: {  	[simem:s6], [sflag:s4] =	dma.local [hbm:s3], $0xF7A  }
0x26: {  	[smem:$0x3F9B] =	sst s1;
	(tag) =	ssettag s2;
	_ =	strace s9  }
0x27: {  	s1 =	sld [smem:$0x3FAB]  }
0x28: {  	s2 =	sld [smem:$0x3FAC]  }
0x29: {  	s4 =	sld [smem:$0x3FAE]  }
0x2a: {  	p0 =	seq.s32 s5, $0x0;
	s5 =	sld [smem:$0x3FAF]  }
0x2b: {  	s6 =	sld [smem:$0x3FB0]  }
0x2c: {  	s7 =	sld [smem:$0x3FB1]  }
0x2d: {  	s3 =	simm.s32 $0x108;
	s8 =	sld [smem:$0x3FB2]  }
0x2e: {  	s3 =	simm.s32 @!p0 $0x1082;
	s9 =	sld [smem:$0x3FB3]  }
0x2f: {  	lr =	sadd.s32 s0, s3;
	s0 =	sld [smem:$0x3FAA]  }
0x30: {  	s3 =	sld [smem:$0x3FAD]  }
0x31: {  	[smem:$0x3FB6] =	sst s10  }
0x32: {  	s10 =	sld [smem:$0x3FB4];
	_ =	sdelay $0x3  }
0x33: {  	p0 =	seq.s32 s10, $0x1;
	s10 =	sld [smem:$0x3FB6];
	_ =	sdelay $0x3  }
0x34: {  	[smem:$0x3FB6] =	sst s10  }
0x35: {  	s10 =	sld [smem:$0x3FB5];
	_ =	sdelay $0x3  }
0x36: {  	p1 =	seq.s32 s10, $0x1;
	s10 =	sld [smem:$0x3FB6];
	_ =	sdelay $0x3  }
0x37: {  	[smem:$0x3FB6] =	sst s10  }
0x38: {  	s10 =	sld [smem:$0x3FB7]  }
0x39: {  	_ = 	snop;
	(pc) =	sbr.ind lr, $3  }
0x3a: {  	_ = 	snop  }
0x3b: {  	_ = 	snop  }
0x3c: {  	p2 =	seq.s32 s10, $0x1;
	s10 =	sld [smem:$0x3FB6]  }
0x3d: {  	_ =	shalt  }
0x3e: {  	_ =	shalt  }
0x3f: {  	_ =	shalt  }
0x40: {  	_ =	shalt  }
0x41: {  	_ =	shalt  }
0x42: {  	_ =	shalt  }
0x43: {  	_ =	shalt  }
0x44: {  	_ =	shalt  }
0x45: {  	_ =	shalt  }
0x46: {  	_ =	shalt  }
0x47: {  	_ =	shalt  }
0x48: {  	_ =	shalt  }
0x49: {  	_ =	shalt  }
0x4a: {  	_ =	shalt  }
0x4b: {  	_ =	shalt  }
0x4c: {  	_ =	shalt  }
0x4d: {  	_ =	shalt  }
0x4e: {  	_ =	shalt  }
0x4f: {  	_ =	shalt  }
0x50: {  	_ =	shalt  }
0x51: {  	_ =	shalt  }
0x52: {  	_ =	shalt  }
0x53: {  	_ =	shalt  }
0x54: {  	_ =	shalt  }
0x55: {  	_ =	shalt  }
0x56: {  	_ =	shalt  }
0x57: {  	_ =	shalt  }
0x58: {  	_ =	shalt  }
0x59: {  	_ =	shalt  }
0x5a: {  	_ =	shalt  }
0x5b: {  	_ =	shalt  }
0x5c: {  	_ =	shalt  }
0x5d: {  	_ =	shalt  }
0x5e: {  	_ =	shalt  }
0x5f: {  	_ =	shalt  }
0x60: {  	_ =	shalt  }
0x61: {  	_ =	shalt  }
0x62: {  	_ =	shalt  }
0x63: {  	_ =	shalt  }
0x64: {  	_ =	shalt  }
0x65: {  	_ =	shalt  }
0x66: {  	_ =	shalt  }
0x67: {  	_ =	shalt  }
0x68: {  	_ =	shalt  }
0x69: {  	_ =	shalt  }
0x6a: {  	_ =	shalt  }
0x6b: {  	_ =	shalt  }
0x6c: {  	_ =	shalt  }
0x6d: {  	_ =	shalt  }
0x6e: {  	_ =	shalt  }
0x6f: {  	_ =	shalt  }
0x70: {  	_ =	shalt  }
0x71: {  	_ =	shalt  }
0x72: {  	_ =	shalt  }
0x73: {  	_ =	shalt  }
0x74: {  	_ =	shalt  }
0x75: {  	_ =	shalt  }
0x76: {  	_ =	shalt  }
0x77: {  	_ =	shalt  }
0x78: {  	_ =	shalt  }
0x79: {  	_ =	shalt  }
0x7a: {  	_ =	shalt  }
0x7b: {  	_ =	shalt  }
0x7c: {  	_ =	shalt  }
0x7d: {  	_ =	shalt  }
0x7e: {  	_ =	shalt  }
0x7f: {  	_ =	shalt  }
0x80: {  	_ =	shalt  }
0x81: {  	_ =	shalt  }
0x82: {  	_ =	shalt  }
0x83: {  	_ =	shalt  }
0x84: {  	_ =	shalt  }
0x85: {  	_ =	shalt  }
0x86: {  	_ =	shalt  }
0x87: {  	_ =	shalt  }
.Lfunc_end0:
.L_simem_size_0:
called_computation_lowered:
.L_overlay_start_0:
0x88: {  	s2 =	sld [smem:$0x3FD9]  }
0x89: {  	s3 =	sld [smem:$0x3FFE];
	_ =	sdelay $0x1  }
0x8a: {  	s1 =	srdreg.scid  }
0x8b: {  	s0 =	sand.u32 $0x1, s1  }
0x8c: {  	s17 =	sshll.u32 s0, $0xA;
	s2 =	sadd.s32 s3, s2  }
0x8d: {  	s2 =	sadd.s32 s2, s17  }
0x8e: {  	[smem:$0x3FC2] =	sst s2  }
0x8f: {  	_ = 	snop  }
0x90: {  	s2 =	sld [smem:$0x3FC4];
	(tm) =	ssettm $0x1  }
0x91: {  	s18 =	sld [smem:$0x3FFB];
	_ =	sdelay $0x3  }
0x92: {  	_ =	strace s18  }
0x93: {  	s3 =	sld [smem:$0x3FFC];
	_ =	sdelay $0x3  }
0x94: {  	_ =	strace s3  }
0x95: {  	s3 =	sld [smem:$0x3FFD];
	_ =	sdelay $0x3  }
0x96: {  	_ =	strace s3  }
0x97: {  	_ =	strace $0x8FFFFFFF  }
0x98: {  	s19 =	sld [smem:$0x3FDB];
	_ =	sdelay $0x1  }
0x99: {  	s4 =	simm.s32 $_scs_section_size  }
0x9a: {  	s5 =	simm.s32 $_size__tile_overlayer_lowered;
	s6 =	simm.s32 $_tile_overlayer_lowered  }
0x9b: {  	s22 =	simm.s32 $0x1BFF;
	s21 =	sshll.u32 s6, $0x1;
	s3 =	sadd.s32 s4, s19  }
0x9c: {  	s7 =	simm.s32 $0x0;
	s20 =	sshll.u32 s5, $0x1;
	s5 =	sadd.s32 s21, s3  }
0x9d: {  	[timem:s7], [sflag:s22] =	dma.local [hbm:s5], s20  }
0x9e: {  	_ =	swait.ge [sflag:s22], s20  }
0x9f: {  	s4 =	ssub.s32 $0x0, s20;
	[sflag:s22] =	ssyncset.done $0x0  }
0xa0: {  	[sflag:s22] =	ssyncadd.s32 s4;
	_ =	sdelay $0x1  }
0xa1: {  	s23 =	simm.s32 $0x1B8B  }
0xa2: {  	_ =	swait.ge [sflag:s23], $0x1  }
0xa3: {  	[sflag:s23] =	ssyncset.done $0x0  }
0xa4: {  	s25 =	simm.s32 $0x1B8E;
	s24 =	sld [smem:$0x3FFE];
	[sflag:s23] =	ssyncadd.s32 $0xFFFFFFFF  }
0xa5: {  	s26 =	simm.s32 $execute0_lowered;
	[smem:$0x3FD2] =	sst s25  }
0xa6: {  	s5 =	sshll.u32 s26, $0x1;
	_ =	strace $0x80000046;
	[dreg:$0x1] =	wrdreg $0xFFFFFFFF  }
0xa7: {  	s28 =	simm.s32 $_size_execute0_lowered;
	s3 =	sadd.s32 s3, s5;
	[dreg:$0x0] =	wrdreg $0x0  }
0xa8: {  	s5 =	sshll.u32 s28, $0x1;
	[dreg:$0x2] =	wrdreg s3  }
0xa9: {  	[dreg:$0x3] =	wrdreg s5  }
0xaa: {  	[dreg:$0x4] =	wrdreg $0xC0  }
0xab: {  	_ =	task [dreg:s7], $0x5FFFF  }
0xac: {  	[dreg:$0x1] =	wrdreg $0xFFFFFFFF  }
0xad: {  	[dreg:$0x0] =	wrdreg $0x60  }
0xae: {  	[dreg:$0x2] =	wrdreg s24  }
0xaf: {  	[dreg:$0x3] =	wrdreg s2  }
0xb0: {  	[dreg:$0x4] =	wrdreg $0x1B0800  }
0xb1: {  	[dreg:$0x5] =	wrdreg $0x9  }
0xb2: {  	_ =	task.clear_ibuf [dreg:s7], $0x6FFFF;
	_ =	strace $0x90000046  }
0xb3: {  	s29 =	simm.s32 $0x9;
	_ =	strace $0x80000048  }
0xb4: {  	_ =	swait.ge [sflag:s29], $0x1  }
0xb5: {  	[sflag:s29] =	ssyncadd.s32 $0xFFFFFFFF  }
0xb6: {  	_ =	strace $0x90000048  }
0xb7: {  	_ =	sfence  }
0xb8: {  	s30 =	sld [smem:$0x0];
	_ =	sdelay $0x2  }
0xb9: {  	s31 =	sshll.u32 s1, $0xD;
	s1 =	sshrl.u32 s1, $0x2  }
0xba: {  	s3 =	sand.u32 $0x4000, s31;
	s1 =	sadd.s32 s1, s30  }
0xbb: {  	s0 =	sor.u32 s3, s0;
	s1 =	sshll.u32 s1, $0x11  }
0xbc: {  	s0 =	sor.u32 s1, s0  }
0xbd: {  	s0 =	sadd.s32 $0x8F2B, s0  }
0xbe: {  	[sflag:s0] =	ssyncadd.remote.s32 $0x1  }
0xbf: {  	_ =	sfence.sel $0xFFFF  }
0xc0: {  	[dreg:$0x0] =	wrdreg $0xFFFFFFFF;
	(pc) =	sbr.abs _section_cstart, $3  }
0xc1: {  	[dreg:$0x1] =	wrdreg $0xFFFFFFFF  }
0xc2: {  	_ =	task.clear_ibuf [dreg:s7], $0x2FFFF;
	_ =	strace $0x9FFFFFFF  }
0xc3: {  	(tm) =	ssettm $0x7FFFFFFF  }
tec
execute0_lowered:
.L_overlay_start_1:
0x0: {  	(tag) =	ssettag $0x1  }
0x1: {  	s0 =	rddreg [dreg:$0x0]  }
0x2: {  	s2 =	srdreg.scid;
	s1 =	rddreg [dreg:$0x1]  }
0x3: {  	s12 =	rddreg [dreg:$0x2];
	s4 =	stileid.u32  }
0x4: {  	s3 =	simm.s32 $0x0;
	s15 =	simm.s32 $0x5;
	s16 =	simm.s32 $0x15680  }
0x5: {  	s17 =	simm.s32 $0x15E80;
	s20 =	simm.s32 $0x16680;
	s21 =	simm.s32 $0x16E80  }
0x6: {  	s13 =	simm.s32 $0x19680;
	s14 =	simm.s32 $0x19E80;
	s18 =	simm.s32 $0x3  }
0x7: {  	s19 =	simm.s32 $0x4;
	s2 =	sand.u32 $0x1, s2;
	s8 =	sshll.u32 s4, $0x7  }
0x8: {  	[smem:$0x7FF] =	sst s3;
	s9 =	sadd.s32 $0x6400, s0;
	s23 =	sadd.s32 $0x6600, s0  }
0x9: {  	s10 =	sshrl.u32 s4, $0x3;
	s28 =	smul.u32 $0xC40, s4;
	p0 =	sne.s32 s4, $0x0  }
0xa: {  	s5 =	sshll.u32 s2, $0x4;
	_ =	strace $0x80000047;
	[dreg:$0x4] =	wrdreg s9  }
0xb: {  	v0 =	vimm.s32 $0xEFCDAB89;
	v1 =	vimm.s32 $0x67452301;
	s8 =	sand.u32 $0x380, s8;
	[dreg:$0x5] =	wrdreg s23;
	s10 =	smul.u32 $0x6000, s10  }
0xc: {  	v2 =	vimm.s32 $0xDCFE98BA;
	v6 =	vlaneseq.u32;
	v3 =	vimm.s32 $0x54761032;
	s24 =	ssub.s32 $0x2, s2;
	s2 =	smul.u32 $0xC400, s2;
	s9 =	sadd.s32 $0x100, s1  }
0xd: {  	v4 =	vimm.s32 $0xBA98FEDC;
	v0 =	vunpack.c.l.s4.s8 v0;
	v1 =	vunpack.c.l.s4.s8 v1;
	s6 =	sor.u32 s4, s5;
	s11 =	sshrl.u32 s24, $0x1;
	s5 =	sadd.s32 s5, s0  }
0xe: {  	v56 =	vimm.s32 $0xFEDCBA98;
	v2 =	vunpack.c.l.s4.s8 v2;
	v5 =	vand.u32 $0x7, v6;
	s4 =	simm.s32 $0x0;
	s7 =	sshll.u32 s6, $0x7;
	s6 =	smul.u32 $0xC40, s6  }
0xf: {  	v3 =	vunpack.c.l.s4.s8 v3;
	v0 =	vunpack.c.0.s8.s32 v0;
	v1 =	vunpack.c.0.s8.s32 v1;
	s11 =	ssub.s32 s24, s11;
	s25 =	sshrl.u32 s10, $0x2;
	s10 =	sadd.s32 $0x200, s1  }
0x10: {  	v58 =	vimm.s32 $0x76543210;
	[tilespmem:$0x1FF90] =	vst v5;
	v5 =	vimm.s32 $0x32107654;
	s29 =	sadd.s32 $0x6A00, s5;
	s31 =	sadd.s32 s28, s2;
	s24 =	simm.s32 $0x80  }
0x11: {  	v55 =	vunpack.c.0.s8.s32 v2;
	v57 =	vunpack.c.0.s8.s32 v3;
	s5 =	simm.s32 $0x17680;
	s2 =	simm.s32 $0x2;
	s7 =	sand.u32 $0xC00, s7;
	v0 =	vcombine.low v1, v0  }
0x12: {  	v4 =	vunpack.c.l.s4.s8 v4;
	v5 =	vunpack.c.l.s4.s8 v5;
	[dreg:$0xa] =	wrdreg s29;
	s30 =	smax.u32 s11, $0x1;
	v1 =	vunpack.c.l.s4.s8 v56;
	s7 =	sor.u32 s8, s7  }
0x13: {  	v59 =	vshrl.u32 v6, $0x3;
	v3 =	vunpack.c.l.s4.s8 v58;
	[dreg:$0xc] =	wrdreg s31;
	s11 =	simm.s32 $0x18E80;
	s7 =	sshrl.u32 s7, $0x3;
	[tilespmem:$0x1FFA0] =	vst v0;
	v0 =	vcombine.low v57, v55  }
0x14: {  	v60 =	vunpack.c.0.s8.s32 v4;
	v4 =	vunpack.c.0.s8.s32 v5;
	s6 =	sshrl.u32 s6, $0x3;
	[dreg:$0xb] =	wrdreg s30;
	v1 =	vunpack.c.0.s8.s32 v1;
	s7 =	sadd.s32 s7, s0  }
.Ltmp0:
0x15: {  	v63 =	vor.u32 $0x8, v6;
	v3 =	vunpack.c.0.s8.s32 v3;
	s0 =	sadd.s32 s0, s6;
	s6 =	simm.s32 $0x1;
	[tilespmem:$0x1FFB0] =	vst v0;
	v0 =	vmul.u32 $0x8, v59;
	(pc) =	sbr.rel .LBB2_1-.Ltmp0, $4  }
0x16: {  	[tilespmem:$0x1FFE0] =	vst v63;
	v62 =	vcombine.low v4, v60;
	[dreg:$0x6] =	wrdreg s0;
	s0 =	sadd.s32 $0x3200, s0;
	s26 =	sadd.s32 $0x6800, s7;
	v61 =	vand.u32 $0xF, v1  }
0x17: {  	s7 =	simm.s32 $0x17E80;
	[dreg:$0x7] =	wrdreg s0;
	s0 =	sadd.s32 s25, s12;
	[tilespmem:$0x1FFC0] =	vst v0;
	v0 =	vcombine.low v61, v3  }
0x18: {  	[tilespmem:$0x1FFD0] =	vst v62;
	[dreg:$0x8] =	wrdreg s26;
	s25 =	simm.s32 $0x400;
	s0 =	sadd.s32 s8, s0  }
0x19: {  	vm0 =	vmmov $0xffff;
	s12 =	simm.s32 $0x14E80;
	s8 =	simm.s32 $0x18680;
	[dreg:$0x9] =	wrdreg s0;
	[tilespmem:$0x1FFF0] =	vst v0  }
.LBB2_23:
0x1a: {  	s4 =	sadd.s32 $0x1, s4;
	s0 =	rddreg [dreg:$0xb]  }
0x1b: {  	p1 =	sne.s32 s4, s0  }
.Ltmp1:
0x1c: {  	_ = 	snop;
	(pc) =	sbr.rel @!p1 .LBB2_24-.Ltmp1, $1  }
0x1d: {  	_ =	sdelay $0x3  }
.LBB2_1:
0x1e: {  	[dreg:$0xd] =	wrdreg s4  }
0x1f: {  	s0 =	rddreg [dreg:$0x6]  }
0x20: {  	[tilespmem:s3], [sflag:$0x5] =	stream.linear.gather [hbm4b:s0+s3], $0xC40, $0x38;
	[tilespmem:$0x1B380] =	vst v63  }
0x21: {  	_ =	swait.ge [sflag:s15], $0xC40  }
0x22: {  	[sflag:s15] =	ssyncset.done $0x0  }
0x23: {  	s28 =	simm.s32 $0xC80;
	s26 =	rddreg [dreg:$0x7];
	[sflag:s15] =	ssyncadd.s32 $0xFFFFF3C0  }
0x24: {  	[tilespmem:s28], [sflag:$0x5] =	stream.linear.gather [hbm4b:s26+s3], $0xC40, $0x38;
	[tilespmem:$0x1B380] =	vst v63  }
0x25: {  	_ =	swait.ge [sflag:s15], $0xC40  }
0x26: {  	[sflag:s15] =	ssyncset.done $0x0  }
0x27: {  	s30 =	simm.s32 $0x1B000;
	s29 =	rddreg [dreg:$0x5];
	[sflag:s15] =	ssyncadd.s32 $0xFFFFF3C0  }
0x28: {  	[tilespmem:s30], [sflag:$0x5] =	stream.linear.gather [hbm4b:s29+s3], $0x80, $0x38;
	[tilespmem:$0x1B380] =	vst v63  }
0x29: {  	_ =	swait.ge [sflag:s15], $0x80  }
0x2a: {  	[sflag:s15] =	ssyncset.done $0x0  }
0x2b: {  	s31 =	simm.s32 $0x1A980;
	[sflag:s15] =	ssyncadd.s32 $0xFFFFFF80  }
0x2c: {  	[tilespmem:s31], [sflag:$0x5] =	stream.strided.gather [hbm4b:s1+s24], $0x300, s25, s24, $0x38;
	[tilespmem:$0x1B380] =	vst v63  }
0x2d: {  	_ =	swait.ge [sflag:s15], $0x300  }
0x2e: {  	[sflag:s15] =	ssyncset.done $0x0  }
0x2f: {  	v0 =	vimm.s32 $0x0;
	[sflag:s15] =	ssyncadd.s32 $0xFFFFFD00  }
0x30: {  	[tilespmem:$0x2540] =	vst v0  }
0x31: {  	[tilespmem:$0x2550] =	vst v0  }
0x32: {  	[tilespmem:$0x2560] =	vst v0  }
0x33: {  	[tilespmem:$0x2570] =	vst v0  }
0x34: {  	[tilespmem:$0x2580] =	vst v0  }
0x35: {  	[tilespmem:$0x2590] =	vst v0  }
0x36: {  	[tilespmem:$0x25A0] =	vst v0  }
0x37: {  	[tilespmem:$0x25B0] =	vst v0  }
0x38: {  	[tilespmem:$0x25C0] =	vst v0  }
0x39: {  	[tilespmem:$0x25D0] =	vst v0  }
0x3a: {  	[tilespmem:$0x25E0] =	vst v0  }
0x3b: {  	[tilespmem:$0x25F0] =	vst v0  }
0x3c: {  	[tilespmem:$0x2600] =	vst v0  }
0x3d: {  	[tilespmem:$0x2610] =	vst v0  }
0x3e: {  	[tilespmem:$0x2620] =	vst v0  }
0x3f: {  	[tilespmem:$0x2630] =	vst v0  }
0x40: {  	[tilespmem:$0x2640] =	vst v0  }
0x41: {  	[tilespmem:$0x2650] =	vst v0  }
0x42: {  	[tilespmem:$0x2660] =	vst v0  }
0x43: {  	s0 =	simm.s32 $0x0;
	[tilespmem:$0x2670] =	vst v0  }
0x44: {  	v0 =	vld [tilespmem:s0+$0x0]  }
0x45: {  	v3 =	vld [tilespmem:s0+$0xC80];
	_ =	sdelay $0x2  }
0x46: {  	v1 =	vimm.f32 $0.0e+00;
	s22 =	simm.s32 $0x40;
	v2 =	vimm.f32 $0.0e+00;
	s23 =	rddreg [dreg:$0xc]  }
.LBB2_2:
0x47: {  	s24 =	sshra.s32 s22, $0x2;
	v4 =	vor.u32 s23, v6;
	vm1 =	veq.f32 v0, $1.000000000e+00;
	v1 =	vadd.f32 v0, v1;
	p1 =	sne.s32 s22, $0x30C0  }
.Ltmp2:
0x48: {  	s22 =	sadd.s32 $0x40, s22;
	v4 =	vnsel vm1, $0x0, v4;
	v5 =	vmul.f32 v3, v0;
	v0 =	vld [tilespmem:s24+$0x0];
	(pc) =	sbr.rel @p1 .LBB2_2-.Ltmp2, $3  }
0x49: {  	v3 =	vld [tilespmem:s24+$0xC80];
	[tilespmem:s0+$0x1900] =	vst v4;
	s0 =	smov.u32 s24  }
0x4a: {  	v2 =	vadd.f32 v5, v2;
	_ =	sdelay $0x1  }
0x4b: {  	s23 =	sadd.s32 $0x10, s23  }
0x4c: {  	v4 =	vor.u32 s23, v6;
	vm1 =	veq.f32 v0, $1.000000000e+00  }
0x4d: {  	v4 =	vnsel vm1, $0x0, v4  }
0x4e: {  	[tilespmem:s0+$0x1900] =	vst v4  }
0x4f: {  	v4 =	vld [tilespmem:$0x1B000];
	_ =	sdelay $0x2  }
0x50: {  	v1 =	vadd.f32 v0, v1;
	v0 =	vmul.f32 v3, v0;
	_ =	sdelay $0x1  }
0x51: {  	[tilespmem:$0x1FE60] =	vst v1;
	v0 =	vadd.f32 v0, v2;
	v1 =	vmul.f32 v4, v1;
	_ =	sdelay $0x1  }
0x52: {  	v0 =	vadd.f32 v1, v0;
	_ =	sdelay $0x1  }
0x53: {  	s22 =	simm.s32 $0x0;
	s30 =	rddreg [dreg:$0x8];
	s4 =	simm.s32 $0x1AF80;
	[tilespmem:$0x1AF80] =	vst v0  }
0x54: {  	[hbm4b:s30+s22] =	stream.linear.scatter [tilespmem:s4], [sflag:$0x5], $0x80, $0x38;
	[tilespmem:$0x1B380] =	vst v63  }
0x55: {  	_ =	swait.ge [sflag:s15], $0x80  }
0x56: {  	[sflag:s15] =	ssyncset.done $0x0  }
0x57: {  	[sflag:s15] =	ssyncadd.s32 $0xFFFFFF80  }
0x58: {  	v0 =	vld [tilespmem:$0x1900];
	_ =	sdelay $0x3  }
0x59: {  	v2 =	vld [tilespmem:$0x1FF90]  }
0x5a: {  	v1 =	vshrl.u32 v0, $0x3  }
0x5b: {  	v3 =	vld [tilespmem:$0x1FFC0];
	v1 =	vmul.u32 $0x30, v1  }
0x5c: {  	v0 =	vand.u32 $0x7, v0  }
0x5d: {  	v0 =	vor.u32 v0, v1  }
0x5e: {  	v1 =	vperm.xlane v0, v2  }
0x5f: {  	v4 =	vld [tilespmem:$0x1FFE0]  }
0x60: {  	v1 =	vadd.s32 v3, v1;
	_ =	sdelay $0x3  }
0x61: {  	s31 =	simm.s32 $0x2680;
	v0 =	vperm.xlane v0, v4  }
0x62: {  	[tilespmem:s31], [sflag:$0x1] =	stream.indirect_vreg.gather [hbm4b:s1+s22], $0x80, v1, vm0, $0xb8;
	[tilespmem:$0x1B380] =	vst v63  }
0x63: {  	s4 =	simm.s32 $0x2E80;
	v0 =	vadd.s32 v3, v0  }
0x64: {  	[tilespmem:s4], [sflag:$0x1] =	stream.indirect_vreg.gather [hbm4b:s9+s22], $0x80, v1, vm0, $0xb8;
	[tilespmem:$0x1B380] =	vst v63  }
0x65: {  	s23 =	simm.s32 $0x3680  }
0x66: {  	[tilespmem:s23], [sflag:$0x1] =	stream.indirect_vreg.gather [hbm4b:s10+s22], $0x80, v1, vm0, $0xb8;
	[tilespmem:$0x1B380] =	vst v63  }
0x67: {  	s24 =	simm.s32 $0x3E80  }
0x68: {  	[tilespmem:s24], [sflag:$0x1] =	stream.indirect_vreg.gather [hbm4b:s1+s22], $0x80, v0, vm0, $0xb8;
	[tilespmem:$0x1B380] =	vst v63  }
0x69: {  	s25 =	simm.s32 $0x4680  }
0x6a: {  	[tilespmem:s25], [sflag:$0x1] =	stream.indirect_vreg.gather [hbm4b:s9+s22], $0x80, v0, vm0, $0xb8;
	[tilespmem:$0x1B380] =	vst v63  }
0x6b: {  	s26 =	simm.s32 $0x4E80  }
0x6c: {  	[tilespmem:s26], [sflag:$0x1] =	stream.indirect_vreg.gather [hbm4b:s10+s22], $0x80, v0, vm0, $0xb8;
	[tilespmem:$0x1B380] =	vst v63  }
0x6d: {  	v0 =	vld [tilespmem:$0x1910];
	_ =	sdelay $0x4  }
0x6e: {  	v1 =	vshrl.u32 v0, $0x3  }
0x6f: {  	v1 =	vmul.u32 $0x30, v1  }
0x70: {  	v0 =	vand.u32 $0x7, v0  }
0x71: {  	v0 =	vor.u32 v0, v1  }
0x72: {  	v1 =	vperm.xlane v0, v2;
	_ =	sdelay $0x1  }
0x73: {  	v1 =	vadd.s32 v3, v1;
	_ =	sdelay $0x3  }
0x74: {  	s28 =	simm.s32 $0x5680;
	v0 =	vperm.xlane v0, v4  }
0x75: {  	[tilespmem:s28], [sflag:$0x1] =	stream.indirect_vreg.gather [hbm4b:s1+s22], $0x80, v1, vm0, $0xb8;
	[tilespmem:$0x1B380] =	vst v63  }
0x76: {  	s29 =	simm.s32 $0x5E80;
	v0 =	vadd.s32 v3, v0  }
0x77: {  	[tilespmem:s29], [sflag:$0x1] =	stream.indirect_vreg.gather [hbm4b:s9+s22], $0x80, v1, vm0, $0xb8;
	[tilespmem:$0x1B380] =	vst v63  }
0x78: {  	s30 =	simm.s32 $0x6680  }
0x79: {  	[tilespmem:s30], [sflag:$0x1] =	stream.indirect_vreg.gather [hbm4b:s10+s22], $0x80, v1, vm0, $0xb8;
	[tilespmem:$0x1B380] =	vst v63  }
0x7a: {  	s31 =	simm.s32 $0x6E80  }
0x7b: {  	[tilespmem:s31], [sflag:$0x1] =	stream.indirect_vreg.gather [hbm4b:s1+s22], $0x80, v0, vm0, $0xb8;
	[tilespmem:$0x1B380] =	vst v63  }
0x7c: {  	s4 =	simm.s32 $0x7680  }
0x7d: {  	[tilespmem:s4], [sflag:$0x1] =	stream.indirect_vreg.gather [hbm4b:s9+s22], $0x80, v0, vm0, $0xb8;
	[tilespmem:$0x1B380] =	vst v63  }
0x7e: {  	s23 =	simm.s32 $0x7E80  }
0x7f: {  	[tilespmem:s23], [sflag:$0x1] =	stream.indirect_vreg.gather [hbm4b:s10+s22], $0x80, v0, vm0, $0xb8;
	[tilespmem:$0x1B380] =	vst v63  }
0x80: {  	v0 =	vld [tilespmem:$0x1920];
	_ =	sdelay $0x4  }
0x81: {  	v1 =	vshrl.u32 v0, $0x3  }
0x82: {  	v1 =	vmul.u32 $0x30, v1  }
0x83: {  	v0 =	vand.u32 $0x7, v0  }
0x84: {  	v0 =	vor.u32 v0, v1  }
0x85: {  	v1 =	vperm.xlane v0, v2;
	_ =	sdelay $0x1  }
0x86: {  	v1 =	vadd.s32 v3, v1;
	_ =	sdelay $0x3  }
0x87: {  	s24 =	simm.s32 $0x8680;
	v0 =	vperm.xlane v0, v4  }
0x88: {  	[tilespmem:s24], [sflag:$0x2] =	stream.indirect_vreg.gather [hbm4b:s1+s22], $0x80, v1, vm0, $0xb8;
	[tilespmem:$0x1B380] =	vst v63  }
0x89: {  	s25 =	simm.s32 $0x8E80;
	v0 =	vadd.s32 v3, v0  }
0x8a: {  	[tilespmem:s25], [sflag:$0x2] =	stream.indirect_vreg.gather [hbm4b:s9+s22], $0x80, v1, vm0, $0xb8;
	[tilespmem:$0x1B380] =	vst v63  }
0x8b: {  	s26 =	simm.s32 $0x9680  }
0x8c: {  	[tilespmem:s26], [sflag:$0x2] =	stream.indirect_vreg.gather [hbm4b:s10+s22], $0x80, v1, vm0, $0xb8;
	[tilespmem:$0x1B380] =	vst v63  }
0x8d: {  	s28 =	simm.s32 $0x9E80  }
0x8e: {  	[tilespmem:s28], [sflag:$0x2] =	stream.indirect_vreg.gather [hbm4b:s1+s22], $0x80, v0, vm0, $0xb8;
	[tilespmem:$0x1B380] =	vst v63  }
0x8f: {  	s29 =	simm.s32 $0xA680  }
0x90: {  	[tilespmem:s29], [sflag:$0x2] =	stream.indirect_vreg.gather [hbm4b:s9+s22], $0x80, v0, vm0, $0xb8;
	[tilespmem:$0x1B380] =	vst v63  }
0x91: {  	s30 =	simm.s32 $0xAE80  }
0x92: {  	[tilespmem:s30], [sflag:$0x2] =	stream.indirect_vreg.gather [hbm4b:s10+s22], $0x80, v0, vm0, $0xb8;
	[tilespmem:$0x1B380] =	vst v63  }
0x93: {  	v0 =	vld [tilespmem:$0x1930];
	_ =	sdelay $0x4  }
0x94: {  	v1 =	vshrl.u32 v0, $0x3  }
0x95: {  	v1 =	vmul.u32 $0x30, v1  }
0x96: {  	v0 =	vand.u32 $0x7, v0  }
0x97: {  	v0 =	vor.u32 v0, v1  }
0x98: {  	v1 =	vperm.xlane v0, v2;
	_ =	sdelay $0x1  }
0x99: {  	v1 =	vadd.s32 v3, v1;
	_ =	sdelay $0x3  }
0x9a: {  	s31 =	simm.s32 $0xB680;
	v0 =	vperm.xlane v0, v4  }
0x9b: {  	[tilespmem:s31], [sflag:$0x2] =	stream.indirect_vreg.gather [hbm4b:s1+s22], $0x80, v1, vm0, $0xb8;
	[tilespmem:$0x1B380] =	vst v63  }
0x9c: {  	s4 =	simm.s32 $0xBE80;
	v0 =	vadd.s32 v3, v0  }
0x9d: {  	[tilespmem:s4], [sflag:$0x2] =	stream.indirect_vreg.gather [hbm4b:s9+s22], $0x80, v1, vm0, $0xb8;
	[tilespmem:$0x1B380] =	vst v63  }
0x9e: {  	s23 =	simm.s32 $0xC680  }
0x9f: {  	[tilespmem:s23], [sflag:$0x2] =	stream.indirect_vreg.gather [hbm4b:s10+s22], $0x80, v1, vm0, $0xb8;
	[tilespmem:$0x1B380] =	vst v63  }
0xa0: {  	s24 =	simm.s32 $0xCE80  }
0xa1: {  	[tilespmem:s24], [sflag:$0x2] =	stream.indirect_vreg.gather [hbm4b:s1+s22], $0x80, v0, vm0, $0xb8;
	[tilespmem:$0x1B380] =	vst v63  }
0xa2: {  	s25 =	simm.s32 $0xD680  }
0xa3: {  	[tilespmem:s25], [sflag:$0x2] =	stream.indirect_vreg.gather [hbm4b:s9+s22], $0x80, v0, vm0, $0xb8;
	[tilespmem:$0x1B380] =	vst v63  }
0xa4: {  	s26 =	simm.s32 $0xDE80  }
0xa5: {  	[tilespmem:s26], [sflag:$0x2] =	stream.indirect_vreg.gather [hbm4b:s10+s22], $0x80, v0, vm0, $0xb8;
	[tilespmem:$0x1B380] =	vst v63  }
0xa6: {  	v0 =	vld [tilespmem:$0x1940];
	_ =	sdelay $0x4  }
0xa7: {  	v1 =	vshrl.u32 v0, $0x3  }
0xa8: {  	v1 =	vmul.u32 $0x30, v1  }
0xa9: {  	v0 =	vand.u32 $0x7, v0  }
0xaa: {  	v0 =	vor.u32 v0, v1  }
0xab: {  	v1 =	vperm.xlane v0, v2;
	_ =	sdelay $0x1  }
0xac: {  	v1 =	vadd.s32 v3, v1;
	_ =	sdelay $0x3  }
0xad: {  	s28 =	simm.s32 $0xE680;
	v0 =	vperm.xlane v0, v4  }
0xae: {  	[tilespmem:s28], [sflag:$0x3] =	stream.indirect_vreg.gather [hbm4b:s1+s22], $0x80, v1, vm0, $0xb8;
	[tilespmem:$0x1B380] =	vst v63  }
0xaf: {  	s29 =	simm.s32 $0xEE80;
	v0 =	vadd.s32 v3, v0  }
0xb0: {  	[tilespmem:s29], [sflag:$0x3] =	stream.indirect_vreg.gather [hbm4b:s9+s22], $0x80, v1, vm0, $0xb8;
	[tilespmem:$0x1B380] =	vst v63  }
0xb1: {  	s30 =	simm.s32 $0xF680  }
0xb2: {  	[tilespmem:s30], [sflag:$0x3] =	stream.indirect_vreg.gather [hbm4b:s10+s22], $0x80, v1, vm0, $0xb8;
	[tilespmem:$0x1B380] =	vst v63  }
0xb3: {  	s31 =	simm.s32 $0xFE80  }
0xb4: {  	[tilespmem:s31], [sflag:$0x3] =	stream.indirect_vreg.gather [hbm4b:s1+s22], $0x80, v0, vm0, $0xb8;
	[tilespmem:$0x1B380] =	vst v63  }
0xb5: {  	s4 =	simm.s32 $0x10680  }
0xb6: {  	[tilespmem:s4], [sflag:$0x3] =	stream.indirect_vreg.gather [hbm4b:s9+s22], $0x80, v0, vm0, $0xb8;
	[tilespmem:$0x1B380] =	vst v63  }
0xb7: {  	s23 =	simm.s32 $0x10E80  }
0xb8: {  	[tilespmem:s23], [sflag:$0x3] =	stream.indirect_vreg.gather [hbm4b:s10+s22], $0x80, v0, vm0, $0xb8;
	[tilespmem:$0x1B380] =	vst v63  }
0xb9: {  	v0 =	vld [tilespmem:$0x1950];
	_ =	sdelay $0x4  }
0xba: {  	v1 =	vshrl.u32 v0, $0x3  }
0xbb: {  	v1 =	vmul.u32 $0x30, v1  }
0xbc: {  	v0 =	vand.u32 $0x7, v0  }
0xbd: {  	v0 =	vor.u32 v0, v1  }
0xbe: {  	v1 =	vperm.xlane v0, v2;
	_ =	sdelay $0x1  }
0xbf: {  	v1 =	vadd.s32 v3, v1;
	_ =	sdelay $0x3  }
0xc0: {  	s24 =	simm.s32 $0x11680;
	v0 =	vperm.xlane v0, v4  }
0xc1: {  	[tilespmem:s24], [sflag:$0x3] =	stream.indirect_vreg.gather [hbm4b:s1+s22], $0x80, v1, vm0, $0xb8;
	[tilespmem:$0x1B380] =	vst v63  }
0xc2: {  	s25 =	simm.s32 $0x11E80;
	v0 =	vadd.s32 v3, v0  }
0xc3: {  	[tilespmem:s25], [sflag:$0x3] =	stream.indirect_vreg.gather [hbm4b:s9+s22], $0x80, v1, vm0, $0xb8;
	[tilespmem:$0x1B380] =	vst v63  }
0xc4: {  	s26 =	simm.s32 $0x12680  }
0xc5: {  	[tilespmem:s26], [sflag:$0x3] =	stream.indirect_vreg.gather [hbm4b:s10+s22], $0x80, v1, vm0, $0xb8;
	[tilespmem:$0x1B380] =	vst v63  }
0xc6: {  	s28 =	simm.s32 $0x12E80  }
0xc7: {  	[tilespmem:s28], [sflag:$0x3] =	stream.indirect_vreg.gather [hbm4b:s1+s22], $0x80, v0, vm0, $0xb8;
	[tilespmem:$0x1B380] =	vst v63  }
0xc8: {  	s29 =	simm.s32 $0x13680  }
0xc9: {  	[tilespmem:s29], [sflag:$0x3] =	stream.indirect_vreg.gather [hbm4b:s9+s22], $0x80, v0, vm0, $0xb8;
	[tilespmem:$0x1B380] =	vst v63  }
0xca: {  	s30 =	simm.s32 $0x13E80  }
0xcb: {  	[tilespmem:s30], [sflag:$0x3] =	stream.indirect_vreg.gather [hbm4b:s10+s22], $0x80, v0, vm0, $0xb8;
	[tilespmem:$0x1B380] =	vst v63  }
0xcc: {  	v0 =	vld [tilespmem:$0x1960];
	_ =	sdelay $0x4  }
0xcd: {  	v1 =	vshrl.u32 v0, $0x3  }
0xce: {  	v1 =	vmul.u32 $0x30, v1  }
0xcf: {  	v0 =	vand.u32 $0x7, v0  }
0xd0: {  	v0 =	vor.u32 v0, v1  }
0xd1: {  	v1 =	vperm.xlane v0, v2;
	_ =	sdelay $0x1  }
0xd2: {  	v1 =	vadd.s32 v3, v1;
	_ =	sdelay $0x3  }
0xd3: {  	s31 =	simm.s32 $0x14680;
	v0 =	vperm.xlane v0, v4  }
0xd4: {  	[tilespmem:s31], [sflag:$0x4] =	stream.indirect_vreg.gather [hbm4b:s1+s22], $0x80, v1, vm0, $0xb8;
	[tilespmem:$0x1B380] =	vst v63  }
0xd5: {  	v0 =	vadd.s32 v3, v0  }
0xd6: {  	[tilespmem:s12], [sflag:$0x4] =	stream.indirect_vreg.gather [hbm4b:s9+s22], $0x80, v1, vm0, $0xb8;
	[tilespmem:$0x1B380] =	vst v63  }
0xd7: {  	_ = 	snop  }
0xd8: {  	[tilespmem:s16], [sflag:$0x4] =	stream.indirect_vreg.gather [hbm4b:s10+s22], $0x80, v1, vm0, $0xb8;
	[tilespmem:$0x1B380] =	vst v63  }
0xd9: {  	_ = 	snop  }
0xda: {  	[tilespmem:s17], [sflag:$0x4] =	stream.indirect_vreg.gather [hbm4b:s1+s22], $0x80, v0, vm0, $0xb8;
	[tilespmem:$0x1B380] =	vst v63  }
0xdb: {  	_ = 	snop  }
0xdc: {  	[tilespmem:s20], [sflag:$0x4] =	stream.indirect_vreg.gather [hbm4b:s9+s22], $0x80, v0, vm0, $0xb8;
	[tilespmem:$0x1B380] =	vst v63  }
0xdd: {  	_ = 	snop  }
0xde: {  	[tilespmem:s21], [sflag:$0x4] =	stream.indirect_vreg.gather [hbm4b:s10+s22], $0x80, v0, vm0, $0xb8;
	[tilespmem:$0x1B380] =	vst v63  }
0xdf: {  	v0 =	vld [tilespmem:$0x1970];
	_ =	sdelay $0x4  }
0xe0: {  	v1 =	vshrl.u32 v0, $0x3  }
0xe1: {  	v1 =	vmul.u32 $0x30, v1  }
0xe2: {  	v0 =	vand.u32 $0x7, v0  }
0xe3: {  	v0 =	vor.u32 v0, v1  }
0xe4: {  	v1 =	vperm.xlane v0, v2;
	v2 =	vimm.f32 $0.0e+00  }
0xe5: {  	[tilespmem:$0x1FE70] =	vst v2;
	v2 =	vimm.f32 $0.0e+00  }
0xe6: {  	v1 =	vadd.s32 v3, v1;
	[tilespmem:$0x1FE80] =	vst v2;
	v2 =	vimm.f32 $0.0e+00  }
0xe7: {  	[tilespmem:$0x1FE90] =	vst v2;
	v2 =	vimm.f32 $0.0e+00  }
0xe8: {  	[tilespmem:$0x1FEA0] =	vst v2;
	v2 =	vimm.f32 $0.0e+00  }
0xe9: {  	[tilespmem:$0x1FEB0] =	vst v2;
	v2 =	vimm.f32 $0.0e+00  }
0xea: {  	[tilespmem:$0x1FEC0] =	vst v2  }
0xeb: {  	v2 =	vimm.f32 $0.0e+00;
	[tilespmem:s5], [sflag:$0x4] =	stream.indirect_vreg.gather [hbm4b:s1+s22], $0x80, v1, vm0, $0xb8;
	[tilespmem:$0x1B380] =	vst v63  }
0xec: {  	v0 =	vperm.xlane v0, v4;
	[tilespmem:$0x1FED0] =	vst v2;
	v2 =	vimm.f32 $0.0e+00  }
0xed: {  	[tilespmem:$0x1FEE0] =	vst v2  }
0xee: {  	v0 =	vadd.s32 v3, v0;
	v2 =	vimm.f32 $0.0e+00;
	[tilespmem:s7], [sflag:$0x4] =	stream.indirect_vreg.gather [hbm4b:s9+s22], $0x80, v1, vm0, $0xb8;
	[tilespmem:$0x1B380] =	vst v63  }
0xef: {  	[tilespmem:$0x1FEF0] =	vst v2  }
0xf0: {  	v10 =	vimm.f32 $0.0e+00;
	v19 =	vimm.f32 $0.0e+00;
	[tilespmem:s8], [sflag:$0x4] =	stream.indirect_vreg.gather [hbm4b:s10+s22], $0x80, v1, vm0, $0xb8;
	v1 =	vimm.f32 $0.0e+00;
	[tilespmem:$0x1B380] =	vst v63  }
0xf1: {  	v11 =	vimm.f32 $0.0e+00;
	v12 =	vimm.f32 $0.0e+00;
	[tilespmem:$0x1FF00] =	vst v1;
	v1 =	vimm.f32 $0.0e+00  }
0xf2: {  	v13 =	vimm.f32 $0.0e+00;
	v14 =	vimm.f32 $0.0e+00;
	v15 =	vimm.f32 $0.0e+00;
	[tilespmem:$0x1FF10] =	vst v1  }
0xf3: {  	v18 =	vimm.f32 $0.0e+00;
	v16 =	vimm.f32 $0.0e+00;
	[tilespmem:s11], [sflag:$0x4] =	stream.indirect_vreg.gather [hbm4b:s1+s22], $0x80, v0, vm0, $0xb8;
	v1 =	vimm.f32 $0.0e+00;
	[tilespmem:$0x1B380] =	vst v63  }
0xf4: {  	v17 =	vimm.f32 $0.0e+00;
	v59 =	vimm.f32 $0.0e+00;
	[tilespmem:$0x1FF20] =	vst v1;
	v1 =	vimm.f32 $0.0e+00  }
0xf5: {  	v52 =	vimm.f32 $0.0e+00;
	v58 =	vimm.f32 $0.0e+00;
	v44 =	vimm.f32 $0.0e+00;
	[tilespmem:$0x1FF30] =	vst v1  }
0xf6: {  	v57 =	vimm.f32 $0.0e+00;
	v43 =	vimm.f32 $0.0e+00;
	[tilespmem:s13], [sflag:$0x4] =	stream.indirect_vreg.gather [hbm4b:s9+s22], $0x80, v0, vm0, $0xb8;
	v1 =	vimm.f32 $0.0e+00;
	[tilespmem:$0x1B380] =	vst v63  }
0xf7: {  	v42 =	vimm.f32 $0.0e+00;
	v56 =	vimm.f32 $0.0e+00;
	[tilespmem:$0x1FF40] =	vst v1;
	v1 =	vimm.f32 $0.0e+00  }
0xf8: {  	v36 =	vimm.f32 $0.0e+00;
	v55 =	vimm.f32 $0.0e+00;
	v5 =	vimm.f32 $0.0e+00;
	[tilespmem:$0x1FF50] =	vst v1  }
0xf9: {  	v7 =	vimm.f32 $0.0e+00;
	v62 =	vimm.f32 $0.0e+00;
	v1 =	vimm.f32 $0.0e+00;
	[tilespmem:s14], [sflag:$0x4] =	stream.indirect_vreg.gather [hbm4b:s10+s22], $0x80, v0, vm0, $0xb8;
	[tilespmem:$0x1B380] =	vst v63  }
0xfa: {  	v61 =	vimm.f32 $0.0e+00;
	v60 =	vimm.f32 $0.0e+00;
	[tilespmem:$0x1FF60] =	vst v1;
	v1 =	vimm.f32 $0.0e+00  }
0xfb: {  	v63 =	vimm.f32 $0.0e+00;
	v9 =	vimm.f32 $0.0e+00;
	[tilespmem:$0x1FF70] =	vst v1;
	v1 =	vimm.f32 $0.0e+00  }
0xfc: {  	s23 =	simm.s32 $0x0;
	v2 =	vimm.f32 $0.0e+00;
	v0 =	vimm.f32 $0.0e+00;
	[tilespmem:$0x1FF80] =	vst v1;
	v1 =	vimm.f32 $0.0e+00  }
.LBB2_4:
0xfd: {  	s0 =	simm.s32 $0x0  }
0xfe: {  	s0 =	smul.u32 $0x6000, s0  }
0xff: {  	_ =	swait.ge [sflag:s6], $0x6000  }
0x100: {  	s24 =	sand.u32 $0x380, s22;
	[sflag:s6] =	ssyncset.done $0x0;
	s0 =	sshra.s32 s0, $0x2  }
0x101: {  	[sflag:s6] =	ssyncadd.s32 $0xFFFFA000;
	s24 =	sor.u32 s24, s0  }
0x102: {  	v32 =	vld [tilespmem:s24+$0x26F0];
	_ =	sdelay $0x1  }
0x103: {  	v20 =	vld [tilespmem:s24+$0x3AF0]  }
0x104: {  	v21 =	vld [tilespmem:s24+$0x2680]  }
0x105: {  	v37 =	vld [tilespmem:s24+$0x2AA0]  }
0x106: {  	v27 =	vadd.f32 v32, v1;
	v1 =	vld [tilespmem:$0x1FF80]  }
0x107: {  	v22 =	vld [tilespmem:s24+$0x2690]  }
0x108: {  	v23 =	vld [tilespmem:s24+$0x26A0]  }
0x109: {  	v31 =	vld [tilespmem:s24+$0x26E0]  }
0x10a: {  	v38 =	vld [tilespmem:s24+$0x2AB0]  }
0x10b: {  	v30 =	vadd.f32 v37, v1;
	v1 =	vld [tilespmem:$0x1FF70]  }
0x10c: {  	v24 =	vld [tilespmem:s24+$0x26B0]  }
0x10d: {  	v25 =	vld [tilespmem:s24+$0x26C0]  }
0x10e: {  	v28 =	vld [tilespmem:s24+$0x26D0]  }
0x10f: {  	v39 =	vld [tilespmem:s24+$0x2AC0]  }
0x110: {  	v26 =	vadd.f32 v31, v62;
	v31 =	vadd.f32 v38, v1;
	v1 =	vld [tilespmem:$0x1FF60]  }
0x111: {  	v33 =	vld [tilespmem:s24+$0x2A80]  }
0x112: {  	v34 =	vld [tilespmem:s24+$0x2A90]  }
0x113: {  	v40 =	vld [tilespmem:s24+$0x2AD0]  }
0x114: {  	v41 =	vld [tilespmem:s24+$0x2AE0]  }
0x115: {  	v32 =	vadd.f32 v39, v1;
	v1 =	vld [tilespmem:$0x1FF50]  }
0x116: {  	v45 =	vld [tilespmem:s24+$0x2AF0];
	v19 =	vadd.f32 v20, v19  }
0x117: {  	v46 =	vld [tilespmem:s24+$0x2E80];
	v20 =	vadd.f32 v21, v2;
	v21 =	vadd.f32 v22, v9  }
0x118: {  	v47 =	vld [tilespmem:s24+$0x2E90];
	v22 =	vadd.f32 v23, v63;
	v23 =	vadd.f32 v24, v0  }
0x119: {  	v48 =	vld [tilespmem:s24+$0x2EA0];
	v24 =	vadd.f32 v25, v60;
	v25 =	vadd.f32 v28, v61  }
0x11a: {  	v28 =	vadd.f32 v33, v7;
	v33 =	vadd.f32 v40, v1;
	v1 =	vld [tilespmem:$0x1FF40]  }
0x11b: {  	v0 =	vld [tilespmem:s24+$0x3290]  }
0x11c: {  	v49 =	vld [tilespmem:s24+$0x2EB0]  }
0x11d: {  	v50 =	vld [tilespmem:s24+$0x2EC0]  }
0x11e: {  	v6 =	vld [tilespmem:s24+$0x32A0]  }
0x11f: {  	v29 =	vadd.f32 v34, v5;
	v34 =	vadd.f32 v41, v1;
	v1 =	vld [tilespmem:$0x1FF30]  }
0x120: {  	v35 =	vadd.f32 v45, v55;
	v45 =	vadd.f32 v0, v58;
	v0 =	vld [tilespmem:$0x1FF00]  }
0x121: {  	v51 =	vld [tilespmem:s24+$0x2ED0]  }
0x122: {  	v53 =	vld [tilespmem:s24+$0x2EE0]  }
0x123: {  	v8 =	vld [tilespmem:s24+$0x32B0]  }
0x124: {  	v38 =	vadd.f32 v48, v1;
	v1 =	vld [tilespmem:$0x1FF20]  }
0x125: {  	v36 =	vadd.f32 v46, v36;
	v46 =	vadd.f32 v6, v0;
	v0 =	vld [tilespmem:$0x1FEF0]  }
0x126: {  	v54 =	vld [tilespmem:s24+$0x2EF0]  }
0x127: {  	v4 =	vld [tilespmem:s24+$0x32C0]  }
0x128: {  	v3 =	vld [tilespmem:s24+$0x32D0]  }
0x129: {  	v40 =	vadd.f32 v50, v1;
	v1 =	vld [tilespmem:$0x1FF10]  }
0x12a: {  	v37 =	vadd.f32 v47, v56;
	v47 =	vadd.f32 v8, v0;
	v0 =	vld [tilespmem:$0x1FEE0]  }
0x12b: {  	v2 =	vld [tilespmem:s24+$0x3280]  }
0x12c: {  	v9 =	vld [tilespmem:s24+$0x32E0]  }
0x12d: {  	v60 =	vld [tilespmem:s24+$0x32F0]  }
0x12e: {  	v39 =	vadd.f32 v49, v42;
	v42 =	vadd.f32 v53, v1;
	v1 =	vld [tilespmem:$0x1FEC0]  }
0x12f: {  	v48 =	vadd.f32 v4, v0;
	v0 =	vld [tilespmem:$0x1FED0]  }
0x130: {  	v61 =	vld [tilespmem:s24+$0x3680]  }
0x131: {  	v5 =	vld [tilespmem:s24+$0x3690]  }
0x132: {  	v7 =	vld [tilespmem:s24+$0x36A0]  }
0x133: {  	v50 =	vadd.f32 v9, v1;
	v1 =	vld [tilespmem:$0x1FEB0]  }
0x134: {  	v49 =	vadd.f32 v3, v0;
	v3 =	vld [tilespmem:$0x1FE90]  }
0x135: {  	v62 =	vld [tilespmem:s24+$0x36B0]  }
0x136: {  	v63 =	vld [tilespmem:s24+$0x36C0]  }
0x137: {  	v6 =	vld [tilespmem:s24+$0x36D0]  }
0x138: {  	v41 =	vadd.f32 v51, v43;
	v51 =	vadd.f32 v60, v1;
	v1 =	vld [tilespmem:$0x1FEA0]  }
0x139: {  	v43 =	vadd.f32 v54, v57;
	v54 =	vadd.f32 v7, v3;
	v3 =	vld [tilespmem:$0x1FE80]  }
0x13a: {  	v4 =	vld [tilespmem:$0x1FE70]  }
0x13b: {  	v0 =	vld [tilespmem:s24+$0x36E0]  }
0x13c: {  	v44 =	vadd.f32 v2, v44;
	v2 =	vld [tilespmem:s24+$0x36F0]  }
0x13d: {  	v53 =	vadd.f32 v5, v1;
	v1 =	vld [tilespmem:s24+$0x3A80]  }
0x13e: {  	v52 =	vadd.f32 v61, v52;
	v55 =	vadd.f32 v62, v3;
	v3 =	vld [tilespmem:s24+$0x3A90]  }
0x13f: {  	s26 =	simm.s32 $0x2;
	s25 =	simm.s32 $0x0;
	s0 =	simm.s32 $0x0;
	v57 =	vadd.f32 v6, v59;
	v56 =	vadd.f32 v63, v4;
	v4 =	vld [tilespmem:s24+$0x3AA0]  }
.LBB2_5:
0x140: {  	p1 =	sne.s32 s26, $0x1F;
	s0 =	smul.u32 $0x6000, s0;
	v17 =	vadd.f32 v0, v17;
	v0 =	vld [tilespmem:s24+$0x3AB0]  }
0x141: {  	s25 =	sadd.s32 $0x80, s25;
	v16 =	vadd.f32 v2, v16;
	v2 =	vld [tilespmem:s24+$0x3AC0]  }
0x142: {  	s28 =	sand.u32 $0x380, s25;
	s0 =	sshra.s32 s0, $0x2;
	v18 =	vadd.f32 v1, v18;
	v1 =	vld [tilespmem:s24+$0x3AD0]  }
0x143: {  	v15 =	vadd.f32 v3, v15;
	v3 =	vld [tilespmem:s24+$0x3AE0];
	s24 =	sor.u32 s28, s0  }
0x144: {  	v5 =	vld [tilespmem:s24+$0x3AF0];
	v14 =	vadd.f32 v4, v14  }
0x145: {  	v4 =	vld [tilespmem:s24+$0x2680];
	v13 =	vadd.f32 v0, v13  }
0x146: {  	v0 =	vld [tilespmem:s24+$0x2690];
	v12 =	vadd.f32 v2, v12  }
0x147: {  	v2 =	vld [tilespmem:s24+$0x26A0];
	v11 =	vadd.f32 v1, v11  }
0x148: {  	v1 =	vld [tilespmem:s24+$0x26B0];
	v10 =	vadd.f32 v3, v10  }
0x149: {  	v3 =	vld [tilespmem:s24+$0x26C0];
	v19 =	vadd.f32 v5, v19  }
0x14a: {  	v20 =	vadd.f32 v4, v20;
	v4 =	vld [tilespmem:s24+$0x26D0]  }
0x14b: {  	v21 =	vadd.f32 v0, v21;
	v0 =	vld [tilespmem:s24+$0x26E0]  }
0x14c: {  	v22 =	vadd.f32 v2, v22;
	v2 =	vld [tilespmem:s24+$0x26F0]  }
0x14d: {  	v23 =	vadd.f32 v1, v23;
	v1 =	vld [tilespmem:s24+$0x2A80]  }
0x14e: {  	v24 =	vadd.f32 v3, v24;
	v3 =	vld [tilespmem:s24+$0x2A90]  }
0x14f: {  	v25 =	vadd.f32 v4, v25;
	v4 =	vld [tilespmem:s24+$0x2AA0]  }
0x150: {  	v26 =	vadd.f32 v0, v26;
	v0 =	vld [tilespmem:s24+$0x2AB0]  }
0x151: {  	v27 =	vadd.f32 v2, v27;
	v2 =	vld [tilespmem:s24+$0x2AC0]  }
0x152: {  	v28 =	vadd.f32 v1, v28;
	v1 =	vld [tilespmem:s24+$0x2AD0]  }
0x153: {  	v29 =	vadd.f32 v3, v29;
	v3 =	vld [tilespmem:s24+$0x2AE0]  }
0x154: {  	v30 =	vadd.f32 v4, v30;
	v4 =	vld [tilespmem:s24+$0x2AF0]  }
0x155: {  	v31 =	vadd.f32 v0, v31;
	v0 =	vld [tilespmem:s24+$0x2E80]  }
0x156: {  	v32 =	vadd.f32 v2, v32;
	v2 =	vld [tilespmem:s24+$0x2E90]  }
0x157: {  	v33 =	vadd.f32 v1, v33;
	v1 =	vld [tilespmem:s24+$0x2EA0]  }
0x158: {  	v34 =	vadd.f32 v3, v34;
	v3 =	vld [tilespmem:s24+$0x2EB0]  }
0x159: {  	v35 =	vadd.f32 v4, v35;
	v4 =	vld [tilespmem:s24+$0x2EC0]  }
0x15a: {  	v36 =	vadd.f32 v0, v36;
	v0 =	vld [tilespmem:s24+$0x2ED0]  }
0x15b: {  	v37 =	vadd.f32 v2, v37;
	v2 =	vld [tilespmem:s24+$0x2EE0]  }
0x15c: {  	v38 =	vadd.f32 v1, v38;
	v1 =	vld [tilespmem:s24+$0x2EF0]  }
0x15d: {  	v39 =	vadd.f32 v3, v39;
	v3 =	vld [tilespmem:s24+$0x3280]  }
0x15e: {  	v40 =	vadd.f32 v4, v40;
	v4 =	vld [tilespmem:s24+$0x3290]  }
0x15f: {  	v41 =	vadd.f32 v0, v41;
	v0 =	vld [tilespmem:s24+$0x32A0]  }
0x160: {  	v42 =	vadd.f32 v2, v42;
	v2 =	vld [tilespmem:s24+$0x32B0]  }
0x161: {  	v43 =	vadd.f32 v1, v43;
	v1 =	vld [tilespmem:s24+$0x32C0]  }
0x162: {  	v44 =	vadd.f32 v3, v44;
	v3 =	vld [tilespmem:s24+$0x32D0]  }
0x163: {  	v45 =	vadd.f32 v4, v45;
	v4 =	vld [tilespmem:s24+$0x32E0]  }
0x164: {  	v46 =	vadd.f32 v0, v46;
	v0 =	vld [tilespmem:s24+$0x32F0]  }
0x165: {  	v47 =	vadd.f32 v2, v47;
	v2 =	vld [tilespmem:s24+$0x3680]  }
0x166: {  	v48 =	vadd.f32 v1, v48;
	v1 =	vld [tilespmem:s24+$0x3690]  }
0x167: {  	v49 =	vadd.f32 v3, v49;
	v3 =	vld [tilespmem:s24+$0x36A0]  }
0x168: {  	v50 =	vadd.f32 v4, v50;
	v4 =	vld [tilespmem:s24+$0x36B0]  }
0x169: {  	v51 =	vadd.f32 v0, v51;
	v5 =	vld [tilespmem:s24+$0x36C0]  }
0x16a: {  	v52 =	vadd.f32 v2, v52;
	v6 =	vld [tilespmem:s24+$0x36D0]  }
.Ltmp3:
0x16b: {  	v53 =	vadd.f32 v1, v53;
	v0 =	vld [tilespmem:s24+$0x36E0];
	(pc) =	sbr.rel @p1 .LBB2_5-.Ltmp3, $4  }
0x16c: {  	v54 =	vadd.f32 v3, v54;
	v2 =	vld [tilespmem:s24+$0x36F0]  }
0x16d: {  	v55 =	vadd.f32 v4, v55;
	v1 =	vld [tilespmem:s24+$0x3A80]  }
0x16e: {  	v56 =	vadd.f32 v5, v56;
	v3 =	vld [tilespmem:s24+$0x3A90]  }
0x16f: {  	s0 =	sshrl.u32 s26, $0x3;
	s26 =	sadd.s32 $0x1, s26;
	v57 =	vadd.f32 v6, v57;
	v4 =	vld [tilespmem:s24+$0x3AA0]  }
0x170: {  	v5 =	vld [tilespmem:s24+$0x3AC0]  }
0x171: {  	s0 =	smul.u32 $0x6000, s0  }
0x172: {  	s25 =	sadd.s32 $0x80, s25  }
0x173: {  	s25 =	sand.u32 $0x380, s25;
	s0 =	sshra.s32 s0, $0x2  }
0x174: {  	s0 =	sor.u32 s25, s0  }
0x175: {  	[tilespmem:$0x1FA80] =	vst v5;
	v5 =	vld [tilespmem:s0+$0x2690];
	_ =	sdelay $0x4  }
0x176: {  	[tilespmem:$0x1FA90] =	vst v5;
	v5 =	vld [tilespmem:s0+$0x26A0];
	_ =	sdelay $0x4  }
0x177: {  	[tilespmem:$0x1FAA0] =	vst v5;
	v5 =	vld [tilespmem:s0+$0x26B0];
	_ =	sdelay $0x4  }
0x178: {  	[tilespmem:$0x1FAB0] =	vst v5;
	v5 =	vld [tilespmem:s0+$0x26C0];
	_ =	sdelay $0x4  }
0x179: {  	[tilespmem:$0x1FAC0] =	vst v5;
	v5 =	vld [tilespmem:s0+$0x26D0];
	_ =	sdelay $0x4  }
0x17a: {  	[tilespmem:$0x1FAD0] =	vst v5;
	v5 =	vld [tilespmem:s0+$0x26E0];
	_ =	sdelay $0x4  }
0x17b: {  	[tilespmem:$0x1FAE0] =	vst v5;
	v5 =	vld [tilespmem:s0+$0x26F0];
	_ =	sdelay $0x4  }
0x17c: {  	[tilespmem:$0x1FAF0] =	vst v5;
	v5 =	vld [tilespmem:s0+$0x2A80];
	_ =	sdelay $0x4  }
0x17d: {  	[tilespmem:$0x1FB00] =	vst v5;
	v5 =	vld [tilespmem:s0+$0x2A90];
	_ =	sdelay $0x4  }
0x17e: {  	[tilespmem:$0x1FB10] =	vst v5;
	v5 =	vld [tilespmem:s0+$0x2AA0];
	_ =	sdelay $0x4  }
0x17f: {  	[tilespmem:$0x1FB20] =	vst v5;
	v5 =	vld [tilespmem:s0+$0x2AB0];
	_ =	sdelay $0x4  }
0x180: {  	[tilespmem:$0x1FB30] =	vst v5;
	v5 =	vld [tilespmem:s0+$0x2AC0];
	_ =	sdelay $0x4  }
0x181: {  	[tilespmem:$0x1FB40] =	vst v5;
	v5 =	vld [tilespmem:s0+$0x2AD0];
	_ =	sdelay $0x4  }
0x182: {  	[tilespmem:$0x1FB50] =	vst v5;
	v5 =	vld [tilespmem:s0+$0x2AE0];
	_ =	sdelay $0x4  }
0x183: {  	[tilespmem:$0x1FB60] =	vst v5;
	v5 =	vld [tilespmem:s0+$0x2AF0];
	_ =	sdelay $0x4  }
0x184: {  	[tilespmem:$0x1FB70] =	vst v5;
	v5 =	vld [tilespmem:s0+$0x2E80];
	_ =	sdelay $0x4  }
0x185: {  	[tilespmem:$0x1FB80] =	vst v5;
	v5 =	vld [tilespmem:s0+$0x2E90];
	_ =	sdelay $0x4  }
0x186: {  	[tilespmem:$0x1FB90] =	vst v5;
	v5 =	vld [tilespmem:s0+$0x2EA0];
	_ =	sdelay $0x4  }
0x187: {  	[tilespmem:$0x1FBA0] =	vst v5;
	v5 =	vld [tilespmem:s0+$0x2EB0];
	_ =	sdelay $0x4  }
0x188: {  	[tilespmem:$0x1FBB0] =	vst v5;
	v5 =	vld [tilespmem:s0+$0x2EC0];
	_ =	sdelay $0x4  }
0x189: {  	[tilespmem:$0x1FBC0] =	vst v5;
	v5 =	vld [tilespmem:s0+$0x2ED0];
	_ =	sdelay $0x4  }
0x18a: {  	[tilespmem:$0x1FBD0] =	vst v5;
	v5 =	vld [tilespmem:s0+$0x2EE0];
	_ =	sdelay $0x4  }
0x18b: {  	[tilespmem:$0x1FBE0] =	vst v5;
	v5 =	vld [tilespmem:s0+$0x2EF0];
	_ =	sdelay $0x4  }
0x18c: {  	[tilespmem:$0x1FBF0] =	vst v5;
	v5 =	vld [tilespmem:s0+$0x3280];
	_ =	sdelay $0x4  }
0x18d: {  	[tilespmem:$0x1FC00] =	vst v5;
	v5 =	vld [tilespmem:s0+$0x3290];
	_ =	sdelay $0x1  }
0x18e: {  	v6 =	vld [tilespmem:s0+$0x3680];
	_ =	sdelay $0x2  }
0x18f: {  	[tilespmem:$0x1FC10] =	vst v5;
	v5 =	vld [tilespmem:s0+$0x32A0];
	_ =	sdelay $0x1  }
0x190: {  	[tilespmem:$0x1FC80] =	vst v6;
	v6 =	vld [tilespmem:s0+$0x3690];
	_ =	sdelay $0x2  }
0x191: {  	[tilespmem:$0x1FC20] =	vst v5;
	v5 =	vld [tilespmem:s0+$0x32B0];
	_ =	sdelay $0x1  }
0x192: {  	[tilespmem:$0x1FC90] =	vst v6;
	v6 =	vld [tilespmem:s0+$0x36A0];
	_ =	sdelay $0x2  }
0x193: {  	[tilespmem:$0x1FC30] =	vst v5;
	v5 =	vld [tilespmem:s0+$0x32C0];
	_ =	sdelay $0x1  }
0x194: {  	[tilespmem:$0x1FCA0] =	vst v6;
	v6 =	vld [tilespmem:s0+$0x36B0];
	_ =	sdelay $0x2  }
0x195: {  	[tilespmem:$0x1FC40] =	vst v5;
	v5 =	vld [tilespmem:s0+$0x32D0];
	_ =	sdelay $0x1  }
0x196: {  	[tilespmem:$0x1FCB0] =	vst v6;
	v6 =	vld [tilespmem:s0+$0x36C0];
	_ =	sdelay $0x2  }
0x197: {  	[tilespmem:$0x1FC50] =	vst v5;
	v5 =	vld [tilespmem:s0+$0x32E0];
	_ =	sdelay $0x1  }
0x198: {  	[tilespmem:$0x1FCC0] =	vst v6;
	v6 =	vld [tilespmem:s0+$0x36D0]  }
0x199: {  	v58 =	vld [tilespmem:s24+$0x3AB0]  }
0x19a: {  	v8 =	vld [tilespmem:s0+$0x3AA0]  }
0x19b: {  	[tilespmem:$0x1FC60] =	vst v5;
	v5 =	vld [tilespmem:s0+$0x32F0]  }
0x19c: {  	v9 =	vld [tilespmem:s24+$0x3AD0]  }
0x19d: {  	[tilespmem:$0x1FCD0] =	vst v6;
	v6 =	vld [tilespmem:s0+$0x36E0]  }
0x19e: {  	v60 =	vld [tilespmem:s24+$0x3AE0];
	s26 =	sshll.u32 s23, $0x7  }
0x19f: {  	s24 =	sand.u32 $0x3FFFFF80, s26;
	[tilespmem:$0x1FD20] =	vst v8;
	v8 =	vld [tilespmem:s0+$0x3AB0]  }
0x1a0: {  	[tilespmem:$0x1FC70] =	vst v5;
	v5 =	vld [tilespmem:s24+$0x1980];
	_ =	sdelay $0x1  }
0x1a1: {  	[tilespmem:$0x1FCE0] =	vst v6;
	v6 =	vld [tilespmem:s0+$0x36F0];
	_ =	sdelay $0x1  }
0x1a2: {  	[tilespmem:$0x1FD30] =	vst v8;
	v8 =	vld [tilespmem:s0+$0x3AC0]  }
0x1a3: {  	v7 =	vld [tilespmem:s0+$0x3A90];
	v63 =	vshrl.u32 v5, $0x3  }
0x1a4: {  	v63 =	vmul.u32 $0x30, v63  }
0x1a5: {  	[tilespmem:$0x1FCF0] =	vst v6;
	v6 =	vld [tilespmem:s0+$0x3A80];
	v5 =	vand.u32 $0x7, v5  }
0x1a6: {  	v5 =	vor.u32 v5, v63;
	v63 =	vld [tilespmem:$0x1FF90]  }
0x1a7: {  	[tilespmem:$0x1FD50] =	vst v8;
	v8 =	vld [tilespmem:s0+$0x3AD0]  }
0x1a8: {  	[tilespmem:$0x1FD10] =	vst v7;
	v7 =	vld [tilespmem:$0x1FFC0];
	_ =	sdelay $0x2  }
0x1a9: {  	[tilespmem:$0x1FD00] =	vst v6;
	v6 =	vperm.xlane v5, v63  }
0x1aa: {  	[tilespmem:$0x1FD70] =	vst v8;
	v8 =	vld [tilespmem:$0x1FFE0]  }
0x1ab: {  	v6 =	vadd.s32 v7, v6;
	_ =	sdelay $0x2  }
0x1ac: {  	v59 =	vld [tilespmem:s0+$0x3AF0]  }
0x1ad: {  	s29 =	simm.s32 $0x2680;
	s25 =	simm.s32 $0x0;
	v62 =	vld [tilespmem:s0+$0x2680];
	v5 =	vperm.xlane v5, v8  }
0x1ae: {  	v61 =	vld [tilespmem:s0+$0x3AE0];
	[tilespmem:s29], [sflag:$0x1] =	stream.indirect_vreg.gather [hbm4b:s1+s25], $0x80, v6, vm0, $0xb8  }
0x1af: {  	s30 =	simm.s32 $0x2E80;
	v5 =	vadd.s32 v7, v5  }
0x1b0: {  	[tilespmem:s30], [sflag:$0x1] =	stream.indirect_vreg.gather [hbm4b:s9+s25], $0x80, v6, vm0, $0xb8;
	[tilespmem:$0x1B380] =	vst v63  }
0x1b1: {  	s31 =	simm.s32 $0x3680  }
0x1b2: {  	[tilespmem:s31], [sflag:$0x1] =	stream.indirect_vreg.gather [hbm4b:s10+s25], $0x80, v6, vm0, $0xb8;
	[tilespmem:$0x1B380] =	vst v63  }
0x1b3: {  	s4 =	simm.s32 $0x3E80  }
0x1b4: {  	[tilespmem:s4], [sflag:$0x1] =	stream.indirect_vreg.gather [hbm4b:s1+s25], $0x80, v5, vm0, $0xb8;
	[tilespmem:$0x1B380] =	vst v63  }
0x1b5: {  	s26 =	simm.s32 $0x4680  }
0x1b6: {  	[tilespmem:s26], [sflag:$0x1] =	stream.indirect_vreg.gather [hbm4b:s9+s25], $0x80, v5, vm0, $0xb8;
	[tilespmem:$0x1B380] =	vst v63  }
0x1b7: {  	s29 =	simm.s32 $0x4E80  }
0x1b8: {  	[tilespmem:s29], [sflag:$0x1] =	stream.indirect_vreg.gather [hbm4b:s10+s25], $0x80, v5, vm0, $0xb8;
	[tilespmem:$0x1B380] =	vst v63  }
0x1b9: {  	v5 =	vld [tilespmem:s24+$0x1990];
	_ =	sdelay $0x4  }
0x1ba: {  	v6 =	vshrl.u32 v5, $0x3  }
0x1bb: {  	v6 =	vmul.u32 $0x30, v6  }
0x1bc: {  	v5 =	vand.u32 $0x7, v5  }
0x1bd: {  	v5 =	vor.u32 v5, v6  }
0x1be: {  	v6 =	vperm.xlane v5, v63;
	_ =	sdelay $0x1  }
0x1bf: {  	v6 =	vadd.s32 v7, v6;
	_ =	sdelay $0x3  }
0x1c0: {  	s30 =	simm.s32 $0x5680;
	v5 =	vperm.xlane v5, v8  }
0x1c1: {  	[tilespmem:s30], [sflag:$0x1] =	stream.indirect_vreg.gather [hbm4b:s1+s25], $0x80, v6, vm0, $0xb8;
	[tilespmem:$0x1B380] =	vst v63  }
0x1c2: {  	s31 =	simm.s32 $0x5E80;
	v5 =	vadd.s32 v7, v5  }
0x1c3: {  	[tilespmem:s31], [sflag:$0x1] =	stream.indirect_vreg.gather [hbm4b:s9+s25], $0x80, v6, vm0, $0xb8;
	[tilespmem:$0x1B380] =	vst v63  }
0x1c4: {  	s4 =	simm.s32 $0x6680  }
0x1c5: {  	[tilespmem:s4], [sflag:$0x1] =	stream.indirect_vreg.gather [hbm4b:s10+s25], $0x80, v6, vm0, $0xb8;
	[tilespmem:$0x1B380] =	vst v63  }
0x1c6: {  	s26 =	simm.s32 $0x6E80  }
0x1c7: {  	[tilespmem:s26], [sflag:$0x1] =	stream.indirect_vreg.gather [hbm4b:s1+s25], $0x80, v5, vm0, $0xb8;
	[tilespmem:$0x1B380] =	vst v63  }
0x1c8: {  	s29 =	simm.s32 $0x7680  }
0x1c9: {  	[tilespmem:s29], [sflag:$0x1] =	stream.indirect_vreg.gather [hbm4b:s9+s25], $0x80, v5, vm0, $0xb8;
	[tilespmem:$0x1B380] =	vst v63  }
0x1ca: {  	[tilespmem:$0x1FD90] =	vst v61;
	s30 =	simm.s32 $0x7E80  }
0x1cb: {  	[tilespmem:s30], [sflag:$0x1] =	stream.indirect_vreg.gather [hbm4b:s10+s25], $0x80, v5, vm0, $0xb8;
	v5 =	vadd.f32 v0, v17;
	v0 =	vadd.f32 v58, v13;
	[tilespmem:$0x1B380] =	vst v63  }
0x1cc: {  	_ =	swait.ge [sflag:s2], $0x6000  }
0x1cd: {  	[tilespmem:$0x1FD40] =	vst v0;
	v0 =	vld [tilespmem:$0x1FA80];
	_ =	sdelay $0x4  }
0x1ce: {  	v0 =	vadd.f32 v0, v12;
	_ =	sdelay $0x1  }
0x1cf: {  	[tilespmem:$0x1FD60] =	vst v0;
	v0 =	vadd.f32 v9, v11;
	_ =	sdelay $0x1  }
0x1d0: {  	[tilespmem:$0x1FD80] =	vst v0;
	v0 =	vadd.f32 v59, v19;
	_ =	sdelay $0x1  }
0x1d1: {  	[tilespmem:$0x1FDA0] =	vst v0;
	v0 =	vld [tilespmem:$0x1FA90];
	_ =	sdelay $0x4  }
0x1d2: {  	v13 =	vadd.f32 v0, v21;
	v0 =	vld [tilespmem:$0x1FAA0];
	_ =	sdelay $0x4  }
0x1d3: {  	v3 =	vadd.f32 v3, v15;
	v15 =	vadd.f32 v0, v22;
	v0 =	vld [tilespmem:$0x1FAB0];
	_ =	sdelay $0x4  }
0x1d4: {  	v0 =	vadd.f32 v0, v23;
	_ =	sdelay $0x1  }
0x1d5: {  	[tilespmem:$0x1FDB0] =	vst v0;
	v0 =	vld [tilespmem:$0x1FAC0];
	_ =	sdelay $0x4  }
0x1d6: {  	v6 =	vadd.f32 v1, v18;
	v18 =	vadd.f32 v0, v24;
	v0 =	vld [tilespmem:$0x1FAD0];
	_ =	sdelay $0x4  }
0x1d7: {  	v19 =	vadd.f32 v0, v25;
	v0 =	vld [tilespmem:$0x1FAE0];
	_ =	sdelay $0x4  }
0x1d8: {  	v21 =	vadd.f32 v0, v26;
	v0 =	vld [tilespmem:$0x1FAF0];
	_ =	sdelay $0x4  }
0x1d9: {  	v22 =	vadd.f32 v0, v27;
	v0 =	vld [tilespmem:$0x1FB00];
	_ =	sdelay $0x4  }
0x1da: {  	v24 =	vadd.f32 v0, v28;
	v0 =	vld [tilespmem:$0x1FB10];
	_ =	sdelay $0x4  }
0x1db: {  	v0 =	vadd.f32 v0, v29;
	_ =	sdelay $0x1  }
0x1dc: {  	[tilespmem:$0x1FDC0] =	vst v0;
	v0 =	vld [tilespmem:$0x1FB20]  }
0x1dd: {  	v1 =	vld [tilespmem:$0x1FB40];
	_ =	sdelay $0x3  }
0x1de: {  	v0 =	vadd.f32 v0, v30  }
0x1df: {  	v30 =	vadd.f32 v1, v32;
	v1 =	vld [tilespmem:$0x1FB50]  }
0x1e0: {  	[tilespmem:$0x1FDD0] =	vst v0;
	v0 =	vld [tilespmem:$0x1FB30];
	_ =	sdelay $0x4  }
0x1e1: {  	v0 =	vadd.f32 v0, v31;
	v31 =	vadd.f32 v1, v33;
	v1 =	vld [tilespmem:$0x1FB60];
	_ =	sdelay $0x4  }
0x1e2: {  	v33 =	vadd.f32 v1, v34;
	v1 =	vld [tilespmem:$0x1FB70];
	_ =	sdelay $0x4  }
0x1e3: {  	v34 =	vadd.f32 v1, v35;
	v1 =	vld [tilespmem:$0x1FB80];
	_ =	sdelay $0x4  }
0x1e4: {  	v36 =	vadd.f32 v1, v36;
	v1 =	vld [tilespmem:$0x1FB90];
	_ =	sdelay $0x4  }
0x1e5: {  	v37 =	vadd.f32 v1, v37;
	v1 =	vld [tilespmem:$0x1FBA0];
	_ =	sdelay $0x4  }
0x1e6: {  	v38 =	vadd.f32 v1, v38;
	v1 =	vld [tilespmem:$0x1FBB0];
	_ =	sdelay $0x4  }
0x1e7: {  	v39 =	vadd.f32 v1, v39;
	v1 =	vld [tilespmem:$0x1FBC0];
	_ =	sdelay $0x4  }
0x1e8: {  	v40 =	vadd.f32 v1, v40;
	v1 =	vld [tilespmem:$0x1FBD0];
	_ =	sdelay $0x4  }
0x1e9: {  	v41 =	vadd.f32 v1, v41;
	v1 =	vld [tilespmem:$0x1FBE0];
	_ =	sdelay $0x4  }
0x1ea: {  	v42 =	vadd.f32 v1, v42;
	v1 =	vld [tilespmem:$0x1FBF0];
	_ =	sdelay $0x4  }
0x1eb: {  	v43 =	vadd.f32 v1, v43;
	v1 =	vld [tilespmem:$0x1FC00];
	_ =	sdelay $0x4  }
0x1ec: {  	v44 =	vadd.f32 v1, v44;
	v1 =	vld [tilespmem:$0x1FC10];
	_ =	sdelay $0x4  }
0x1ed: {  	v45 =	vadd.f32 v1, v45;
	v1 =	vld [tilespmem:$0x1FC20];
	_ =	sdelay $0x4  }
0x1ee: {  	v46 =	vadd.f32 v1, v46;
	v1 =	vld [tilespmem:$0x1FC30];
	_ =	sdelay $0x4  }
0x1ef: {  	v47 =	vadd.f32 v1, v47;
	v1 =	vld [tilespmem:$0x1FC40];
	_ =	sdelay $0x4  }
0x1f0: {  	v48 =	vadd.f32 v1, v48;
	v1 =	vld [tilespmem:$0x1FC50];
	_ =	sdelay $0x4  }
0x1f1: {  	v1 =	vadd.f32 v1, v49;
	_ =	sdelay $0x1  }
0x1f2: {  	[tilespmem:$0x1FDF0] =	vst v1;
	v1 =	vld [tilespmem:$0x1FC60];
	_ =	sdelay $0x4  }
0x1f3: {  	v1 =	vadd.f32 v1, v50;
	_ =	sdelay $0x1  }
0x1f4: {  	[tilespmem:$0x1FE00] =	vst v1;
	v1 =	vld [tilespmem:$0x1FC70];
	_ =	sdelay $0x4  }
0x1f5: {  	v51 =	vadd.f32 v1, v51;
	v1 =	vld [tilespmem:$0x1FC80];
	_ =	sdelay $0x4  }
0x1f6: {  	v1 =	vadd.f32 v1, v52;
	_ =	sdelay $0x1  }
0x1f7: {  	[tilespmem:$0x1FE10] =	vst v1;
	v1 =	vld [tilespmem:$0x1FC90];
	_ =	sdelay $0x4  }
0x1f8: {  	v1 =	vadd.f32 v1, v53;
	_ =	sdelay $0x1  }
0x1f9: {  	[tilespmem:$0x1FE20] =	vst v1;
	v1 =	vld [tilespmem:$0x1FCA0];
	_ =	sdelay $0x4  }
0x1fa: {  	v1 =	vadd.f32 v1, v54;
	_ =	sdelay $0x1  }
0x1fb: {  	[tilespmem:$0x1FE30] =	vst v1;
	v1 =	vld [tilespmem:$0x1FCB0];
	_ =	sdelay $0x4  }
0x1fc: {  	v63 =	vadd.f32 v1, v55;
	v1 =	vld [tilespmem:$0x1FCC0];
	_ =	sdelay $0x4  }
0x1fd: {  	v1 =	vadd.f32 v1, v56;
	_ =	sdelay $0x1  }
0x1fe: {  	[tilespmem:$0x1FE40] =	vst v1;
	v1 =	vld [tilespmem:$0x1FCD0];
	_ =	sdelay $0x4  }
0x1ff: {  	v1 =	vadd.f32 v1, v57;
	_ =	sdelay $0x1  }
0x200: {  	[tilespmem:$0x1FE50] =	vst v1;
	v1 =	vld [tilespmem:$0x1FCE0];
	_ =	sdelay $0x4  }
0x201: {  	v52 =	vadd.f32 v1, v5;
	v1 =	vld [tilespmem:$0x1FCF0];
	_ =	sdelay $0x2  }
0x202: {  	v2 =	vadd.f32 v2, v16;
	_ =	sdelay $0x1  }
0x203: {  	v53 =	vadd.f32 v1, v2;
	v1 =	vld [tilespmem:$0x1FD00]  }
0x204: {  	s31 =	simm.s32 $0x0  }
0x205: {  	s0 =	smul.u32 $0x6000, s31;
	_ =	sdelay $0x1  }
0x206: {  	s0 =	sshra.s32 s0, $0x2;
	s26 =	sand.u32 $0x380, s25;
	[sflag:s2] =	ssyncset.done $0x0  }
0x207: {  	s26 =	sor.u32 s26, s0;
	[sflag:s2] =	ssyncadd.s32 $0xFFFFA000;
	v54 =	vadd.f32 v1, v6;
	v1 =	vld [tilespmem:$0x1FD10]  }
0x208: {  	v4 =	vadd.f32 v4, v14;
	v14 =	vld [tilespmem:s26+$0x8680]  }
0x209: {  	v17 =	vld [tilespmem:s26+$0x8690]  }
0x20a: {  	v16 =	vld [tilespmem:s26+$0x86C0]  }
0x20b: {  	v58 =	vld [tilespmem:s26+$0x8A80]  }
0x20c: {  	v55 =	vadd.f32 v1, v3;
	v1 =	vld [tilespmem:$0x1FD20]  }
0x20d: {  	v10 =	vadd.f32 v60, v10;
	v60 =	vld [tilespmem:s26+$0x8AA0]  }
0x20e: {  	v61 =	vld [tilespmem:s26+$0x8AB0]  }
0x20f: {  	v8 =	vld [tilespmem:s26+$0x8EB0]  }
0x210: {  	v2 =	vld [tilespmem:$0x1FD40]  }
0x211: {  	v56 =	vadd.f32 v1, v4;
	v1 =	vld [tilespmem:$0x1FD30]  }
0x212: {  	v7 =	vld [tilespmem:s26+$0x8EC0]  }
0x213: {  	v12 =	vadd.f32 v62, v20;
	v20 =	vld [tilespmem:s26+$0x86A0]  }
0x214: {  	v62 =	vld [tilespmem:s26+$0x8AC0]  }
0x215: {  	v11 =	vld [tilespmem:s26+$0x9AF0]  }
0x216: {  	v57 =	vadd.f32 v1, v2;
	v1 =	vld [tilespmem:$0x1FD50]  }
0x217: {  	v2 =	vld [tilespmem:$0x1FD60]  }
0x218: {  	v9 =	vld [tilespmem:s26+$0x8EA0]  }
0x219: {  	v59 =	vld [tilespmem:s26+$0x8A90]  }
0x21a: {  	v23 =	vld [tilespmem:s26+$0x86B0]  }
0x21b: {  	v25 =	vld [tilespmem:s26+$0x8AD0]  }
0x21c: {  	v49 =	vadd.f32 v1, v2;
	v1 =	vld [tilespmem:$0x1FD70]  }
0x21d: {  	v2 =	vld [tilespmem:$0x1FD80]  }
0x21e: {  	v26 =	vld [tilespmem:s26+$0x8AE0]  }
0x21f: {  	v27 =	vld [tilespmem:s26+$0x8AF0]  }
0x220: {  	v28 =	vld [tilespmem:s26+$0x8E80]  }
0x221: {  	v32 =	vld [tilespmem:s26+$0x86E0]  }
0x222: {  	v50 =	vadd.f32 v1, v2;
	v1 =	vld [tilespmem:$0x1FD90]  }
0x223: {  	[tilespmem:$0x1FDE0] =	vst v0;
	v0 =	vld [tilespmem:s26+$0x86D0]  }
0x224: {  	v12 =	vadd.f32 v14, v12;
	v35 =	vld [tilespmem:s26+$0x86F0]  }
0x225: {  	v14 =	vadd.f32 v20, v15;
	v20 =	vadd.f32 v58, v24;
	v58 =	vld [tilespmem:s26+$0x92C0]  }
0x226: {  	v16 =	vadd.f32 v16, v18;
	v18 =	vadd.f32 v32, v21;
	v21 =	vld [tilespmem:$0x1FDC0]  }
0x227: {  	v10 =	vadd.f32 v1, v10;
	v1 =	vld [tilespmem:$0x1FDA0]  }
0x228: {  	v13 =	vadd.f32 v17, v13;
	v29 =	vld [tilespmem:s26+$0x8E90]  }
0x229: {  	v17 =	vadd.f32 v0, v19;
	v19 =	vadd.f32 v35, v22;
	v22 =	vld [tilespmem:$0x1FDD0]  }
0x22a: {  	v24 =	vadd.f32 v62, v30;
	v62 =	vld [tilespmem:s26+$0x9680]  }
0x22b: {  	v21 =	vadd.f32 v59, v21;
	v59 =	vld [tilespmem:s26+$0x92D0]  }
0x22c: {  	v11 =	vadd.f32 v11, v1;
	v1 =	vld [tilespmem:$0x1FDB0]  }
0x22d: {  	v0 =	vld [tilespmem:s26+$0x92B0]  }
0x22e: {  	v22 =	vadd.f32 v60, v22;
	v60 =	vld [tilespmem:s26+$0x92E0]  }
0x22f: {  	v25 =	vadd.f32 v25, v31;
	v31 =	vadd.f32 v8, v39;
	v8 =	vld [tilespmem:s26+$0x9690]  }
0x230: {  	v32 =	vadd.f32 v7, v40;
	v7 =	vld [tilespmem:s26+$0x96D0]  }
0x231: {  	v15 =	vadd.f32 v23, v1;
	v1 =	vld [tilespmem:s26+$0x92A0]  }
0x232: {  	v4 =	vld [tilespmem:s26+$0x8EF0]  }
0x233: {  	v5 =	vld [tilespmem:s26+$0x8EE0]  }
0x234: {  	v39 =	vadd.f32 v0, v47;
	v0 =	vld [tilespmem:$0x1FDF0]  }
0x235: {  	v6 =	vld [tilespmem:s26+$0x8ED0]  }
0x236: {  	v30 =	vadd.f32 v9, v38;
	v38 =	vadd.f32 v1, v46;
	v1 =	vld [tilespmem:$0x1FE00]  }
0x237: {  	v35 =	vadd.f32 v4, v43;
	v4 =	vld [tilespmem:s26+$0x96B0]  }
0x238: {  	v27 =	vadd.f32 v27, v34;
	v34 =	vadd.f32 v5, v42;
	v5 =	vld [tilespmem:s26+$0x96C0]  }
0x239: {  	v3 =	vld [tilespmem:s26+$0x9280]  }
0x23a: {  	v26 =	vadd.f32 v26, v33;
	v33 =	vadd.f32 v6, v41;
	v6 =	vld [tilespmem:s26+$0x96A0]  }
0x23b: {  	v42 =	vadd.f32 v60, v1;
	v1 =	vld [tilespmem:$0x1FE10]  }
0x23c: {  	v47 =	vadd.f32 v4, v63;
	v4 =	vld [tilespmem:$0x1FE40]  }
0x23d: {  	v23 =	vld [tilespmem:$0x1FDE0]  }
0x23e: {  	v28 =	vadd.f32 v28, v36;
	v36 =	vadd.f32 v3, v44;
	v3 =	vld [tilespmem:$0x1FE30]  }
0x23f: {  	v2 =	vld [tilespmem:s26+$0x9290]  }
0x240: {  	v44 =	vadd.f32 v62, v1;
	v1 =	vld [tilespmem:$0x1FE20]  }
0x241: {  	v40 =	vadd.f32 v58, v48;
	v48 =	vadd.f32 v5, v4;
	v4 =	vld [tilespmem:$0x1FE50]  }
0x242: {  	v23 =	vadd.f32 v61, v23;
	v61 =	vld [tilespmem:s26+$0x92F0]  }
0x243: {  	v41 =	vadd.f32 v59, v0;
	v0 =	vld [tilespmem:s26+$0x96E0]  }
0x244: {  	v29 =	vadd.f32 v29, v37;
	v37 =	vadd.f32 v2, v45;
	v2 =	vld [tilespmem:s26+$0x96F0]  }
0x245: {  	v45 =	vadd.f32 v8, v1;
	v1 =	vld [tilespmem:s26+$0x9A80]  }
0x246: {  	v46 =	vadd.f32 v6, v3;
	v3 =	vld [tilespmem:s26+$0x9A90]  }
0x247: {  	s28 =	simm.s32 $0x2;
	s0 =	simm.s32 $0x0;
	v43 =	vadd.f32 v61, v51;
	v51 =	vadd.f32 v7, v4;
	v4 =	vld [tilespmem:s26+$0x9AA0]  }
.LBB2_7:
0x248: {  	p1 =	sne.s32 s28, $0x1F;
	s0 =	smul.u32 $0x6000, s0;
	v52 =	vadd.f32 v0, v52;
	v0 =	vld [tilespmem:s26+$0x9AB0]  }
0x249: {  	s25 =	sadd.s32 $0x80, s25;
	v53 =	vadd.f32 v2, v53;
	v2 =	vld [tilespmem:s26+$0x9AC0]  }
0x24a: {  	s29 =	sand.u32 $0x380, s25;
	s0 =	sshra.s32 s0, $0x2;
	v54 =	vadd.f32 v1, v54;
	v1 =	vld [tilespmem:s26+$0x9AD0]  }
0x24b: {  	v55 =	vadd.f32 v3, v55;
	v3 =	vld [tilespmem:s26+$0x9AE0];
	s26 =	sor.u32 s29, s0  }
0x24c: {  	v5 =	vld [tilespmem:s26+$0x9AF0];
	v56 =	vadd.f32 v4, v56  }
0x24d: {  	v4 =	vld [tilespmem:s26+$0x8680];
	v57 =	vadd.f32 v0, v57  }
0x24e: {  	v0 =	vld [tilespmem:s26+$0x8690];
	v49 =	vadd.f32 v2, v49  }
0x24f: {  	v2 =	vld [tilespmem:s26+$0x86A0];
	v50 =	vadd.f32 v1, v50  }
0x250: {  	v1 =	vld [tilespmem:s26+$0x86B0];
	v10 =	vadd.f32 v3, v10  }
0x251: {  	v3 =	vld [tilespmem:s26+$0x86C0];
	v11 =	vadd.f32 v5, v11  }
0x252: {  	v12 =	vadd.f32 v4, v12;
	v4 =	vld [tilespmem:s26+$0x86D0]  }
0x253: {  	v13 =	vadd.f32 v0, v13;
	v0 =	vld [tilespmem:s26+$0x86E0]  }
0x254: {  	v14 =	vadd.f32 v2, v14;
	v2 =	vld [tilespmem:s26+$0x86F0]  }
0x255: {  	v15 =	vadd.f32 v1, v15;
	v1 =	vld [tilespmem:s26+$0x8A80]  }
0x256: {  	v16 =	vadd.f32 v3, v16;
	v3 =	vld [tilespmem:s26+$0x8A90]  }
0x257: {  	v17 =	vadd.f32 v4, v17;
	v4 =	vld [tilespmem:s26+$0x8AA0]  }
0x258: {  	v18 =	vadd.f32 v0, v18;
	v0 =	vld [tilespmem:s26+$0x8AB0]  }
0x259: {  	v19 =	vadd.f32 v2, v19;
	v2 =	vld [tilespmem:s26+$0x8AC0]  }
0x25a: {  	v20 =	vadd.f32 v1, v20;
	v1 =	vld [tilespmem:s26+$0x8AD0]  }
0x25b: {  	v21 =	vadd.f32 v3, v21;
	v3 =	vld [tilespmem:s26+$0x8AE0]  }
0x25c: {  	v22 =	vadd.f32 v4, v22;
	v4 =	vld [tilespmem:s26+$0x8AF0]  }
0x25d: {  	v23 =	vadd.f32 v0, v23;
	v0 =	vld [tilespmem:s26+$0x8E80]  }
0x25e: {  	v24 =	vadd.f32 v2, v24;
	v2 =	vld [tilespmem:s26+$0x8E90]  }
0x25f: {  	v25 =	vadd.f32 v1, v25;
	v1 =	vld [tilespmem:s26+$0x8EA0]  }
0x260: {  	v26 =	vadd.f32 v3, v26;
	v3 =	vld [tilespmem:s26+$0x8EB0]  }
0x261: {  	v27 =	vadd.f32 v4, v27;
	v4 =	vld [tilespmem:s26+$0x8EC0]  }
0x262: {  	v28 =	vadd.f32 v0, v28;
	v0 =	vld [tilespmem:s26+$0x8ED0]  }
0x263: {  	v29 =	vadd.f32 v2, v29;
	v2 =	vld [tilespmem:s26+$0x8EE0]  }
0x264: {  	v30 =	vadd.f32 v1, v30;
	v1 =	vld [tilespmem:s26+$0x8EF0]  }
0x265: {  	v31 =	vadd.f32 v3, v31;
	v3 =	vld [tilespmem:s26+$0x9280]  }
0x266: {  	v32 =	vadd.f32 v4, v32;
	v4 =	vld [tilespmem:s26+$0x9290]  }
0x267: {  	v33 =	vadd.f32 v0, v33;
	v0 =	vld [tilespmem:s26+$0x92A0]  }
0x268: {  	v34 =	vadd.f32 v2, v34;
	v2 =	vld [tilespmem:s26+$0x92B0]  }
0x269: {  	v35 =	vadd.f32 v1, v35;
	v1 =	vld [tilespmem:s26+$0x92C0]  }
0x26a: {  	v36 =	vadd.f32 v3, v36;
	v3 =	vld [tilespmem:s26+$0x92D0]  }
0x26b: {  	v37 =	vadd.f32 v4, v37;
	v4 =	vld [tilespmem:s26+$0x92E0]  }
0x26c: {  	v38 =	vadd.f32 v0, v38;
	v0 =	vld [tilespmem:s26+$0x92F0]  }
0x26d: {  	v39 =	vadd.f32 v2, v39;
	v2 =	vld [tilespmem:s26+$0x9680]  }
0x26e: {  	v40 =	vadd.f32 v1, v40;
	v1 =	vld [tilespmem:s26+$0x9690]  }
0x26f: {  	v41 =	vadd.f32 v3, v41;
	v3 =	vld [tilespmem:s26+$0x96A0]  }
0x270: {  	v42 =	vadd.f32 v4, v42;
	v4 =	vld [tilespmem:s26+$0x96B0]  }
0x271: {  	v43 =	vadd.f32 v0, v43;
	v5 =	vld [tilespmem:s26+$0x96C0]  }
0x272: {  	v44 =	vadd.f32 v2, v44;
	v6 =	vld [tilespmem:s26+$0x96D0]  }
.Ltmp4:
0x273: {  	v45 =	vadd.f32 v1, v45;
	v0 =	vld [tilespmem:s26+$0x96E0];
	(pc) =	sbr.rel @p1 .LBB2_7-.Ltmp4, $4  }
0x274: {  	v46 =	vadd.f32 v3, v46;
	v2 =	vld [tilespmem:s26+$0x96F0]  }
0x275: {  	v47 =	vadd.f32 v4, v47;
	v1 =	vld [tilespmem:s26+$0x9A80]  }
0x276: {  	v48 =	vadd.f32 v5, v48;
	v3 =	vld [tilespmem:s26+$0x9A90]  }
0x277: {  	s0 =	sshrl.u32 s28, $0x3;
	s28 =	sadd.s32 $0x1, s28;
	v51 =	vadd.f32 v6, v51;
	v4 =	vld [tilespmem:s26+$0x9AA0]  }
0x278: {  	v5 =	vld [tilespmem:s26+$0x9AC0]  }
0x279: {  	s0 =	smul.u32 $0x6000, s0  }
0x27a: {  	s25 =	sadd.s32 $0x80, s25  }
0x27b: {  	s25 =	sand.u32 $0x380, s25;
	s0 =	sshra.s32 s0, $0x2  }
0x27c: {  	s0 =	sor.u32 s25, s0  }
0x27d: {  	[tilespmem:$0x1F650] =	vst v5;
	v5 =	vld [tilespmem:s0+$0x8690];
	_ =	sdelay $0x4  }
0x27e: {  	[tilespmem:$0x1F660] =	vst v5;
	v5 =	vld [tilespmem:s0+$0x86A0];
	_ =	sdelay $0x4  }
0x27f: {  	[tilespmem:$0x1F670] =	vst v5;
	v5 =	vld [tilespmem:s0+$0x86B0];
	_ =	sdelay $0x4  }
0x280: {  	[tilespmem:$0x1F680] =	vst v5;
	v5 =	vld [tilespmem:s0+$0x86C0];
	_ =	sdelay $0x4  }
0x281: {  	[tilespmem:$0x1F690] =	vst v5;
	v5 =	vld [tilespmem:s0+$0x86D0];
	_ =	sdelay $0x4  }
0x282: {  	[tilespmem:$0x1F6A0] =	vst v5;
	v5 =	vld [tilespmem:s0+$0x86E0];
	_ =	sdelay $0x4  }
0x283: {  	[tilespmem:$0x1F6B0] =	vst v5;
	v5 =	vld [tilespmem:s0+$0x86F0];
	_ =	sdelay $0x4  }
0x284: {  	[tilespmem:$0x1F6C0] =	vst v5;
	v5 =	vld [tilespmem:s0+$0x8A80];
	_ =	sdelay $0x4  }
0x285: {  	[tilespmem:$0x1F6D0] =	vst v5;
	v5 =	vld [tilespmem:s0+$0x8A90];
	_ =	sdelay $0x4  }
0x286: {  	[tilespmem:$0x1F6E0] =	vst v5;
	v5 =	vld [tilespmem:s0+$0x8AA0];
	_ =	sdelay $0x4  }
0x287: {  	[tilespmem:$0x1F6F0] =	vst v5;
	v5 =	vld [tilespmem:s0+$0x8AB0];
	_ =	sdelay $0x4  }
0x288: {  	[tilespmem:$0x1F700] =	vst v5;
	v5 =	vld [tilespmem:s0+$0x8AC0];
	_ =	sdelay $0x4  }
0x289: {  	[tilespmem:$0x1F710] =	vst v5;
	v5 =	vld [tilespmem:s0+$0x8AD0];
	_ =	sdelay $0x4  }
0x28a: {  	[tilespmem:$0x1F720] =	vst v5;
	v5 =	vld [tilespmem:s0+$0x8AE0];
	_ =	sdelay $0x4  }
0x28b: {  	[tilespmem:$0x1F730] =	vst v5;
	v5 =	vld [tilespmem:s0+$0x8AF0];
	_ =	sdelay $0x4  }
0x28c: {  	[tilespmem:$0x1F740] =	vst v5;
	v5 =	vld [tilespmem:s0+$0x8E80];
	_ =	sdelay $0x4  }
0x28d: {  	[tilespmem:$0x1F750] =	vst v5;
	v5 =	vld [tilespmem:s0+$0x8E90];
	_ =	sdelay $0x4  }
0x28e: {  	[tilespmem:$0x1F760] =	vst v5;
	v5 =	vld [tilespmem:s0+$0x8EA0];
	_ =	sdelay $0x4  }
0x28f: {  	[tilespmem:$0x1F770] =	vst v5;
	v5 =	vld [tilespmem:s0+$0x8EB0];
	_ =	sdelay $0x4  }
0x290: {  	[tilespmem:$0x1F780] =	vst v5;
	v5 =	vld [tilespmem:s0+$0x8EC0];
	_ =	sdelay $0x4  }
0x291: {  	[tilespmem:$0x1F790] =	vst v5;
	v5 =	vld [tilespmem:s0+$0x8ED0];
	_ =	sdelay $0x4  }
0x292: {  	[tilespmem:$0x1F7A0] =	vst v5;
	v5 =	vld [tilespmem:s0+$0x8EE0];
	_ =	sdelay $0x4  }
0x293: {  	[tilespmem:$0x1F7B0] =	vst v5;
	v5 =	vld [tilespmem:s0+$0x8EF0];
	_ =	sdelay $0x4  }
0x294: {  	[tilespmem:$0x1F7C0] =	vst v5;
	v5 =	vld [tilespmem:s0+$0x9280];
	_ =	sdelay $0x4  }
0x295: {  	[tilespmem:$0x1F7D0] =	vst v5;
	v5 =	vld [tilespmem:s0+$0x9290];
	_ =	sdelay $0x1  }
0x296: {  	v6 =	vld [tilespmem:s0+$0x9680];
	_ =	sdelay $0x2  }
0x297: {  	[tilespmem:$0x1F7E0] =	vst v5;
	v5 =	vld [tilespmem:s0+$0x92A0];
	_ =	sdelay $0x1  }
0x298: {  	[tilespmem:$0x1F850] =	vst v6;
	v6 =	vld [tilespmem:s0+$0x9690];
	_ =	sdelay $0x2  }
0x299: {  	[tilespmem:$0x1F7F0] =	vst v5;
	v5 =	vld [tilespmem:s0+$0x92B0];
	_ =	sdelay $0x1  }
0x29a: {  	[tilespmem:$0x1F860] =	vst v6;
	v6 =	vld [tilespmem:s0+$0x96A0];
	_ =	sdelay $0x2  }
0x29b: {  	[tilespmem:$0x1F800] =	vst v5;
	v5 =	vld [tilespmem:s0+$0x92C0];
	_ =	sdelay $0x1  }
0x29c: {  	[tilespmem:$0x1F870] =	vst v6;
	v6 =	vld [tilespmem:s0+$0x96B0];
	_ =	sdelay $0x2  }
0x29d: {  	[tilespmem:$0x1F810] =	vst v5;
	v5 =	vld [tilespmem:s0+$0x92D0];
	_ =	sdelay $0x1  }
0x29e: {  	[tilespmem:$0x1F880] =	vst v6;
	v6 =	vld [tilespmem:s0+$0x96C0];
	_ =	sdelay $0x2  }
0x29f: {  	[tilespmem:$0x1F820] =	vst v5;
	v5 =	vld [tilespmem:s0+$0x92E0];
	_ =	sdelay $0x1  }
0x2a0: {  	[tilespmem:$0x1F890] =	vst v6;
	v6 =	vld [tilespmem:s0+$0x96D0];
	_ =	sdelay $0x1  }
0x2a1: {  	v8 =	vld [tilespmem:s0+$0x9AA0]  }
0x2a2: {  	[tilespmem:$0x1F830] =	vst v5;
	v5 =	vld [tilespmem:s0+$0x92F0];
	_ =	sdelay $0x1  }
0x2a3: {  	[tilespmem:$0x1F8A0] =	vst v6;
	v6 =	vld [tilespmem:s0+$0x96E0];
	_ =	sdelay $0x1  }
0x2a4: {  	[tilespmem:$0x1F8F0] =	vst v8;
	v8 =	vld [tilespmem:s0+$0x9AB0]  }
0x2a5: {  	[tilespmem:$0x1F840] =	vst v5;
	v5 =	vld [tilespmem:s24+$0x19A0];
	_ =	sdelay $0x1  }
0x2a6: {  	[tilespmem:$0x1F8B0] =	vst v6;
	v6 =	vld [tilespmem:s0+$0x96F0];
	_ =	sdelay $0x1  }
0x2a7: {  	[tilespmem:$0x1F900] =	vst v8;
	v8 =	vld [tilespmem:s0+$0x9AC0]  }
0x2a8: {  	v7 =	vld [tilespmem:s0+$0x9A90];
	v63 =	vshrl.u32 v5, $0x3  }
0x2a9: {  	v63 =	vmul.u32 $0x30, v63  }
0x2aa: {  	[tilespmem:$0x1F8C0] =	vst v6;
	v6 =	vld [tilespmem:s0+$0x9A80];
	v5 =	vand.u32 $0x7, v5  }
0x2ab: {  	v5 =	vor.u32 v5, v63;
	v63 =	vld [tilespmem:$0x1FF90]  }
0x2ac: {  	[tilespmem:$0x1F910] =	vst v8;
	v8 =	vld [tilespmem:s0+$0x9AD0]  }
0x2ad: {  	[tilespmem:$0x1F8E0] =	vst v7;
	v7 =	vld [tilespmem:$0x1FFC0];
	_ =	sdelay $0x2  }
0x2ae: {  	[tilespmem:$0x1F8D0] =	vst v6;
	v6 =	vperm.xlane v5, v63  }
0x2af: {  	[tilespmem:$0x1F920] =	vst v8;
	v8 =	vld [tilespmem:$0x1FFE0]  }
0x2b0: {  	v58 =	vld [tilespmem:s26+$0x9AB0];
	v6 =	vadd.s32 v7, v6  }
0x2b1: {  	v9 =	vld [tilespmem:s26+$0x9AD0]  }
0x2b2: {  	v60 =	vld [tilespmem:s26+$0x9AE0]  }
0x2b3: {  	v59 =	vld [tilespmem:s0+$0x9AF0]  }
0x2b4: {  	s26 =	simm.s32 $0x8680;
	s25 =	simm.s32 $0x0;
	v62 =	vld [tilespmem:s0+$0x8680];
	v5 =	vperm.xlane v5, v8  }
0x2b5: {  	v61 =	vld [tilespmem:s0+$0x9AE0];
	[tilespmem:s26], [sflag:$0x2] =	stream.indirect_vreg.gather [hbm4b:s1+s25], $0x80, v6, vm0, $0xb8  }
0x2b6: {  	s29 =	simm.s32 $0x8E80;
	v5 =	vadd.s32 v7, v5  }
0x2b7: {  	[tilespmem:s29], [sflag:$0x2] =	stream.indirect_vreg.gather [hbm4b:s9+s25], $0x80, v6, vm0, $0xb8;
	[tilespmem:$0x1B380] =	vst v63  }
0x2b8: {  	s30 =	simm.s32 $0x9680  }
0x2b9: {  	[tilespmem:s30], [sflag:$0x2] =	stream.indirect_vreg.gather [hbm4b:s10+s25], $0x80, v6, vm0, $0xb8;
	[tilespmem:$0x1B380] =	vst v63  }
0x2ba: {  	s31 =	simm.s32 $0x9E80  }
0x2bb: {  	[tilespmem:s31], [sflag:$0x2] =	stream.indirect_vreg.gather [hbm4b:s1+s25], $0x80, v5, vm0, $0xb8;
	[tilespmem:$0x1B380] =	vst v63  }
0x2bc: {  	s4 =	simm.s32 $0xA680  }
0x2bd: {  	[tilespmem:s4], [sflag:$0x2] =	stream.indirect_vreg.gather [hbm4b:s9+s25], $0x80, v5, vm0, $0xb8;
	[tilespmem:$0x1B380] =	vst v63  }
0x2be: {  	s26 =	simm.s32 $0xAE80  }
0x2bf: {  	[tilespmem:s26], [sflag:$0x2] =	stream.indirect_vreg.gather [hbm4b:s10+s25], $0x80, v5, vm0, $0xb8;
	[tilespmem:$0x1B380] =	vst v63  }
0x2c0: {  	v5 =	vld [tilespmem:s24+$0x19B0];
	_ =	sdelay $0x4  }
0x2c1: {  	v6 =	vshrl.u32 v5, $0x3  }
0x2c2: {  	v6 =	vmul.u32 $0x30, v6  }
0x2c3: {  	v5 =	vand.u32 $0x7, v5  }
0x2c4: {  	v5 =	vor.u32 v5, v6  }
0x2c5: {  	v6 =	vperm.xlane v5, v63;
	_ =	sdelay $0x1  }
0x2c6: {  	v6 =	vadd.s32 v7, v6;
	_ =	sdelay $0x3  }
0x2c7: {  	s29 =	simm.s32 $0xB680;
	v5 =	vperm.xlane v5, v8  }
0x2c8: {  	[tilespmem:s29], [sflag:$0x2] =	stream.indirect_vreg.gather [hbm4b:s1+s25], $0x80, v6, vm0, $0xb8;
	[tilespmem:$0x1B380] =	vst v63  }
0x2c9: {  	s30 =	simm.s32 $0xBE80;
	v5 =	vadd.s32 v7, v5  }
0x2ca: {  	[tilespmem:s30], [sflag:$0x2] =	stream.indirect_vreg.gather [hbm4b:s9+s25], $0x80, v6, vm0, $0xb8;
	[tilespmem:$0x1B380] =	vst v63  }
0x2cb: {  	s31 =	simm.s32 $0xC680  }
0x2cc: {  	[tilespmem:s31], [sflag:$0x2] =	stream.indirect_vreg.gather [hbm4b:s10+s25], $0x80, v6, vm0, $0xb8;
	[tilespmem:$0x1B380] =	vst v63  }
0x2cd: {  	s4 =	simm.s32 $0xCE80  }
0x2ce: {  	[tilespmem:s4], [sflag:$0x2] =	stream.indirect_vreg.gather [hbm4b:s1+s25], $0x80, v5, vm0, $0xb8;
	[tilespmem:$0x1B380] =	vst v63  }
0x2cf: {  	s26 =	simm.s32 $0xD680  }
0x2d0: {  	[tilespmem:s26], [sflag:$0x2] =	stream.indirect_vreg.gather [hbm4b:s9+s25], $0x80, v5, vm0, $0xb8;
	[tilespmem:$0x1B380] =	vst v63  }
0x2d1: {  	[tilespmem:$0x1F940] =	vst v61;
	s29 =	simm.s32 $0xDE80  }
0x2d2: {  	[tilespmem:s29], [sflag:$0x2] =	stream.indirect_vreg.gather [hbm4b:s10+s25], $0x80, v5, vm0, $0xb8;
	[tilespmem:$0x1B380] =	vst v63  }
0x2d3: {  	_ =	swait.ge [sflag:s18], $0x6000  }
0x2d4: {  	v52 =	vadd.f32 v0, v52;
	v0 =	vld [tilespmem:$0x1F650]  }
0x2d5: {  	v54 =	vadd.f32 v1, v54;
	v1 =	vld [tilespmem:$0x1F6F0]  }
0x2d6: {  	v53 =	vadd.f32 v2, v53;
	v2 =	vld [tilespmem:$0x1F700]  }
0x2d7: {  	v55 =	vadd.f32 v3, v55;
	s30 =	simm.s32 $0x0;
	v3 =	vld [tilespmem:$0x1F710]  }
0x2d8: {  	v56 =	vadd.f32 v4, v56;
	s0 =	smul.u32 $0x6000, s30;
	v4 =	vld [tilespmem:$0x1F720]  }
0x2d9: {  	v5 =	vld [tilespmem:$0x1F730]  }
0x2da: {  	s31 =	sand.u32 $0x380, s25;
	s0 =	sshra.s32 s0, $0x2;
	[sflag:s18] =	ssyncset.done $0x0;
	v6 =	vld [tilespmem:$0x1F740]  }
0x2db: {  	s26 =	sor.u32 s31, s0;
	v7 =	vld [tilespmem:$0x1F750];
	[sflag:s18] =	ssyncadd.s32 $0xFFFFA000  }
0x2dc: {  	v8 =	vadd.f32 v60, v10;
	v10 =	vld [tilespmem:s26+$0xFAF0]  }
0x2dd: {  	v49 =	vadd.f32 v0, v49;
	v1 =	vadd.f32 v1, v22;
	v22 =	vld [tilespmem:s26+$0xE6F0]  }
0x2de: {  	v0 =	vadd.f32 v9, v50;
	v2 =	vadd.f32 v2, v23;
	v23 =	vld [tilespmem:$0x1F760]  }
0x2df: {  	v3 =	vadd.f32 v3, v24;
	v24 =	vld [tilespmem:$0x1F770]  }
0x2e0: {  	[tilespmem:$0x1F930] =	vst v0;
	v0 =	vld [tilespmem:$0x1F660]  }
0x2e1: {  	v4 =	vadd.f32 v4, v25;
	v25 =	vld [tilespmem:$0x1F790]  }
0x2e2: {  	v5 =	vadd.f32 v5, v26;
	v26 =	vld [tilespmem:$0x1F7B0]  }
0x2e3: {  	v6 =	vadd.f32 v6, v27;
	v27 =	vld [tilespmem:$0x1F7D0]  }
0x2e4: {  	v9 =	vadd.f32 v59, v11;
	v7 =	vadd.f32 v7, v28;
	v28 =	vld [tilespmem:$0x1F7F0]  }
0x2e5: {  	v11 =	vadd.f32 v62, v12;
	v12 =	vadd.f32 v0, v13;
	v0 =	vld [tilespmem:$0x1F670]  }
0x2e6: {  	v50 =	vld [tilespmem:$0x1F8F0]  }
0x2e7: {  	v63 =	vadd.f32 v23, v29;
	v23 =	vld [tilespmem:s26+$0xEA80]  }
0x2e8: {  	v29 =	vld [tilespmem:$0x1F810]  }
0x2e9: {  	v24 =	vadd.f32 v24, v30;
	v30 =	vld [tilespmem:$0x1F830]  }
0x2ea: {  	v14 =	vadd.f32 v0, v14;
	v0 =	vld [tilespmem:$0x1F680]  }
0x2eb: {  	v26 =	vadd.f32 v26, v34;
	v34 =	vld [tilespmem:s26+$0xEEB0]  }
0x2ec: {  	v27 =	vadd.f32 v27, v36;
	v36 =	vld [tilespmem:s26+$0xEED0]  }
0x2ed: {  	v13 =	vld [tilespmem:s26+$0xE680]  }
0x2ee: {  	v25 =	vadd.f32 v25, v32;
	[tilespmem:$0x1F950] =	vst v24;
	v24 =	vld [tilespmem:$0x1F780]  }
0x2ef: {  	v15 =	vadd.f32 v0, v15;
	v0 =	vld [tilespmem:$0x1F690]  }
0x2f0: {  	[tilespmem:$0x1F970] =	vst v25;
	v25 =	vld [tilespmem:$0x1F7A0]  }
0x2f1: {  	v28 =	vadd.f32 v28, v38;
	[tilespmem:$0x1F990] =	vst v26;
	v26 =	vld [tilespmem:$0x1F7C0]  }
0x2f2: {  	[tilespmem:$0x1F9B0] =	vst v27;
	v27 =	vld [tilespmem:$0x1F7E0]  }
0x2f3: {  	[tilespmem:$0x1F9D0] =	vst v28;
	v28 =	vld [tilespmem:$0x1F800]  }
0x2f4: {  	v16 =	vadd.f32 v0, v16;
	v0 =	vld [tilespmem:$0x1F6A0]  }
0x2f5: {  	v29 =	vadd.f32 v29, v40;
	v40 =	vld [tilespmem:$0x1F870]  }
0x2f6: {  	v30 =	vadd.f32 v30, v42;
	v42 =	vld [tilespmem:$0x1F890]  }
0x2f7: {  	[tilespmem:$0x1F9F0] =	vst v29;
	v29 =	vld [tilespmem:$0x1F820]  }
0x2f8: {  	[tilespmem:$0x1FA10] =	vst v30;
	v30 =	vld [tilespmem:$0x1F840]  }
0x2f9: {  	v59 =	vadd.f32 v0, v17;
	v0 =	vld [tilespmem:$0x1F6B0]  }
0x2fa: {  	v24 =	vadd.f32 v24, v31;
	v31 =	vld [tilespmem:$0x1F850]  }
0x2fb: {  	v25 =	vadd.f32 v25, v33;
	v26 =	vadd.f32 v26, v35;
	v35 =	vld [tilespmem:s26+$0xEEC0]  }
0x2fc: {  	[tilespmem:$0x1F960] =	vst v24;
	v24 =	vld [tilespmem:s26+$0xEA90]  }
0x2fd: {  	[tilespmem:$0x1F980] =	vst v25;
	v25 =	vld [tilespmem:s26+$0xEAA0]  }
0x2fe: {  	v60 =	vadd.f32 v0, v18;
	v0 =	vld [tilespmem:$0x1F6C0]  }
0x2ff: {  	[tilespmem:$0x1F9A0] =	vst v26;
	v26 =	vld [tilespmem:s26+$0xEAB0];
	v31 =	vadd.f32 v31, v44  }
0x300: {  	v32 =	vadd.f32 v40, v46;
	v40 =	vld [tilespmem:$0x1F910]  }
0x301: {  	[tilespmem:$0x1FA30] =	vst v31;
	v31 =	vld [tilespmem:$0x1F860]  }
0x302: {  	v33 =	vadd.f32 v42, v48;
	v48 =	vld [tilespmem:$0x1F8E0]  }
0x303: {  	v61 =	vadd.f32 v0, v19;
	v0 =	vld [tilespmem:$0x1F6D0]  }
0x304: {  	v30 =	vadd.f32 v30, v43;
	v43 =	vld [tilespmem:$0x1F8A0]  }
0x305: {  	v56 =	vadd.f32 v50, v56;
	v50 =	vadd.f32 v40, v49;
	v49 =	vld [tilespmem:$0x1F940]  }
0x306: {  	v31 =	vadd.f32 v31, v45;
	v45 =	vld [tilespmem:$0x1F8C0]  }
0x307: {  	v17 =	vld [tilespmem:s26+$0xE6A0]  }
0x308: {  	v62 =	vadd.f32 v0, v20;
	v0 =	vld [tilespmem:$0x1F6E0]  }
0x309: {  	v27 =	vadd.f32 v27, v37;
	v18 =	vld [tilespmem:s26+$0xE6B0]  }
0x30a: {  	v28 =	vadd.f32 v28, v39;
	v19 =	vld [tilespmem:s26+$0xE6C0]  }
0x30b: {  	[tilespmem:$0x1F9C0] =	vst v27;
	v29 =	vadd.f32 v29, v41;
	v55 =	vadd.f32 v48, v55;
	v20 =	vld [tilespmem:s26+$0xE6D0]  }
0x30c: {  	v27 =	vld [tilespmem:s26+$0xEAC0];
	[tilespmem:$0x1FA60] =	vst v33;
	v33 =	vadd.f32 v43, v51;
	v48 =	vadd.f32 v49, v8  }
0x30d: {  	v49 =	vadd.f32 v10, v9;
	v0 =	vadd.f32 v0, v21;
	v21 =	vld [tilespmem:s26+$0xE6E0]  }
0x30e: {  	[tilespmem:$0x1F9E0] =	vst v28;
	v28 =	vld [tilespmem:s26+$0xEAD0];
	v53 =	vadd.f32 v45, v53;
	v45 =	vadd.f32 v13, v11  }
0x30f: {  	[tilespmem:$0x1FA00] =	vst v29;
	v29 =	vld [tilespmem:s26+$0xEAE0];
	v10 =	vadd.f32 v17, v14;
	v11 =	vadd.f32 v18, v15  }
0x310: {  	[tilespmem:$0x1FA20] =	vst v30;
	v30 =	vld [tilespmem:s26+$0xEAF0];
	v17 =	vadd.f32 v19, v16;
	v18 =	vadd.f32 v20, v59  }
0x311: {  	[tilespmem:$0x1FA40] =	vst v31;
	v31 =	vld [tilespmem:s26+$0xEE80];
	v20 =	vadd.f32 v22, v61;
	v22 =	vadd.f32 v24, v0  }
0x312: {  	v43 =	vld [tilespmem:s26+$0xEEE0];
	v24 =	vadd.f32 v26, v2;
	v19 =	vadd.f32 v21, v60  }
0x313: {  	[tilespmem:$0x1FA70] =	vst v33;
	v33 =	vld [tilespmem:s26+$0xEEA0];
	v21 =	vadd.f32 v23, v62;
	v23 =	vadd.f32 v25, v1  }
0x314: {  	v25 =	vadd.f32 v27, v3;
	v27 =	vadd.f32 v29, v5;
	v5 =	vld [tilespmem:$0x1F950]  }
0x315: {  	v26 =	vadd.f32 v28, v4;
	v28 =	vadd.f32 v30, v6;
	v6 =	vld [tilespmem:$0x1F970]  }
0x316: {  	v29 =	vadd.f32 v31, v7;
	v7 =	vld [tilespmem:$0x1F990]  }
0x317: {  	[tilespmem:$0x1FA50] =	vst v32;
	v32 =	vld [tilespmem:s26+$0xEE90]  }
0x318: {  	v8 =	vld [tilespmem:s26+$0xEEF0]  }
0x319: {  	v31 =	vadd.f32 v33, v5;
	v5 =	vld [tilespmem:$0x1F960]  }
0x31a: {  	v33 =	vadd.f32 v35, v6;
	v6 =	vld [tilespmem:$0x1F980]  }
0x31b: {  	v35 =	vadd.f32 v43, v7;
	v7 =	vld [tilespmem:$0x1F9A0];
	_ =	sdelay $0x1  }
0x31c: {  	v57 =	vadd.f32 v58, v57;
	v58 =	vld [tilespmem:s26+$0xE690]  }
0x31d: {  	v46 =	vld [tilespmem:$0x1F8D0]  }
0x31e: {  	v9 =	vld [tilespmem:s26+$0xF280];
	v30 =	vadd.f32 v32, v63;
	v32 =	vadd.f32 v34, v5  }
0x31f: {  	v34 =	vadd.f32 v36, v6;
	v36 =	vadd.f32 v8, v7;
	v8 =	vld [tilespmem:$0x1F9B0];
	_ =	sdelay $0x2  }
0x320: {  	v41 =	vld [tilespmem:$0x1F880]  }
0x321: {  	v54 =	vadd.f32 v46, v54;
	v46 =	vadd.f32 v58, v12;
	v12 =	vld [tilespmem:s26+$0xF290]  }
0x322: {  	v37 =	vadd.f32 v9, v8;
	v8 =	vld [tilespmem:$0x1F9C0]  }
0x323: {  	v42 =	vld [tilespmem:$0x1F930]  }
0x324: {  	v51 =	vld [tilespmem:$0x1F900]  }
0x325: {  	v47 =	vadd.f32 v41, v47;
	v41 =	vld [tilespmem:$0x1F920]  }
0x326: {  	v0 =	vld [tilespmem:s26+$0xF2C0]  }
0x327: {  	v38 =	vadd.f32 v12, v8;
	v12 =	vld [tilespmem:$0x1F9F0];
	_ =	sdelay $0x3  }
0x328: {  	v57 =	vadd.f32 v51, v57;
	v1 =	vld [tilespmem:s26+$0xF2D0]  }
0x329: {  	v51 =	vadd.f32 v41, v42;
	v41 =	vadd.f32 v0, v12;
	v0 =	vld [tilespmem:$0x1FA00];
	_ =	sdelay $0x3  }
0x32a: {  	v2 =	vld [tilespmem:s26+$0xF2E0]  }
0x32b: {  	v42 =	vadd.f32 v1, v0;
	v1 =	vld [tilespmem:$0x1FA10];
	_ =	sdelay $0x2  }
0x32c: {  	v44 =	vld [tilespmem:$0x1F8B0]  }
0x32d: {  	v3 =	vld [tilespmem:s26+$0xF2F0]  }
0x32e: {  	v43 =	vadd.f32 v2, v1;
	v1 =	vld [tilespmem:$0x1FA20]  }
0x32f: {  	v13 =	vld [tilespmem:s26+$0xF2A0]  }
0x330: {  	v9 =	vld [tilespmem:$0x1F9D0]  }
0x331: {  	v14 =	vld [tilespmem:s26+$0xF2B0]  }
0x332: {  	v4 =	vld [tilespmem:s26+$0xF680]  }
0x333: {  	v52 =	vadd.f32 v44, v52;
	v44 =	vadd.f32 v3, v1;
	v1 =	vld [tilespmem:$0x1FA30]  }
0x334: {  	v5 =	vld [tilespmem:s26+$0xF690]  }
0x335: {  	v39 =	vadd.f32 v13, v9;
	v9 =	vld [tilespmem:$0x1F9E0]  }
0x336: {  	v6 =	vld [tilespmem:s26+$0xF6A0]  }
0x337: {  	v8 =	vld [tilespmem:s26+$0xF6C0]  }
0x338: {  	v12 =	vadd.f32 v4, v1;
	v4 =	vld [tilespmem:$0x1FA60]  }
0x339: {  	v7 =	vld [tilespmem:s26+$0xF6B0]  }
0x33a: {  	v40 =	vadd.f32 v14, v9;
	v9 =	vld [tilespmem:s26+$0xF6D0]  }
0x33b: {  	v1 =	vld [tilespmem:$0x1FA40]  }
0x33c: {  	v3 =	vld [tilespmem:$0x1FA50]  }
0x33d: {  	v16 =	vadd.f32 v8, v4;
	v4 =	vld [tilespmem:$0x1FA70]  }
0x33e: {  	v0 =	vld [tilespmem:s26+$0xF6E0]  }
0x33f: {  	v2 =	vld [tilespmem:s26+$0xF6F0]  }
0x340: {  	v13 =	vadd.f32 v5, v1;
	v1 =	vld [tilespmem:s26+$0xFA80]  }
0x341: {  	v14 =	vadd.f32 v6, v3;
	v3 =	vld [tilespmem:s26+$0xFA90]  }
0x342: {  	s28 =	simm.s32 $0x2;
	s0 =	simm.s32 $0x0;
	v15 =	vadd.f32 v7, v47;
	v47 =	vadd.f32 v9, v4;
	v4 =	vld [tilespmem:s26+$0xFAA0]  }
.LBB2_9:
0x343: {  	p1 =	sne.s32 s28, $0x1F;
	s0 =	smul.u32 $0x6000, s0;
	v52 =	vadd.f32 v0, v52;
	v0 =	vld [tilespmem:s26+$0xFAB0]  }
0x344: {  	s25 =	sadd.s32 $0x80, s25;
	v53 =	vadd.f32 v2, v53;
	v2 =	vld [tilespmem:s26+$0xFAC0]  }
0x345: {  	s29 =	sand.u32 $0x380, s25;
	s0 =	sshra.s32 s0, $0x2;
	v54 =	vadd.f32 v1, v54;
	v1 =	vld [tilespmem:s26+$0xFAD0]  }
0x346: {  	v55 =	vadd.f32 v3, v55;
	v3 =	vld [tilespmem:s26+$0xFAE0];
	s26 =	sor.u32 s29, s0  }
0x347: {  	v5 =	vld [tilespmem:s26+$0xFAF0];
	v56 =	vadd.f32 v4, v56  }
0x348: {  	v4 =	vld [tilespmem:s26+$0xE680];
	v57 =	vadd.f32 v0, v57  }
0x349: {  	v0 =	vld [tilespmem:s26+$0xE690];
	v50 =	vadd.f32 v2, v50  }
0x34a: {  	v2 =	vld [tilespmem:s26+$0xE6A0];
	v51 =	vadd.f32 v1, v51  }
0x34b: {  	v1 =	vld [tilespmem:s26+$0xE6B0];
	v48 =	vadd.f32 v3, v48  }
0x34c: {  	v3 =	vld [tilespmem:s26+$0xE6C0];
	v49 =	vadd.f32 v5, v49  }
0x34d: {  	v45 =	vadd.f32 v4, v45;
	v4 =	vld [tilespmem:s26+$0xE6D0]  }
0x34e: {  	v46 =	vadd.f32 v0, v46;
	v0 =	vld [tilespmem:s26+$0xE6E0]  }
0x34f: {  	v10 =	vadd.f32 v2, v10;
	v2 =	vld [tilespmem:s26+$0xE6F0]  }
0x350: {  	v11 =	vadd.f32 v1, v11;
	v1 =	vld [tilespmem:s26+$0xEA80]  }
0x351: {  	v17 =	vadd.f32 v3, v17;
	v3 =	vld [tilespmem:s26+$0xEA90]  }
0x352: {  	v18 =	vadd.f32 v4, v18;
	v4 =	vld [tilespmem:s26+$0xEAA0]  }
0x353: {  	v19 =	vadd.f32 v0, v19;
	v0 =	vld [tilespmem:s26+$0xEAB0]  }
0x354: {  	v20 =	vadd.f32 v2, v20;
	v2 =	vld [tilespmem:s26+$0xEAC0]  }
0x355: {  	v21 =	vadd.f32 v1, v21;
	v1 =	vld [tilespmem:s26+$0xEAD0]  }
0x356: {  	v22 =	vadd.f32 v3, v22;
	v3 =	vld [tilespmem:s26+$0xEAE0]  }
0x357: {  	v23 =	vadd.f32 v4, v23;
	v4 =	vld [tilespmem:s26+$0xEAF0]  }
0x358: {  	v24 =	vadd.f32 v0, v24;
	v0 =	vld [tilespmem:s26+$0xEE80]  }
0x359: {  	v25 =	vadd.f32 v2, v25;
	v2 =	vld [tilespmem:s26+$0xEE90]  }
0x35a: {  	v26 =	vadd.f32 v1, v26;
	v1 =	vld [tilespmem:s26+$0xEEA0]  }
0x35b: {  	v27 =	vadd.f32 v3, v27;
	v3 =	vld [tilespmem:s26+$0xEEB0]  }
0x35c: {  	v28 =	vadd.f32 v4, v28;
	v4 =	vld [tilespmem:s26+$0xEEC0]  }
0x35d: {  	v29 =	vadd.f32 v0, v29;
	v0 =	vld [tilespmem:s26+$0xEED0]  }
0x35e: {  	v30 =	vadd.f32 v2, v30;
	v2 =	vld [tilespmem:s26+$0xEEE0]  }
0x35f: {  	v31 =	vadd.f32 v1, v31;
	v1 =	vld [tilespmem:s26+$0xEEF0]  }
0x360: {  	v32 =	vadd.f32 v3, v32;
	v3 =	vld [tilespmem:s26+$0xF280]  }
0x361: {  	v33 =	vadd.f32 v4, v33;
	v4 =	vld [tilespmem:s26+$0xF290]  }
0x362: {  	v34 =	vadd.f32 v0, v34;
	v0 =	vld [tilespmem:s26+$0xF2A0]  }
0x363: {  	v35 =	vadd.f32 v2, v35;
	v2 =	vld [tilespmem:s26+$0xF2B0]  }
0x364: {  	v36 =	vadd.f32 v1, v36;
	v1 =	vld [tilespmem:s26+$0xF2C0]  }
0x365: {  	v37 =	vadd.f32 v3, v37;
	v3 =	vld [tilespmem:s26+$0xF2D0]  }
0x366: {  	v38 =	vadd.f32 v4, v38;
	v4 =	vld [tilespmem:s26+$0xF2E0]  }
0x367: {  	v39 =	vadd.f32 v0, v39;
	v0 =	vld [tilespmem:s26+$0xF2F0]  }
0x368: {  	v40 =	vadd.f32 v2, v40;
	v2 =	vld [tilespmem:s26+$0xF680]  }
0x369: {  	v41 =	vadd.f32 v1, v41;
	v1 =	vld [tilespmem:s26+$0xF690]  }
0x36a: {  	v42 =	vadd.f32 v3, v42;
	v3 =	vld [tilespmem:s26+$0xF6A0]  }
0x36b: {  	v43 =	vadd.f32 v4, v43;
	v4 =	vld [tilespmem:s26+$0xF6B0]  }
0x36c: {  	v44 =	vadd.f32 v0, v44;
	v5 =	vld [tilespmem:s26+$0xF6C0]  }
0x36d: {  	v12 =	vadd.f32 v2, v12;
	v6 =	vld [tilespmem:s26+$0xF6D0]  }
.Ltmp5:
0x36e: {  	v13 =	vadd.f32 v1, v13;
	v0 =	vld [tilespmem:s26+$0xF6E0];
	(pc) =	sbr.rel @p1 .LBB2_9-.Ltmp5, $4  }
0x36f: {  	v14 =	vadd.f32 v3, v14;
	v2 =	vld [tilespmem:s26+$0xF6F0]  }
0x370: {  	v15 =	vadd.f32 v4, v15;
	v1 =	vld [tilespmem:s26+$0xFA80]  }
0x371: {  	v16 =	vadd.f32 v5, v16;
	v3 =	vld [tilespmem:s26+$0xFA90]  }
0x372: {  	s0 =	sshrl.u32 s28, $0x3;
	s28 =	sadd.s32 $0x1, s28;
	v47 =	vadd.f32 v6, v47;
	v4 =	vld [tilespmem:s26+$0xFAA0]  }
0x373: {  	v5 =	vld [tilespmem:s26+$0xFAC0]  }
0x374: {  	s0 =	smul.u32 $0x6000, s0  }
0x375: {  	s25 =	sadd.s32 $0x80, s25  }
0x376: {  	s25 =	sand.u32 $0x380, s25;
	s0 =	sshra.s32 s0, $0x2  }
0x377: {  	s0 =	sor.u32 s25, s0  }
0x378: {  	[tilespmem:$0x1F1F0] =	vst v5;
	v5 =	vld [tilespmem:s0+$0xE680];
	_ =	sdelay $0x4  }
0x379: {  	[tilespmem:$0x1F200] =	vst v5;
	v5 =	vld [tilespmem:s0+$0xE6A0];
	_ =	sdelay $0x4  }
0x37a: {  	[tilespmem:$0x1F210] =	vst v5;
	v5 =	vld [tilespmem:s0+$0xE6B0];
	_ =	sdelay $0x4  }
0x37b: {  	[tilespmem:$0x1F220] =	vst v5;
	v5 =	vld [tilespmem:s0+$0xE6C0];
	_ =	sdelay $0x4  }
0x37c: {  	[tilespmem:$0x1F230] =	vst v5;
	v5 =	vld [tilespmem:s0+$0xE6D0];
	_ =	sdelay $0x4  }
0x37d: {  	[tilespmem:$0x1F240] =	vst v5;
	v5 =	vld [tilespmem:s0+$0xE6E0];
	_ =	sdelay $0x4  }
0x37e: {  	[tilespmem:$0x1F250] =	vst v5;
	v5 =	vld [tilespmem:s0+$0xE6F0];
	_ =	sdelay $0x4  }
0x37f: {  	[tilespmem:$0x1F260] =	vst v5;
	v5 =	vld [tilespmem:s0+$0xEA80];
	_ =	sdelay $0x4  }
0x380: {  	[tilespmem:$0x1F270] =	vst v5;
	v5 =	vld [tilespmem:s0+$0xEA90];
	_ =	sdelay $0x4  }
0x381: {  	[tilespmem:$0x1F280] =	vst v5;
	v5 =	vld [tilespmem:s0+$0xEAA0];
	_ =	sdelay $0x4  }
0x382: {  	[tilespmem:$0x1F290] =	vst v5;
	v5 =	vld [tilespmem:s0+$0xEAB0];
	_ =	sdelay $0x4  }
0x383: {  	[tilespmem:$0x1F2A0] =	vst v5;
	v5 =	vld [tilespmem:s0+$0xEAC0];
	_ =	sdelay $0x4  }
0x384: {  	[tilespmem:$0x1F2B0] =	vst v5;
	v5 =	vld [tilespmem:s0+$0xEAD0];
	_ =	sdelay $0x4  }
0x385: {  	[tilespmem:$0x1F2C0] =	vst v5;
	v5 =	vld [tilespmem:s0+$0xEAE0];
	_ =	sdelay $0x4  }
0x386: {  	[tilespmem:$0x1F2D0] =	vst v5;
	v5 =	vld [tilespmem:s0+$0xEAF0];
	_ =	sdelay $0x4  }
0x387: {  	[tilespmem:$0x1F2E0] =	vst v5;
	v5 =	vld [tilespmem:s0+$0xEE80];
	_ =	sdelay $0x4  }
0x388: {  	[tilespmem:$0x1F2F0] =	vst v5;
	v5 =	vld [tilespmem:s0+$0xEE90];
	_ =	sdelay $0x4  }
0x389: {  	[tilespmem:$0x1F300] =	vst v5;
	v5 =	vld [tilespmem:s0+$0xEEA0];
	_ =	sdelay $0x4  }
0x38a: {  	[tilespmem:$0x1F310] =	vst v5;
	v5 =	vld [tilespmem:s0+$0xEEB0];
	_ =	sdelay $0x4  }
0x38b: {  	[tilespmem:$0x1F320] =	vst v5;
	v5 =	vld [tilespmem:s0+$0xEEC0];
	_ =	sdelay $0x4  }
0x38c: {  	[tilespmem:$0x1F330] =	vst v5;
	v5 =	vld [tilespmem:s0+$0xEED0];
	_ =	sdelay $0x4  }
0x38d: {  	[tilespmem:$0x1F340] =	vst v5;
	v5 =	vld [tilespmem:s0+$0xEEE0];
	_ =	sdelay $0x4  }
0x38e: {  	[tilespmem:$0x1F350] =	vst v5;
	v5 =	vld [tilespmem:s0+$0xEEF0];
	_ =	sdelay $0x4  }
0x38f: {  	[tilespmem:$0x1F360] =	vst v5;
	v5 =	vld [tilespmem:s0+$0xF280];
	_ =	sdelay $0x4  }
0x390: {  	[tilespmem:$0x1F370] =	vst v5;
	v5 =	vld [tilespmem:s0+$0xF290]  }
0x391: {  	v6 =	vld [tilespmem:s0+$0xF680];
	_ =	sdelay $0x3  }
0x392: {  	[tilespmem:$0x1F380] =	vst v5;
	v5 =	vld [tilespmem:s0+$0xF2A0]  }
0x393: {  	[tilespmem:$0x1F3F0] =	vst v6;
	v6 =	vld [tilespmem:s0+$0xF690];
	_ =	sdelay $0x3  }
0x394: {  	[tilespmem:$0x1F390] =	vst v5;
	v5 =	vld [tilespmem:s0+$0xF2B0]  }
0x395: {  	[tilespmem:$0x1F400] =	vst v6;
	v6 =	vld [tilespmem:s0+$0xF6A0];
	_ =	sdelay $0x3  }
0x396: {  	[tilespmem:$0x1F3A0] =	vst v5;
	v5 =	vld [tilespmem:s0+$0xF2C0]  }
0x397: {  	[tilespmem:$0x1F410] =	vst v6;
	v6 =	vld [tilespmem:s0+$0xF6B0];
	_ =	sdelay $0x3  }
0x398: {  	[tilespmem:$0x1F3B0] =	vst v5;
	v5 =	vld [tilespmem:s0+$0xF2D0]  }
0x399: {  	[tilespmem:$0x1F420] =	vst v6;
	v6 =	vld [tilespmem:s0+$0xF6C0]  }
0x39a: {  	v7 =	vld [tilespmem:s0+$0xFA90];
	_ =	sdelay $0x2  }
0x39b: {  	[tilespmem:$0x1F3C0] =	vst v5;
	v5 =	vld [tilespmem:s0+$0xF2E0]  }
0x39c: {  	[tilespmem:$0x1F430] =	vst v6;
	v6 =	vld [tilespmem:s0+$0xF6D0]  }
0x39d: {  	[tilespmem:$0x1F480] =	vst v7;
	v7 =	vld [tilespmem:s0+$0xFAA0];
	_ =	sdelay $0x2  }
0x39e: {  	[tilespmem:$0x1F3D0] =	vst v5;
	v5 =	vld [tilespmem:s0+$0xF2F0]  }
0x39f: {  	[tilespmem:$0x1F440] =	vst v6;
	v6 =	vld [tilespmem:s0+$0xF6E0]  }
0x3a0: {  	[tilespmem:$0x1F4A0] =	vst v7;
	v7 =	vld [tilespmem:s0+$0xFAB0];
	_ =	sdelay $0x2  }
0x3a1: {  	[tilespmem:$0x1F3E0] =	vst v5;
	v5 =	vld [tilespmem:s24+$0x19C0]  }
0x3a2: {  	[tilespmem:$0x1F450] =	vst v6;
	v6 =	vld [tilespmem:s0+$0xF6F0]  }
0x3a3: {  	[tilespmem:$0x1F4C0] =	vst v7;
	v7 =	vld [tilespmem:s0+$0xFAC0];
	_ =	sdelay $0x2  }
0x3a4: {  	v9 =	vld [tilespmem:$0x1FF90];
	v63 =	vshrl.u32 v5, $0x3  }
0x3a5: {  	[tilespmem:$0x1F460] =	vst v6;
	v6 =	vld [tilespmem:s0+$0xFA80];
	v63 =	vmul.u32 $0x30, v63  }
0x3a6: {  	[tilespmem:$0x1F4E0] =	vst v7;
	v7 =	vld [tilespmem:s0+$0xFAD0];
	v5 =	vand.u32 $0x7, v5  }
0x3a7: {  	v5 =	vor.u32 v5, v63;
	v63 =	vld [tilespmem:$0x1FFC0];
	_ =	sdelay $0x2  }
0x3a8: {  	[tilespmem:$0x1F470] =	vst v6;
	v6 =	vperm.xlane v5, v9  }
0x3a9: {  	[tilespmem:$0x1F500] =	vst v7;
	v7 =	vld [tilespmem:$0x1FFE0]  }
0x3aa: {  	v8 =	vld [tilespmem:s26+$0xFAB0];
	v6 =	vadd.s32 v63, v6  }
0x3ab: {  	v58 =	vld [tilespmem:s26+$0xFAD0]  }
0x3ac: {  	v60 =	vld [tilespmem:s26+$0xFAE0]  }
0x3ad: {  	v59 =	vld [tilespmem:s0+$0xFAF0]  }
0x3ae: {  	s4 =	simm.s32 $0xE680;
	s25 =	simm.s32 $0x0;
	v62 =	vld [tilespmem:s0+$0xE690];
	v5 =	vperm.xlane v5, v7  }
0x3af: {  	v61 =	vld [tilespmem:s0+$0xFAE0];
	[tilespmem:s4], [sflag:$0x3] =	stream.indirect_vreg.gather [hbm4b:s1+s25], $0x80, v6, vm0, $0xb8  }
0x3b0: {  	s26 =	simm.s32 $0xEE80;
	v5 =	vadd.s32 v63, v5  }
0x3b1: {  	[tilespmem:s26], [sflag:$0x3] =	stream.indirect_vreg.gather [hbm4b:s9+s25], $0x80, v6, vm0, $0xb8;
	[tilespmem:$0x1B380] =	vst v63  }
0x3b2: {  	s29 =	simm.s32 $0xF680  }
0x3b3: {  	[tilespmem:s29], [sflag:$0x3] =	stream.indirect_vreg.gather [hbm4b:s10+s25], $0x80, v6, vm0, $0xb8;
	[tilespmem:$0x1B380] =	vst v63  }
0x3b4: {  	s30 =	simm.s32 $0xFE80  }
0x3b5: {  	[tilespmem:s30], [sflag:$0x3] =	stream.indirect_vreg.gather [hbm4b:s1+s25], $0x80, v5, vm0, $0xb8;
	[tilespmem:$0x1B380] =	vst v63  }
0x3b6: {  	s31 =	simm.s32 $0x10680  }
0x3b7: {  	[tilespmem:s31], [sflag:$0x3] =	stream.indirect_vreg.gather [hbm4b:s9+s25], $0x80, v5, vm0, $0xb8;
	[tilespmem:$0x1B380] =	vst v63  }
0x3b8: {  	s4 =	simm.s32 $0x10E80  }
0x3b9: {  	[tilespmem:s4], [sflag:$0x3] =	stream.indirect_vreg.gather [hbm4b:s10+s25], $0x80, v5, vm0, $0xb8;
	[tilespmem:$0x1B380] =	vst v63  }
0x3ba: {  	v5 =	vld [tilespmem:s24+$0x19D0];
	_ =	sdelay $0x4  }
0x3bb: {  	v6 =	vshrl.u32 v5, $0x3  }
0x3bc: {  	v6 =	vmul.u32 $0x30, v6  }
0x3bd: {  	v5 =	vand.u32 $0x7, v5  }
0x3be: {  	v5 =	vor.u32 v5, v6  }
0x3bf: {  	v6 =	vperm.xlane v5, v9;
	_ =	sdelay $0x1  }
0x3c0: {  	v6 =	vadd.s32 v63, v6;
	_ =	sdelay $0x3  }
0x3c1: {  	s26 =	simm.s32 $0x11680;
	v5 =	vperm.xlane v5, v7  }
0x3c2: {  	[tilespmem:s26], [sflag:$0x3] =	stream.indirect_vreg.gather [hbm4b:s1+s25], $0x80, v6, vm0, $0xb8;
	[tilespmem:$0x1B380] =	vst v63  }
0x3c3: {  	s29 =	simm.s32 $0x11E80;
	v5 =	vadd.s32 v63, v5  }
0x3c4: {  	[tilespmem:s29], [sflag:$0x3] =	stream.indirect_vreg.gather [hbm4b:s9+s25], $0x80, v6, vm0, $0xb8;
	[tilespmem:$0x1B380] =	vst v63  }
0x3c5: {  	s30 =	simm.s32 $0x12680  }
0x3c6: {  	[tilespmem:s30], [sflag:$0x3] =	stream.indirect_vreg.gather [hbm4b:s10+s25], $0x80, v6, vm0, $0xb8;
	[tilespmem:$0x1B380] =	vst v63  }
0x3c7: {  	s31 =	simm.s32 $0x12E80  }
0x3c8: {  	[tilespmem:s31], [sflag:$0x3] =	stream.indirect_vreg.gather [hbm4b:s1+s25], $0x80, v5, vm0, $0xb8;
	[tilespmem:$0x1B380] =	vst v63  }
0x3c9: {  	[tilespmem:$0x1F520] =	vst v61;
	s4 =	simm.s32 $0x13680;
	v7 =	vadd.f32 v0, v52;
	v0 =	vadd.f32 v3, v55  }
0x3ca: {  	[tilespmem:s4], [sflag:$0x3] =	stream.indirect_vreg.gather [hbm4b:s9+s25], $0x80, v5, vm0, $0xb8;
	[tilespmem:$0x1B380] =	vst v63  }
0x3cb: {  	[tilespmem:$0x1F490] =	vst v0;
	s26 =	simm.s32 $0x13E80  }
0x3cc: {  	v0 =	vadd.f32 v4, v56;
	[tilespmem:s26], [sflag:$0x3] =	stream.indirect_vreg.gather [hbm4b:s10+s25], $0x80, v5, vm0, $0xb8;
	[tilespmem:$0x1B380] =	vst v63  }
0x3cd: {  	_ =	swait.ge [sflag:s19], $0x6000  }
0x3ce: {  	[tilespmem:$0x1F4B0] =	vst v0;
	v0 =	vadd.f32 v8, v57;
	_ =	sdelay $0x1  }
0x3cf: {  	[tilespmem:$0x1F4D0] =	vst v0;
	v0 =	vld [tilespmem:$0x1F1F0];
	_ =	sdelay $0x4  }
0x3d0: {  	v0 =	vadd.f32 v0, v50;
	_ =	sdelay $0x1  }
0x3d1: {  	[tilespmem:$0x1F4F0] =	vst v0;
	v0 =	vadd.f32 v58, v51  }
0x3d2: {  	s29 =	simm.s32 $0x0  }
0x3d3: {  	s0 =	smul.u32 $0x6000, s29;
	[tilespmem:$0x1F510] =	vst v0;
	v0 =	vadd.f32 v60, v48;
	_ =	sdelay $0x1  }
0x3d4: {  	s30 =	sand.u32 $0x380, s25;
	s0 =	sshra.s32 s0, $0x2;
	[sflag:s19] =	ssyncset.done $0x0;
	[tilespmem:$0x1F530] =	vst v0;
	v0 =	vadd.f32 v59, v49  }
0x3d5: {  	s26 =	sor.u32 s30, s0;
	[sflag:s19] =	ssyncadd.s32 $0xFFFFA000  }
0x3d6: {  	[tilespmem:$0x1F550] =	vst v0;
	v0 =	vld [tilespmem:s26+$0x14680];
	_ =	sdelay $0x4  }
0x3d7: {  	[tilespmem:$0x1F540] =	vst v0;
	v0 =	vld [tilespmem:$0x1F200];
	_ =	sdelay $0x4  }
0x3d8: {  	v57 =	vadd.f32 v0, v45;
	v0 =	vadd.f32 v62, v46;
	_ =	sdelay $0x1  }
0x3d9: {  	[tilespmem:$0x1F560] =	vst v0;
	v0 =	vld [tilespmem:$0x1F210];
	_ =	sdelay $0x4  }
0x3da: {  	v0 =	vadd.f32 v0, v10;
	_ =	sdelay $0x1  }
0x3db: {  	[tilespmem:$0x1F570] =	vst v0;
	v0 =	vld [tilespmem:$0x1F220];
	_ =	sdelay $0x4  }
0x3dc: {  	v0 =	vadd.f32 v0, v11;
	_ =	sdelay $0x1  }
0x3dd: {  	[tilespmem:$0x1F580] =	vst v0;
	v0 =	vld [tilespmem:$0x1F230];
	_ =	sdelay $0x4  }
0x3de: {  	v17 =	vadd.f32 v0, v17;
	v0 =	vld [tilespmem:$0x1F240];
	_ =	sdelay $0x4  }
0x3df: {  	v18 =	vadd.f32 v0, v18;
	v0 =	vld [tilespmem:$0x1F250];
	_ =	sdelay $0x4  }
0x3e0: {  	v0 =	vadd.f32 v0, v19;
	_ =	sdelay $0x1  }
0x3e1: {  	[tilespmem:$0x1F590] =	vst v0;
	v0 =	vld [tilespmem:$0x1F260];
	_ =	sdelay $0x4  }
0x3e2: {  	v0 =	vadd.f32 v0, v20;
	_ =	sdelay $0x1  }
0x3e3: {  	[tilespmem:$0x1F5A0] =	vst v0;
	v0 =	vld [tilespmem:$0x1F270];
	_ =	sdelay $0x4  }
0x3e4: {  	v0 =	vadd.f32 v0, v21;
	_ =	sdelay $0x1  }
0x3e5: {  	[tilespmem:$0x1F5B0] =	vst v0;
	v0 =	vld [tilespmem:$0x1F280];
	_ =	sdelay $0x4  }
0x3e6: {  	v0 =	vadd.f32 v0, v22;
	_ =	sdelay $0x1  }
0x3e7: {  	[tilespmem:$0x1F5C0] =	vst v0;
	v0 =	vld [tilespmem:$0x1F290];
	_ =	sdelay $0x4  }
0x3e8: {  	v0 =	vadd.f32 v0, v23;
	_ =	sdelay $0x1  }
0x3e9: {  	[tilespmem:$0x1F5D0] =	vst v0;
	v0 =	vld [tilespmem:$0x1F2A0];
	_ =	sdelay $0x4  }
0x3ea: {  	v60 =	vadd.f32 v0, v24;
	v0 =	vld [tilespmem:$0x1F2B0];
	_ =	sdelay $0x4  }
0x3eb: {  	v0 =	vadd.f32 v0, v25;
	_ =	sdelay $0x1  }
0x3ec: {  	[tilespmem:$0x1F5E0] =	vst v0;
	v0 =	vld [tilespmem:$0x1F2C0];
	_ =	sdelay $0x4  }
0x3ed: {  	v0 =	vadd.f32 v0, v26;
	_ =	sdelay $0x1  }
0x3ee: {  	[tilespmem:$0x1F5F0] =	vst v0;
	v0 =	vld [tilespmem:$0x1F2D0];
	_ =	sdelay $0x4  }
0x3ef: {  	v0 =	vadd.f32 v0, v27;
	_ =	sdelay $0x1  }
0x3f0: {  	[tilespmem:$0x1F600] =	vst v0;
	v0 =	vld [tilespmem:$0x1F2E0];
	_ =	sdelay $0x4  }
0x3f1: {  	v0 =	vadd.f32 v0, v28;
	_ =	sdelay $0x1  }
0x3f2: {  	[tilespmem:$0x1F610] =	vst v0;
	v0 =	vld [tilespmem:$0x1F2F0];
	_ =	sdelay $0x4  }
0x3f3: {  	v10 =	vadd.f32 v0, v29;
	v0 =	vld [tilespmem:$0x1F300];
	_ =	sdelay $0x4  }
0x3f4: {  	v0 =	vadd.f32 v0, v30;
	_ =	sdelay $0x1  }
0x3f5: {  	[tilespmem:$0x1F620] =	vst v0;
	v0 =	vld [tilespmem:$0x1F310];
	_ =	sdelay $0x4  }
0x3f6: {  	v59 =	vadd.f32 v0, v31;
	v0 =	vld [tilespmem:$0x1F320];
	_ =	sdelay $0x4  }
0x3f7: {  	v63 =	vadd.f32 v0, v32;
	v0 =	vld [tilespmem:$0x1F330];
	_ =	sdelay $0x4  }
0x3f8: {  	v62 =	vadd.f32 v0, v33;
	v0 =	vld [tilespmem:$0x1F340];
	_ =	sdelay $0x4  }
0x3f9: {  	v0 =	vadd.f32 v0, v34;
	_ =	sdelay $0x1  }
0x3fa: {  	[tilespmem:$0x1F630] =	vst v0;
	v0 =	vld [tilespmem:$0x1F350];
	_ =	sdelay $0x4  }
0x3fb: {  	v61 =	vadd.f32 v0, v35;
	v0 =	vld [tilespmem:$0x1F360];
	_ =	sdelay $0x4  }
0x3fc: {  	v0 =	vadd.f32 v0, v36;
	_ =	sdelay $0x1  }
0x3fd: {  	[tilespmem:$0x1F640] =	vst v0;
	v0 =	vld [tilespmem:$0x1F370];
	_ =	sdelay $0x4  }
0x3fe: {  	v11 =	vadd.f32 v0, v37;
	v0 =	vld [tilespmem:$0x1F380];
	_ =	sdelay $0x4  }
0x3ff: {  	v58 =	vadd.f32 v0, v38;
	v0 =	vld [tilespmem:$0x1F390];
	_ =	sdelay $0x4  }
0x400: {  	v45 =	vadd.f32 v0, v39;
	v0 =	vld [tilespmem:$0x1F3A0];
	_ =	sdelay $0x4  }
0x401: {  	v46 =	vadd.f32 v0, v40;
	v0 =	vld [tilespmem:$0x1F3B0];
	_ =	sdelay $0x4  }
0x402: {  	v55 =	vadd.f32 v0, v41;
	v0 =	vld [tilespmem:$0x1F3C0];
	_ =	sdelay $0x4  }
0x403: {  	v48 =	vadd.f32 v0, v42;
	v0 =	vld [tilespmem:$0x1F3D0];
	_ =	sdelay $0x4  }
0x404: {  	v50 =	vadd.f32 v0, v43;
	v0 =	vld [tilespmem:$0x1F3E0];
	_ =	sdelay $0x4  }
0x405: {  	v51 =	vadd.f32 v0, v44;
	v0 =	vld [tilespmem:$0x1F3F0];
	_ =	sdelay $0x4  }
0x406: {  	v12 =	vadd.f32 v0, v12;
	v0 =	vld [tilespmem:$0x1F400];
	_ =	sdelay $0x4  }
0x407: {  	v9 =	vadd.f32 v0, v13;
	v0 =	vld [tilespmem:$0x1F410];
	_ =	sdelay $0x4  }
0x408: {  	v5 =	vadd.f32 v0, v14;
	v0 =	vld [tilespmem:$0x1F420];
	_ =	sdelay $0x4  }
0x409: {  	v6 =	vadd.f32 v0, v15;
	v0 =	vld [tilespmem:$0x1F430];
	_ =	sdelay $0x4  }
0x40a: {  	v3 =	vadd.f32 v0, v16;
	v0 =	vld [tilespmem:$0x1F440];
	_ =	sdelay $0x4  }
0x40b: {  	v1 =	vadd.f32 v1, v54;
	v54 =	vadd.f32 v0, v47;
	v0 =	vld [tilespmem:$0x1F450];
	_ =	sdelay $0x4  }
0x40c: {  	v4 =	vadd.f32 v0, v7;
	v0 =	vld [tilespmem:$0x1F460];
	_ =	sdelay $0x2  }
0x40d: {  	v2 =	vadd.f32 v2, v53;
	_ =	sdelay $0x1  }
0x40e: {  	v7 =	vadd.f32 v0, v2;
	v0 =	vld [tilespmem:$0x1F470];
	_ =	sdelay $0x4  }
0x40f: {  	v13 =	vadd.f32 v0, v1;
	v0 =	vld [tilespmem:$0x1F480]  }
0x410: {  	v1 =	vld [tilespmem:$0x1F490];
	_ =	sdelay $0x4  }
0x411: {  	v8 =	vadd.f32 v0, v1;
	v0 =	vld [tilespmem:$0x1F4A0]  }
0x412: {  	v1 =	vld [tilespmem:$0x1F4B0];
	_ =	sdelay $0x4  }
0x413: {  	v26 =	vadd.f32 v0, v1;
	v0 =	vld [tilespmem:$0x1F4C0]  }
0x414: {  	v1 =	vld [tilespmem:$0x1F4D0];
	_ =	sdelay $0x4  }
0x415: {  	v27 =	vadd.f32 v0, v1;
	v0 =	vld [tilespmem:$0x1F4E0]  }
0x416: {  	v1 =	vld [tilespmem:$0x1F4F0];
	_ =	sdelay $0x4  }
0x417: {  	v29 =	vadd.f32 v0, v1;
	v0 =	vld [tilespmem:$0x1F500]  }
0x418: {  	v1 =	vld [tilespmem:$0x1F510];
	_ =	sdelay $0x4  }
0x419: {  	v30 =	vadd.f32 v0, v1;
	v0 =	vld [tilespmem:$0x1F520]  }
0x41a: {  	v1 =	vld [tilespmem:$0x1F530];
	_ =	sdelay $0x4  }
0x41b: {  	v35 =	vadd.f32 v0, v1;
	v0 =	vld [tilespmem:$0x1F540];
	_ =	sdelay $0x2  }
0x41c: {  	s29 =	sadd.s32 $0x15A80, s26  }
0x41d: {  	v49 =	vld [tilespmem:s29+$0x70]  }
0x41e: {  	v14 =	vadd.f32 v0, v57;
	v0 =	vld [tilespmem:$0x1F550];
	_ =	sdelay $0x2  }
0x41f: {  	s0 =	sadd.s32 $0x14680, s26  }
0x420: {  	v52 =	vld [tilespmem:s0+$0x10]  }
0x421: {  	v19 =	vadd.f32 v49, v0;
	v0 =	vld [tilespmem:$0x1F560];
	_ =	sdelay $0x3  }
0x422: {  	v53 =	vld [tilespmem:s0+$0x20]  }
0x423: {  	v15 =	vadd.f32 v52, v0;
	v0 =	vld [tilespmem:$0x1F570];
	_ =	sdelay $0x3  }
0x424: {  	v56 =	vld [tilespmem:s0+$0x30]  }
0x425: {  	v20 =	vadd.f32 v53, v0;
	v0 =	vld [tilespmem:$0x1F580];
	_ =	sdelay $0x1  }
0x426: {  	v21 =	vld [tilespmem:s0+$0x40]  }
0x427: {  	v22 =	vld [tilespmem:s0+$0x50]  }
0x428: {  	v23 =	vld [tilespmem:s0+$0x60]  }
0x429: {  	v16 =	vadd.f32 v56, v0;
	v0 =	vld [tilespmem:$0x1F590];
	_ =	sdelay $0x3  }
0x42a: {  	v21 =	vadd.f32 v21, v17;
	v24 =	vld [tilespmem:s0+$0x70]  }
0x42b: {  	v17 =	vadd.f32 v22, v18;
	v22 =	vadd.f32 v23, v0;
	v0 =	vld [tilespmem:$0x1F5A0];
	_ =	sdelay $0x1  }
0x42c: {  	v25 =	vld [tilespmem:s0+$0x400]  }
0x42d: {  	v28 =	vld [tilespmem:s0+$0x410]  }
0x42e: {  	v31 =	vld [tilespmem:s0+$0x420]  }
0x42f: {  	v18 =	vadd.f32 v24, v0;
	v0 =	vld [tilespmem:$0x1F5B0]  }
0x430: {  	v32 =	vld [tilespmem:s0+$0x430]  }
0x431: {  	v33 =	vld [tilespmem:s0+$0x440]  }
0x432: {  	v34 =	vld [tilespmem:s0+$0x450]  }
0x433: {  	v1 =	vld [tilespmem:$0x1F5D0]  }
0x434: {  	v23 =	vadd.f32 v25, v0;
	v0 =	vld [tilespmem:$0x1F5C0]  }
0x435: {  	v36 =	vld [tilespmem:s0+$0x460]  }
0x436: {  	s28 =	sadd.s32 $0x14E80, s26;
	v37 =	vld [tilespmem:s0+$0x470]  }
0x437: {  	v38 =	vld [tilespmem:s28+$0x10]  }
0x438: {  	v39 =	vld [tilespmem:s28+$0x20]  }
0x439: {  	v24 =	vadd.f32 v28, v0;
	v28 =	vadd.f32 v31, v1;
	v1 =	vld [tilespmem:$0x1F5E0]  }
0x43a: {  	v40 =	vld [tilespmem:s28+$0x30]  }
0x43b: {  	v41 =	vld [tilespmem:s28+$0x40]  }
0x43c: {  	v42 =	vld [tilespmem:$0x1F620]  }
0x43d: {  	v43 =	vld [tilespmem:s28+$0x50]  }
0x43e: {  	v31 =	vadd.f32 v33, v1;
	v1 =	vld [tilespmem:$0x1F5F0]  }
0x43f: {  	v44 =	vld [tilespmem:s28+$0x60]  }
0x440: {  	v47 =	vld [tilespmem:s28+$0x70];
	s28 =	sadd.s32 $0x15680, s26  }
0x441: {  	s31 =	sadd.s32 $0x15280, s26;
	v2 =	vld [tilespmem:s28+$0x10]  }
0x442: {  	v57 =	vld [tilespmem:s31+$0x10]  }
0x443: {  	v25 =	vadd.f32 v32, v60;
	v32 =	vadd.f32 v34, v1;
	v1 =	vld [tilespmem:$0x1F600]  }
0x444: {  	v49 =	vld [tilespmem:s31+$0x20]  }
0x445: {  	v52 =	vld [tilespmem:s31+$0x30]  }
0x446: {  	v53 =	vld [tilespmem:s31+$0x40]  }
0x447: {  	v56 =	vld [tilespmem:s31+$0x50]  }
0x448: {  	v60 =	vld [tilespmem:s31+$0x70];
	v33 =	vadd.f32 v36, v1  }
0x449: {  	v36 =	vadd.f32 v38, v42;
	v42 =	vadd.f32 v40, v63;
	v63 =	vld [tilespmem:$0x1F630]  }
0x44a: {  	v0 =	vld [tilespmem:s31+$0x60]  }
0x44b: {  	v1 =	vld [tilespmem:$0x1F610]  }
0x44c: {  	v38 =	vadd.f32 v41, v62;
	v62 =	vld [tilespmem:s28+$0x40]  }
0x44d: {  	v40 =	vadd.f32 v57, v58;
	v57 =	vld [tilespmem:s28+$0x60]  }
0x44e: {  	v43 =	vadd.f32 v43, v63;
	v63 =	vld [tilespmem:$0x1F640]  }
0x44f: {  	v58 =	vld [tilespmem:s28+$0x70]  }
0x450: {  	v45 =	vadd.f32 v49, v45;
	v34 =	vadd.f32 v37, v1;
	v1 =	vld [tilespmem:s28+$0x20]  }
0x451: {  	v49 =	vadd.f32 v0, v50;
	v37 =	vadd.f32 v39, v59;
	v59 =	vld [tilespmem:s28+$0x30]  }
0x452: {  	v50 =	vadd.f32 v2, v9;
	v39 =	vadd.f32 v44, v61;
	v61 =	vld [tilespmem:s28+$0x50]  }
0x453: {  	v41 =	vadd.f32 v52, v46;
	v44 =	vadd.f32 v47, v63;
	v63 =	vld [tilespmem:s29+$0x10]  }
0x454: {  	v0 =	vld [tilespmem:s29+$0x20];
	v46 =	vadd.f32 v53, v55;
	v52 =	vadd.f32 v62, v3  }
0x455: {  	v2 =	vld [tilespmem:s29+$0x30];
	v55 =	vadd.f32 v57, v4;
	v47 =	vadd.f32 v56, v48  }
0x456: {  	v48 =	vadd.f32 v60, v51;
	v51 =	vadd.f32 v1, v5;
	v1 =	vld [tilespmem:s29+$0x40]  }
0x457: {  	v3 =	vld [tilespmem:s29+$0x50];
	v53 =	vadd.f32 v59, v6;
	v54 =	vadd.f32 v61, v54  }
0x458: {  	s0 =	simm.s32 $0x0;
	s28 =	simm.s32 $0x2;
	v4 =	vld [tilespmem:s29+$0x60];
	v56 =	vadd.f32 v58, v7;
	v57 =	vadd.f32 v63, v8  }
.LBB2_11:
0x459: {  	p1 =	sne.s32 s28, $0x1F;
	s0 =	smul.u32 $0x6000, s0;
	v5 =	vld [tilespmem:s26+$0x14E80];
	v26 =	vadd.f32 v0, v26  }
0x45a: {  	s25 =	sadd.s32 $0x80, s25;
	v0 =	vld [tilespmem:s26+$0x15280];
	v27 =	vadd.f32 v2, v27  }
0x45b: {  	s29 =	sand.u32 $0x380, s25;
	s0 =	sshra.s32 s0, $0x2;
	v2 =	vld [tilespmem:s26+$0x15680];
	v29 =	vadd.f32 v1, v29  }
0x45c: {  	v1 =	vld [tilespmem:s26+$0x15A80];
	s26 =	sor.u32 s29, s0;
	v30 =	vadd.f32 v3, v30  }
0x45d: {  	s4 =	sadd.s32 $0x14680, s26;
	v3 =	vld [tilespmem:s26+$0x14680];
	s0 =	sadd.s32 $0x14E80, s26;
	s29 =	sadd.s32 $0x15A80, s26;
	v35 =	vadd.f32 v4, v35  }
0x45e: {  	s31 =	sadd.s32 $0x15280, s26;
	s30 =	sadd.s32 $0x15680, s26;
	v4 =	vld [tilespmem:s29+$0x70];
	v10 =	vadd.f32 v5, v10  }
0x45f: {  	v5 =	vld [tilespmem:s4+$0x10];
	v11 =	vadd.f32 v0, v11  }
0x460: {  	v0 =	vld [tilespmem:s4+$0x20];
	v12 =	vadd.f32 v2, v12  }
0x461: {  	v2 =	vld [tilespmem:s4+$0x30];
	v13 =	vadd.f32 v1, v13  }
0x462: {  	v14 =	vadd.f32 v3, v14;
	v1 =	vld [tilespmem:s4+$0x40]  }
0x463: {  	v3 =	vld [tilespmem:s4+$0x50];
	v19 =	vadd.f32 v4, v19  }
0x464: {  	v15 =	vadd.f32 v5, v15;
	v4 =	vld [tilespmem:s4+$0x60]  }
0x465: {  	v20 =	vadd.f32 v0, v20;
	v0 =	vld [tilespmem:s4+$0x70]  }
0x466: {  	v16 =	vadd.f32 v2, v16;
	v2 =	vld [tilespmem:s4+$0x400]  }
0x467: {  	v21 =	vadd.f32 v1, v21;
	v1 =	vld [tilespmem:s4+$0x410]  }
0x468: {  	v17 =	vadd.f32 v3, v17;
	v3 =	vld [tilespmem:s4+$0x420]  }
0x469: {  	v22 =	vadd.f32 v4, v22;
	v4 =	vld [tilespmem:s4+$0x430]  }
0x46a: {  	v18 =	vadd.f32 v0, v18;
	v0 =	vld [tilespmem:s4+$0x440]  }
0x46b: {  	v23 =	vadd.f32 v2, v23;
	v2 =	vld [tilespmem:s4+$0x450]  }
0x46c: {  	v24 =	vadd.f32 v1, v24;
	v1 =	vld [tilespmem:s4+$0x460]  }
0x46d: {  	v28 =	vadd.f32 v3, v28;
	v3 =	vld [tilespmem:s4+$0x470]  }
0x46e: {  	v25 =	vadd.f32 v4, v25;
	v4 =	vld [tilespmem:s0+$0x10]  }
0x46f: {  	v31 =	vadd.f32 v0, v31;
	v0 =	vld [tilespmem:s0+$0x20]  }
0x470: {  	v32 =	vadd.f32 v2, v32;
	v2 =	vld [tilespmem:s0+$0x30]  }
0x471: {  	v33 =	vadd.f32 v1, v33;
	v1 =	vld [tilespmem:s0+$0x40]  }
0x472: {  	v34 =	vadd.f32 v3, v34;
	v3 =	vld [tilespmem:s0+$0x50]  }
0x473: {  	v36 =	vadd.f32 v4, v36;
	v4 =	vld [tilespmem:s0+$0x60]  }
0x474: {  	v37 =	vadd.f32 v0, v37;
	v0 =	vld [tilespmem:s0+$0x70]  }
0x475: {  	v42 =	vadd.f32 v2, v42;
	v2 =	vld [tilespmem:s31+$0x10]  }
0x476: {  	v38 =	vadd.f32 v1, v38;
	v1 =	vld [tilespmem:s31+$0x20]  }
0x477: {  	v43 =	vadd.f32 v3, v43;
	v3 =	vld [tilespmem:s31+$0x30]  }
0x478: {  	v39 =	vadd.f32 v4, v39;
	v4 =	vld [tilespmem:s31+$0x40]  }
0x479: {  	v44 =	vadd.f32 v0, v44;
	v0 =	vld [tilespmem:s31+$0x50]  }
0x47a: {  	v40 =	vadd.f32 v2, v40;
	v2 =	vld [tilespmem:s31+$0x60]  }
0x47b: {  	v45 =	vadd.f32 v1, v45;
	v1 =	vld [tilespmem:s31+$0x70]  }
0x47c: {  	v41 =	vadd.f32 v3, v41;
	v3 =	vld [tilespmem:s30+$0x10]  }
0x47d: {  	v46 =	vadd.f32 v4, v46;
	v4 =	vld [tilespmem:s30+$0x20]  }
0x47e: {  	v47 =	vadd.f32 v0, v47;
	v0 =	vld [tilespmem:s30+$0x30]  }
0x47f: {  	v49 =	vadd.f32 v2, v49;
	v2 =	vld [tilespmem:s30+$0x40]  }
0x480: {  	v48 =	vadd.f32 v1, v48;
	v1 =	vld [tilespmem:s30+$0x50]  }
0x481: {  	v50 =	vadd.f32 v3, v50;
	v3 =	vld [tilespmem:s30+$0x60]  }
0x482: {  	v51 =	vadd.f32 v4, v51;
	v4 =	vld [tilespmem:s30+$0x70]  }
0x483: {  	v53 =	vadd.f32 v0, v53;
	v5 =	vld [tilespmem:s29+$0x10]  }
.Ltmp6:
0x484: {  	v52 =	vadd.f32 v2, v52;
	v0 =	vld [tilespmem:s29+$0x20];
	(pc) =	sbr.rel @p1 .LBB2_11-.Ltmp6, $4  }
0x485: {  	v54 =	vadd.f32 v1, v54;
	v2 =	vld [tilespmem:s29+$0x30]  }
0x486: {  	v55 =	vadd.f32 v3, v55;
	v1 =	vld [tilespmem:s29+$0x40]  }
0x487: {  	v56 =	vadd.f32 v4, v56;
	v3 =	vld [tilespmem:s29+$0x50]  }
0x488: {  	s0 =	sshrl.u32 s28, $0x3;
	s28 =	sadd.s32 $0x1, s28;
	v57 =	vadd.f32 v5, v57;
	v4 =	vld [tilespmem:s29+$0x60]  }
0x489: {  	v5 =	vld [tilespmem:s26+$0x14E80];
	_ =	sdelay $0x4  }
0x48a: {  	[tilespmem:$0x1EF00] =	vst v5;
	v5 =	vld [tilespmem:s26+$0x15280];
	_ =	sdelay $0x4  }
0x48b: {  	[tilespmem:$0x1EF10] =	vst v5;
	v5 =	vld [tilespmem:s26+$0x15680]  }
0x48c: {  	s0 =	smul.u32 $0x6000, s0  }
0x48d: {  	s4 =	sadd.s32 $0x80, s25  }
0x48e: {  	s4 =	sand.u32 $0x380, s4;
	s0 =	sshra.s32 s0, $0x2  }
0x48f: {  	s0 =	sor.u32 s4, s0  }
0x490: {  	[tilespmem:$0x1EF20] =	vst v5;
	v5 =	vld [tilespmem:s0+$0x14680];
	_ =	sdelay $0x3  }
0x491: {  	v59 =	vld [tilespmem:s26+$0x15A80];
	s26 =	sadd.s32 $0x14680, s0  }
0x492: {  	[tilespmem:$0x1EF30] =	vst v5;
	v5 =	vld [tilespmem:s26+$0x30];
	_ =	sdelay $0x4  }
0x493: {  	[tilespmem:$0x1EF40] =	vst v5;
	v5 =	vld [tilespmem:s26+$0x50];
	_ =	sdelay $0x4  }
0x494: {  	[tilespmem:$0x1EF50] =	vst v5;
	v5 =	vld [tilespmem:s26+$0x60];
	_ =	sdelay $0x4  }
0x495: {  	[tilespmem:$0x1EF60] =	vst v5;
	v5 =	vld [tilespmem:s26+$0x70];
	_ =	sdelay $0x4  }
0x496: {  	[tilespmem:$0x1EF70] =	vst v5;
	v5 =	vld [tilespmem:s26+$0x400];
	_ =	sdelay $0x4  }
0x497: {  	[tilespmem:$0x1EF80] =	vst v5;
	v5 =	vld [tilespmem:s26+$0x410];
	_ =	sdelay $0x4  }
0x498: {  	[tilespmem:$0x1EF90] =	vst v5;
	v5 =	vld [tilespmem:s26+$0x420];
	_ =	sdelay $0x4  }
0x499: {  	[tilespmem:$0x1EFA0] =	vst v5;
	v5 =	vld [tilespmem:s26+$0x430];
	_ =	sdelay $0x4  }
0x49a: {  	[tilespmem:$0x1EFB0] =	vst v5;
	v5 =	vld [tilespmem:s26+$0x440];
	_ =	sdelay $0x4  }
0x49b: {  	[tilespmem:$0x1EFC0] =	vst v5;
	v5 =	vld [tilespmem:s26+$0x450];
	_ =	sdelay $0x4  }
0x49c: {  	[tilespmem:$0x1EFD0] =	vst v5;
	v5 =	vld [tilespmem:s26+$0x460];
	_ =	sdelay $0x4  }
0x49d: {  	[tilespmem:$0x1EFE0] =	vst v5;
	v5 =	vld [tilespmem:s26+$0x470];
	_ =	sdelay $0x3  }
0x49e: {  	s28 =	sadd.s32 $0x14E80, s0  }
0x49f: {  	[tilespmem:$0x1EFF0] =	vst v5;
	v5 =	vld [tilespmem:s28+$0x10];
	_ =	sdelay $0x4  }
0x4a0: {  	[tilespmem:$0x1F000] =	vst v5;
	v5 =	vld [tilespmem:s28+$0x20];
	_ =	sdelay $0x4  }
0x4a1: {  	[tilespmem:$0x1F010] =	vst v5;
	v5 =	vld [tilespmem:s28+$0x30];
	_ =	sdelay $0x4  }
0x4a2: {  	[tilespmem:$0x1F020] =	vst v5;
	v5 =	vld [tilespmem:s28+$0x40];
	_ =	sdelay $0x4  }
0x4a3: {  	[tilespmem:$0x1F030] =	vst v5;
	v5 =	vld [tilespmem:s28+$0x50];
	_ =	sdelay $0x4  }
0x4a4: {  	[tilespmem:$0x1F040] =	vst v5;
	v5 =	vld [tilespmem:s28+$0x60];
	_ =	sdelay $0x4  }
0x4a5: {  	[tilespmem:$0x1F050] =	vst v5;
	v5 =	vld [tilespmem:s28+$0x70];
	_ =	sdelay $0x3  }
0x4a6: {  	s29 =	sadd.s32 $0x15280, s0  }
0x4a7: {  	s30 =	sadd.s32 $0x15680, s0;
	[tilespmem:$0x1F060] =	vst v5;
	v5 =	vld [tilespmem:s29+$0x10]  }
0x4a8: {  	v6 =	vld [tilespmem:s30+$0x30];
	_ =	sdelay $0x3  }
0x4a9: {  	[tilespmem:$0x1F070] =	vst v5;
	v5 =	vld [tilespmem:s29+$0x20]  }
0x4aa: {  	[tilespmem:$0x1F100] =	vst v6;
	v6 =	vld [tilespmem:s30+$0x40];
	_ =	sdelay $0x3  }
0x4ab: {  	[tilespmem:$0x1F080] =	vst v5;
	v5 =	vld [tilespmem:s29+$0x30]  }
0x4ac: {  	[tilespmem:$0x1F110] =	vst v6;
	v6 =	vld [tilespmem:s30+$0x50];
	_ =	sdelay $0x3  }
0x4ad: {  	[tilespmem:$0x1F090] =	vst v5;
	v5 =	vld [tilespmem:s29+$0x40]  }
0x4ae: {  	[tilespmem:$0x1F120] =	vst v6;
	v6 =	vld [tilespmem:s30+$0x60];
	_ =	sdelay $0x3  }
0x4af: {  	[tilespmem:$0x1F0A0] =	vst v5;
	v5 =	vld [tilespmem:s29+$0x50]  }
0x4b0: {  	[tilespmem:$0x1F130] =	vst v6;
	v6 =	vld [tilespmem:s30+$0x70];
	_ =	sdelay $0x3  }
0x4b1: {  	s4 =	sadd.s32 $0x15A80, s0;
	[tilespmem:$0x1F0B0] =	vst v5;
	v5 =	vld [tilespmem:s29+$0x60]  }
0x4b2: {  	[tilespmem:$0x1F140] =	vst v6;
	v6 =	vld [tilespmem:s4+$0x10];
	_ =	sdelay $0x2  }
0x4b3: {  	v26 =	vadd.f32 v0, v26;
	v0 =	vld [tilespmem:$0x1EF00]  }
0x4b4: {  	[tilespmem:$0x1F0C0] =	vst v5;
	v5 =	vld [tilespmem:s29+$0x70]  }
0x4b5: {  	[tilespmem:$0x1F150] =	vst v6;
	v6 =	vld [tilespmem:s4+$0x20];
	_ =	sdelay $0x1  }
0x4b6: {  	v8 =	vld [tilespmem:s4+$0x60]  }
0x4b7: {  	v3 =	vadd.f32 v3, v30;
	v30 =	vadd.f32 v0, v10;
	v0 =	vld [tilespmem:$0x1EF10]  }
0x4b8: {  	[tilespmem:$0x1F0D0] =	vst v5;
	v5 =	vld [tilespmem:s30+$0x10]  }
0x4b9: {  	[tilespmem:$0x1F160] =	vst v6;
	v6 =	vld [tilespmem:s4+$0x30]  }
0x4ba: {  	v58 =	vld [tilespmem:s0+$0x15A80]  }
0x4bb: {  	[tilespmem:$0x1F1A0] =	vst v8;
	v8 =	vld [tilespmem:s0+$0x14E80]  }
0x4bc: {  	v35 =	vadd.f32 v4, v35;
	v4 =	vadd.f32 v0, v11;
	v0 =	vld [tilespmem:$0x1EF20]  }
0x4bd: {  	[tilespmem:$0x1F0E0] =	vst v5;
	v5 =	vld [tilespmem:s30+$0x20]  }
0x4be: {  	[tilespmem:$0x1F170] =	vst v6;
	v6 =	vld [tilespmem:s4+$0x40];
	_ =	sdelay $0x1  }
0x4bf: {  	[tilespmem:$0x1F1B0] =	vst v8;
	v8 =	vld [tilespmem:s0+$0x15280]  }
0x4c0: {  	[tilespmem:$0x1F1E0] =	vst v58;
	v58 =	vadd.f32 v0, v12;
	v12 =	vld [tilespmem:$0x1EFA0]  }
0x4c1: {  	[tilespmem:$0x1F0F0] =	vst v5;
	v5 =	vld [tilespmem:s24+$0x19E0]  }
0x4c2: {  	[tilespmem:$0x1F180] =	vst v6;
	v6 =	vld [tilespmem:s4+$0x50];
	_ =	sdelay $0x2  }
0x4c3: {  	v7 =	vld [tilespmem:$0x1FF90]  }
0x4c4: {  	[tilespmem:$0x1F1C0] =	vst v8;
	v8 =	vld [tilespmem:s0+$0x15680];
	v12 =	vadd.f32 v12, v28;
	v63 =	vshrl.u32 v5, $0x3  }
0x4c5: {  	[tilespmem:$0x1F190] =	vst v6;
	v6 =	vld [tilespmem:$0x1FFC0];
	v63 =	vmul.u32 $0x30, v63  }
0x4c6: {  	[tilespmem:$0x1FF80] =	vst v12;
	v12 =	vld [tilespmem:$0x1EFB0];
	v5 =	vand.u32 $0x7, v5  }
0x4c7: {  	v5 =	vor.u32 v5, v63  }
0x4c8: {  	v63 =	vperm.xlane v5, v7  }
0x4c9: {  	[tilespmem:$0x1F1D0] =	vst v8;
	v8 =	vld [tilespmem:$0x1FFE0]  }
0x4ca: {  	v63 =	vadd.s32 v6, v63  }
0x4cb: {  	v9 =	vld [tilespmem:s4+$0x70];
	v12 =	vadd.f32 v12, v25  }
0x4cc: {  	v61 =	vld [tilespmem:s26+$0x10]  }
0x4cd: {  	[tilespmem:$0x1FF70] =	vst v12;
	v12 =	vld [tilespmem:$0x1EFC0]  }
0x4ce: {  	s31 =	simm.s32 $0x14680;
	v60 =	vld [tilespmem:s26+$0x20];
	v5 =	vperm.xlane v5, v8  }
0x4cf: {  	v62 =	vld [tilespmem:s26+$0x40];
	[tilespmem:s31], [sflag:$0x4] =	stream.indirect_vreg.gather [hbm4b:s1+s3], $0x80, v63, vm0, $0xb8  }
0x4d0: {  	v5 =	vadd.s32 v6, v5  }
0x4d1: {  	[tilespmem:s12], [sflag:$0x4] =	stream.indirect_vreg.gather [hbm4b:s9+s3], $0x80, v63, vm0, $0xb8;
	[tilespmem:$0x1B380] =	vst v63  }
0x4d2: {  	v12 =	vadd.f32 v12, v31  }
0x4d3: {  	[tilespmem:s16], [sflag:$0x4] =	stream.indirect_vreg.gather [hbm4b:s10+s3], $0x80, v63, vm0, $0xb8;
	[tilespmem:$0x1B380] =	vst v63  }
0x4d4: {  	[tilespmem:$0x1FF60] =	vst v12;
	v12 =	vld [tilespmem:$0x1EFD0]  }
0x4d5: {  	[tilespmem:s17], [sflag:$0x4] =	stream.indirect_vreg.gather [hbm4b:s1+s3], $0x80, v5, vm0, $0xb8;
	[tilespmem:$0x1B380] =	vst v63  }
0x4d6: {  	_ = 	snop  }
0x4d7: {  	[tilespmem:s20], [sflag:$0x4] =	stream.indirect_vreg.gather [hbm4b:s9+s3], $0x80, v5, vm0, $0xb8;
	[tilespmem:$0x1B380] =	vst v63  }
0x4d8: {  	_ = 	snop  }
0x4d9: {  	v29 =	vadd.f32 v1, v29;
	v1 =	vld [tilespmem:$0x1EF30];
	v12 =	vadd.f32 v12, v32;
	[tilespmem:s21], [sflag:$0x4] =	stream.indirect_vreg.gather [hbm4b:s10+s3], $0x80, v5, vm0, $0xb8  }
0x4da: {  	v5 =	vld [tilespmem:s24+$0x19F0]  }
0x4db: {  	[tilespmem:$0x1FF50] =	vst v12;
	v12 =	vld [tilespmem:$0x1EFE0];
	_ =	sdelay $0x3  }
0x4dc: {  	v27 =	vadd.f32 v2, v27;
	v0 =	vshrl.u32 v5, $0x3  }
0x4dd: {  	v2 =	vadd.f32 v1, v14;
	v12 =	vadd.f32 v12, v33;
	v1 =	vmul.u32 $0x30, v0  }
0x4de: {  	v5 =	vand.u32 $0x7, v5  }
0x4df: {  	[tilespmem:$0x1FF40] =	vst v12;
	v12 =	vld [tilespmem:$0x1EFF0];
	v10 =	vor.u32 v5, v1  }
0x4e0: {  	v11 =	vperm.xlane v10, v7;
	v10 =	vperm.xlane v10, v8;
	v8 =	vld [tilespmem:$0x1F030];
	_ =	sdelay $0x4  }
0x4e1: {  	v14 =	vadd.f32 v12, v34;
	v12 =	vld [tilespmem:$0x1F000];
	v8 =	vadd.f32 v8, v38;
	_ =	sdelay $0x1  }
0x4e2: {  	[tilespmem:$0x1FF20] =	vst v8;
	v8 =	vld [tilespmem:$0x1F040];
	_ =	sdelay $0x2  }
0x4e3: {  	v59 =	vadd.f32 v59, v13;
	v13 =	vadd.f32 v12, v36;
	v12 =	vld [tilespmem:$0x1F010];
	_ =	sdelay $0x1  }
0x4e4: {  	v43 =	vadd.f32 v8, v43;
	v8 =	vld [tilespmem:$0x1F050];
	_ =	sdelay $0x2  }
0x4e5: {  	v12 =	vadd.f32 v12, v37;
	_ =	sdelay $0x1  }
0x4e6: {  	[tilespmem:$0x1FF30] =	vst v12;
	v12 =	vld [tilespmem:$0x1F020];
	v8 =	vadd.f32 v8, v39  }
0x4e7: {  	v11 =	vadd.s32 v6, v11;
	v10 =	vadd.s32 v6, v10;
	v6 =	vld [tilespmem:$0x1F070]  }
0x4e8: {  	[tilespmem:$0x1FF10] =	vst v8;
	v8 =	vld [tilespmem:$0x1F060];
	_ =	sdelay $0x3  }
0x4e9: {  	v42 =	vadd.f32 v12, v42  }
0x4ea: {  	v12 =	vadd.f32 v8, v44;
	v8 =	vadd.f32 v6, v40;
	v6 =	vld [tilespmem:$0x1F080];
	_ =	sdelay $0x4  }
0x4eb: {  	v6 =	vadd.f32 v6, v45;
	_ =	sdelay $0x1  }
0x4ec: {  	[tilespmem:$0x1FF00] =	vst v6;
	v6 =	vld [tilespmem:$0x1F090];
	_ =	sdelay $0x4  }
0x4ed: {  	v6 =	vadd.f32 v6, v41;
	_ =	sdelay $0x1  }
0x4ee: {  	[tilespmem:$0x1FEF0] =	vst v6;
	v6 =	vld [tilespmem:$0x1F0A0];
	_ =	sdelay $0x1  }
0x4ef: {  	[tilespmem:s5], [sflag:$0x4] =	stream.indirect_vreg.gather [hbm4b:s1+s3], $0x80, v11, vm0, $0xb8;
	[tilespmem:$0x1B380] =	vst v63  }
0x4f0: {  	_ = 	snop  }
0x4f1: {  	[tilespmem:s7], [sflag:$0x4] =	stream.indirect_vreg.gather [hbm4b:s9+s3], $0x80, v11, vm0, $0xb8;
	[tilespmem:$0x1B380] =	vst v63  }
0x4f2: {  	v1 =	vld [tilespmem:$0x1EF50];
	v6 =	vadd.f32 v6, v46  }
0x4f3: {  	[tilespmem:s8], [sflag:$0x4] =	stream.indirect_vreg.gather [hbm4b:s10+s3], $0x80, v11, vm0, $0xb8;
	v11 =	vld [tilespmem:$0x1F130]  }
0x4f4: {  	[tilespmem:$0x1FEE0] =	vst v6;
	v6 =	vld [tilespmem:$0x1F0B0];
	_ =	sdelay $0x2  }
0x4f5: {  	v19 =	vadd.f32 v9, v19  }
0x4f6: {  	v9 =	vadd.f32 v61, v15;
	v0 =	vld [tilespmem:$0x1EF40];
	v61 =	vadd.f32 v1, v17  }
0x4f7: {  	v17 =	vadd.f32 v11, v55;
	v11 =	vld [tilespmem:$0x1F140];
	v6 =	vadd.f32 v6, v47;
	_ =	sdelay $0x1  }
0x4f8: {  	[tilespmem:$0x1FED0] =	vst v6;
	v6 =	vld [tilespmem:$0x1F0C0];
	_ =	sdelay $0x2  }
0x4f9: {  	v0 =	vadd.f32 v0, v16;
	v16 =	vadd.f32 v11, v56;
	v11 =	vld [tilespmem:$0x1F150];
	_ =	sdelay $0x1  }
0x4fa: {  	v6 =	vadd.f32 v6, v49;
	_ =	sdelay $0x1  }
0x4fb: {  	[tilespmem:$0x1FEC0] =	vst v6;
	v6 =	vld [tilespmem:$0x1F0D0]  }
0x4fc: {  	v15 =	vadd.f32 v11, v57;
	v11 =	vld [tilespmem:$0x1F160];
	_ =	sdelay $0x3  }
0x4fd: {  	v6 =	vadd.f32 v6, v48  }
0x4fe: {  	[tilespmem:s11], [sflag:$0x4] =	stream.indirect_vreg.gather [hbm4b:s1+s3], $0x80, v10, vm0, $0xb8;
	v55 =	vmov v14;
	v14 =	vadd.f32 v11, v26;
	v11 =	vld [tilespmem:$0x1F170]  }
0x4ff: {  	[tilespmem:$0x1FEB0] =	vst v6;
	v6 =	vld [tilespmem:$0x1F0E0];
	_ =	sdelay $0x1  }
0x500: {  	[tilespmem:s13], [sflag:$0x4] =	stream.indirect_vreg.gather [hbm4b:s9+s3], $0x80, v10, vm0, $0xb8;
	[tilespmem:$0x1B380] =	vst v63  }
0x501: {  	_ = 	snop  }
0x502: {  	[tilespmem:s14], [sflag:$0x4] =	stream.indirect_vreg.gather [hbm4b:s10+s3], $0x80, v10, vm0, $0xb8;
	v10 =	vld [tilespmem:$0x1F190]  }
0x503: {  	v56 =	vmov v13;
	v13 =	vadd.f32 v11, v27;
	v11 =	vld [tilespmem:$0x1F180];
	v6 =	vadd.f32 v6, v50;
	_ =	sdelay $0x1  }
0x504: {  	[tilespmem:$0x1FEA0] =	vst v6;
	v6 =	vld [tilespmem:$0x1F0F0];
	_ =	sdelay $0x2  }
0x505: {  	v57 =	vmov v12;
	v12 =	vadd.f32 v11, v29;
	v11 =	vadd.f32 v10, v3;
	v3 =	vld [tilespmem:$0x1F1A0];
	_ =	sdelay $0x1  }
0x506: {  	v6 =	vadd.f32 v6, v51;
	_ =	sdelay $0x1  }
0x507: {  	[tilespmem:$0x1FE90] =	vst v6;
	v6 =	vld [tilespmem:$0x1F100]  }
0x508: {  	v10 =	vadd.f32 v3, v35;
	v3 =	vld [tilespmem:$0x1F1B0];
	_ =	sdelay $0x3  }
0x509: {  	v6 =	vadd.f32 v6, v53  }
0x50a: {  	v36 =	vadd.f32 v3, v30;
	v3 =	vld [tilespmem:$0x1F1C0]  }
0x50b: {  	[tilespmem:$0x1FE80] =	vst v6;
	v6 =	vld [tilespmem:$0x1F110]  }
0x50c: {  	v5 =	vld [tilespmem:$0x1EF80];
	_ =	sdelay $0x1  }
0x50d: {  	v1 =	vld [tilespmem:$0x1EF60]  }
0x50e: {  	v44 =	vadd.f32 v3, v4;
	v3 =	vld [tilespmem:$0x1F1D0]  }
0x50f: {  	v6 =	vadd.f32 v6, v52  }
0x510: {  	v7 =	vadd.f32 v5, v23;
	v5 =	vld [tilespmem:$0x1EF90]  }
0x511: {  	v63 =	vadd.f32 v60, v20;
	[tilespmem:$0x1FE70] =	vst v6;
	v6 =	vld [tilespmem:$0x1F120]  }
0x512: {  	s23 =	sadd.s32 $0x1, s23;
	v60 =	vadd.f32 v62, v21;
	v62 =	vadd.f32 v1, v22;
	v1 =	vld [tilespmem:$0x1EF70]  }
0x513: {  	p1 =	sne.s32 s23, $0x18;
	v52 =	vadd.f32 v3, v58;
	v3 =	vld [tilespmem:$0x1F1E0]  }
.Ltmp7:
0x514: {  	_ = 	snop;
	(pc) =	sbr.rel @p1 .LBB2_4-.Ltmp7, $4  }
0x515: {  	_ = 	snop  }
0x516: {  	v6 =	vadd.f32 v6, v54  }
0x517: {  	v5 =	vadd.f32 v5, v24  }
0x518: {  	v1 =	vadd.f32 v1, v18;
	v58 =	vmovc v8;
	v18 =	vadd.f32 v3, v59;
	v59 =	vmov v6  }
0x519: {  	s0 =	simm.s32 $0x0  }
0x51a: {  	s0 =	smul.u32 $0x6000, s0  }
0x51b: {  	_ =	swait.ge [sflag:s6], $0x6000;
	s22 =	simm.s32 $0x0  }
0x51c: {  	[sflag:s6] =	ssyncset.done $0x0;
	s4 =	sand.u32 $0x380, s22;
	s0 =	sshra.s32 s0, $0x2  }
0x51d: {  	v8 =	vld [tilespmem:$0x1FF40];
	[sflag:s6] =	ssyncadd.s32 $0xFFFFA000;
	s23 =	sor.u32 s4, s0  }
0x51e: {  	v4 =	vld [tilespmem:s23+$0x2680]  }
0x51f: {  	v6 =	vld [tilespmem:s23+$0x2690]  }
0x520: {  	v27 =	vld [tilespmem:s23+$0x26E0]  }
0x521: {  	v28 =	vld [tilespmem:s23+$0x26F0]  }
0x522: {  	v29 =	vld [tilespmem:s23+$0x2A80]  }
0x523: {  	v30 =	vld [tilespmem:s23+$0x2A90]  }
0x524: {  	v31 =	vld [tilespmem:s23+$0x2AA0]  }
0x525: {  	v21 =	vadd.f32 v6, v9;
	v6 =	vld [tilespmem:$0x1FF80]  }
0x526: {  	v23 =	vld [tilespmem:s23+$0x26B0]  }
0x527: {  	v32 =	vld [tilespmem:s23+$0x2AB0]  }
0x528: {  	v33 =	vld [tilespmem:s23+$0x2AC0];
	v26 =	vadd.f32 v27, v62  }
0x529: {  	v27 =	vadd.f32 v28, v1;
	v28 =	vadd.f32 v29, v7;
	v7 =	vld [tilespmem:$0x1FF60]  }
0x52a: {  	v29 =	vadd.f32 v30, v5;
	v30 =	vadd.f32 v31, v6;
	v6 =	vld [tilespmem:$0x1FF70]  }
0x52b: {  	v24 =	vld [tilespmem:s23+$0x26C0]  }
0x52c: {  	v34 =	vld [tilespmem:s23+$0x2AD0]  }
0x52d: {  	v35 =	vld [tilespmem:s23+$0x2AE0]  }
0x52e: {  	v37 =	vld [tilespmem:s23+$0x2AF0]  }
0x52f: {  	v31 =	vadd.f32 v32, v6;
	v32 =	vadd.f32 v33, v7;
	v7 =	vld [tilespmem:$0x1FF50]  }
0x530: {  	v39 =	vld [tilespmem:s23+$0x2E90]  }
0x531: {  	v38 =	vld [tilespmem:s23+$0x2E80]  }
0x532: {  	v40 =	vld [tilespmem:s23+$0x2EA0]  }
0x533: {  	v45 =	vld [tilespmem:s23+$0x2EC0];
	v23 =	vadd.f32 v23, v0  }
0x534: {  	v0 =	vld [tilespmem:s23+$0x3290];
	v33 =	vadd.f32 v34, v7;
	v34 =	vadd.f32 v35, v8  }
0x535: {  	v35 =	vadd.f32 v37, v55;
	v37 =	vadd.f32 v39, v56;
	v56 =	vld [tilespmem:$0x1FF30]  }
0x536: {  	v24 =	vadd.f32 v24, v60;
	v60 =	vld [tilespmem:$0x1FF20]  }
0x537: {  	v25 =	vld [tilespmem:s23+$0x26D0]  }
0x538: {  	v41 =	vld [tilespmem:s23+$0x2EB0]  }
0x539: {  	v46 =	vld [tilespmem:s23+$0x2ED0];
	v20 =	vadd.f32 v4, v2  }
0x53a: {  	v4 =	vld [tilespmem:s23+$0x32A0];
	v36 =	vadd.f32 v38, v36;
	v38 =	vadd.f32 v40, v56  }
0x53b: {  	v40 =	vadd.f32 v45, v60;
	v45 =	vadd.f32 v0, v58;
	v0 =	vld [tilespmem:$0x1FF00];
	_ =	sdelay $0x1  }
0x53c: {  	v47 =	vld [tilespmem:s23+$0x2EE0]  }
0x53d: {  	v1 =	vld [tilespmem:s23+$0x32B0]  }
0x53e: {  	v25 =	vadd.f32 v25, v61;
	v61 =	vld [tilespmem:$0x1FF10];
	v39 =	vadd.f32 v41, v42  }
0x53f: {  	v41 =	vadd.f32 v46, v43;
	v46 =	vadd.f32 v4, v0;
	v0 =	vld [tilespmem:$0x1FEF0];
	_ =	sdelay $0x3  }
0x540: {  	v5 =	vld [tilespmem:s23+$0x32C0]  }
0x541: {  	v42 =	vadd.f32 v47, v61;
	v47 =	vadd.f32 v1, v0;
	v0 =	vld [tilespmem:$0x1FEE0];
	_ =	sdelay $0x2  }
0x542: {  	v3 =	vld [tilespmem:s23+$0x3AF0]  }
0x543: {  	v6 =	vld [tilespmem:s23+$0x32D0]  }
0x544: {  	v48 =	vadd.f32 v5, v0;
	v0 =	vld [tilespmem:$0x1FED0]  }
0x545: {  	v22 =	vld [tilespmem:s23+$0x26A0]  }
0x546: {  	v53 =	vld [tilespmem:s23+$0x3690]  }
0x547: {  	v2 =	vld [tilespmem:s23+$0x3280]  }
0x548: {  	v7 =	vld [tilespmem:s23+$0x32E0]  }
0x549: {  	v49 =	vadd.f32 v6, v0;
	v0 =	vld [tilespmem:$0x1FEC0]  }
0x54a: {  	v54 =	vld [tilespmem:s23+$0x36A0]  }
0x54b: {  	v19 =	vadd.f32 v3, v19;
	v3 =	vld [tilespmem:s23+$0x2EF0]  }
0x54c: {  	v44 =	vadd.f32 v2, v44;
	v2 =	vld [tilespmem:$0x1FE90]  }
0x54d: {  	v8 =	vld [tilespmem:s23+$0x32F0]  }
0x54e: {  	v50 =	vadd.f32 v7, v0;
	v0 =	vld [tilespmem:$0x1FEB0]  }
0x54f: {  	v9 =	vld [tilespmem:s23+$0x3680]  }
0x550: {  	v62 =	vld [tilespmem:s23+$0x36B0]  }
0x551: {  	v22 =	vadd.f32 v22, v63;
	v63 =	vld [tilespmem:s23+$0x36C0]  }
0x552: {  	v54 =	vadd.f32 v54, v2;
	v2 =	vld [tilespmem:$0x1FE80]  }
0x553: {  	v51 =	vadd.f32 v8, v0;
	v0 =	vld [tilespmem:$0x1FEA0]  }
0x554: {  	v4 =	vld [tilespmem:s23+$0x36D0]  }
0x555: {  	v5 =	vld [tilespmem:$0x1FE70]  }
0x556: {  	v1 =	vld [tilespmem:s23+$0x36E0]  }
0x557: {  	v43 =	vadd.f32 v3, v57;
	v3 =	vld [tilespmem:s23+$0x36F0]  }
0x558: {  	v53 =	vadd.f32 v53, v0;
	v0 =	vld [tilespmem:s23+$0x3A80]  }
0x559: {  	v52 =	vadd.f32 v9, v52;
	v55 =	vadd.f32 v62, v2;
	v2 =	vld [tilespmem:s23+$0x3A90]  }
0x55a: {  	s24 =	simm.s32 $0x2;
	s0 =	simm.s32 $0x0;
	v57 =	vadd.f32 v4, v59;
	v4 =	vld [tilespmem:s23+$0x3AA0];
	v56 =	vadd.f32 v63, v5  }
.LBB2_14:
0x55b: {  	p1 =	sne.s32 s24, $0x1F;
	s0 =	smul.u32 $0x6000, s0;
	v17 =	vadd.f32 v1, v17;
	v1 =	vld [tilespmem:s23+$0x3AB0]  }
0x55c: {  	s22 =	sadd.s32 $0x80, s22;
	v16 =	vadd.f32 v3, v16;
	v3 =	vld [tilespmem:s23+$0x3AC0]  }
0x55d: {  	s4 =	sand.u32 $0x380, s22;
	s0 =	sshra.s32 s0, $0x2;
	v18 =	vadd.f32 v0, v18;
	v0 =	vld [tilespmem:s23+$0x3AD0]  }
0x55e: {  	v15 =	vadd.f32 v2, v15;
	v2 =	vld [tilespmem:s23+$0x3AE0];
	s23 =	sor.u32 s4, s0  }
0x55f: {  	v5 =	vld [tilespmem:s23+$0x3AF0];
	v14 =	vadd.f32 v4, v14  }
0x560: {  	v4 =	vld [tilespmem:s23+$0x2680];
	v13 =	vadd.f32 v1, v13  }
0x561: {  	v1 =	vld [tilespmem:s23+$0x2690];
	v12 =	vadd.f32 v3, v12  }
0x562: {  	v3 =	vld [tilespmem:s23+$0x26A0];
	v11 =	vadd.f32 v0, v11  }
0x563: {  	v0 =	vld [tilespmem:s23+$0x26B0];
	v10 =	vadd.f32 v2, v10  }
0x564: {  	v2 =	vld [tilespmem:s23+$0x26C0];
	v19 =	vadd.f32 v5, v19  }
0x565: {  	v20 =	vadd.f32 v4, v20;
	v4 =	vld [tilespmem:s23+$0x26D0]  }
0x566: {  	v21 =	vadd.f32 v1, v21;
	v1 =	vld [tilespmem:s23+$0x26E0]  }
0x567: {  	v22 =	vadd.f32 v3, v22;
	v3 =	vld [tilespmem:s23+$0x26F0]  }
0x568: {  	v23 =	vadd.f32 v0, v23;
	v0 =	vld [tilespmem:s23+$0x2A80]  }
0x569: {  	v24 =	vadd.f32 v2, v24;
	v2 =	vld [tilespmem:s23+$0x2A90]  }
0x56a: {  	v25 =	vadd.f32 v4, v25;
	v4 =	vld [tilespmem:s23+$0x2AA0]  }
0x56b: {  	v26 =	vadd.f32 v1, v26;
	v1 =	vld [tilespmem:s23+$0x2AB0]  }
0x56c: {  	v27 =	vadd.f32 v3, v27;
	v3 =	vld [tilespmem:s23+$0x2AC0]  }
0x56d: {  	v28 =	vadd.f32 v0, v28;
	v0 =	vld [tilespmem:s23+$0x2AD0]  }
0x56e: {  	v29 =	vadd.f32 v2, v29;
	v2 =	vld [tilespmem:s23+$0x2AE0]  }
0x56f: {  	v30 =	vadd.f32 v4, v30;
	v4 =	vld [tilespmem:s23+$0x2AF0]  }
0x570: {  	v31 =	vadd.f32 v1, v31;
	v1 =	vld [tilespmem:s23+$0x2E80]  }
0x571: {  	v32 =	vadd.f32 v3, v32;
	v3 =	vld [tilespmem:s23+$0x2E90]  }
0x572: {  	v33 =	vadd.f32 v0, v33;
	v0 =	vld [tilespmem:s23+$0x2EA0]  }
0x573: {  	v34 =	vadd.f32 v2, v34;
	v2 =	vld [tilespmem:s23+$0x2EB0]  }
0x574: {  	v35 =	vadd.f32 v4, v35;
	v4 =	vld [tilespmem:s23+$0x2EC0]  }
0x575: {  	v36 =	vadd.f32 v1, v36;
	v1 =	vld [tilespmem:s23+$0x2ED0]  }
0x576: {  	v37 =	vadd.f32 v3, v37;
	v3 =	vld [tilespmem:s23+$0x2EE0]  }
0x577: {  	v38 =	vadd.f32 v0, v38;
	v0 =	vld [tilespmem:s23+$0x2EF0]  }
0x578: {  	v39 =	vadd.f32 v2, v39;
	v2 =	vld [tilespmem:s23+$0x3280]  }
0x579: {  	v40 =	vadd.f32 v4, v40;
	v4 =	vld [tilespmem:s23+$0x3290]  }
0x57a: {  	v41 =	vadd.f32 v1, v41;
	v1 =	vld [tilespmem:s23+$0x32A0]  }
0x57b: {  	v42 =	vadd.f32 v3, v42;
	v3 =	vld [tilespmem:s23+$0x32B0]  }
0x57c: {  	v43 =	vadd.f32 v0, v43;
	v0 =	vld [tilespmem:s23+$0x32C0]  }
0x57d: {  	v44 =	vadd.f32 v2, v44;
	v2 =	vld [tilespmem:s23+$0x32D0]  }
0x57e: {  	v45 =	vadd.f32 v4, v45;
	v4 =	vld [tilespmem:s23+$0x32E0]  }
0x57f: {  	v46 =	vadd.f32 v1, v46;
	v1 =	vld [tilespmem:s23+$0x32F0]  }
0x580: {  	v47 =	vadd.f32 v3, v47;
	v3 =	vld [tilespmem:s23+$0x3680]  }
0x581: {  	v48 =	vadd.f32 v0, v48;
	v0 =	vld [tilespmem:s23+$0x3690]  }
0x582: {  	v49 =	vadd.f32 v2, v49;
	v2 =	vld [tilespmem:s23+$0x36A0]  }
0x583: {  	v50 =	vadd.f32 v4, v50;
	v4 =	vld [tilespmem:s23+$0x36B0]  }
0x584: {  	v51 =	vadd.f32 v1, v51;
	v5 =	vld [tilespmem:s23+$0x36C0]  }
0x585: {  	v52 =	vadd.f32 v3, v52;
	v6 =	vld [tilespmem:s23+$0x36D0]  }
.Ltmp8:
0x586: {  	v53 =	vadd.f32 v0, v53;
	v1 =	vld [tilespmem:s23+$0x36E0];
	(pc) =	sbr.rel @p1 .LBB2_14-.Ltmp8, $4  }
0x587: {  	v54 =	vadd.f32 v2, v54;
	v3 =	vld [tilespmem:s23+$0x36F0]  }
0x588: {  	v55 =	vadd.f32 v4, v55;
	v0 =	vld [tilespmem:s23+$0x3A80]  }
0x589: {  	v56 =	vadd.f32 v5, v56;
	v2 =	vld [tilespmem:s23+$0x3A90]  }
0x58a: {  	s0 =	sshrl.u32 s24, $0x3;
	s24 =	sadd.s32 $0x1, s24;
	v57 =	vadd.f32 v6, v57;
	v4 =	vld [tilespmem:s23+$0x3AA0]  }
0x58b: {  	s0 =	smul.u32 $0x6000, s0  }
0x58c: {  	s4 =	sadd.s32 $0x80, s22  }
0x58d: {  	s4 =	sand.u32 $0x380, s4;
	s0 =	sshra.s32 s0, $0x2  }
0x58e: {  	s0 =	sor.u32 s4, s0  }
0x58f: {  	v62 =	vld [tilespmem:s0+$0x26C0];
	_ =	sdelay $0x4  }
0x590: {  	[tilespmem:$0x1EAD0] =	vst v62;
	v62 =	vld [tilespmem:s0+$0x26E0];
	_ =	sdelay $0x4  }
0x591: {  	[tilespmem:$0x1EAE0] =	vst v62;
	v62 =	vld [tilespmem:s0+$0x26F0];
	_ =	sdelay $0x4  }
0x592: {  	[tilespmem:$0x1EAF0] =	vst v62;
	v62 =	vld [tilespmem:s0+$0x2A80];
	_ =	sdelay $0x4  }
0x593: {  	[tilespmem:$0x1EB00] =	vst v62;
	v62 =	vld [tilespmem:s0+$0x2A90];
	_ =	sdelay $0x4  }
0x594: {  	[tilespmem:$0x1EB10] =	vst v62;
	v62 =	vld [tilespmem:s0+$0x2AA0];
	_ =	sdelay $0x4  }
0x595: {  	[tilespmem:$0x1EB20] =	vst v62;
	v62 =	vld [tilespmem:s0+$0x2AB0];
	_ =	sdelay $0x4  }
0x596: {  	[tilespmem:$0x1EB30] =	vst v62;
	v62 =	vld [tilespmem:s0+$0x2AC0];
	_ =	sdelay $0x4  }
0x597: {  	[tilespmem:$0x1EB40] =	vst v62;
	v62 =	vld [tilespmem:s0+$0x2AD0];
	_ =	sdelay $0x4  }
0x598: {  	[tilespmem:$0x1EB50] =	vst v62;
	v62 =	vld [tilespmem:s0+$0x2AE0];
	_ =	sdelay $0x4  }
0x599: {  	[tilespmem:$0x1EB60] =	vst v62;
	v62 =	vld [tilespmem:s0+$0x2AF0];
	_ =	sdelay $0x4  }
0x59a: {  	[tilespmem:$0x1EB70] =	vst v62;
	v62 =	vld [tilespmem:s0+$0x2E80];
	_ =	sdelay $0x4  }
0x59b: {  	[tilespmem:$0x1EB80] =	vst v62;
	v62 =	vld [tilespmem:s0+$0x2E90];
	_ =	sdelay $0x4  }
0x59c: {  	[tilespmem:$0x1EB90] =	vst v62;
	v62 =	vld [tilespmem:s0+$0x2EA0];
	_ =	sdelay $0x4  }
0x59d: {  	[tilespmem:$0x1EBA0] =	vst v62;
	v62 =	vld [tilespmem:s0+$0x2EB0];
	_ =	sdelay $0x4  }
0x59e: {  	[tilespmem:$0x1EBB0] =	vst v62;
	v62 =	vld [tilespmem:s0+$0x2EC0];
	_ =	sdelay $0x4  }
0x59f: {  	[tilespmem:$0x1EBC0] =	vst v62;
	v62 =	vld [tilespmem:s0+$0x2ED0];
	_ =	sdelay $0x4  }
0x5a0: {  	[tilespmem:$0x1EBD0] =	vst v62;
	v62 =	vld [tilespmem:s0+$0x2EE0];
	_ =	sdelay $0x4  }
0x5a1: {  	[tilespmem:$0x1EBE0] =	vst v62;
	v62 =	vld [tilespmem:s0+$0x2EF0];
	_ =	sdelay $0x4  }
0x5a2: {  	[tilespmem:$0x1EBF0] =	vst v62;
	v62 =	vld [tilespmem:s0+$0x3280];
	_ =	sdelay $0x4  }
0x5a3: {  	[tilespmem:$0x1EC00] =	vst v62;
	v62 =	vld [tilespmem:s0+$0x3290];
	_ =	sdelay $0x4  }
0x5a4: {  	[tilespmem:$0x1EC10] =	vst v62;
	v62 =	vld [tilespmem:s0+$0x32A0];
	_ =	sdelay $0x4  }
0x5a5: {  	[tilespmem:$0x1EC20] =	vst v62;
	v62 =	vld [tilespmem:s0+$0x32B0];
	_ =	sdelay $0x4  }
0x5a6: {  	[tilespmem:$0x1EC30] =	vst v62;
	v62 =	vld [tilespmem:s0+$0x32C0];
	_ =	sdelay $0x4  }
0x5a7: {  	[tilespmem:$0x1EC40] =	vst v62;
	v62 =	vld [tilespmem:s0+$0x32D0];
	_ =	sdelay $0x4  }
0x5a8: {  	[tilespmem:$0x1EC50] =	vst v62;
	v62 =	vld [tilespmem:s0+$0x32E0];
	_ =	sdelay $0x4  }
0x5a9: {  	[tilespmem:$0x1EC60] =	vst v62;
	v62 =	vld [tilespmem:s0+$0x32F0];
	_ =	sdelay $0x4  }
0x5aa: {  	[tilespmem:$0x1EC70] =	vst v62;
	v62 =	vld [tilespmem:s0+$0x3680];
	_ =	sdelay $0x4  }
0x5ab: {  	[tilespmem:$0x1EC80] =	vst v62;
	v62 =	vld [tilespmem:s0+$0x3690];
	_ =	sdelay $0x4  }
0x5ac: {  	[tilespmem:$0x1EC90] =	vst v62;
	v62 =	vld [tilespmem:s0+$0x36A0];
	_ =	sdelay $0x4  }
0x5ad: {  	[tilespmem:$0x1ECA0] =	vst v62;
	v62 =	vld [tilespmem:s0+$0x36B0];
	_ =	sdelay $0x4  }
0x5ae: {  	[tilespmem:$0x1ECB0] =	vst v62;
	v62 =	vld [tilespmem:s0+$0x36C0];
	_ =	sdelay $0x4  }
0x5af: {  	[tilespmem:$0x1ECC0] =	vst v62;
	v62 =	vld [tilespmem:s0+$0x36D0];
	_ =	sdelay $0x4  }
0x5b0: {  	[tilespmem:$0x1ECD0] =	vst v62;
	v62 =	vld [tilespmem:s0+$0x36E0];
	_ =	sdelay $0x4  }
0x5b1: {  	[tilespmem:$0x1ECE0] =	vst v62;
	v62 =	vld [tilespmem:s0+$0x36F0];
	_ =	sdelay $0x4  }
0x5b2: {  	[tilespmem:$0x1ED00] =	vst v62;
	v62 =	vld [tilespmem:s0+$0x3A80];
	_ =	sdelay $0x4  }
0x5b3: {  	[tilespmem:$0x1ED10] =	vst v62;
	v62 =	vld [tilespmem:s0+$0x3A90];
	_ =	sdelay $0x4  }
0x5b4: {  	[tilespmem:$0x1ED30] =	vst v62;
	v62 =	vld [tilespmem:s0+$0x3AA0];
	_ =	sdelay $0x4  }
0x5b5: {  	[tilespmem:$0x1ED40] =	vst v62;
	v62 =	vld [tilespmem:s0+$0x3AB0];
	_ =	sdelay $0x4  }
0x5b6: {  	[tilespmem:$0x1ED60] =	vst v62;
	v62 =	vld [tilespmem:s0+$0x3AC0];
	_ =	sdelay $0x4  }
0x5b7: {  	[tilespmem:$0x1ED80] =	vst v62;
	v62 =	vld [tilespmem:s0+$0x3AD0]  }
0x5b8: {  	v5 =	vld [tilespmem:s23+$0x3AB0]  }
0x5b9: {  	v6 =	vld [tilespmem:s23+$0x3AC0]  }
0x5ba: {  	v7 =	vld [tilespmem:s23+$0x3AD0]  }
0x5bb: {  	v8 =	vld [tilespmem:s23+$0x3AE0]  }
0x5bc: {  	[tilespmem:$0x1EDA0] =	vst v62;
	v62 =	vld [tilespmem:s0+$0x3AE0]  }
0x5bd: {  	v1 =	vadd.f32 v1, v17;
	v9 =	vld [tilespmem:s0+$0x3AF0]  }
0x5be: {  	v0 =	vadd.f32 v0, v18;
	v58 =	vld [tilespmem:s0+$0x2680]  }
0x5bf: {  	[tilespmem:$0x1ECF0] =	vst v1;
	v59 =	vld [tilespmem:s0+$0x2690]  }
0x5c0: {  	v60 =	vld [tilespmem:s0+$0x26A0];
	[tilespmem:$0x1ED20] =	vst v0  }
0x5c1: {  	v61 =	vld [tilespmem:s0+$0x26B0];
	[tilespmem:$0x1EDC0] =	vst v62;
	v62 =	vadd.f32 v5, v13  }
0x5c2: {  	v63 =	vld [tilespmem:s0+$0x26D0];
	v5 =	vadd.f32 v7, v11;
	_ =	swait.ge [sflag:s2], $0x6000  }
0x5c3: {  	v7 =	vadd.f32 v9, v19;
	[tilespmem:$0x1ED70] =	vst v62;
	v62 =	vld [tilespmem:$0x1EAF0]  }
0x5c4: {  	[tilespmem:$0x1EDB0] =	vst v5;
	v5 =	vld [tilespmem:$0x1EB20]  }
0x5c5: {  	v4 =	vadd.f32 v4, v14;
	[tilespmem:$0x1EDE0] =	vst v7;
	v7 =	vld [tilespmem:$0x1EB40]  }
0x5c6: {  	v14 =	vadd.f32 v60, v22  }
0x5c7: {  	[tilespmem:$0x1ED50] =	vst v4;
	v4 =	vadd.f32 v6, v12;
	v6 =	vadd.f32 v8, v10;
	v60 =	vld [tilespmem:$0x1EAD0]  }
0x5c8: {  	v19 =	vadd.f32 v63, v25;
	v63 =	vld [tilespmem:$0x1EB00]  }
0x5c9: {  	[tilespmem:$0x1EDD0] =	vst v6;
	v6 =	vld [tilespmem:$0x1EB30];
	v22 =	vadd.f32 v62, v27  }
0x5ca: {  	v27 =	vadd.f32 v5, v30;
	v30 =	vadd.f32 v7, v32;
	v32 =	vld [tilespmem:$0x1EB50];
	_ =	sdelay $0x3  }
0x5cb: {  	v18 =	vadd.f32 v60, v24;
	v24 =	vadd.f32 v63, v28  }
0x5cc: {  	v28 =	vadd.f32 v6, v31;
	v31 =	vadd.f32 v32, v33;
	v33 =	vld [tilespmem:$0x1EB60];
	_ =	sdelay $0x4  }
0x5cd: {  	v33 =	vadd.f32 v33, v34;
	v34 =	vld [tilespmem:$0x1EB70];
	_ =	sdelay $0x2  }
0x5ce: {  	v59 =	vadd.f32 v59, v21;
	_ =	sdelay $0x1  }
0x5cf: {  	[tilespmem:$0x1EDF0] =	vst v59;
	v59 =	vadd.f32 v34, v35;
	v35 =	vld [tilespmem:$0x1EB80];
	_ =	sdelay $0x2  }
0x5d0: {  	s30 =	simm.s32 $0x0  }
0x5d1: {  	s4 =	smul.u32 $0x6000, s30;
	v2 =	vadd.f32 v2, v15;
	v15 =	vadd.f32 v61, v23;
	v61 =	vld [tilespmem:$0x1EAE0]  }
0x5d2: {  	s22 =	simm.s32 $0x0;
	v60 =	vadd.f32 v35, v36;
	v36 =	vld [tilespmem:$0x1EB90]  }
0x5d3: {  	s31 =	sand.u32 $0x380, s22;
	s4 =	sshra.s32 s4, $0x2;
	[sflag:s2] =	ssyncset.done $0x0  }
0x5d4: {  	s23 =	sor.u32 s31, s4;
	[sflag:s2] =	ssyncadd.s32 $0xFFFFA000  }
0x5d5: {  	v10 =	vld [tilespmem:s23+$0x9AF0]  }
0x5d6: {  	v13 =	vld [tilespmem:s23+$0x8680]  }
0x5d7: {  	v21 =	vadd.f32 v61, v26;
	v61 =	vadd.f32 v36, v37;
	v37 =	vld [tilespmem:$0x1EBA0]  }
0x5d8: {  	v17 =	vld [tilespmem:s23+$0x8690]  }
0x5d9: {  	v58 =	vadd.f32 v58, v20;
	v20 =	vld [tilespmem:s23+$0x86A0]  }
0x5da: {  	v23 =	vld [tilespmem:s23+$0x86B0]  }
0x5db: {  	[tilespmem:$0x1ED90] =	vst v4;
	v4 =	vld [tilespmem:$0x1EB10]  }
0x5dc: {  	v62 =	vadd.f32 v37, v38;
	v38 =	vld [tilespmem:$0x1EBB0]  }
0x5dd: {  	v12 =	vld [tilespmem:s23+$0x8AB0]  }
0x5de: {  	v11 =	vld [tilespmem:s23+$0x8AD0]  }
0x5df: {  	v9 =	vld [tilespmem:s23+$0x8AE0]  }
0x5e0: {  	v8 =	vld [tilespmem:s23+$0x8AF0]  }
0x5e1: {  	v63 =	vadd.f32 v38, v39;
	v39 =	vld [tilespmem:$0x1EBC0]  }
0x5e2: {  	v1 =	vld [tilespmem:s23+$0x8EE0]  }
0x5e3: {  	v26 =	vld [tilespmem:s23+$0x86C0]  }
0x5e4: {  	v5 =	vld [tilespmem:$0x1EC20]  }
0x5e5: {  	v7 =	vld [tilespmem:$0x1EC40]  }
0x5e6: {  	v0 =	vadd.f32 v39, v40;
	v40 =	vld [tilespmem:$0x1EBD0]  }
0x5e7: {  	v25 =	vadd.f32 v4, v29;
	v29 =	vld [tilespmem:s23+$0x86D0]  }
0x5e8: {  	v6 =	vld [tilespmem:$0x1EC30]  }
0x5e9: {  	v4 =	vld [tilespmem:$0x1EC10]  }
0x5ea: {  	v58 =	vadd.f32 v13, v58;
	v13 =	vld [tilespmem:$0x1EDF0]  }
0x5eb: {  	[tilespmem:$0x1EE00] =	vst v0;
	v0 =	vadd.f32 v40, v41;
	v41 =	vld [tilespmem:$0x1EBE0]  }
0x5ec: {  	v32 =	vld [tilespmem:s23+$0x86E0]  }
0x5ed: {  	v3 =	vadd.f32 v3, v16;
	v16 =	vadd.f32 v6, v47;
	v6 =	vld [tilespmem:s23+$0x8E90]  }
0x5ee: {  	v47 =	vld [tilespmem:$0x1ECD0]  }
0x5ef: {  	v34 =	vld [tilespmem:s23+$0x86F0]  }
0x5f0: {  	[tilespmem:$0x1EE10] =	vst v0;
	v0 =	vadd.f32 v41, v42;
	v42 =	vld [tilespmem:$0x1EBF0]  }
0x5f1: {  	v35 =	vld [tilespmem:s23+$0x8A80]  }
0x5f2: {  	v36 =	vld [tilespmem:s23+$0x8AC0]  }
0x5f3: {  	v37 =	vld [tilespmem:s23+$0x8AA0]  }
0x5f4: {  	v38 =	vld [tilespmem:s23+$0x8A90]  }
0x5f5: {  	[tilespmem:$0x1EE20] =	vst v0;
	v0 =	vadd.f32 v42, v43;
	v43 =	vld [tilespmem:$0x1EC00]  }
0x5f6: {  	v39 =	vld [tilespmem:$0x1EC50]  }
0x5f7: {  	v42 =	vld [tilespmem:$0x1EC80]  }
0x5f8: {  	v40 =	vld [tilespmem:$0x1EC60]  }
0x5f9: {  	v41 =	vld [tilespmem:$0x1EC70]  }
0x5fa: {  	[tilespmem:$0x1EE30] =	vst v0;
	v0 =	vadd.f32 v43, v44;
	v43 =	vld [tilespmem:$0x1EC90]  }
0x5fb: {  	v44 =	vld [tilespmem:$0x1ECA0]  }
0x5fc: {  	v52 =	vadd.f32 v42, v52;
	v42 =	vld [tilespmem:$0x1ED80]  }
0x5fd: {  	[tilespmem:$0x1EE40] =	vst v0;
	v0 =	vadd.f32 v4, v45;
	v45 =	vld [tilespmem:$0x1ECB0]  }
0x5fe: {  	v4 =	vld [tilespmem:s23+$0x8EB0]  }
0x5ff: {  	[tilespmem:$0x1EE50] =	vst v0;
	v0 =	vadd.f32 v5, v46;
	v46 =	vld [tilespmem:$0x1ECC0]  }
0x600: {  	v5 =	vld [tilespmem:s23+$0x8EA0]  }
0x601: {  	[tilespmem:$0x1EE60] =	vst v0;
	v0 =	vadd.f32 v7, v48;
	v7 =	vld [tilespmem:s23+$0x8E80]  }
0x602: {  	v48 =	vld [tilespmem:$0x1ECE0]  }
0x603: {  	[tilespmem:$0x1EE70] =	vst v0;
	v0 =	vadd.f32 v39, v49;
	v49 =	vld [tilespmem:$0x1ECF0]  }
0x604: {  	v39 =	vld [tilespmem:$0x1ED50]  }
0x605: {  	v36 =	vadd.f32 v36, v30;
	v30 =	vadd.f32 v5, v62;
	v62 =	vld [tilespmem:$0x1EE30]  }
0x606: {  	v5 =	vld [tilespmem:$0x1EE50]  }
0x607: {  	[tilespmem:$0x1EE80] =	vst v0;
	v0 =	vadd.f32 v40, v50;
	v50 =	vld [tilespmem:$0x1ED00]  }
0x608: {  	v40 =	vld [tilespmem:$0x1ED60]  }
0x609: {  	[tilespmem:$0x1EE90] =	vst v0;
	v0 =	vadd.f32 v41, v51;
	v51 =	vld [tilespmem:$0x1ED10]  }
0x60a: {  	v41 =	vld [tilespmem:$0x1ED70]  }
0x60b: {  	[tilespmem:$0x1EEA0] =	vst v0;
	v0 =	vadd.f32 v43, v53;
	v53 =	vld [tilespmem:$0x1ED20]  }
0x60c: {  	v43 =	vld [tilespmem:$0x1ED90]  }
0x60d: {  	[tilespmem:$0x1EEB0] =	vst v0;
	v0 =	vadd.f32 v44, v54;
	v54 =	vld [tilespmem:$0x1ED30]  }
0x60e: {  	v44 =	vld [tilespmem:$0x1EDA0]  }
0x60f: {  	[tilespmem:$0x1EEC0] =	vst v0;
	v0 =	vadd.f32 v45, v55;
	v55 =	vld [tilespmem:$0x1ED40]  }
0x610: {  	v45 =	vld [tilespmem:$0x1EDB0]  }
0x611: {  	v53 =	vadd.f32 v51, v53;
	v51 =	vld [tilespmem:$0x1EDE0]  }
0x612: {  	[tilespmem:$0x1EED0] =	vst v0;
	v0 =	vadd.f32 v46, v56;
	v56 =	vadd.f32 v50, v3;
	v3 =	vld [tilespmem:s23+$0x8EC0]  }
0x613: {  	v50 =	vadd.f32 v42, v43;
	v46 =	vld [tilespmem:$0x1EDC0]  }
0x614: {  	v43 =	vadd.f32 v29, v19;
	v29 =	vadd.f32 v4, v63;
	v4 =	vld [tilespmem:s23+$0x9690]  }
0x615: {  	v42 =	vadd.f32 v32, v21;
	v32 =	vadd.f32 v7, v60;
	v60 =	vld [tilespmem:$0x1EE10]  }
0x616: {  	v63 =	vld [tilespmem:$0x1EE40]  }
0x617: {  	v7 =	vld [tilespmem:$0x1EE60];
	v54 =	vadd.f32 v54, v2  }
0x618: {  	v2 =	vld [tilespmem:s23+$0x8ED0];
	[tilespmem:$0x1EEE0] =	vst v0;
	v0 =	vadd.f32 v47, v57;
	v57 =	vadd.f32 v48, v49  }
0x619: {  	v47 =	vadd.f32 v40, v41;
	v49 =	vld [tilespmem:$0x1EDD0];
	v41 =	vadd.f32 v34, v22  }
0x61a: {  	v40 =	vadd.f32 v35, v24;
	v35 =	vadd.f32 v11, v31;
	v11 =	vld [tilespmem:s23+$0x92E0]  }
0x61b: {  	v34 =	vadd.f32 v9, v33;
	v33 =	vadd.f32 v8, v59;
	v8 =	vld [tilespmem:s23+$0x92F0]  }
0x61c: {  	v31 =	vadd.f32 v6, v61;
	v6 =	vld [tilespmem:s23+$0x9680]  }
0x61d: {  	v59 =	vld [tilespmem:$0x1EE00]  }
0x61e: {  	v61 =	vld [tilespmem:$0x1EE20];
	v55 =	vadd.f32 v55, v39  }
0x61f: {  	v48 =	vadd.f32 v44, v45;
	v45 =	vadd.f32 v23, v15;
	v15 =	vld [tilespmem:s23+$0x92A0]  }
0x620: {  	v44 =	vadd.f32 v26, v18;
	v39 =	vadd.f32 v38, v25;
	v18 =	vld [tilespmem:s23+$0x92C0]  }
0x621: {  	v38 =	vadd.f32 v37, v27;
	v37 =	vadd.f32 v12, v28;
	v12 =	vld [tilespmem:s23+$0x92D0]  }
0x622: {  	[tilespmem:$0x1EEF0] =	vst v0;
	v0 =	vld [tilespmem:s23+$0x8EF0]  }
0x623: {  	v10 =	vadd.f32 v10, v51;
	v51 =	vadd.f32 v17, v13;
	v13 =	vld [tilespmem:s23+$0x9280]  }
0x624: {  	v17 =	vld [tilespmem:s23+$0x92B0]  }
0x625: {  	v27 =	vadd.f32 v2, v60;
	v2 =	vld [tilespmem:s23+$0x96A0]  }
0x626: {  	v60 =	vld [tilespmem:$0x1EE80]  }
0x627: {  	v46 =	vadd.f32 v46, v49;
	v49 =	vadd.f32 v20, v14;
	v14 =	vld [tilespmem:s23+$0x9290]  }
0x628: {  	v28 =	vadd.f32 v3, v59;
	v59 =	vld [tilespmem:$0x1EE70]  }
0x629: {  	v26 =	vadd.f32 v1, v61;
	v1 =	vld [tilespmem:s23+$0x96C0]  }
0x62a: {  	v3 =	vld [tilespmem:s23+$0x96D0]  }
0x62b: {  	v61 =	vld [tilespmem:$0x1EE90]  }
0x62c: {  	v22 =	vadd.f32 v15, v7;
	v7 =	vld [tilespmem:$0x1EED0]  }
0x62d: {  	v20 =	vadd.f32 v18, v59;
	v59 =	vld [tilespmem:$0x1EEB0]  }
0x62e: {  	v25 =	vadd.f32 v0, v62;
	v0 =	vld [tilespmem:s23+$0x96B0]  }
0x62f: {  	v24 =	vadd.f32 v13, v63;
	v63 =	vld [tilespmem:$0x1EEA0]  }
0x630: {  	v21 =	vadd.f32 v17, v16;
	v16 =	vadd.f32 v6, v52;
	v52 =	vld [tilespmem:$0x1EEE0]  }
0x631: {  	v18 =	vadd.f32 v11, v61;
	v61 =	vld [tilespmem:$0x1EEC0]  }
0x632: {  	v15 =	vadd.f32 v4, v59;
	v59 =	vld [tilespmem:$0x1EEF0]  }
0x633: {  	v62 =	vld [tilespmem:s23+$0x96E0]  }
0x634: {  	v19 =	vadd.f32 v12, v60;
	v60 =	vld [tilespmem:s23+$0x96F0]  }
0x635: {  	v23 =	vadd.f32 v14, v5;
	v17 =	vadd.f32 v8, v63;
	v63 =	vld [tilespmem:s23+$0x9A80]  }
0x636: {  	s24 =	simm.s32 $0x2;
	v13 =	vadd.f32 v0, v7;
	v14 =	vadd.f32 v2, v61;
	v61 =	vld [tilespmem:s23+$0x9A90]  }
0x637: {  	s25 =	simm.s32 $0x400;
	s26 =	simm.s32 $0x1A680;
	s0 =	simm.s32 $0x0;
	v12 =	vadd.f32 v1, v52;
	v11 =	vadd.f32 v3, v59;
	v59 =	vld [tilespmem:s23+$0x9AA0]  }
.LBB2_16:
0x638: {  	p1 =	sne.s32 s24, $0x1F;
	s0 =	smul.u32 $0x6000, s0;
	v57 =	vadd.f32 v62, v57;
	v0 =	vld [tilespmem:s23+$0x9AB0]  }
0x639: {  	s22 =	sadd.s32 $0x80, s22;
	v56 =	vadd.f32 v60, v56;
	v1 =	vld [tilespmem:s23+$0x9AC0]  }
0x63a: {  	s4 =	sand.u32 $0x380, s22;
	s0 =	sshra.s32 s0, $0x2;
	v53 =	vadd.f32 v63, v53;
	v2 =	vld [tilespmem:s23+$0x9AD0]  }
0x63b: {  	v54 =	vadd.f32 v61, v54;
	v3 =	vld [tilespmem:s23+$0x9AE0];
	s23 =	sor.u32 s4, s0  }
0x63c: {  	v4 =	vld [tilespmem:s23+$0x9AF0];
	v55 =	vadd.f32 v59, v55  }
0x63d: {  	v5 =	vld [tilespmem:s23+$0x8680];
	v47 =	vadd.f32 v0, v47  }
0x63e: {  	v0 =	vld [tilespmem:s23+$0x8690];
	v50 =	vadd.f32 v1, v50  }
0x63f: {  	v1 =	vld [tilespmem:s23+$0x86A0];
	v48 =	vadd.f32 v2, v48  }
0x640: {  	v2 =	vld [tilespmem:s23+$0x86B0];
	v46 =	vadd.f32 v3, v46  }
0x641: {  	v3 =	vld [tilespmem:s23+$0x86C0];
	v10 =	vadd.f32 v4, v10  }
0x642: {  	v58 =	vadd.f32 v5, v58;
	v4 =	vld [tilespmem:s23+$0x86D0]  }
0x643: {  	v51 =	vadd.f32 v0, v51;
	v0 =	vld [tilespmem:s23+$0x86E0]  }
0x644: {  	v49 =	vadd.f32 v1, v49;
	v1 =	vld [tilespmem:s23+$0x86F0]  }
0x645: {  	v45 =	vadd.f32 v2, v45;
	v2 =	vld [tilespmem:s23+$0x8A80]  }
0x646: {  	v44 =	vadd.f32 v3, v44;
	v3 =	vld [tilespmem:s23+$0x8A90]  }
0x647: {  	v43 =	vadd.f32 v4, v43;
	v4 =	vld [tilespmem:s23+$0x8AA0]  }
0x648: {  	v42 =	vadd.f32 v0, v42;
	v0 =	vld [tilespmem:s23+$0x8AB0]  }
0x649: {  	v41 =	vadd.f32 v1, v41;
	v1 =	vld [tilespmem:s23+$0x8AC0]  }
0x64a: {  	v40 =	vadd.f32 v2, v40;
	v2 =	vld [tilespmem:s23+$0x8AD0]  }
0x64b: {  	v39 =	vadd.f32 v3, v39;
	v3 =	vld [tilespmem:s23+$0x8AE0]  }
0x64c: {  	v38 =	vadd.f32 v4, v38;
	v4 =	vld [tilespmem:s23+$0x8AF0]  }
0x64d: {  	v37 =	vadd.f32 v0, v37;
	v0 =	vld [tilespmem:s23+$0x8E80]  }
0x64e: {  	v36 =	vadd.f32 v1, v36;
	v1 =	vld [tilespmem:s23+$0x8E90]  }
0x64f: {  	v35 =	vadd.f32 v2, v35;
	v2 =	vld [tilespmem:s23+$0x8EA0]  }
0x650: {  	v34 =	vadd.f32 v3, v34;
	v3 =	vld [tilespmem:s23+$0x8EB0]  }
0x651: {  	v33 =	vadd.f32 v4, v33;
	v4 =	vld [tilespmem:s23+$0x8EC0]  }
0x652: {  	v32 =	vadd.f32 v0, v32;
	v0 =	vld [tilespmem:s23+$0x8ED0]  }
0x653: {  	v31 =	vadd.f32 v1, v31;
	v1 =	vld [tilespmem:s23+$0x8EE0]  }
0x654: {  	v30 =	vadd.f32 v2, v30;
	v2 =	vld [tilespmem:s23+$0x8EF0]  }
0x655: {  	v29 =	vadd.f32 v3, v29;
	v3 =	vld [tilespmem:s23+$0x9280]  }
0x656: {  	v28 =	vadd.f32 v4, v28;
	v4 =	vld [tilespmem:s23+$0x9290]  }
0x657: {  	v27 =	vadd.f32 v0, v27;
	v0 =	vld [tilespmem:s23+$0x92A0]  }
0x658: {  	v26 =	vadd.f32 v1, v26;
	v1 =	vld [tilespmem:s23+$0x92B0]  }
0x659: {  	v25 =	vadd.f32 v2, v25;
	v2 =	vld [tilespmem:s23+$0x92C0]  }
0x65a: {  	v24 =	vadd.f32 v3, v24;
	v3 =	vld [tilespmem:s23+$0x92D0]  }
0x65b: {  	v23 =	vadd.f32 v4, v23;
	v4 =	vld [tilespmem:s23+$0x92E0]  }
0x65c: {  	v22 =	vadd.f32 v0, v22;
	v0 =	vld [tilespmem:s23+$0x92F0]  }
0x65d: {  	v21 =	vadd.f32 v1, v21;
	v1 =	vld [tilespmem:s23+$0x9680]  }
0x65e: {  	v20 =	vadd.f32 v2, v20;
	v2 =	vld [tilespmem:s23+$0x9690]  }
0x65f: {  	v19 =	vadd.f32 v3, v19;
	v3 =	vld [tilespmem:s23+$0x96A0]  }
0x660: {  	v18 =	vadd.f32 v4, v18;
	v4 =	vld [tilespmem:s23+$0x96B0]  }
0x661: {  	v17 =	vadd.f32 v0, v17;
	v0 =	vld [tilespmem:s23+$0x96C0]  }
0x662: {  	v16 =	vadd.f32 v1, v16;
	v1 =	vld [tilespmem:s23+$0x96D0]  }
.Ltmp9:
0x663: {  	v15 =	vadd.f32 v2, v15;
	v62 =	vld [tilespmem:s23+$0x96E0];
	(pc) =	sbr.rel @p1 .LBB2_16-.Ltmp9, $4  }
0x664: {  	v14 =	vadd.f32 v3, v14;
	v60 =	vld [tilespmem:s23+$0x96F0]  }
0x665: {  	v13 =	vadd.f32 v4, v13;
	v63 =	vld [tilespmem:s23+$0x9A80]  }
0x666: {  	v12 =	vadd.f32 v0, v12;
	v61 =	vld [tilespmem:s23+$0x9A90]  }
0x667: {  	s0 =	sshrl.u32 s24, $0x3;
	s24 =	sadd.s32 $0x1, s24;
	v11 =	vadd.f32 v1, v11;
	v59 =	vld [tilespmem:s23+$0x9AA0]  }
0x668: {  	s0 =	smul.u32 $0x6000, s0  }
0x669: {  	s4 =	sadd.s32 $0x80, s22  }
0x66a: {  	s4 =	sand.u32 $0x380, s4;
	s0 =	sshra.s32 s0, $0x2  }
0x66b: {  	s0 =	sor.u32 s4, s0  }
0x66c: {  	v52 =	vld [tilespmem:s0+$0x86C0];
	_ =	sdelay $0x4  }
0x66d: {  	[tilespmem:$0x1E810] =	vst v52;
	v52 =	vld [tilespmem:s0+$0x86D0];
	_ =	sdelay $0x4  }
0x66e: {  	[tilespmem:$0x1E820] =	vst v52;
	v52 =	vld [tilespmem:s0+$0x86E0];
	_ =	sdelay $0x4  }
0x66f: {  	[tilespmem:$0x1E830] =	vst v52;
	v52 =	vld [tilespmem:s0+$0x86F0];
	_ =	sdelay $0x4  }
0x670: {  	[tilespmem:$0x1E840] =	vst v52;
	v52 =	vld [tilespmem:s0+$0x8A80];
	_ =	sdelay $0x4  }
0x671: {  	[tilespmem:$0x1E850] =	vst v52;
	v52 =	vld [tilespmem:s0+$0x8A90];
	_ =	sdelay $0x4  }
0x672: {  	[tilespmem:$0x1E860] =	vst v52;
	v52 =	vld [tilespmem:s0+$0x8AA0];
	_ =	sdelay $0x4  }
0x673: {  	[tilespmem:$0x1E870] =	vst v52;
	v52 =	vld [tilespmem:s0+$0x8AB0];
	_ =	sdelay $0x4  }
0x674: {  	[tilespmem:$0x1E880] =	vst v52;
	v52 =	vld [tilespmem:s0+$0x8AC0];
	_ =	sdelay $0x4  }
0x675: {  	[tilespmem:$0x1E890] =	vst v52;
	v52 =	vld [tilespmem:s0+$0x8AD0];
	_ =	sdelay $0x4  }
0x676: {  	[tilespmem:$0x1E8A0] =	vst v52;
	v52 =	vld [tilespmem:s0+$0x8AE0];
	_ =	sdelay $0x4  }
0x677: {  	[tilespmem:$0x1E8B0] =	vst v52;
	v52 =	vld [tilespmem:s0+$0x8AF0];
	_ =	sdelay $0x4  }
0x678: {  	[tilespmem:$0x1E8C0] =	vst v52;
	v52 =	vld [tilespmem:s0+$0x8E80];
	_ =	sdelay $0x4  }
0x679: {  	[tilespmem:$0x1E8D0] =	vst v52;
	v52 =	vld [tilespmem:s0+$0x8E90];
	_ =	sdelay $0x4  }
0x67a: {  	[tilespmem:$0x1E8E0] =	vst v52;
	v52 =	vld [tilespmem:s0+$0x8EA0];
	_ =	sdelay $0x4  }
0x67b: {  	[tilespmem:$0x1E8F0] =	vst v52;
	v52 =	vld [tilespmem:s0+$0x8EB0];
	_ =	sdelay $0x4  }
0x67c: {  	[tilespmem:$0x1E900] =	vst v52;
	v52 =	vld [tilespmem:s0+$0x8EC0];
	_ =	sdelay $0x4  }
0x67d: {  	[tilespmem:$0x1E910] =	vst v52;
	v52 =	vld [tilespmem:s0+$0x8ED0];
	_ =	sdelay $0x4  }
0x67e: {  	[tilespmem:$0x1E920] =	vst v52;
	v52 =	vld [tilespmem:s0+$0x8EE0];
	_ =	sdelay $0x4  }
0x67f: {  	[tilespmem:$0x1E930] =	vst v52;
	v52 =	vld [tilespmem:s0+$0x8EF0];
	_ =	sdelay $0x4  }
0x680: {  	[tilespmem:$0x1E940] =	vst v52;
	v52 =	vld [tilespmem:s0+$0x9280];
	_ =	sdelay $0x4  }
0x681: {  	[tilespmem:$0x1E950] =	vst v52;
	v52 =	vld [tilespmem:s0+$0x9290];
	_ =	sdelay $0x4  }
0x682: {  	[tilespmem:$0x1E960] =	vst v52;
	v52 =	vld [tilespmem:s0+$0x92A0];
	_ =	sdelay $0x4  }
0x683: {  	[tilespmem:$0x1E970] =	vst v52;
	v52 =	vld [tilespmem:s0+$0x92B0];
	_ =	sdelay $0x4  }
0x684: {  	[tilespmem:$0x1E980] =	vst v52;
	v52 =	vld [tilespmem:s0+$0x92C0];
	_ =	sdelay $0x4  }
0x685: {  	[tilespmem:$0x1E990] =	vst v52;
	v52 =	vld [tilespmem:s0+$0x92D0];
	_ =	sdelay $0x4  }
0x686: {  	[tilespmem:$0x1E9A0] =	vst v52;
	v52 =	vld [tilespmem:s0+$0x92E0];
	_ =	sdelay $0x4  }
0x687: {  	[tilespmem:$0x1E9B0] =	vst v52;
	v52 =	vld [tilespmem:s0+$0x92F0];
	_ =	sdelay $0x4  }
0x688: {  	[tilespmem:$0x1E9C0] =	vst v52;
	v52 =	vld [tilespmem:s0+$0x9680];
	_ =	sdelay $0x4  }
0x689: {  	[tilespmem:$0x1E9D0] =	vst v52;
	v52 =	vld [tilespmem:s0+$0x9690];
	_ =	sdelay $0x4  }
0x68a: {  	[tilespmem:$0x1E9E0] =	vst v52;
	v52 =	vld [tilespmem:s0+$0x96A0];
	_ =	sdelay $0x4  }
0x68b: {  	[tilespmem:$0x1E9F0] =	vst v52;
	v52 =	vld [tilespmem:s0+$0x96B0];
	_ =	sdelay $0x4  }
0x68c: {  	[tilespmem:$0x1EA00] =	vst v52;
	v52 =	vld [tilespmem:s0+$0x96C0];
	_ =	sdelay $0x4  }
0x68d: {  	[tilespmem:$0x1EA10] =	vst v52;
	v52 =	vld [tilespmem:s0+$0x96D0];
	_ =	sdelay $0x4  }
0x68e: {  	[tilespmem:$0x1EA20] =	vst v52;
	v52 =	vld [tilespmem:s0+$0x96E0];
	_ =	sdelay $0x4  }
0x68f: {  	[tilespmem:$0x1EA30] =	vst v52;
	v52 =	vld [tilespmem:s0+$0x96F0];
	_ =	sdelay $0x4  }
0x690: {  	[tilespmem:$0x1EA40] =	vst v52;
	v52 =	vld [tilespmem:s0+$0x9A80];
	_ =	sdelay $0x2  }
0x691: {  	v1 =	vld [tilespmem:$0x1FE60]  }
0x692: {  	v0 =	vld [tilespmem:s0+$0x9AF0]  }
0x693: {  	[tilespmem:$0x1EA50] =	vst v52;
	v52 =	vld [tilespmem:$0x1FFA0];
	_ =	sdelay $0x4  }
0x694: {  	[tilespmem:$0x1EAC0] =	vst v0;
	v0 =	vperm.xlane v1, v52;
	v52 =	vld [tilespmem:s0+$0x9A90];
	_ =	sdelay $0x4  }
0x695: {  	[tilespmem:$0x1EA60] =	vst v52;
	v52 =	vld [tilespmem:s0+$0x9AA0];
	_ =	sdelay $0x4  }
0x696: {  	[tilespmem:$0x1EA70] =	vst v52;
	v52 =	vld [tilespmem:s0+$0x9AB0];
	_ =	sdelay $0x4  }
0x697: {  	[tilespmem:$0x1EA80] =	vst v52;
	v52 =	vld [tilespmem:s0+$0x9AC0];
	_ =	sdelay $0x4  }
0x698: {  	[tilespmem:$0x1EA90] =	vst v52;
	v52 =	vld [tilespmem:$0x1FFB0];
	_ =	sdelay $0x2  }
0x699: {  	v0 =	vadd.f32 v0, v1;
	_ =	sdelay $0x1  }
0x69a: {  	v1 =	vperm.xlane v0, v52;
	v52 =	vld [tilespmem:s0+$0x9AD0];
	_ =	sdelay $0x2  }
0x69b: {  	v5 =	vld [tilespmem:s23+$0x9AB0]  }
0x69c: {  	v8 =	vld [tilespmem:s23+$0x9AC0]  }
0x69d: {  	[tilespmem:$0x1EAA0] =	vst v52;
	v52 =	vld [tilespmem:s0+$0x9AE0]  }
0x69e: {  	v3 =	vld [tilespmem:s23+$0x9AD0]  }
0x69f: {  	v7 =	vld [tilespmem:s23+$0x9AE0]  }
0x6a0: {  	v2 =	vld [tilespmem:s0+$0x8680]  }
0x6a1: {  	v4 =	vld [tilespmem:s0+$0x8690]  }
0x6a2: {  	v6 =	vld [tilespmem:s0+$0x86A0];
	[tilespmem:$0x1EAB0] =	vst v52  }
0x6a3: {  	v9 =	vld [tilespmem:s0+$0x86B0];
	_ =	swait.ge [sflag:s18], $0x6000  }
0x6a4: {  	v52 =	vld [tilespmem:$0x1FFD0]  }
0x6a5: {  	[sflag:s18] =	ssyncset.done $0x0  }
0x6a6: {  	[sflag:s18] =	ssyncadd.s32 $0xFFFFA000  }
0x6a7: {  	v0 =	vadd.f32 v1, v0;
	_ =	swait.ge [sflag:s19], $0x6000  }
0x6a8: {  	v2 =	vadd.f32 v2, v58;
	v58 =	vld [tilespmem:$0x1E810]  }
0x6a9: {  	[sflag:s19] =	ssyncset.done $0x0;
	v1 =	vperm.xlane v0, v52;
	v52 =	vld [tilespmem:$0x1FFF0]  }
0x6aa: {  	v4 =	vadd.f32 v4, v51;
	v51 =	vld [tilespmem:$0x1E840];
	[sflag:s19] =	ssyncadd.s32 $0xFFFFA000  }
0x6ab: {  	v57 =	vadd.f32 v62, v57;
	v62 =	vld [tilespmem:$0x1A980]  }
0x6ac: {  	v56 =	vadd.f32 v60, v56;
	v60 =	vld [tilespmem:$0x1A9A0];
	v0 =	vadd.f32 v1, v0  }
0x6ad: {  	v54 =	vadd.f32 v61, v54;
	v61 =	vld [tilespmem:$0x1A9B0]  }
0x6ae: {  	v47 =	vadd.f32 v5, v47;
	v5 =	vld [tilespmem:$0x1A9C0];
	v1 =	vperm.xlane v0, v52  }
0x6af: {  	v50 =	vadd.f32 v8, v50;
	v8 =	vld [tilespmem:$0x1A9D0]  }
0x6b0: {  	v46 =	vadd.f32 v7, v46;
	v7 =	vld [tilespmem:$0x1A9E0];
	v0 =	vadd.f32 v1, v0  }
0x6b1: {  	v6 =	vadd.f32 v6, v49;
	v49 =	vld [tilespmem:$0x1A9F0];
	v41 =	vadd.f32 v51, v41  }
0x6b2: {  	v51 =	vld [tilespmem:$0x1E880];
	v52 =	vadd.f32 v63, v53;
	v53 =	vsub.f32 $3.136000000e+03, v0  }
0x6b3: {  	v1 =	vld [tilespmem:$0x1A990]  }
0x6b4: {  	v63 =	vmul.f32 v60, v53;
	v60 =	vmul.f32 v5, v53;
	v5 =	vld [tilespmem:$0x1AA10]  }
0x6b5: {  	v55 =	vadd.f32 v59, v55;
	v0 =	vmul.f32 v61, v53;
	v61 =	vmul.f32 v8, v53;
	v8 =	vld [tilespmem:$0x1AA20]  }
0x6b6: {  	v9 =	vadd.f32 v9, v45;
	v62 =	vmul.f32 v53, v62;
	v45 =	vmul.f32 v7, v53;
	v7 =	vld [tilespmem:$0x1AA30]  }
0x6b7: {  	v44 =	vadd.f32 v58, v44;
	v59 =	vsub.f32 v6, v63;
	v6 =	vld [tilespmem:$0x1E820]  }
0x6b8: {  	v2 =	vsub.f32 v2, v62;
	v62 =	vld [tilespmem:$0x1E830]  }
0x6b9: {  	v1 =	vmul.f32 v1, v53;
	v63 =	vsub.f32 v44, v60;
	v60 =	vld [tilespmem:$0x1E850]  }
0x6ba: {  	v44 =	vld [tilespmem:$0x1E870]  }
0x6bb: {  	v1 =	vsub.f32 v4, v1;
	v4 =	vld [tilespmem:$0x1AA00]  }
0x6bc: {  	[tilespmem:$0x1A6C0] =	vst v63;
	v63 =	vld [tilespmem:$0x1E860]  }
0x6bd: {  	[tilespmem:$0x1A6A0] =	vst v59;
	v59 =	vmul.f32 v49, v53;
	v49 =	vmul.f32 v8, v53;
	v8 =	vld [tilespmem:$0x1AA70]  }
0x6be: {  	v0 =	vsub.f32 v9, v0;
	v6 =	vadd.f32 v6, v43;
	v43 =	vmul.f32 v5, v53;
	v5 =	vld [tilespmem:$0x1AA60]  }
0x6bf: {  	v9 =	vadd.f32 v62, v42;
	v42 =	vsub.f32 v41, v59;
	v59 =	vmul.f32 v7, v53;
	v7 =	vld [tilespmem:$0x1AA80]  }
0x6c0: {  	v40 =	vadd.f32 v60, v40;
	v60 =	vld [tilespmem:$0x1E890]  }
0x6c1: {  	v62 =	vmul.f32 v4, v53;
	v4 =	vld [tilespmem:$0x1AA50]  }
0x6c2: {  	v58 =	vsub.f32 v6, v61;
	v6 =	vld [tilespmem:$0x1AA40]  }
0x6c3: {  	v61 =	vsub.f32 v9, v45;
	v9 =	vadd.f32 v63, v39;
	v63 =	vld [tilespmem:$0x1E8A0]  }
0x6c4: {  	[tilespmem:$0x1A6F0] =	vst v42;
	v42 =	vld [tilespmem:$0x1E8B0]  }
0x6c5: {  	v39 =	vld [tilespmem:$0x1E910]  }
0x6c6: {  	v37 =	vadd.f32 v51, v37;
	v45 =	vsub.f32 v40, v62;
	v51 =	vmul.f32 v8, v53;
	v8 =	vld [tilespmem:$0x1AAC0]  }
0x6c7: {  	v38 =	vadd.f32 v44, v38;
	v44 =	vmul.f32 v5, v53;
	v5 =	vld [tilespmem:$0x1AAB0]  }
0x6c8: {  	[tilespmem:$0x1A700] =	vst v45;
	v45 =	vld [tilespmem:$0x1E8C0]  }
0x6c9: {  	[tilespmem:$0x1A6D0] =	vst v58;
	v58 =	vsub.f32 v9, v43;
	v9 =	vadd.f32 v60, v36;
	v60 =	vmul.f32 v7, v53;
	v7 =	vld [tilespmem:$0x1AAD0]  }
0x6ca: {  	v36 =	vld [tilespmem:$0x1E900]  }
0x6cb: {  	[tilespmem:$0x1A6E0] =	vst v61;
	v61 =	vsub.f32 v38, v49;
	v41 =	vmul.f32 v4, v53;
	v4 =	vld [tilespmem:$0x1AAA0]  }
0x6cc: {  	[tilespmem:$0x1A710] =	vst v58;
	v58 =	vld [tilespmem:$0x1E8D0]  }
0x6cd: {  	[tilespmem:$0x1A720] =	vst v61;
	v61 =	vld [tilespmem:$0x1E8E0]  }
0x6ce: {  	v62 =	vmul.f32 v6, v53;
	v6 =	vld [tilespmem:$0x1AA90];
	v35 =	vadd.f32 v63, v35  }
0x6cf: {  	v34 =	vadd.f32 v42, v34;
	v42 =	vld [tilespmem:$0x1E920]  }
0x6d0: {  	v49 =	vsub.f32 v35, v41;
	v41 =	vmul.f32 v8, v53;
	v8 =	vld [tilespmem:$0x1AB10]  }
0x6d1: {  	v43 =	vsub.f32 v9, v62;
	v9 =	vadd.f32 v45, v33;
	v33 =	vld [tilespmem:$0x1E8F0]  }
0x6d2: {  	v38 =	vmul.f32 v5, v53;
	v5 =	vld [tilespmem:$0x1AB00]  }
0x6d3: {  	v40 =	vsub.f32 v37, v59;
	v59 =	vsub.f32 v34, v44;
	v44 =	vmul.f32 v7, v53;
	v7 =	vld [tilespmem:$0x1AB20]  }
0x6d4: {  	v45 =	vld [tilespmem:$0x1E930]  }
0x6d5: {  	v35 =	vmul.f32 v4, v53;
	v4 =	vld [tilespmem:$0x1AAF0]  }
0x6d6: {  	v28 =	vadd.f32 v39, v28;
	v32 =	vadd.f32 v58, v32;
	v58 =	vld [tilespmem:$0x1E940]  }
0x6d7: {  	v31 =	vadd.f32 v61, v31;
	v61 =	vld [tilespmem:$0x1E950]  }
0x6d8: {  	v29 =	vadd.f32 v36, v29;
	[tilespmem:$0x1A750] =	vst v49;
	v49 =	vsub.f32 v28, v41;
	v28 =	vld [tilespmem:$0x1E960]  }
0x6d9: {  	[tilespmem:$0x1A740] =	vst v43;
	v63 =	vmul.f32 v6, v53;
	v6 =	vld [tilespmem:$0x1AAE0]  }
0x6da: {  	v43 =	vsub.f32 v29, v38;
	[tilespmem:$0x1A7C0] =	vst v49;
	v49 =	vld [tilespmem:$0x1E9C0]  }
0x6db: {  	v37 =	vsub.f32 v31, v63;
	v31 =	vld [tilespmem:$0x1E970]  }
0x6dc: {  	[tilespmem:$0x1A7B0] =	vst v43;
	v43 =	vld [tilespmem:$0x1E9B0]  }
0x6dd: {  	v62 =	vsub.f32 v9, v51;
	v63 =	vmul.f32 v5, v53;
	v5 =	vld [tilespmem:$0x1AB50]  }
0x6de: {  	v34 =	vsub.f32 v32, v60;
	v9 =	vadd.f32 v33, v30;
	v30 =	vmul.f32 v8, v53;
	v8 =	vld [tilespmem:$0x1AB60]  }
0x6df: {  	v33 =	vmul.f32 v7, v53;
	v7 =	vld [tilespmem:$0x1AB70]  }
0x6e0: {  	[tilespmem:$0x1A780] =	vst v34;
	v34 =	vld [tilespmem:$0x1E980]  }
0x6e1: {  	v60 =	vmul.f32 v4, v53;
	v4 =	vld [tilespmem:$0x1AB40]  }
0x6e2: {  	[tilespmem:$0x1A790] =	vst v37;
	v37 =	vld [tilespmem:$0x1E990]  }
0x6e3: {  	v25 =	vadd.f32 v58, v25;
	v23 =	vadd.f32 v28, v23;
	v28 =	vld [tilespmem:$0x1EA20]  }
0x6e4: {  	[tilespmem:$0x1A730] =	vst v40;
	v40 =	vsub.f32 v9, v35;
	v51 =	vmul.f32 v6, v53;
	v6 =	vld [tilespmem:$0x1AB30]  }
0x6e5: {  	v29 =	vsub.f32 v25, v60;
	v25 =	vld [tilespmem:$0x1EA10]  }
0x6e6: {  	[tilespmem:$0x1A7A0] =	vst v40;
	v40 =	vld [tilespmem:$0x1E9A0]  }
0x6e7: {  	v22 =	vadd.f32 v31, v22;
	v31 =	vld [tilespmem:$0x1EA30]  }
0x6e8: {  	v9 =	vadd.f32 v42, v27;
	v42 =	vmul.f32 v5, v53;
	v5 =	vld [tilespmem:$0x1ABA0]  }
0x6e9: {  	v26 =	vadd.f32 v45, v26;
	v45 =	vmul.f32 v8, v53;
	v8 =	vld [tilespmem:$0x1ABB0]  }
0x6ea: {  	[tilespmem:$0x1A760] =	vst v59;
	v59 =	vsub.f32 v9, v44;
	v58 =	vmul.f32 v7, v53;
	v7 =	vld [tilespmem:$0x1ABC0]  }
0x6eb: {  	[tilespmem:$0x1A770] =	vst v62;
	v62 =	vsub.f32 v26, v51;
	v39 =	vmul.f32 v4, v53;
	v4 =	vld [tilespmem:$0x1AB90]  }
0x6ec: {  	[tilespmem:$0x1A7D0] =	vst v59;
	v59 =	vld [tilespmem:$0x1E9D0]  }
0x6ed: {  	v9 =	vadd.f32 v61, v24;
	[tilespmem:$0x1A7E0] =	vst v62;
	v62 =	vld [tilespmem:$0x1E9E0]  }
0x6ee: {  	v38 =	vsub.f32 v22, v33;
	v22 =	vld [tilespmem:$0x1EA00]  }
0x6ef: {  	v32 =	vsub.f32 v9, v63;
	v9 =	vadd.f32 v34, v21;
	v34 =	vld [tilespmem:$0x1EA40]  }
0x6f0: {  	v20 =	vadd.f32 v37, v20;
	v37 =	vld [tilespmem:$0x1EA50]  }
0x6f1: {  	v36 =	vmul.f32 v6, v53;
	v6 =	vld [tilespmem:$0x1AB80]  }
0x6f2: {  	[tilespmem:$0x1A680] =	vst v2;
	v19 =	vadd.f32 v40, v19;
	v40 =	vld [tilespmem:$0x1EA60]  }
0x6f3: {  	[tilespmem:$0x1A6B0] =	vst v0;
	v41 =	vsub.f32 v9, v36;
	v9 =	vadd.f32 v43, v18;
	v18 =	vmul.f32 v4, v53;
	v4 =	vld [tilespmem:$0x1ABE0]  }
0x6f4: {  	[tilespmem:$0x1A690] =	vst v1;
	v35 =	vsub.f32 v23, v30;
	v17 =	vadd.f32 v49, v17;
	v43 =	vld [tilespmem:$0x1EA70]  }
0x6f5: {  	[tilespmem:$0x1A7F0] =	vst v29;
	v21 =	vmul.f32 v5, v53;
	v5 =	vld [tilespmem:$0x1ABF0]  }
0x6f6: {  	[tilespmem:$0x1A810] =	vst v35;
	v11 =	vadd.f32 v28, v11;
	v63 =	vsub.f32 v17, v58;
	v61 =	vmul.f32 v6, v53;
	v6 =	vld [tilespmem:$0x1ABD0]  }
0x6f7: {  	[tilespmem:$0x1A800] =	vst v32;
	v44 =	vsub.f32 v20, v39;
	v24 =	vmul.f32 v8, v53;
	v8 =	vld [tilespmem:$0x1AC00];
	v51 =	vsub.f32 v19, v42  }
0x6f8: {  	[tilespmem:$0x1A820] =	vst v38;
	v60 =	vsub.f32 v9, v45;
	v9 =	vadd.f32 v62, v15;
	v33 =	vmul.f32 v4, v53;
	v4 =	vld [tilespmem:$0x1AC30]  }
0x6f9: {  	[tilespmem:$0x1A870] =	vst v63;
	v16 =	vadd.f32 v59, v16;
	v19 =	vld [tilespmem:$0x1E9F0];
	v13 =	vadd.f32 v22, v13  }
0x6fa: {  	[tilespmem:$0x1A840] =	vst v44;
	v27 =	vmul.f32 v7, v53;
	v7 =	vld [tilespmem:$0x1AC10];
	v23 =	vsub.f32 v9, v18;
	v9 =	vadd.f32 v25, v12  }
0x6fb: {  	[tilespmem:$0x1A830] =	vst v41;
	v29 =	vsub.f32 v13, v24;
	v36 =	vmul.f32 v5, v53;
	v5 =	vld [tilespmem:$0x1AC40];
	v30 =	vmul.f32 v6, v53  }
0x6fc: {  	[tilespmem:$0x1A850] =	vst v51;
	v32 =	vsub.f32 v9, v27;
	v9 =	vadd.f32 v34, v56;
	v39 =	vmul.f32 v8, v53;
	v8 =	vld [tilespmem:$0x1AC50]  }
0x6fd: {  	[tilespmem:$0x1A860] =	vst v60;
	v35 =	vsub.f32 v11, v30;
	v11 =	vadd.f32 v37, v52;
	v52 =	vmul.f32 v4, v53;
	v4 =	vld [tilespmem:$0x1EA90]  }
0x6fe: {  	v20 =	vsub.f32 v16, v61;
	[tilespmem:$0x1A890] =	vst v23;
	v14 =	vadd.f32 v19, v14;
	v6 =	vld [tilespmem:$0x1AC20]  }
0x6ff: {  	v49 =	vld [tilespmem:$0x1EA80];
	v12 =	vadd.f32 v31, v57;
	[tilespmem:$0x1A8B0] =	vst v29;
	v41 =	vsub.f32 v9, v36  }
0x700: {  	v42 =	vmul.f32 v7, v53;
	v7 =	vld [tilespmem:$0x1AC60];
	[tilespmem:$0x1A880] =	vst v20;
	v9 =	vadd.f32 v43, v55;
	v26 =	vsub.f32 v14, v21  }
0x701: {  	[tilespmem:$0x1A8C0] =	vst v32;
	v38 =	vsub.f32 v12, v33;
	v12 =	vadd.f32 v40, v54;
	v55 =	vmul.f32 v5, v53;
	v5 =	vld [tilespmem:$0x1EAA0]  }
0x702: {  	v48 =	vadd.f32 v3, v48;
	[tilespmem:$0x1A8F0] =	vst v41;
	v57 =	vmul.f32 v8, v53;
	v8 =	vld [tilespmem:$0x1EAB0];
	v4 =	vadd.f32 v4, v50  }
0x703: {  	[tilespmem:$0x1A8A0] =	vst v26;
	v51 =	vsub.f32 v12, v42;
	v44 =	vsub.f32 v11, v39;
	v45 =	vmul.f32 v6, v53;
	v6 =	vld [tilespmem:$0x1AC70]  }
0x704: {  	[tilespmem:$0x1A8E0] =	vst v38;
	v11 =	vadd.f32 v49, v47;
	v58 =	vsub.f32 v4, v55;
	v4 =	vld [tilespmem:$0x1EAC0]  }
0x705: {  	[tilespmem:$0x1A8D0] =	vst v35  }
0x706: {  	[tilespmem:$0x1A910] =	vst v51;
	v56 =	vsub.f32 v11, v52;
	v5 =	vadd.f32 v5, v48  }
0x707: {  	v59 =	vmul.f32 v7, v53;
	[tilespmem:$0x1A900] =	vst v44;
	v54 =	vsub.f32 v9, v45;
	v8 =	vadd.f32 v8, v46  }
0x708: {  	[tilespmem:$0x1A930] =	vst v56;
	v60 =	vsub.f32 v5, v57  }
0x709: {  	[tilespmem:$0x1A920] =	vst v54;
	v61 =	vmul.f32 v6, v53;
	v62 =	vsub.f32 v8, v59;
	v4 =	vadd.f32 v4, v10  }
0x70a: {  	[tilespmem:$0x1A950] =	vst v60  }
0x70b: {  	[tilespmem:$0x1A960] =	vst v62;
	v63 =	vsub.f32 v4, v61  }
0x70c: {  	[tilespmem:$0x1A940] =	vst v58  }
0x70d: {  	s24 =	simm.s32 $0x80;
	s31 =	rddreg [dreg:$0x9];
	[tilespmem:$0x1A970] =	vst v63  }
0x70e: {  	[spmem:s31] =	stream.strided.scatter [tilespmem:s26], [sflag:$0x5], $0x300, s25, s24, $0x38;
	[tilespmem:$0x1B380] =	vst v63  }
0x70f: {  	_ =	swait.ge [sflag:s15], $0x300  }
.Ltmp10:
0x710: {  	[sflag:s15] =	ssyncset.done $0x0;
	(pc) =	sbr.rel @p0 .LBB2_23-.Ltmp10, $4  }
0x711: {  	[sflag:s15] =	ssyncadd.s32 $0xFFFFFD00  }
0x712: {  	[bflag:$0x0] =	sbarrier.arrive $0xFFFF  }
0x713: {  	s23 =	rddreg [dreg:$0x2]  }
0x714: {  	v6 =	vlaneseq.u32;
	s4 =	rddreg [dreg:$0xd]  }
0x715: {  	s0 =	simm.s32 $0x0;
	s4 =	rddreg [dreg:$0x4];
	s22 =	simm.s32 $0x1AC80  }
0x716: {  	[tilespmem:s22], [sflag:$0x5] =	stream.linear.gather [hbm4b:s4+s0], $0x300, $0x38;
	[tilespmem:$0x1B380] =	vst v63  }
0x717: {  	_ =	swait.ge [sflag:s15], $0x300  }
0x718: {  	[sflag:s15] =	ssyncset.done $0x0  }
0x719: {  	v0 =	vimm.f32 $0.0e+00;
	[sflag:s15] =	ssyncadd.s32 $0xFFFFFD00  }
.LBB2_19:
0x71a: {  	s4 =	sshrl.u32 s0, $0x3  }
0x71b: {  	s4 =	smul.u32 $0x6000, s4;
	_ =	sdelay $0x1  }
0x71c: {  	s22 =	sshll.u32 s0, $0x7;
	s4 =	sshra.s32 s4, $0x2  }
0x71d: {  	s22 =	sand.u32 $0x380, s22;
	s4 =	sadd.s32 s4, s23  }
0x71e: {  	s4 =	sadd.s32 s22, s4  }
0x71f: {  	[tilespmem:s26], [sflag:$0x5] =	stream.strided.gather [spmem:s4], $0x300, s25, s24, $0x38;
	[tilespmem:$0x1B380] =	vst v63  }
0x720: {  	_ =	swait.ge [sflag:s15], $0x300  }
0x721: {  	[sflag:s15] =	ssyncset.done $0x0  }
0x722: {  	s31 =	simm.s32 $0x0;
	[sflag:s15] =	ssyncadd.s32 $0xFFFFFD00  }
0x723: {  	v1 =	vld [tilespmem:s31+$0x1A680]  }
0x724: {  	s22 =	simm.s32 $0x40;
	v2 =	vld [tilespmem:s31+$0x1AC80]  }
.LBB2_20:
0x725: {  	_ = 	snop  }
0x726: {  	p1 =	sne.s32 s22, $0xBC0  }
.Ltmp11:
0x727: {  	_ = 	snop;
	(pc) =	sbr.rel @p1 .LBB2_20-.Ltmp11, $4  }
0x728: {  	_ = 	snop  }
0x729: {  	s4 =	sshra.s32 s22, $0x2;
	v3 =	vmul.f32 v2, v1  }
0x72a: {  	v1 =	vld [tilespmem:s4+$0x1A680]  }
0x72b: {  	s22 =	sadd.s32 $0x40, s22;
	v2 =	vld [tilespmem:s4+$0x1AC80];
	v0 =	vadd.f32 v3, v0  }
0x72c: {  	s0 =	sadd.s32 $0x1, s0  }
0x72d: {  	p1 =	sne.s32 s0, $0x10  }
.Ltmp12:
0x72e: {  	_ = 	snop;
	(pc) =	sbr.rel @p1 .LBB2_19-.Ltmp12, $3  }
0x72f: {  	_ = 	snop  }
0x730: {  	v1 =	vmul.f32 v2, v1;
	_ =	sdelay $0x1  }
0x731: {  	v0 =	vadd.f32 v1, v0  }
0x732: {  	_ = 	snop  }
.Ltmp13:
0x733: {  	s0 =	rddreg [dreg:$0xa];
	s4 =	simm.s32 $0x1AF80;
	[tilespmem:$0x1AF80] =	vst v0;
	(pc) =	sbr.rel .LBB2_23-.Ltmp13, $4  }
0x734: {  	[hbm4b:s0+s3] =	stream.linear.scatter [tilespmem:s4], [sflag:$0x5], $0x80, $0x38;
	[tilespmem:$0x1B380] =	vst v63  }
0x735: {  	_ =	swait.ge [sflag:s15], $0x80  }
0x736: {  	[sflag:s15] =	ssyncset.done $0x0  }
0x737: {  	s4 =	rddreg [dreg:$0xd];
	[sflag:s15] =	ssyncadd.s32 $0xFFFFFF80  }
.LBB2_24:
0x738: {  	_ =	sfence.sel $0x180000  }
0x739: {  	[bflag:$0x0] =	sbarrier.arrive $0xFFFF  }
0x73a: {  	_ =	strace $0x90000047  }
0x73b: {  	[bflag:$0x2] =	sbarrier.arrive $0xFFFF  }
0x73c: {  	s0 =	rddreg [dreg:$0x3]  }
0x73d: {  	s0 =	sadd.s32 @!p0 $0x100000, s0  }
0x73e: {  	[sflag:s0] =	ssyncadd.tile.s32 @!p0 $0x1;
	_ =	shalt  }
.Lfunc_end2:
_tile_overlayer_lowered:
.L_overlay_start_2:
0x73f: {  	(tag) =	ssettag $0x2  }
0x740: {  	s0 =	rddreg [dreg:$0x0];
	s2 =	stileid.u32  }
0x741: {  	s1 =	rddreg [dreg:$0x1];
	p0 =	sne.s32 s2, $0x0  }
0x742: {  	s3 =	rddreg [dreg:$0x2];
	[bflag:$0x3] =	sbarrier.arrive $0xFFFF;
	s2 =	simm.s32 @!p0 $0x1C05  }
0x743: {  	[timem:s3], [sflag:s2] =	dma.local @!p0 [hbm:s0], s1  }
0x744: {  	s0 =	simm.s32 @!p0 $0x5  }
0x745: {  	_ =	swait.ge @!p0 [sflag:s0], s1  }
0x746: {  	s1 =	ssub.s32 @!p0 $0x0, s1;
	[sflag:s0] =	ssyncset.done @!p0 $0x0  }
0x747: {  	[sflag:s0] =	ssyncadd.s32 @!p0 s1  }
0x748: {  	[bflag:$0x3] =	sbarrier.arrive $0xFFFF  }
0x749: {  	_ =	shalt  }

</sc_bundles>
